<compile_context>
chip_gen: v7x
topology: tpu7x:2x2x1
jax: 0.10.2.dev20260603
libtpu: 0.0.44.dev20260713+nightly
codegen_flags: <defaults>
</compile_context>

<pallas_src>
import functools

import jax
import jax.numpy as jnp
from jax import lax
from jax.experimental import pallas as pl
from jax.experimental.pallas import tpu as pltpu
from jax.experimental.pallas import tpu_sc as plsc

_TOP_K = 2


@functools.lru_cache(maxsize=4)
def _eps_t(shape):
    with jax.default_device(jax.local_devices(backend="cpu")[0]):
        return jax.random.normal(jax.random.key(42), shape, dtype=jnp.float32).T


def _noisy_body(w_ref, eps_ref, x_ref, out_ref):
    lgt = jax.lax.dot_general(
        w_ref[...], x_ref[...], (((1,), (1,)), ((), ())),
        preferred_element_type=jnp.float32)
    e_dim = eps_ref.shape[0]
    sp = jax.nn.softplus(lgt[e_dim:, :])
    out_ref[...] = lgt[:e_dim, :] + eps_ref[...] * sp


def _noisy_run(x, w_cat, eps_t, block_t=2048):
    t, d = x.shape
    e_dim = eps_t.shape[0]
    return pl.pallas_call(
        _noisy_body,
        grid=(t // block_t,),
        in_specs=[
            pl.BlockSpec((2 * e_dim, d), lambda i: (0, 0)),
            pl.BlockSpec((e_dim, block_t), lambda i: (0, i)),
            pl.BlockSpec((block_t, d), lambda i: (i, 0)),
        ],
        out_specs=pl.BlockSpec((e_dim, block_t), lambda i: (0, i)),
        out_shape=jax.ShapeDtypeStruct((e_dim, t), jnp.float32),
        compiler_params=pltpu.CompilerParams(
            dimension_semantics=("parallel",)),
    )(w_cat, eps_t, x)


def _sc_router(noisy_t, top_k):
    e_dim, t = noisy_t.shape
    info = plsc.get_sparse_core_info()
    nw = info.num_cores * info.num_subcores
    nl = info.num_lanes
    rpw = t // nw
    mesh = plsc.VectorSubcoreMesh(core_axis_name="c", subcore_axis_name="s")

    @functools.partial(
        pl.kernel, mesh=mesh,
        out_type=[jax.ShapeDtypeStruct((e_dim, t), jnp.float32),
                  jax.ShapeDtypeStruct((top_k, t), jnp.int32)],
        scratch_types=[pltpu.VMEM((e_dim, rpw), jnp.float32),
                       pltpu.VMEM((e_dim, rpw), jnp.float32),
                       pltpu.VMEM((top_k, rpw), jnp.int32),
                       pltpu.SemaphoreType.DMA,
                       pltpu.SemaphoreType.DMA],
    )
    def sc_k(noisy_hbm, out_hbm, idx_hbm, nz_v, out_v, idx_v, in_sem, out_sem):
        wid = lax.axis_index("s") * info.num_cores + lax.axis_index("c")
        base = wid * rpw
        pltpu.async_copy(
            noisy_hbm.at[:, pl.ds(base, rpw)], nz_v, in_sem).wait()

        def group(g):
            v = [nz_v[e, pl.ds(g * nl, nl)] for e in range(e_dim)]
            m1 = v[0]
            i1 = jnp.zeros((nl,), jnp.int32)
            for e in range(1, e_dim):
                gt = v[e] > m1
                m1 = jnp.where(gt, v[e], m1)
                i1 = jnp.where(gt, e, i1)
            neg = jnp.full((nl,), -jnp.inf, jnp.float32)
            m2 = jnp.where(i1 == 0, neg, v[0])
            i2 = jnp.zeros((nl,), jnp.int32)
            for e in range(1, e_dim):
                ve = jnp.where(i1 == e, neg, v[e])
                gt = ve > m2
                m2 = jnp.where(gt, ve, m2)
                i2 = jnp.where(gt, e, i2)
            ex = jnp.exp(m2 - m1)
            p1 = 1.0 / (1.0 + ex)
            p2 = ex * p1
            zero = jnp.zeros((nl,), jnp.float32)
            for e in range(e_dim):
                oe = jnp.where(i1 == e, p1, jnp.where(i2 == e, p2, zero))
                out_v[e, pl.ds(g * nl, nl)] = oe
            idx_v[0, pl.ds(g * nl, nl)] = i1
            idx_v[1, pl.ds(g * nl, nl)] = i2

        unroll = 8

        def body(gg, carry):
            for u in range(unroll):
                group(gg * unroll + u)
            return carry

        lax.fori_loop(0, rpw // nl // unroll, body, 0)
        out_copies = [
            pltpu.async_copy(out_v.at[e], out_hbm.at[e, pl.ds(base, rpw)], out_sem)
            for e in range(e_dim)]
        out_copies += [
            pltpu.async_copy(idx_v.at[kk], idx_hbm.at[kk, pl.ds(base, rpw)], out_sem)
            for kk in range(top_k)]
        for c in out_copies:
            c.wait()

    return sc_k(noisy_t)


def kernel(x, W_route, W_noise):
    t = x.shape[0]
    e_dim = W_route.shape[0]
    eps_t = _eps_t((t, e_dim))
    w_cat = jnp.concatenate([W_route, W_noise], axis=0)
    noisy_t = _noisy_run(x, w_cat, eps_t)
    out_t, idx_t = _sc_router(noisy_t, _TOP_K)
    return (out_t.T, idx_t.T)

# --- scband reference (transcript-rebuilt; emitter-appended) ---
"""Pipeline reference for scband-top-knoisy-router-20091857010895 (READ-ONLY COPY).

The authoritative reference and input builder live on the scoring server;
editing this copy changes nothing except your own understanding.
"""

import jax, jax.numpy as jnp
import numpy as np

TOP_K = 2

def setup_inputs(seed: int = 0) -> dict:
    key = jax.random.key(seed)
    k1, k2, k3 = jax.random.split(key, 3)
    T, d, E = 32768, 768, 8
    x = jax.random.normal(k1, (T, d), dtype=jnp.float32)
    W_route = jax.random.normal(k2, (E, d), dtype=jnp.float32) * 0.02
    W_noise = jax.random.normal(k3, (E, d), dtype=jnp.float32) * 0.02
    return {"x": x, "W_route": W_route, "W_noise": W_noise}

def reference(x, W_route, W_noise):
    # logits = route_linear(x); noise_logits = noise_linear(x)  (no bias)
    logits = x @ W_route.T
    noise_logits = x @ W_noise.T
    # noise = randn_like(logits) * softplus(noise_logits); fixed key stands in for torch.randn_like
    eps = jax.random.normal(jax.random.key(42), logits.shape, dtype=logits.dtype)
    noise = eps * jax.nn.softplus(noise_logits)
    noisy_logits = logits + noise
    # topk along dim 1
    top_k_logits, indices = jax.lax.top_k(noisy_logits, TOP_K)
    # scatter top-k logits into a -inf-filled tensor, then softmax
    T = noisy_logits.shape[0]
    sparse_logits = jnp.full_like(noisy_logits, -jnp.inf)
    sparse_logits = sparse_logits.at[jnp.arange(T)[:, None], indices].set(top_k_logits)
    router_output = jax.nn.softmax(sparse_logits, axis=-1)
    return (router_output, indices)

if __name__ == "__main__":
    import jax
    _d = setup_inputs()
    print(jax.jit(kernel)(*tuple(_d.values())))

</pallas_src>

<mosaic_0001>
#map = affine_map<(d0, d1) -> (0, 0)>
module attributes {stable_mosaic.version = 14 : i64} {
  func.func @sc_k(%arg0: i32, %arg1: i32, %arg2: memref<8x32768xf32, #tpu.memory_space<hbm>>, %arg3: memref<8x32768xf32, #tpu.memory_space<hbm>>, %arg4: memref<2x32768xi32, #tpu.memory_space<hbm>>, %arg5: memref<8x1024xf32, #tpu.memory_space<vmem>>, %arg6: memref<8x1024xf32, #tpu.memory_space<vmem>>, %arg7: memref<2x1024xi32, #tpu.memory_space<vmem>>, %arg8: memref<!tpu.dma_semaphore, #tpu.memory_space<semaphore_mem>>, %arg9: memref<!tpu.dma_semaphore, #tpu.memory_space<semaphore_mem>>) attributes {dimension_semantics = [#tpu.dimension_semantics<core_parallel>, #tpu.dimension_semantics<subcore_parallel>], iteration_bounds = array<i64: 2, 16>, scalar_prefetch = 0 : i64, scratch_operands = 5 : i64, tpu.core_type = #tpu.core_type<sc_vector_subcore>, window_params = [{transform_indices = #map}, {transform_indices = #map}, {transform_indices = #map}]} {
    %mul3A = arith.constant 2 : i32
    %mul3A_0 = arith.muli %arg1, %mul3A : i32
    %add3A = arith.addi %mul3A_0, %arg0 : i32
    %mul3A_1 = arith.constant 1024 : i32
    %mul3A_2 = arith.muli %add3A, %mul3A_1 : i32
    %dma_start3A = arith.constant 0 : i32
    %dma_start3A_3 = tpu.memref_slice %arg2[%dma_start3A, %mul3A_2] : memref<8x32768xf32, #tpu.memory_space<hbm>> -> memref<8x1024xf32, #tpu.memory_space<hbm>>
    %dma_start3A_4 = arith.constant 0 : i32
    %dma_start3A_5 = tpu.memref_slice %arg2[%dma_start3A_4, %mul3A_2] : memref<8x32768xf32, #tpu.memory_space<hbm>> -> memref<8x1024xf32, #tpu.memory_space<hbm>>
    tpu.enqueue_dma source(%dma_start3A_5 : memref<8x1024xf32, #tpu.memory_space<hbm>>) target(%arg5 : memref<8x1024xf32, #tpu.memory_space<vmem>>) target_semaphore(%arg8 : memref<!tpu.dma_semaphore, #tpu.memory_space<semaphore_mem>>)
    %dma_wait3A = arith.constant 0 : i32
    %dma_wait3A_6 = tpu.memref_slice %arg2[%dma_wait3A, %mul3A_2] : memref<8x32768xf32, #tpu.memory_space<hbm>> -> memref<8x1024xf32, #tpu.memory_space<hbm>>
    %dma_wait3A_7 = arith.constant 0 : i32
    %dma_wait3A_8 = tpu.memref_slice %arg2[%dma_wait3A_7, %mul3A_2] : memref<8x32768xf32, #tpu.memory_space<hbm>> -> memref<8x1024xf32, #tpu.memory_space<hbm>>
    tpu.wait_dma2 semaphore(%arg8 : memref<!tpu.dma_semaphore, #tpu.memory_space<semaphore_mem>>) src(%dma_wait3A_8 : memref<8x1024xf32, #tpu.memory_space<hbm>>) dst(%arg5 : memref<8x1024xf32, #tpu.memory_space<vmem>>)
    %scan3A = arith.constant 0 : i32
    %scan3A_9 = arith.constant 0 : i32
    %scan3A_10 = arith.constant 8 : i32
    %scan3A_11 = arith.addi %scan3A_9, %scan3A_10 : i32
    %scan3A_12 = arith.constant 1 : i32
    scf.for %scan3A_254 = %scan3A_9 to %scan3A_11 step %scan3A_12  : i32 {
      %mul3A_255 = arith.constant 8 : i32
      %mul3A_256 = arith.muli %scan3A_254, %mul3A_255 : i32
      %add3A_257 = arith.constant 0 : i32
      %add3A_258 = arith.addi %mul3A_256, %add3A_257 : i32
      %mul3A_259 = arith.constant 16 : i32
      %mul3A_260 = arith.muli %add3A_258, %mul3A_259 : i32
      %get3A = arith.constant 0 : i32
      %get3A_261 = arith.index_cast %get3A : i32 to index
      %get3A_262 = arith.index_cast %mul3A_260 : i32 to index
      %get3A_263 = tpu.vector_load %arg5[%get3A_261, %get3A_262] {strides = array<i32>} : memref<8x1024xf32, #tpu.memory_space<vmem>>, vector<1x16xf32>,
      %get3A_264 = vector.shape_cast %get3A_263 : vector<1x16xf32> to vector<16xf32>
      %mul3A_265 = arith.constant 16 : i32
      %mul3A_266 = arith.muli %add3A_258, %mul3A_265 : i32
      %get3A_267 = arith.constant 1 : i32
      %get3A_268 = arith.index_cast %get3A_267 : i32 to index
      %get3A_269 = arith.index_cast %mul3A_266 : i32 to index
      %get3A_270 = tpu.vector_load %arg5[%get3A_268, %get3A_269] {strides = array<i32>} : memref<8x1024xf32, #tpu.memory_space<vmem>>, vector<1x16xf32>,
      %get3A_271 = vector.shape_cast %get3A_270 : vector<1x16xf32> to vector<16xf32>
      %mul3A_272 = arith.constant 16 : i32
      %mul3A_273 = arith.muli %add3A_258, %mul3A_272 : i32
      %get3A_274 = arith.constant 2 : i32
      %get3A_275 = arith.index_cast %get3A_274 : i32 to index
      %get3A_276 = arith.index_cast %mul3A_273 : i32 to index
      %get3A_277 = tpu.vector_load %arg5[%get3A_275, %get3A_276] {strides = array<i32>} : memref<8x1024xf32, #tpu.memory_space<vmem>>, vector<1x16xf32>,
      %get3A_278 = vector.shape_cast %get3A_277 : vector<1x16xf32> to vector<16xf32>
      %mul3A_279 = arith.constant 16 : i32
      %mul3A_280 = arith.muli %add3A_258, %mul3A_279 : i32
      %get3A_281 = arith.constant 3 : i32
      %get3A_282 = arith.index_cast %get3A_281 : i32 to index
      %get3A_283 = arith.index_cast %mul3A_280 : i32 to index
      %get3A_284 = tpu.vector_load %arg5[%get3A_282, %get3A_283] {strides = array<i32>} : memref<8x1024xf32, #tpu.memory_space<vmem>>, vector<1x16xf32>,
      %get3A_285 = vector.shape_cast %get3A_284 : vector<1x16xf32> to vector<16xf32>
      %mul3A_286 = arith.constant 16 : i32
      %mul3A_287 = arith.muli %add3A_258, %mul3A_286 : i32
      %get3A_288 = arith.constant 4 : i32
      %get3A_289 = arith.index_cast %get3A_288 : i32 to index
      %get3A_290 = arith.index_cast %mul3A_287 : i32 to index
      %get3A_291 = tpu.vector_load %arg5[%get3A_289, %get3A_290] {strides = array<i32>} : memref<8x1024xf32, #tpu.memory_space<vmem>>, vector<1x16xf32>,
      %get3A_292 = vector.shape_cast %get3A_291 : vector<1x16xf32> to vector<16xf32>
      %mul3A_293 = arith.constant 16 : i32
      %mul3A_294 = arith.muli %add3A_258, %mul3A_293 : i32
      %get3A_295 = arith.constant 5 : i32
      %get3A_296 = arith.index_cast %get3A_295 : i32 to index
      %get3A_297 = arith.index_cast %mul3A_294 : i32 to index
      %get3A_298 = tpu.vector_load %arg5[%get3A_296, %get3A_297] {strides = array<i32>} : memref<8x1024xf32, #tpu.memory_space<vmem>>, vector<1x16xf32>,
      %get3A_299 = vector.shape_cast %get3A_298 : vector<1x16xf32> to vector<16xf32>
      %mul3A_300 = arith.constant 16 : i32
      %mul3A_301 = arith.muli %add3A_258, %mul3A_300 : i32
      %get3A_302 = arith.constant 6 : i32
      %get3A_303 = arith.index_cast %get3A_302 : i32 to index
      %get3A_304 = arith.index_cast %mul3A_301 : i32 to index
      %get3A_305 = tpu.vector_load %arg5[%get3A_303, %get3A_304] {strides = array<i32>} : memref<8x1024xf32, #tpu.memory_space<vmem>>, vector<1x16xf32>,
      %get3A_306 = vector.shape_cast %get3A_305 : vector<1x16xf32> to vector<16xf32>
      %mul3A_307 = arith.constant 16 : i32
      %mul3A_308 = arith.muli %add3A_258, %mul3A_307 : i32
      %get3A_309 = arith.constant 7 : i32
      %get3A_310 = arith.index_cast %get3A_309 : i32 to index
      %get3A_311 = arith.index_cast %mul3A_308 : i32 to index
      %get3A_312 = tpu.vector_load %arg5[%get3A_310, %get3A_311] {strides = array<i32>} : memref<8x1024xf32, #tpu.memory_space<vmem>>, vector<1x16xf32>,
      %get3A_313 = vector.shape_cast %get3A_312 : vector<1x16xf32> to vector<16xf32>
      %broadcast_in_dim3A = arith.constant 0 : i32
      %broadcast_in_dim3A_314 = vector.broadcast %broadcast_in_dim3A : i32 to vector<16xi32>
      %gt3A = arith.cmpf ogt, %get3A_271, %get3A_264 : vector<16xf32>
      %select_n3A = arith.select %gt3A, %get3A_271, %get3A_264 : vector<16xi1>, vector<16xf32>
      %jit3A = arith.constant 1 : i32
      %broadcast_in_dim3A_315 = vector.broadcast %jit3A : i32 to vector<16xi32>
      %select_n3A_316 = arith.select %gt3A, %broadcast_in_dim3A_315, %broadcast_in_dim3A_314 : vector<16xi1>, vector<16xi32>
      %gt3A_317 = arith.cmpf ogt, %get3A_278, %select_n3A : vector<16xf32>
      %select_n3A_318 = arith.select %gt3A_317, %get3A_278, %select_n3A : vector<16xi1>, vector<16xf32>
      %jit3A_319 = arith.constant 2 : i32
      %broadcast_in_dim3A_320 = vector.broadcast %jit3A_319 : i32 to vector<16xi32>
      %select_n3A_321 = arith.select %gt3A_317, %broadcast_in_dim3A_320, %select_n3A_316 : vector<16xi1>, vector<16xi32>
      %gt3A_322 = arith.cmpf ogt, %get3A_285, %select_n3A_318 : vector<16xf32>
      %select_n3A_323 = arith.select %gt3A_322, %get3A_285, %select_n3A_318 : vector<16xi1>, vector<16xf32>
      %jit3A_324 = arith.constant 3 : i32
      %broadcast_in_dim3A_325 = vector.broadcast %jit3A_324 : i32 to vector<16xi32>
      %select_n3A_326 = arith.select %gt3A_322, %broadcast_in_dim3A_325, %select_n3A_321 : vector<16xi1>, vector<16xi32>
      %gt3A_327 = arith.cmpf ogt, %get3A_292, %select_n3A_323 : vector<16xf32>
      %select_n3A_328 = arith.select %gt3A_327, %get3A_292, %select_n3A_323 : vector<16xi1>, vector<16xf32>
      %jit3A_329 = arith.constant 4 : i32
      %broadcast_in_dim3A_330 = vector.broadcast %jit3A_329 : i32 to vector<16xi32>
      %select_n3A_331 = arith.select %gt3A_327, %broadcast_in_dim3A_330, %select_n3A_326 : vector<16xi1>, vector<16xi32>
      %gt3A_332 = arith.cmpf ogt, %get3A_299, %select_n3A_328 : vector<16xf32>
      %select_n3A_333 = arith.select %gt3A_332, %get3A_299, %select_n3A_328 : vector<16xi1>, vector<16xf32>
      %jit3A_334 = arith.constant 5 : i32
      %broadcast_in_dim3A_335 = vector.broadcast %jit3A_334 : i32 to vector<16xi32>
      %select_n3A_336 = arith.select %gt3A_332, %broadcast_in_dim3A_335, %select_n3A_331 : vector<16xi1>, vector<16xi32>
      %gt3A_337 = arith.cmpf ogt, %get3A_306, %select_n3A_333 : vector<16xf32>
      %select_n3A_338 = arith.select %gt3A_337, %get3A_306, %select_n3A_333 : vector<16xi1>, vector<16xf32>
      %jit3A_339 = arith.constant 6 : i32
      %broadcast_in_dim3A_340 = vector.broadcast %jit3A_339 : i32 to vector<16xi32>
      %select_n3A_341 = arith.select %gt3A_337, %broadcast_in_dim3A_340, %select_n3A_336 : vector<16xi1>, vector<16xi32>
      %gt3A_342 = arith.cmpf ogt, %get3A_313, %select_n3A_338 : vector<16xf32>
      %select_n3A_343 = arith.select %gt3A_342, %get3A_313, %select_n3A_338 : vector<16xi1>, vector<16xf32>
      %jit3A_344 = arith.constant 7 : i32
      %broadcast_in_dim3A_345 = vector.broadcast %jit3A_344 : i32 to vector<16xi32>
      %select_n3A_346 = arith.select %gt3A_342, %broadcast_in_dim3A_345, %select_n3A_341 : vector<16xi1>, vector<16xi32>
      %broadcast_in_dim3A_347 = arith.constant 0xFF800000 : f32
      %broadcast_in_dim3A_348 = vector.broadcast %broadcast_in_dim3A_347 : f32 to vector<16xf32>
      %eq3A = arith.constant 0 : i32
      %eq3A_349 = vector.broadcast %eq3A : i32 to vector<16xi32>
      %eq3A_350 = arith.cmpi eq, %select_n3A_346, %eq3A_349 : vector<16xi32>
      %select_n3A_351 = arith.select %eq3A_350, %broadcast_in_dim3A_348, %get3A_264 : vector<16xi1>, vector<16xf32>
      %broadcast_in_dim3A_352 = arith.constant 0 : i32
      %broadcast_in_dim3A_353 = vector.broadcast %broadcast_in_dim3A_352 : i32 to vector<16xi32>
      %eq3A_354 = arith.constant 1 : i32
      %eq3A_355 = vector.broadcast %eq3A_354 : i32 to vector<16xi32>
      %eq3A_356 = arith.cmpi eq, %select_n3A_346, %eq3A_355 : vector<16xi32>
      %select_n3A_357 = arith.select %eq3A_356, %broadcast_in_dim3A_348, %get3A_271 : vector<16xi1>, vector<16xf32>
      %gt3A_358 = arith.cmpf ogt, %select_n3A_357, %select_n3A_351 : vector<16xf32>
      %select_n3A_359 = arith.select %gt3A_358, %select_n3A_357, %select_n3A_351 : vector<16xi1>, vector<16xf32>
      %jit3A_360 = arith.constant 1 : i32
      %broadcast_in_dim3A_361 = vector.broadcast %jit3A_360 : i32 to vector<16xi32>
      %select_n3A_362 = arith.select %gt3A_358, %broadcast_in_dim3A_361, %broadcast_in_dim3A_353 : vector<16xi1>, vector<16xi32>
      %eq3A_363 = arith.constant 2 : i32
      %eq3A_364 = vector.broadcast %eq3A_363 : i32 to vector<16xi32>
      %eq3A_365 = arith.cmpi eq, %select_n3A_346, %eq3A_364 : vector<16xi32>
      %select_n3A_366 = arith.select %eq3A_365, %broadcast_in_dim3A_348, %get3A_278 : vector<16xi1>, vector<16xf32>
      %gt3A_367 = arith.cmpf ogt, %select_n3A_366, %select_n3A_359 : vector<16xf32>
      %select_n3A_368 = arith.select %gt3A_367, %select_n3A_366, %select_n3A_359 : vector<16xi1>, vector<16xf32>
      %jit3A_369 = arith.constant 2 : i32
      %broadcast_in_dim3A_370 = vector.broadcast %jit3A_369 : i32 to vector<16xi32>
      %select_n3A_371 = arith.select %gt3A_367, %broadcast_in_dim3A_370, %select_n3A_362 : vector<16xi1>, vector<16xi32>
      %eq3A_372 = arith.constant 3 : i32
      %eq3A_373 = vector.broadcast %eq3A_372 : i32 to vector<16xi32>
      %eq3A_374 = arith.cmpi eq, %select_n3A_346, %eq3A_373 : vector<16xi32>
      %select_n3A_375 = arith.select %eq3A_374, %broadcast_in_dim3A_348, %get3A_285 : vector<16xi1>, vector<16xf32>
      %gt3A_376 = arith.cmpf ogt, %select_n3A_375, %select_n3A_368 : vector<16xf32>
      %select_n3A_377 = arith.select %gt3A_376, %select_n3A_375, %select_n3A_368 : vector<16xi1>, vector<16xf32>
      %jit3A_378 = arith.constant 3 : i32
      %broadcast_in_dim3A_379 = vector.broadcast %jit3A_378 : i32 to vector<16xi32>
      %select_n3A_380 = arith.select %gt3A_376, %broadcast_in_dim3A_379, %select_n3A_371 : vector<16xi1>, vector<16xi32>
      %eq3A_381 = arith.constant 4 : i32
      %eq3A_382 = vector.broadcast %eq3A_381 : i32 to vector<16xi32>
      %eq3A_383 = arith.cmpi eq, %select_n3A_346, %eq3A_382 : vector<16xi32>
      %select_n3A_384 = arith.select %eq3A_383, %broadcast_in_dim3A_348, %get3A_292 : vector<16xi1>, vector<16xf32>
      %gt3A_385 = arith.cmpf ogt, %select_n3A_384, %select_n3A_377 : vector<16xf32>
      %select_n3A_386 = arith.select %gt3A_385, %select_n3A_384, %select_n3A_377 : vector<16xi1>, vector<16xf32>
      %jit3A_387 = arith.constant 4 : i32
      %broadcast_in_dim3A_388 = vector.broadcast %jit3A_387 : i32 to vector<16xi32>
      %select_n3A_389 = arith.select %gt3A_385, %broadcast_in_dim3A_388, %select_n3A_380 : vector<16xi1>, vector<16xi32>
      %eq3A_390 = arith.constant 5 : i32
      %eq3A_391 = vector.broadcast %eq3A_390 : i32 to vector<16xi32>
      %eq3A_392 = arith.cmpi eq, %select_n3A_346, %eq3A_391 : vector<16xi32>
      %select_n3A_393 = arith.select %eq3A_392, %broadcast_in_dim3A_348, %get3A_299 : vector<16xi1>, vector<16xf32>
      %gt3A_394 = arith.cmpf ogt, %select_n3A_393, %select_n3A_386 : vector<16xf32>
      %select_n3A_395 = arith.select %gt3A_394, %select_n3A_393, %select_n3A_386 : vector<16xi1>, vector<16xf32>
      %jit3A_396 = arith.constant 5 : i32
      %broadcast_in_dim3A_397 = vector.broadcast %jit3A_396 : i32 to vector<16xi32>
      %select_n3A_398 = arith.select %gt3A_394, %broadcast_in_dim3A_397, %select_n3A_389 : vector<16xi1>, vector<16xi32>
      %eq3A_399 = arith.constant 6 : i32
      %eq3A_400 = vector.broadcast %eq3A_399 : i32 to vector<16xi32>
      %eq3A_401 = arith.cmpi eq, %select_n3A_346, %eq3A_400 : vector<16xi32>
      %select_n3A_402 = arith.select %eq3A_401, %broadcast_in_dim3A_348, %get3A_306 : vector<16xi1>, vector<16xf32>
      %gt3A_403 = arith.cmpf ogt, %select_n3A_402, %select_n3A_395 : vector<16xf32>
      %select_n3A_404 = arith.select %gt3A_403, %select_n3A_402, %select_n3A_395 : vector<16xi1>, vector<16xf32>
      %jit3A_405 = arith.constant 6 : i32
      %broadcast_in_dim3A_406 = vector.broadcast %jit3A_405 : i32 to vector<16xi32>
      %select_n3A_407 = arith.select %gt3A_403, %broadcast_in_dim3A_406, %select_n3A_398 : vector<16xi1>, vector<16xi32>
      %eq3A_408 = arith.constant 7 : i32
      %eq3A_409 = vector.broadcast %eq3A_408 : i32 to vector<16xi32>
      %eq3A_410 = arith.cmpi eq, %select_n3A_346, %eq3A_409 : vector<16xi32>
      %select_n3A_411 = arith.select %eq3A_410, %broadcast_in_dim3A_348, %get3A_313 : vector<16xi1>, vector<16xf32>
      %gt3A_412 = arith.cmpf ogt, %select_n3A_411, %select_n3A_404 : vector<16xf32>
      %select_n3A_413 = arith.select %gt3A_412, %select_n3A_411, %select_n3A_404 : vector<16xi1>, vector<16xf32>
      %jit3A_414 = arith.constant 7 : i32
      %broadcast_in_dim3A_415 = vector.broadcast %jit3A_414 : i32 to vector<16xi32>
      %select_n3A_416 = arith.select %gt3A_412, %broadcast_in_dim3A_415, %select_n3A_407 : vector<16xi1>, vector<16xi32>
      %sub3A = arith.subf %select_n3A_413, %select_n3A_343 : vector<16xf32>
      %exp3A = math.exp %sub3A : vector<16xf32>
      %add3A_417 = arith.constant 1.000000e+00 : f32
      %add3A_418 = vector.broadcast %add3A_417 : f32 to vector<16xf32>
      %add3A_419 = arith.addf %add3A_418, %exp3A : vector<16xf32>
      %div3A = arith.constant 1.000000e+00 : f32
      %div3A_420 = vector.broadcast %div3A : f32 to vector<16xf32>
      %div3A_421 = arith.divf %div3A_420, %add3A_419 : vector<16xf32>
      %mul3A_422 = arith.mulf %exp3A, %div3A_421 : vector<16xf32>
      %broadcast_in_dim3A_423 = arith.constant 0.000000e+00 : f32
      %broadcast_in_dim3A_424 = vector.broadcast %broadcast_in_dim3A_423 : f32 to vector<16xf32>
      %eq3A_425 = arith.constant 0 : i32
      %eq3A_426 = vector.broadcast %eq3A_425 : i32 to vector<16xi32>
      %eq3A_427 = arith.cmpi eq, %select_n3A_346, %eq3A_426 : vector<16xi32>
      %eq3A_428 = arith.constant 0 : i32
      %eq3A_429 = vector.broadcast %eq3A_428 : i32 to vector<16xi32>
      %eq3A_430 = arith.cmpi eq, %select_n3A_416, %eq3A_429 : vector<16xi32>
      %select_n3A_431 = arith.select %eq3A_430, %mul3A_422, %broadcast_in_dim3A_424 : vector<16xi1>, vector<16xf32>
      %select_n3A_432 = arith.select %eq3A_427, %div3A_421, %select_n3A_431 : vector<16xi1>, vector<16xf32>
      %mul3A_433 = arith.constant 16 : i32
      %mul3A_434 = arith.muli %add3A_258, %mul3A_433 : i32
      %swap3A = arith.constant 0 : i32
      %swap3A_435 = arith.index_cast %swap3A : i32 to index
      %swap3A_436 = arith.index_cast %mul3A_434 : i32 to index
      %swap3A_437 = tpu.vector_load %arg6[%swap3A_435, %swap3A_436] {strides = array<i32>} : memref<8x1024xf32, #tpu.memory_space<vmem>>, vector<1x16xf32>,
      %swap3A_438 = vector.shape_cast %swap3A_437 : vector<1x16xf32> to vector<16xf32>
      %swap3A_439 = vector.shape_cast %select_n3A_432 : vector<16xf32> to vector<1x16xf32>
      tpu.vector_store %arg6[%swap3A_435, %swap3A_436], %swap3A_439 {strides = array<i32>} : memref<8x1024xf32, #tpu.memory_space<vmem>>, vector<1x16xf32>,
      %eq3A_440 = arith.constant 1 : i32
      %eq3A_441 = vector.broadcast %eq3A_440 : i32 to vector<16xi32>
      %eq3A_442 = arith.cmpi eq, %select_n3A_346, %eq3A_441 : vector<16xi32>
      %eq3A_443 = arith.constant 1 : i32
      %eq3A_444 = vector.broadcast %eq3A_443 : i32 to vector<16xi32>
      %eq3A_445 = arith.cmpi eq, %select_n3A_416, %eq3A_444 : vector<16xi32>
      %select_n3A_446 = arith.select %eq3A_445, %mul3A_422, %broadcast_in_dim3A_424 : vector<16xi1>, vector<16xf32>
      %select_n3A_447 = arith.select %eq3A_442, %div3A_421, %select_n3A_446 : vector<16xi1>, vector<16xf32>
      %mul3A_448 = arith.constant 16 : i32
      %mul3A_449 = arith.muli %add3A_258, %mul3A_448 : i32
      %swap3A_450 = arith.constant 1 : i32
      %swap3A_451 = arith.index_cast %swap3A_450 : i32 to index
      %swap3A_452 = arith.index_cast %mul3A_449 : i32 to index
      %swap3A_453 = tpu.vector_load %arg6[%swap3A_451, %swap3A_452] {strides = array<i32>} : memref<8x1024xf32, #tpu.memory_space<vmem>>, vector<1x16xf32>,
      %swap3A_454 = vector.shape_cast %swap3A_453 : vector<1x16xf32> to vector<16xf32>
      %swap3A_455 = vector.shape_cast %select_n3A_447 : vector<16xf32> to vector<1x16xf32>
      tpu.vector_store %arg6[%swap3A_451, %swap3A_452], %swap3A_455 {strides = array<i32>} : memref<8x1024xf32, #tpu.memory_space<vmem>>, vector<1x16xf32>,
      %eq3A_456 = arith.constant 2 : i32
      %eq3A_457 = vector.broadcast %eq3A_456 : i32 to vector<16xi32>
      %eq3A_458 = arith.cmpi eq, %select_n3A_346, %eq3A_457 : vector<16xi32>
      %eq3A_459 = arith.constant 2 : i32
      %eq3A_460 = vector.broadcast %eq3A_459 : i32 to vector<16xi32>
      %eq3A_461 = arith.cmpi eq, %select_n3A_416, %eq3A_460 : vector<16xi32>
      %select_n3A_462 = arith.select %eq3A_461, %mul3A_422, %broadcast_in_dim3A_424 : vector<16xi1>, vector<16xf32>
      %select_n3A_463 = arith.select %eq3A_458, %div3A_421, %select_n3A_462 : vector<16xi1>, vector<16xf32>
      %mul3A_464 = arith.constant 16 : i32
      %mul3A_465 = arith.muli %add3A_258, %mul3A_464 : i32
      %swap3A_466 = arith.constant 2 : i32
      %swap3A_467 = arith.index_cast %swap3A_466 : i32 to index
      %swap3A_468 = arith.index_cast %mul3A_465 : i32 to index
      %swap3A_469 = tpu.vector_load %arg6[%swap3A_467, %swap3A_468] {strides = array<i32>} : memref<8x1024xf32, #tpu.memory_space<vmem>>, vector<1x16xf32>,
      %swap3A_470 = vector.shape_cast %swap3A_469 : vector<1x16xf32> to vector<16xf32>
      %swap3A_471 = vector.shape_cast %select_n3A_463 : vector<16xf32> to vector<1x16xf32>
      tpu.vector_store %arg6[%swap3A_467, %swap3A_468], %swap3A_471 {strides = array<i32>} : memref<8x1024xf32, #tpu.memory_space<vmem>>, vector<1x16xf32>,
      %eq3A_472 = arith.constant 3 : i32
      %eq3A_473 = vector.broadcast %eq3A_472 : i32 to vector<16xi32>
      %eq3A_474 = arith.cmpi eq, %select_n3A_346, %eq3A_473 : vector<16xi32>
      %eq3A_475 = arith.constant 3 : i32
      %eq3A_476 = vector.broadcast %eq3A_475 : i32 to vector<16xi32>
      %eq3A_477 = arith.cmpi eq, %select_n3A_416, %eq3A_476 : vector<16xi32>
      %select_n3A_478 = arith.select %eq3A_477, %mul3A_422, %broadcast_in_dim3A_424 : vector<16xi1>, vector<16xf32>
      %select_n3A_479 = arith.select %eq3A_474, %div3A_421, %select_n3A_478 : vector<16xi1>, vector<16xf32>
      %mul3A_480 = arith.constant 16 : i32
      %mul3A_481 = arith.muli %add3A_258, %mul3A_480 : i32
      %swap3A_482 = arith.constant 3 : i32
      %swap3A_483 = arith.index_cast %swap3A_482 : i32 to index
      %swap3A_484 = arith.index_cast %mul3A_481 : i32 to index
      %swap3A_485 = tpu.vector_load %arg6[%swap3A_483, %swap3A_484] {strides = array<i32>} : memref<8x1024xf32, #tpu.memory_space<vmem>>, vector<1x16xf32>,
      %swap3A_486 = vector.shape_cast %swap3A_485 : vector<1x16xf32> to vector<16xf32>
      %swap3A_487 = vector.shape_cast %select_n3A_479 : vector<16xf32> to vector<1x16xf32>
      tpu.vector_store %arg6[%swap3A_483, %swap3A_484], %swap3A_487 {strides = array<i32>} : memref<8x1024xf32, #tpu.memory_space<vmem>>, vector<1x16xf32>,
      %eq3A_488 = arith.constant 4 : i32
      %eq3A_489 = vector.broadcast %eq3A_488 : i32 to vector<16xi32>
      %eq3A_490 = arith.cmpi eq, %select_n3A_346, %eq3A_489 : vector<16xi32>
      %eq3A_491 = arith.constant 4 : i32
      %eq3A_492 = vector.broadcast %eq3A_491 : i32 to vector<16xi32>
      %eq3A_493 = arith.cmpi eq, %select_n3A_416, %eq3A_492 : vector<16xi32>
      %select_n3A_494 = arith.select %eq3A_493, %mul3A_422, %broadcast_in_dim3A_424 : vector<16xi1>, vector<16xf32>
      %select_n3A_495 = arith.select %eq3A_490, %div3A_421, %select_n3A_494 : vector<16xi1>, vector<16xf32>
      %mul3A_496 = arith.constant 16 : i32
      %mul3A_497 = arith.muli %add3A_258, %mul3A_496 : i32
      %swap3A_498 = arith.constant 4 : i32
      %swap3A_499 = arith.index_cast %swap3A_498 : i32 to index
      %swap3A_500 = arith.index_cast %mul3A_497 : i32 to index
      %swap3A_501 = tpu.vector_load %arg6[%swap3A_499, %swap3A_500] {strides = array<i32>} : memref<8x1024xf32, #tpu.memory_space<vmem>>, vector<1x16xf32>,
      %swap3A_502 = vector.shape_cast %swap3A_501 : vector<1x16xf32> to vector<16xf32>
      %swap3A_503 = vector.shape_cast %select_n3A_495 : vector<16xf32> to vector<1x16xf32>
      tpu.vector_store %arg6[%swap3A_499, %swap3A_500], %swap3A_503 {strides = array<i32>} : memref<8x1024xf32, #tpu.memory_space<vmem>>, vector<1x16xf32>,
      %eq3A_504 = arith.constant 5 : i32
      %eq3A_505 = vector.broadcast %eq3A_504 : i32 to vector<16xi32>
      %eq3A_506 = arith.cmpi eq, %select_n3A_346, %eq3A_505 : vector<16xi32>
      %eq3A_507 = arith.constant 5 : i32
      %eq3A_508 = vector.broadcast %eq3A_507 : i32 to vector<16xi32>
      %eq3A_509 = arith.cmpi eq, %select_n3A_416, %eq3A_508 : vector<16xi32>
      %select_n3A_510 = arith.select %eq3A_509, %mul3A_422, %broadcast_in_dim3A_424 : vector<16xi1>, vector<16xf32>
      %select_n3A_511 = arith.select %eq3A_506, %div3A_421, %select_n3A_510 : vector<16xi1>, vector<16xf32>
      %mul3A_512 = arith.constant 16 : i32
      %mul3A_513 = arith.muli %add3A_258, %mul3A_512 : i32
      %swap3A_514 = arith.constant 5 : i32
      %swap3A_515 = arith.index_cast %swap3A_514 : i32 to index
      %swap3A_516 = arith.index_cast %mul3A_513 : i32 to index
      %swap3A_517 = tpu.vector_load %arg6[%swap3A_515, %swap3A_516] {strides = array<i32>} : memref<8x1024xf32, #tpu.memory_space<vmem>>, vector<1x16xf32>,
      %swap3A_518 = vector.shape_cast %swap3A_517 : vector<1x16xf32> to vector<16xf32>
      %swap3A_519 = vector.shape_cast %select_n3A_511 : vector<16xf32> to vector<1x16xf32>
      tpu.vector_store %arg6[%swap3A_515, %swap3A_516], %swap3A_519 {strides = array<i32>} : memref<8x1024xf32, #tpu.memory_space<vmem>>, vector<1x16xf32>,
      %eq3A_520 = arith.constant 6 : i32
      %eq3A_521 = vector.broadcast %eq3A_520 : i32 to vector<16xi32>
      %eq3A_522 = arith.cmpi eq, %select_n3A_346, %eq3A_521 : vector<16xi32>
      %eq3A_523 = arith.constant 6 : i32
      %eq3A_524 = vector.broadcast %eq3A_523 : i32 to vector<16xi32>
      %eq3A_525 = arith.cmpi eq, %select_n3A_416, %eq3A_524 : vector<16xi32>
      %select_n3A_526 = arith.select %eq3A_525, %mul3A_422, %broadcast_in_dim3A_424 : vector<16xi1>, vector<16xf32>
      %select_n3A_527 = arith.select %eq3A_522, %div3A_421, %select_n3A_526 : vector<16xi1>, vector<16xf32>
      %mul3A_528 = arith.constant 16 : i32
      %mul3A_529 = arith.muli %add3A_258, %mul3A_528 : i32
      %swap3A_530 = arith.constant 6 : i32
      %swap3A_531 = arith.index_cast %swap3A_530 : i32 to index
      %swap3A_532 = arith.index_cast %mul3A_529 : i32 to index
      %swap3A_533 = tpu.vector_load %arg6[%swap3A_531, %swap3A_532] {strides = array<i32>} : memref<8x1024xf32, #tpu.memory_space<vmem>>, vector<1x16xf32>,
      %swap3A_534 = vector.shape_cast %swap3A_533 : vector<1x16xf32> to vector<16xf32>
      %swap3A_535 = vector.shape_cast %select_n3A_527 : vector<16xf32> to vector<1x16xf32>
      tpu.vector_store %arg6[%swap3A_531, %swap3A_532], %swap3A_535 {strides = array<i32>} : memref<8x1024xf32, #tpu.memory_space<vmem>>, vector<1x16xf32>,
      %eq3A_536 = arith.constant 7 : i32
      %eq3A_537 = vector.broadcast %eq3A_536 : i32 to vector<16xi32>
      %eq3A_538 = arith.cmpi eq, %select_n3A_346, %eq3A_537 : vector<16xi32>
      %eq3A_539 = arith.constant 7 : i32
      %eq3A_540 = vector.broadcast %eq3A_539 : i32 to vector<16xi32>
      %eq3A_541 = arith.cmpi eq, %select_n3A_416, %eq3A_540 : vector<16xi32>
      %select_n3A_542 = arith.select %eq3A_541, %mul3A_422, %broadcast_in_dim3A_424 : vector<16xi1>, vector<16xf32>
      %select_n3A_543 = arith.select %eq3A_538, %div3A_421, %select_n3A_542 : vector<16xi1>, vector<16xf32>
      %mul3A_544 = arith.constant 16 : i32
      %mul3A_545 = arith.muli %add3A_258, %mul3A_544 : i32
      %swap3A_546 = arith.constant 7 : i32
      %swap3A_547 = arith.index_cast %swap3A_546 : i32 to index
      %swap3A_548 = arith.index_cast %mul3A_545 : i32 to index
      %swap3A_549 = tpu.vector_load %arg6[%swap3A_547, %swap3A_548] {strides = array<i32>} : memref<8x1024xf32, #tpu.memory_space<vmem>>, vector<1x16xf32>,
      %swap3A_550 = vector.shape_cast %swap3A_549 : vector<1x16xf32> to vector<16xf32>
      %swap3A_551 = vector.shape_cast %select_n3A_543 : vector<16xf32> to vector<1x16xf32>
      tpu.vector_store %arg6[%swap3A_547, %swap3A_548], %swap3A_551 {strides = array<i32>} : memref<8x1024xf32, #tpu.memory_space<vmem>>, vector<1x16xf32>,
      %mul3A_552 = arith.constant 16 : i32
      %mul3A_553 = arith.muli %add3A_258, %mul3A_552 : i32
      %swap3A_554 = arith.constant 0 : i32
      %swap3A_555 = arith.index_cast %swap3A_554 : i32 to index
      %swap3A_556 = arith.index_cast %mul3A_553 : i32 to index
      %swap3A_557 = tpu.vector_load %arg7[%swap3A_555, %swap3A_556] {strides = array<i32>} : memref<2x1024xi32, #tpu.memory_space<vmem>>, vector<1x16xi32>,
      %swap3A_558 = vector.shape_cast %swap3A_557 : vector<1x16xi32> to vector<16xi32>
      %swap3A_559 = vector.shape_cast %select_n3A_346 : vector<16xi32> to vector<1x16xi32>
      tpu.vector_store %arg7[%swap3A_555, %swap3A_556], %swap3A_559 {strides = array<i32>} : memref<2x1024xi32, #tpu.memory_space<vmem>>, vector<1x16xi32>,
      %mul3A_560 = arith.constant 16 : i32
      %mul3A_561 = arith.muli %add3A_258, %mul3A_560 : i32
      %swap3A_562 = arith.constant 1 : i32
      %swap3A_563 = arith.index_cast %swap3A_562 : i32 to index
      %swap3A_564 = arith.index_cast %mul3A_561 : i32 to index
      %swap3A_565 = tpu.vector_load %arg7[%swap3A_563, %swap3A_564] {strides = array<i32>} : memref<2x1024xi32, #tpu.memory_space<vmem>>, vector<1x16xi32>,
      %swap3A_566 = vector.shape_cast %swap3A_565 : vector<1x16xi32> to vector<16xi32>
      %swap3A_567 = vector.shape_cast %select_n3A_416 : vector<16xi32> to vector<1x16xi32>
      tpu.vector_store %arg7[%swap3A_563, %swap3A_564], %swap3A_567 {strides = array<i32>} : memref<2x1024xi32, #tpu.memory_space<vmem>>, vector<1x16xi32>,
      %mul3A_568 = arith.constant 8 : i32
      %mul3A_569 = arith.muli %scan3A_254, %mul3A_568 : i32
      %add3A_570 = arith.constant 1 : i32
      %add3A_571 = arith.addi %mul3A_569, %add3A_570 : i32
      %mul3A_572 = arith.constant 16 : i32
      %mul3A_573 = arith.muli %add3A_571, %mul3A_572 : i32
      %get3A_574 = arith.constant 0 : i32
      %get3A_575 = arith.index_cast %get3A_574 : i32 to index
      %get3A_576 = arith.index_cast %mul3A_573 : i32 to index
      %get3A_577 = tpu.vector_load %arg5[%get3A_575, %get3A_576] {strides = array<i32>} : memref<8x1024xf32, #tpu.memory_space<vmem>>, vector<1x16xf32>,
      %get3A_578 = vector.shape_cast %get3A_577 : vector<1x16xf32> to vector<16xf32>
      %mul3A_579 = arith.constant 16 : i32
      %mul3A_580 = arith.muli %add3A_571, %mul3A_579 : i32
      %get3A_581 = arith.constant 1 : i32
      %get3A_582 = arith.index_cast %get3A_581 : i32 to index
      %get3A_583 = arith.index_cast %mul3A_580 : i32 to index
      %get3A_584 = tpu.vector_load %arg5[%get3A_582, %get3A_583] {strides = array<i32>} : memref<8x1024xf32, #tpu.memory_space<vmem>>, vector<1x16xf32>,
      %get3A_585 = vector.shape_cast %get3A_584 : vector<1x16xf32> to vector<16xf32>
      %mul3A_586 = arith.constant 16 : i32
      %mul3A_587 = arith.muli %add3A_571, %mul3A_586 : i32
      %get3A_588 = arith.constant 2 : i32
      %get3A_589 = arith.index_cast %get3A_588 : i32 to index
      %get3A_590 = arith.index_cast %mul3A_587 : i32 to index
      %get3A_591 = tpu.vector_load %arg5[%get3A_589, %get3A_590] {strides = array<i32>} : memref<8x1024xf32, #tpu.memory_space<vmem>>, vector<1x16xf32>,
      %get3A_592 = vector.shape_cast %get3A_591 : vector<1x16xf32> to vector<16xf32>
      %mul3A_593 = arith.constant 16 : i32
      %mul3A_594 = arith.muli %add3A_571, %mul3A_593 : i32
      %get3A_595 = arith.constant 3 : i32
      %get3A_596 = arith.index_cast %get3A_595 : i32 to index
      %get3A_597 = arith.index_cast %mul3A_594 : i32 to index
      %get3A_598 = tpu.vector_load %arg5[%get3A_596, %get3A_597] {strides = array<i32>} : memref<8x1024xf32, #tpu.memory_space<vmem>>, vector<1x16xf32>,
      %get3A_599 = vector.shape_cast %get3A_598 : vector<1x16xf32> to vector<16xf32>
      %mul3A_600 = arith.constant 16 : i32
      %mul3A_601 = arith.muli %add3A_571, %mul3A_600 : i32
      %get3A_602 = arith.constant 4 : i32
      %get3A_603 = arith.index_cast %get3A_602 : i32 to index
      %get3A_604 = arith.index_cast %mul3A_601 : i32 to index
      %get3A_605 = tpu.vector_load %arg5[%get3A_603, %get3A_604] {strides = array<i32>} : memref<8x1024xf32, #tpu.memory_space<vmem>>, vector<1x16xf32>,
      %get3A_606 = vector.shape_cast %get3A_605 : vector<1x16xf32> to vector<16xf32>
      %mul3A_607 = arith.constant 16 : i32
      %mul3A_608 = arith.muli %add3A_571, %mul3A_607 : i32
      %get3A_609 = arith.constant 5 : i32
      %get3A_610 = arith.index_cast %get3A_609 : i32 to index
      %get3A_611 = arith.index_cast %mul3A_608 : i32 to index
      %get3A_612 = tpu.vector_load %arg5[%get3A_610, %get3A_611] {strides = array<i32>} : memref<8x1024xf32, #tpu.memory_space<vmem>>, vector<1x16xf32>,
      %get3A_613 = vector.shape_cast %get3A_612 : vector<1x16xf32> to vector<16xf32>
      %mul3A_614 = arith.constant 16 : i32
      %mul3A_615 = arith.muli %add3A_571, %mul3A_614 : i32
      %get3A_616 = arith.constant 6 : i32
      %get3A_617 = arith.index_cast %get3A_616 : i32 to index
      %get3A_618 = arith.index_cast %mul3A_615 : i32 to index
      %get3A_619 = tpu.vector_load %arg5[%get3A_617, %get3A_618] {strides = array<i32>} : memref<8x1024xf32, #tpu.memory_space<vmem>>, vector<1x16xf32>,
      %get3A_620 = vector.shape_cast %get3A_619 : vector<1x16xf32> to vector<16xf32>
      %mul3A_621 = arith.constant 16 : i32
      %mul3A_622 = arith.muli %add3A_571, %mul3A_621 : i32
      %get3A_623 = arith.constant 7 : i32
      %get3A_624 = arith.index_cast %get3A_623 : i32 to index
      %get3A_625 = arith.index_cast %mul3A_622 : i32 to index
      %get3A_626 = tpu.vector_load %arg5[%get3A_624, %get3A_625] {strides = array<i32>} : memref<8x1024xf32, #tpu.memory_space<vmem>>, vector<1x16xf32>,
      %get3A_627 = vector.shape_cast %get3A_626 : vector<1x16xf32> to vector<16xf32>
      %broadcast_in_dim3A_628 = arith.constant 0 : i32
      %broadcast_in_dim3A_629 = vector.broadcast %broadcast_in_dim3A_628 : i32 to vector<16xi32>
      %gt3A_630 = arith.cmpf ogt, %get3A_585, %get3A_578 : vector<16xf32>
      %select_n3A_631 = arith.select %gt3A_630, %get3A_585, %get3A_578 : vector<16xi1>, vector<16xf32>
      %jit3A_632 = arith.constant 1 : i32
      %broadcast_in_dim3A_633 = vector.broadcast %jit3A_632 : i32 to vector<16xi32>
      %select_n3A_634 = arith.select %gt3A_630, %broadcast_in_dim3A_633, %broadcast_in_dim3A_629 : vector<16xi1>, vector<16xi32>
      %gt3A_635 = arith.cmpf ogt, %get3A_592, %select_n3A_631 : vector<16xf32>
      %select_n3A_636 = arith.select %gt3A_635, %get3A_592, %select_n3A_631 : vector<16xi1>, vector<16xf32>
      %jit3A_637 = arith.constant 2 : i32
      %broadcast_in_dim3A_638 = vector.broadcast %jit3A_637 : i32 to vector<16xi32>
      %select_n3A_639 = arith.select %gt3A_635, %broadcast_in_dim3A_638, %select_n3A_634 : vector<16xi1>, vector<16xi32>
      %gt3A_640 = arith.cmpf ogt, %get3A_599, %select_n3A_636 : vector<16xf32>
      %select_n3A_641 = arith.select %gt3A_640, %get3A_599, %select_n3A_636 : vector<16xi1>, vector<16xf32>
      %jit3A_642 = arith.constant 3 : i32
      %broadcast_in_dim3A_643 = vector.broadcast %jit3A_642 : i32 to vector<16xi32>
      %select_n3A_644 = arith.select %gt3A_640, %broadcast_in_dim3A_643, %select_n3A_639 : vector<16xi1>, vector<16xi32>
      %gt3A_645 = arith.cmpf ogt, %get3A_606, %select_n3A_641 : vector<16xf32>
      %select_n3A_646 = arith.select %gt3A_645, %get3A_606, %select_n3A_641 : vector<16xi1>, vector<16xf32>
      %jit3A_647 = arith.constant 4 : i32
      %broadcast_in_dim3A_648 = vector.broadcast %jit3A_647 : i32 to vector<16xi32>
      %select_n3A_649 = arith.select %gt3A_645, %broadcast_in_dim3A_648, %select_n3A_644 : vector<16xi1>, vector<16xi32>
      %gt3A_650 = arith.cmpf ogt, %get3A_613, %select_n3A_646 : vector<16xf32>
      %select_n3A_651 = arith.select %gt3A_650, %get3A_613, %select_n3A_646 : vector<16xi1>, vector<16xf32>
      %jit3A_652 = arith.constant 5 : i32
      %broadcast_in_dim3A_653 = vector.broadcast %jit3A_652 : i32 to vector<16xi32>
      %select_n3A_654 = arith.select %gt3A_650, %broadcast_in_dim3A_653, %select_n3A_649 : vector<16xi1>, vector<16xi32>
      %gt3A_655 = arith.cmpf ogt, %get3A_620, %select_n3A_651 : vector<16xf32>
      %select_n3A_656 = arith.select %gt3A_655, %get3A_620, %select_n3A_651 : vector<16xi1>, vector<16xf32>
      %jit3A_657 = arith.constant 6 : i32
      %broadcast_in_dim3A_658 = vector.broadcast %jit3A_657 : i32 to vector<16xi32>
      %select_n3A_659 = arith.select %gt3A_655, %broadcast_in_dim3A_658, %select_n3A_654 : vector<16xi1>, vector<16xi32>
      %gt3A_660 = arith.cmpf ogt, %get3A_627, %select_n3A_656 : vector<16xf32>
      %select_n3A_661 = arith.select %gt3A_660, %get3A_627, %select_n3A_656 : vector<16xi1>, vector<16xf32>
      %jit3A_662 = arith.constant 7 : i32
      %broadcast_in_dim3A_663 = vector.broadcast %jit3A_662 : i32 to vector<16xi32>
      %select_n3A_664 = arith.select %gt3A_660, %broadcast_in_dim3A_663, %select_n3A_659 : vector<16xi1>, vector<16xi32>
      %broadcast_in_dim3A_665 = arith.constant 0xFF800000 : f32
      %broadcast_in_dim3A_666 = vector.broadcast %broadcast_in_dim3A_665 : f32 to vector<16xf32>
      %eq3A_667 = arith.constant 0 : i32
      %eq3A_668 = vector.broadcast %eq3A_667 : i32 to vector<16xi32>
      %eq3A_669 = arith.cmpi eq, %select_n3A_664, %eq3A_668 : vector<16xi32>
      %select_n3A_670 = arith.select %eq3A_669, %broadcast_in_dim3A_666, %get3A_578 : vector<16xi1>, vector<16xf32>
      %broadcast_in_dim3A_671 = arith.constant 0 : i32
      %broadcast_in_dim3A_672 = vector.broadcast %broadcast_in_dim3A_671 : i32 to vector<16xi32>
      %eq3A_673 = arith.constant 1 : i32
      %eq3A_674 = vector.broadcast %eq3A_673 : i32 to vector<16xi32>
      %eq3A_675 = arith.cmpi eq, %select_n3A_664, %eq3A_674 : vector<16xi32>
      %select_n3A_676 = arith.select %eq3A_675, %broadcast_in_dim3A_666, %get3A_585 : vector<16xi1>, vector<16xf32>
      %gt3A_677 = arith.cmpf ogt, %select_n3A_676, %select_n3A_670 : vector<16xf32>
      %select_n3A_678 = arith.select %gt3A_677, %select_n3A_676, %select_n3A_670 : vector<16xi1>, vector<16xf32>
      %jit3A_679 = arith.constant 1 : i32
      %broadcast_in_dim3A_680 = vector.broadcast %jit3A_679 : i32 to vector<16xi32>
      %select_n3A_681 = arith.select %gt3A_677, %broadcast_in_dim3A_680, %broadcast_in_dim3A_672 : vector<16xi1>, vector<16xi32>
      %eq3A_682 = arith.constant 2 : i32
      %eq3A_683 = vector.broadcast %eq3A_682 : i32 to vector<16xi32>
      %eq3A_684 = arith.cmpi eq, %select_n3A_664, %eq3A_683 : vector<16xi32>
      %select_n3A_685 = arith.select %eq3A_684, %broadcast_in_dim3A_666, %get3A_592 : vector<16xi1>, vector<16xf32>
      %gt3A_686 = arith.cmpf ogt, %select_n3A_685, %select_n3A_678 : vector<16xf32>
      %select_n3A_687 = arith.select %gt3A_686, %select_n3A_685, %select_n3A_678 : vector<16xi1>, vector<16xf32>
      %jit3A_688 = arith.constant 2 : i32
      %broadcast_in_dim3A_689 = vector.broadcast %jit3A_688 : i32 to vector<16xi32>
      %select_n3A_690 = arith.select %gt3A_686, %broadcast_in_dim3A_689, %select_n3A_681 : vector<16xi1>, vector<16xi32>
      %eq3A_691 = arith.constant 3 : i32
      %eq3A_692 = vector.broadcast %eq3A_691 : i32 to vector<16xi32>
      %eq3A_693 = arith.cmpi eq, %select_n3A_664, %eq3A_692 : vector<16xi32>
      %select_n3A_694 = arith.select %eq3A_693, %broadcast_in_dim3A_666, %get3A_599 : vector<16xi1>, vector<16xf32>
      %gt3A_695 = arith.cmpf ogt, %select_n3A_694, %select_n3A_687 : vector<16xf32>
      %select_n3A_696 = arith.select %gt3A_695, %select_n3A_694, %select_n3A_687 : vector<16xi1>, vector<16xf32>
      %jit3A_697 = arith.constant 3 : i32
      %broadcast_in_dim3A_698 = vector.broadcast %jit3A_697 : i32 to vector<16xi32>
      %select_n3A_699 = arith.select %gt3A_695, %broadcast_in_dim3A_698, %select_n3A_690 : vector<16xi1>, vector<16xi32>
      %eq3A_700 = arith.constant 4 : i32
      %eq3A_701 = vector.broadcast %eq3A_700 : i32 to vector<16xi32>
      %eq3A_702 = arith.cmpi eq, %select_n3A_664, %eq3A_701 : vector<16xi32>
      %select_n3A_703 = arith.select %eq3A_702, %broadcast_in_dim3A_666, %get3A_606 : vector<16xi1>, vector<16xf32>
      %gt3A_704 = arith.cmpf ogt, %select_n3A_703, %select_n3A_696 : vector<16xf32>
      %select_n3A_705 = arith.select %gt3A_704, %select_n3A_703, %select_n3A_696 : vector<16xi1>, vector<16xf32>
      %jit3A_706 = arith.constant 4 : i32
      %broadcast_in_dim3A_707 = vector.broadcast %jit3A_706 : i32 to vector<16xi32>
      %select_n3A_708 = arith.select %gt3A_704, %broadcast_in_dim3A_707, %select_n3A_699 : vector<16xi1>, vector<16xi32>
      %eq3A_709 = arith.constant 5 : i32
      %eq3A_710 = vector.broadcast %eq3A_709 : i32 to vector<16xi32>
      %eq3A_711 = arith.cmpi eq, %select_n3A_664, %eq3A_710 : vector<16xi32>
      %select_n3A_712 = arith.select %eq3A_711, %broadcast_in_dim3A_666, %get3A_613 : vector<16xi1>, vector<16xf32>
      %gt3A_713 = arith.cmpf ogt, %select_n3A_712, %select_n3A_705 : vector<16xf32>
      %select_n3A_714 = arith.select %gt3A_713, %select_n3A_712, %select_n3A_705 : vector<16xi1>, vector<16xf32>
      %jit3A_715 = arith.constant 5 : i32
      %broadcast_in_dim3A_716 = vector.broadcast %jit3A_715 : i32 to vector<16xi32>
      %select_n3A_717 = arith.select %gt3A_713, %broadcast_in_dim3A_716, %select_n3A_708 : vector<16xi1>, vector<16xi32>
      %eq3A_718 = arith.constant 6 : i32
      %eq3A_719 = vector.broadcast %eq3A_718 : i32 to vector<16xi32>
      %eq3A_720 = arith.cmpi eq, %select_n3A_664, %eq3A_719 : vector<16xi32>
      %select_n3A_721 = arith.select %eq3A_720, %broadcast_in_dim3A_666, %get3A_620 : vector<16xi1>, vector<16xf32>
      %gt3A_722 = arith.cmpf ogt, %select_n3A_721, %select_n3A_714 : vector<16xf32>
      %select_n3A_723 = arith.select %gt3A_722, %select_n3A_721, %select_n3A_714 : vector<16xi1>, vector<16xf32>
      %jit3A_724 = arith.constant 6 : i32
      %broadcast_in_dim3A_725 = vector.broadcast %jit3A_724 : i32 to vector<16xi32>
      %select_n3A_726 = arith.select %gt3A_722, %broadcast_in_dim3A_725, %select_n3A_717 : vector<16xi1>, vector<16xi32>
      %eq3A_727 = arith.constant 7 : i32
      %eq3A_728 = vector.broadcast %eq3A_727 : i32 to vector<16xi32>
      %eq3A_729 = arith.cmpi eq, %select_n3A_664, %eq3A_728 : vector<16xi32>
      %select_n3A_730 = arith.select %eq3A_729, %broadcast_in_dim3A_666, %get3A_627 : vector<16xi1>, vector<16xf32>
      %gt3A_731 = arith.cmpf ogt, %select_n3A_730, %select_n3A_723 : vector<16xf32>
      %select_n3A_732 = arith.select %gt3A_731, %select_n3A_730, %select_n3A_723 : vector<16xi1>, vector<16xf32>
      %jit3A_733 = arith.constant 7 : i32
      %broadcast_in_dim3A_734 = vector.broadcast %jit3A_733 : i32 to vector<16xi32>
      %select_n3A_735 = arith.select %gt3A_731, %broadcast_in_dim3A_734, %select_n3A_726 : vector<16xi1>, vector<16xi32>
      %sub3A_736 = arith.subf %select_n3A_732, %select_n3A_661 : vector<16xf32>
      %exp3A_737 = math.exp %sub3A_736 : vector<16xf32>
      %add3A_738 = arith.constant 1.000000e+00 : f32
      %add3A_739 = vector.broadcast %add3A_738 : f32 to vector<16xf32>
      %add3A_740 = arith.addf %add3A_739, %exp3A_737 : vector<16xf32>
      %div3A_741 = arith.constant 1.000000e+00 : f32
      %div3A_742 = vector.broadcast %div3A_741 : f32 to vector<16xf32>
      %div3A_743 = arith.divf %div3A_742, %add3A_740 : vector<16xf32>
      %mul3A_744 = arith.mulf %exp3A_737, %div3A_743 : vector<16xf32>
      %broadcast_in_dim3A_745 = arith.constant 0.000000e+00 : f32
      %broadcast_in_dim3A_746 = vector.broadcast %broadcast_in_dim3A_745 : f32 to vector<16xf32>
      %eq3A_747 = arith.constant 0 : i32
      %eq3A_748 = vector.broadcast %eq3A_747 : i32 to vector<16xi32>
      %eq3A_749 = arith.cmpi eq, %select_n3A_664, %eq3A_748 : vector<16xi32>
      %eq3A_750 = arith.constant 0 : i32
      %eq3A_751 = vector.broadcast %eq3A_750 : i32 to vector<16xi32>
      %eq3A_752 = arith.cmpi eq, %select_n3A_735, %eq3A_751 : vector<16xi32>
      %select_n3A_753 = arith.select %eq3A_752, %mul3A_744, %broadcast_in_dim3A_746 : vector<16xi1>, vector<16xf32>
      %select_n3A_754 = arith.select %eq3A_749, %div3A_743, %select_n3A_753 : vector<16xi1>, vector<16xf32>
      %mul3A_755 = arith.constant 16 : i32
      %mul3A_756 = arith.muli %add3A_571, %mul3A_755 : i32
      %swap3A_757 = arith.constant 0 : i32
      %swap3A_758 = arith.index_cast %swap3A_757 : i32 to index
      %swap3A_759 = arith.index_cast %mul3A_756 : i32 to index
      %swap3A_760 = tpu.vector_load %arg6[%swap3A_758, %swap3A_759] {strides = array<i32>} : memref<8x1024xf32, #tpu.memory_space<vmem>>, vector<1x16xf32>,
      %swap3A_761 = vector.shape_cast %swap3A_760 : vector<1x16xf32> to vector<16xf32>
      %swap3A_762 = vector.shape_cast %select_n3A_754 : vector<16xf32> to vector<1x16xf32>
      tpu.vector_store %arg6[%swap3A_758, %swap3A_759], %swap3A_762 {strides = array<i32>} : memref<8x1024xf32, #tpu.memory_space<vmem>>, vector<1x16xf32>,
      %eq3A_763 = arith.constant 1 : i32
      %eq3A_764 = vector.broadcast %eq3A_763 : i32 to vector<16xi32>
      %eq3A_765 = arith.cmpi eq, %select_n3A_664, %eq3A_764 : vector<16xi32>
      %eq3A_766 = arith.constant 1 : i32
      %eq3A_767 = vector.broadcast %eq3A_766 : i32 to vector<16xi32>
      %eq3A_768 = arith.cmpi eq, %select_n3A_735, %eq3A_767 : vector<16xi32>
      %select_n3A_769 = arith.select %eq3A_768, %mul3A_744, %broadcast_in_dim3A_746 : vector<16xi1>, vector<16xf32>
      %select_n3A_770 = arith.select %eq3A_765, %div3A_743, %select_n3A_769 : vector<16xi1>, vector<16xf32>
      %mul3A_771 = arith.constant 16 : i32
      %mul3A_772 = arith.muli %add3A_571, %mul3A_771 : i32
      %swap3A_773 = arith.constant 1 : i32
      %swap3A_774 = arith.index_cast %swap3A_773 : i32 to index
      %swap3A_775 = arith.index_cast %mul3A_772 : i32 to index
      %swap3A_776 = tpu.vector_load %arg6[%swap3A_774, %swap3A_775] {strides = array<i32>} : memref<8x1024xf32, #tpu.memory_space<vmem>>, vector<1x16xf32>,
      %swap3A_777 = vector.shape_cast %swap3A_776 : vector<1x16xf32> to vector<16xf32>
      %swap3A_778 = vector.shape_cast %select_n3A_770 : vector<16xf32> to vector<1x16xf32>
      tpu.vector_store %arg6[%swap3A_774, %swap3A_775], %swap3A_778 {strides = array<i32>} : memref<8x1024xf32, #tpu.memory_space<vmem>>, vector<1x16xf32>,
      %eq3A_779 = arith.constant 2 : i32
      %eq3A_780 = vector.broadcast %eq3A_779 : i32 to vector<16xi32>
      %eq3A_781 = arith.cmpi eq, %select_n3A_664, %eq3A_780 : vector<16xi32>
      %eq3A_782 = arith.constant 2 : i32
      %eq3A_783 = vector.broadcast %eq3A_782 : i32 to vector<16xi32>
      %eq3A_784 = arith.cmpi eq, %select_n3A_735, %eq3A_783 : vector<16xi32>
      %select_n3A_785 = arith.select %eq3A_784, %mul3A_744, %broadcast_in_dim3A_746 : vector<16xi1>, vector<16xf32>
      %select_n3A_786 = arith.select %eq3A_781, %div3A_743, %select_n3A_785 : vector<16xi1>, vector<16xf32>
      %mul3A_787 = arith.constant 16 : i32
      %mul3A_788 = arith.muli %add3A_571, %mul3A_787 : i32
      %swap3A_789 = arith.constant 2 : i32
      %swap3A_790 = arith.index_cast %swap3A_789 : i32 to index
      %swap3A_791 = arith.index_cast %mul3A_788 : i32 to index
      %swap3A_792 = tpu.vector_load %arg6[%swap3A_790, %swap3A_791] {strides = array<i32>} : memref<8x1024xf32, #tpu.memory_space<vmem>>, vector<1x16xf32>,
      %swap3A_793 = vector.shape_cast %swap3A_792 : vector<1x16xf32> to vector<16xf32>
      %swap3A_794 = vector.shape_cast %select_n3A_786 : vector<16xf32> to vector<1x16xf32>
      tpu.vector_store %arg6[%swap3A_790, %swap3A_791], %swap3A_794 {strides = array<i32>} : memref<8x1024xf32, #tpu.memory_space<vmem>>, vector<1x16xf32>,
      %eq3A_795 = arith.constant 3 : i32
      %eq3A_796 = vector.broadcast %eq3A_795 : i32 to vector<16xi32>
      %eq3A_797 = arith.cmpi eq, %select_n3A_664, %eq3A_796 : vector<16xi32>
      %eq3A_798 = arith.constant 3 : i32
      %eq3A_799 = vector.broadcast %eq3A_798 : i32 to vector<16xi32>
      %eq3A_800 = arith.cmpi eq, %select_n3A_735, %eq3A_799 : vector<16xi32>
      %select_n3A_801 = arith.select %eq3A_800, %mul3A_744, %broadcast_in_dim3A_746 : vector<16xi1>, vector<16xf32>
      %select_n3A_802 = arith.select %eq3A_797, %div3A_743, %select_n3A_801 : vector<16xi1>, vector<16xf32>
      %mul3A_803 = arith.constant 16 : i32
      %mul3A_804 = arith.muli %add3A_571, %mul3A_803 : i32
      %swap3A_805 = arith.constant 3 : i32
      %swap3A_806 = arith.index_cast %swap3A_805 : i32 to index
      %swap3A_807 = arith.index_cast %mul3A_804 : i32 to index
      %swap3A_808 = tpu.vector_load %arg6[%swap3A_806, %swap3A_807] {strides = array<i32>} : memref<8x1024xf32, #tpu.memory_space<vmem>>, vector<1x16xf32>,
      %swap3A_809 = vector.shape_cast %swap3A_808 : vector<1x16xf32> to vector<16xf32>
      %swap3A_810 = vector.shape_cast %select_n3A_802 : vector<16xf32> to vector<1x16xf32>
      tpu.vector_store %arg6[%swap3A_806, %swap3A_807], %swap3A_810 {strides = array<i32>} : memref<8x1024xf32, #tpu.memory_space<vmem>>, vector<1x16xf32>,
      %eq3A_811 = arith.constant 4 : i32
      %eq3A_812 = vector.broadcast %eq3A_811 : i32 to vector<16xi32>
      %eq3A_813 = arith.cmpi eq, %select_n3A_664, %eq3A_812 : vector<16xi32>
      %eq3A_814 = arith.constant 4 : i32
      %eq3A_815 = vector.broadcast %eq3A_814 : i32 to vector<16xi32>
      %eq3A_816 = arith.cmpi eq, %select_n3A_735, %eq3A_815 : vector<16xi32>
      %select_n3A_817 = arith.select %eq3A_816, %mul3A_744, %broadcast_in_dim3A_746 : vector<16xi1>, vector<16xf32>
      %select_n3A_818 = arith.select %eq3A_813, %div3A_743, %select_n3A_817 : vector<16xi1>, vector<16xf32>
      %mul3A_819 = arith.constant 16 : i32
      %mul3A_820 = arith.muli %add3A_571, %mul3A_819 : i32
      %swap3A_821 = arith.constant 4 : i32
      %swap3A_822 = arith.index_cast %swap3A_821 : i32 to index
      %swap3A_823 = arith.index_cast %mul3A_820 : i32 to index
      %swap3A_824 = tpu.vector_load %arg6[%swap3A_822, %swap3A_823] {strides = array<i32>} : memref<8x1024xf32, #tpu.memory_space<vmem>>, vector<1x16xf32>,
      %swap3A_825 = vector.shape_cast %swap3A_824 : vector<1x16xf32> to vector<16xf32>
      %swap3A_826 = vector.shape_cast %select_n3A_818 : vector<16xf32> to vector<1x16xf32>
      tpu.vector_store %arg6[%swap3A_822, %swap3A_823], %swap3A_826 {strides = array<i32>} : memref<8x1024xf32, #tpu.memory_space<vmem>>, vector<1x16xf32>,
      %eq3A_827 = arith.constant 5 : i32
      %eq3A_828 = vector.broadcast %eq3A_827 : i32 to vector<16xi32>
      %eq3A_829 = arith.cmpi eq, %select_n3A_664, %eq3A_828 : vector<16xi32>
      %eq3A_830 = arith.constant 5 : i32
      %eq3A_831 = vector.broadcast %eq3A_830 : i32 to vector<16xi32>
      %eq3A_832 = arith.cmpi eq, %select_n3A_735, %eq3A_831 : vector<16xi32>
      %select_n3A_833 = arith.select %eq3A_832, %mul3A_744, %broadcast_in_dim3A_746 : vector<16xi1>, vector<16xf32>
      %select_n3A_834 = arith.select %eq3A_829, %div3A_743, %select_n3A_833 : vector<16xi1>, vector<16xf32>
      %mul3A_835 = arith.constant 16 : i32
      %mul3A_836 = arith.muli %add3A_571, %mul3A_835 : i32
      %swap3A_837 = arith.constant 5 : i32
      %swap3A_838 = arith.index_cast %swap3A_837 : i32 to index
      %swap3A_839 = arith.index_cast %mul3A_836 : i32 to index
      %swap3A_840 = tpu.vector_load %arg6[%swap3A_838, %swap3A_839] {strides = array<i32>} : memref<8x1024xf32, #tpu.memory_space<vmem>>, vector<1x16xf32>,
      %swap3A_841 = vector.shape_cast %swap3A_840 : vector<1x16xf32> to vector<16xf32>
      %swap3A_842 = vector.shape_cast %select_n3A_834 : vector<16xf32> to vector<1x16xf32>
      tpu.vector_store %arg6[%swap3A_838, %swap3A_839], %swap3A_842 {strides = array<i32>} : memref<8x1024xf32, #tpu.memory_space<vmem>>, vector<1x16xf32>,
      %eq3A_843 = arith.constant 6 : i32
      %eq3A_844 = vector.broadcast %eq3A_843 : i32 to vector<16xi32>
      %eq3A_845 = arith.cmpi eq, %select_n3A_664, %eq3A_844 : vector<16xi32>
      %eq3A_846 = arith.constant 6 : i32
      %eq3A_847 = vector.broadcast %eq3A_846 : i32 to vector<16xi32>
      %eq3A_848 = arith.cmpi eq, %select_n3A_735, %eq3A_847 : vector<16xi32>
      %select_n3A_849 = arith.select %eq3A_848, %mul3A_744, %broadcast_in_dim3A_746 : vector<16xi1>, vector<16xf32>
      %select_n3A_850 = arith.select %eq3A_845, %div3A_743, %select_n3A_849 : vector<16xi1>, vector<16xf32>
      %mul3A_851 = arith.constant 16 : i32
      %mul3A_852 = arith.muli %add3A_571, %mul3A_851 : i32
      %swap3A_853 = arith.constant 6 : i32
      %swap3A_854 = arith.index_cast %swap3A_853 : i32 to index
      %swap3A_855 = arith.index_cast %mul3A_852 : i32 to index
      %swap3A_856 = tpu.vector_load %arg6[%swap3A_854, %swap3A_855] {strides = array<i32>} : memref<8x1024xf32, #tpu.memory_space<vmem>>, vector<1x16xf32>,
      %swap3A_857 = vector.shape_cast %swap3A_856 : vector<1x16xf32> to vector<16xf32>
      %swap3A_858 = vector.shape_cast %select_n3A_850 : vector<16xf32> to vector<1x16xf32>
      tpu.vector_store %arg6[%swap3A_854, %swap3A_855], %swap3A_858 {strides = array<i32>} : memref<8x1024xf32, #tpu.memory_space<vmem>>, vector<1x16xf32>,
      %eq3A_859 = arith.constant 7 : i32
      %eq3A_860 = vector.broadcast %eq3A_859 : i32 to vector<16xi32>
      %eq3A_861 = arith.cmpi eq, %select_n3A_664, %eq3A_860 : vector<16xi32>
      %eq3A_862 = arith.constant 7 : i32
      %eq3A_863 = vector.broadcast %eq3A_862 : i32 to vector<16xi32>
      %eq3A_864 = arith.cmpi eq, %select_n3A_735, %eq3A_863 : vector<16xi32>
      %select_n3A_865 = arith.select %eq3A_864, %mul3A_744, %broadcast_in_dim3A_746 : vector<16xi1>, vector<16xf32>
      %select_n3A_866 = arith.select %eq3A_861, %div3A_743, %select_n3A_865 : vector<16xi1>, vector<16xf32>
      %mul3A_867 = arith.constant 16 : i32
      %mul3A_868 = arith.muli %add3A_571, %mul3A_867 : i32
      %swap3A_869 = arith.constant 7 : i32
      %swap3A_870 = arith.index_cast %swap3A_869 : i32 to index
      %swap3A_871 = arith.index_cast %mul3A_868 : i32 to index
      %swap3A_872 = tpu.vector_load %arg6[%swap3A_870, %swap3A_871] {strides = array<i32>} : memref<8x1024xf32, #tpu.memory_space<vmem>>, vector<1x16xf32>,
      %swap3A_873 = vector.shape_cast %swap3A_872 : vector<1x16xf32> to vector<16xf32>
      %swap3A_874 = vector.shape_cast %select_n3A_866 : vector<16xf32> to vector<1x16xf32>
      tpu.vector_store %arg6[%swap3A_870, %swap3A_871], %swap3A_874 {strides = array<i32>} : memref<8x1024xf32, #tpu.memory_space<vmem>>, vector<1x16xf32>,
      %mul3A_875 = arith.constant 16 : i32
      %mul3A_876 = arith.muli %add3A_571, %mul3A_875 : i32
      %swap3A_877 = arith.constant 0 : i32
      %swap3A_878 = arith.index_cast %swap3A_877 : i32 to index
      %swap3A_879 = arith.index_cast %mul3A_876 : i32 to index
      %swap3A_880 = tpu.vector_load %arg7[%swap3A_878, %swap3A_879] {strides = array<i32>} : memref<2x1024xi32, #tpu.memory_space<vmem>>, vector<1x16xi32>,
      %swap3A_881 = vector.shape_cast %swap3A_880 : vector<1x16xi32> to vector<16xi32>
      %swap3A_882 = vector.shape_cast %select_n3A_664 : vector<16xi32> to vector<1x16xi32>
      tpu.vector_store %arg7[%swap3A_878, %swap3A_879], %swap3A_882 {strides = array<i32>} : memref<2x1024xi32, #tpu.memory_space<vmem>>, vector<1x16xi32>,
      %mul3A_883 = arith.constant 16 : i32
      %mul3A_884 = arith.muli %add3A_571, %mul3A_883 : i32
      %swap3A_885 = arith.constant 1 : i32
      %swap3A_886 = arith.index_cast %swap3A_885 : i32 to index
      %swap3A_887 = arith.index_cast %mul3A_884 : i32 to index
      %swap3A_888 = tpu.vector_load %arg7[%swap3A_886, %swap3A_887] {strides = array<i32>} : memref<2x1024xi32, #tpu.memory_space<vmem>>, vector<1x16xi32>,
      %swap3A_889 = vector.shape_cast %swap3A_888 : vector<1x16xi32> to vector<16xi32>
      %swap3A_890 = vector.shape_cast %select_n3A_735 : vector<16xi32> to vector<1x16xi32>
      tpu.vector_store %arg7[%swap3A_886, %swap3A_887], %swap3A_890 {strides = array<i32>} : memref<2x1024xi32, #tpu.memory_space<vmem>>, vector<1x16xi32>,
      %mul3A_891 = arith.constant 8 : i32
      %mul3A_892 = arith.muli %scan3A_254, %mul3A_891 : i32
      %add3A_893 = arith.constant 2 : i32
      %add3A_894 = arith.addi %mul3A_892, %add3A_893 : i32
      %mul3A_895 = arith.constant 16 : i32
      %mul3A_896 = arith.muli %add3A_894, %mul3A_895 : i32
      %get3A_897 = arith.constant 0 : i32
      %get3A_898 = arith.index_cast %get3A_897 : i32 to index
      %get3A_899 = arith.index_cast %mul3A_896 : i32 to index
      %get3A_900 = tpu.vector_load %arg5[%get3A_898, %get3A_899] {strides = array<i32>} : memref<8x1024xf32, #tpu.memory_space<vmem>>, vector<1x16xf32>,
      %get3A_901 = vector.shape_cast %get3A_900 : vector<1x16xf32> to vector<16xf32>
      %mul3A_902 = arith.constant 16 : i32
      %mul3A_903 = arith.muli %add3A_894, %mul3A_902 : i32
      %get3A_904 = arith.constant 1 : i32
      %get3A_905 = arith.index_cast %get3A_904 : i32 to index
      %get3A_906 = arith.index_cast %mul3A_903 : i32 to index
      %get3A_907 = tpu.vector_load %arg5[%get3A_905, %get3A_906] {strides = array<i32>} : memref<8x1024xf32, #tpu.memory_space<vmem>>, vector<1x16xf32>,
      %get3A_908 = vector.shape_cast %get3A_907 : vector<1x16xf32> to vector<16xf32>
      %mul3A_909 = arith.constant 16 : i32
      %mul3A_910 = arith.muli %add3A_894, %mul3A_909 : i32
      %get3A_911 = arith.constant 2 : i32
      %get3A_912 = arith.index_cast %get3A_911 : i32 to index
      %get3A_913 = arith.index_cast %mul3A_910 : i32 to index
      %get3A_914 = tpu.vector_load %arg5[%get3A_912, %get3A_913] {strides = array<i32>} : memref<8x1024xf32, #tpu.memory_space<vmem>>, vector<1x16xf32>,
      %get3A_915 = vector.shape_cast %get3A_914 : vector<1x16xf32> to vector<16xf32>
      %mul3A_916 = arith.constant 16 : i32
      %mul3A_917 = arith.muli %add3A_894, %mul3A_916 : i32
      %get3A_918 = arith.constant 3 : i32
      %get3A_919 = arith.index_cast %get3A_918 : i32 to index
      %get3A_920 = arith.index_cast %mul3A_917 : i32 to index
      %get3A_921 = tpu.vector_load %arg5[%get3A_919, %get3A_920] {strides = array<i32>} : memref<8x1024xf32, #tpu.memory_space<vmem>>, vector<1x16xf32>,
      %get3A_922 = vector.shape_cast %get3A_921 : vector<1x16xf32> to vector<16xf32>
      %mul3A_923 = arith.constant 16 : i32
      %mul3A_924 = arith.muli %add3A_894, %mul3A_923 : i32
      %get3A_925 = arith.constant 4 : i32
      %get3A_926 = arith.index_cast %get3A_925 : i32 to index
      %get3A_927 = arith.index_cast %mul3A_924 : i32 to index
      %get3A_928 = tpu.vector_load %arg5[%get3A_926, %get3A_927] {strides = array<i32>} : memref<8x1024xf32, #tpu.memory_space<vmem>>, vector<1x16xf32>,
      %get3A_929 = vector.shape_cast %get3A_928 : vector<1x16xf32> to vector<16xf32>
      %mul3A_930 = arith.constant 16 : i32
      %mul3A_931 = arith.muli %add3A_894, %mul3A_930 : i32
      %get3A_932 = arith.constant 5 : i32
      %get3A_933 = arith.index_cast %get3A_932 : i32 to index
      %get3A_934 = arith.index_cast %mul3A_931 : i32 to index
      %get3A_935 = tpu.vector_load %arg5[%get3A_933, %get3A_934] {strides = array<i32>} : memref<8x1024xf32, #tpu.memory_space<vmem>>, vector<1x16xf32>,
      %get3A_936 = vector.shape_cast %get3A_935 : vector<1x16xf32> to vector<16xf32>
      %mul3A_937 = arith.constant 16 : i32
      %mul3A_938 = arith.muli %add3A_894, %mul3A_937 : i32
      %get3A_939 = arith.constant 6 : i32
      %get3A_940 = arith.index_cast %get3A_939 : i32 to index
      %get3A_941 = arith.index_cast %mul3A_938 : i32 to index
      %get3A_942 = tpu.vector_load %arg5[%get3A_940, %get3A_941] {strides = array<i32>} : memref<8x1024xf32, #tpu.memory_space<vmem>>, vector<1x16xf32>,
      %get3A_943 = vector.shape_cast %get3A_942 : vector<1x16xf32> to vector<16xf32>
      %mul3A_944 = arith.constant 16 : i32
      %mul3A_945 = arith.muli %add3A_894, %mul3A_944 : i32
      %get3A_946 = arith.constant 7 : i32
      %get3A_947 = arith.index_cast %get3A_946 : i32 to index
      %get3A_948 = arith.index_cast %mul3A_945 : i32 to index
      %get3A_949 = tpu.vector_load %arg5[%get3A_947, %get3A_948] {strides = array<i32>} : memref<8x1024xf32, #tpu.memory_space<vmem>>, vector<1x16xf32>,
      %get3A_950 = vector.shape_cast %get3A_949 : vector<1x16xf32> to vector<16xf32>
      %broadcast_in_dim3A_951 = arith.constant 0 : i32
      %broadcast_in_dim3A_952 = vector.broadcast %broadcast_in_dim3A_951 : i32 to vector<16xi32>
      %gt3A_953 = arith.cmpf ogt, %get3A_908, %get3A_901 : vector<16xf32>
      %select_n3A_954 = arith.select %gt3A_953, %get3A_908, %get3A_901 : vector<16xi1>, vector<16xf32>
      %jit3A_955 = arith.constant 1 : i32
      %broadcast_in_dim3A_956 = vector.broadcast %jit3A_955 : i32 to vector<16xi32>
      %select_n3A_957 = arith.select %gt3A_953, %broadcast_in_dim3A_956, %broadcast_in_dim3A_952 : vector<16xi1>, vector<16xi32>
      %gt3A_958 = arith.cmpf ogt, %get3A_915, %select_n3A_954 : vector<16xf32>
      %select_n3A_959 = arith.select %gt3A_958, %get3A_915, %select_n3A_954 : vector<16xi1>, vector<16xf32>
      %jit3A_960 = arith.constant 2 : i32
      %broadcast_in_dim3A_961 = vector.broadcast %jit3A_960 : i32 to vector<16xi32>
      %select_n3A_962 = arith.select %gt3A_958, %broadcast_in_dim3A_961, %select_n3A_957 : vector<16xi1>, vector<16xi32>
      %gt3A_963 = arith.cmpf ogt, %get3A_922, %select_n3A_959 : vector<16xf32>
      %select_n3A_964 = arith.select %gt3A_963, %get3A_922, %select_n3A_959 : vector<16xi1>, vector<16xf32>
      %jit3A_965 = arith.constant 3 : i32
      %broadcast_in_dim3A_966 = vector.broadcast %jit3A_965 : i32 to vector<16xi32>
      %select_n3A_967 = arith.select %gt3A_963, %broadcast_in_dim3A_966, %select_n3A_962 : vector<16xi1>, vector<16xi32>
      %gt3A_968 = arith.cmpf ogt, %get3A_929, %select_n3A_964 : vector<16xf32>
      %select_n3A_969 = arith.select %gt3A_968, %get3A_929, %select_n3A_964 : vector<16xi1>, vector<16xf32>
      %jit3A_970 = arith.constant 4 : i32
      %broadcast_in_dim3A_971 = vector.broadcast %jit3A_970 : i32 to vector<16xi32>
      %select_n3A_972 = arith.select %gt3A_968, %broadcast_in_dim3A_971, %select_n3A_967 : vector<16xi1>, vector<16xi32>
      %gt3A_973 = arith.cmpf ogt, %get3A_936, %select_n3A_969 : vector<16xf32>
      %select_n3A_974 = arith.select %gt3A_973, %get3A_936, %select_n3A_969 : vector<16xi1>, vector<16xf32>
      %jit3A_975 = arith.constant 5 : i32
      %broadcast_in_dim3A_976 = vector.broadcast %jit3A_975 : i32 to vector<16xi32>
      %select_n3A_977 = arith.select %gt3A_973, %broadcast_in_dim3A_976, %select_n3A_972 : vector<16xi1>, vector<16xi32>
      %gt3A_978 = arith.cmpf ogt, %get3A_943, %select_n3A_974 : vector<16xf32>
      %select_n3A_979 = arith.select %gt3A_978, %get3A_943, %select_n3A_974 : vector<16xi1>, vector<16xf32>
      %jit3A_980 = arith.constant 6 : i32
      %broadcast_in_dim3A_981 = vector.broadcast %jit3A_980 : i32 to vector<16xi32>
      %select_n3A_982 = arith.select %gt3A_978, %broadcast_in_dim3A_981, %select_n3A_977 : vector<16xi1>, vector<16xi32>
      %gt3A_983 = arith.cmpf ogt, %get3A_950, %select_n3A_979 : vector<16xf32>
      %select_n3A_984 = arith.select %gt3A_983, %get3A_950, %select_n3A_979 : vector<16xi1>, vector<16xf32>
      %jit3A_985 = arith.constant 7 : i32
      %broadcast_in_dim3A_986 = vector.broadcast %jit3A_985 : i32 to vector<16xi32>
      %select_n3A_987 = arith.select %gt3A_983, %broadcast_in_dim3A_986, %select_n3A_982 : vector<16xi1>, vector<16xi32>
      %broadcast_in_dim3A_988 = arith.constant 0xFF800000 : f32
      %broadcast_in_dim3A_989 = vector.broadcast %broadcast_in_dim3A_988 : f32 to vector<16xf32>
      %eq3A_990 = arith.constant 0 : i32
      %eq3A_991 = vector.broadcast %eq3A_990 : i32 to vector<16xi32>
      %eq3A_992 = arith.cmpi eq, %select_n3A_987, %eq3A_991 : vector<16xi32>
      %select_n3A_993 = arith.select %eq3A_992, %broadcast_in_dim3A_989, %get3A_901 : vector<16xi1>, vector<16xf32>
      %broadcast_in_dim3A_994 = arith.constant 0 : i32
      %broadcast_in_dim3A_995 = vector.broadcast %broadcast_in_dim3A_994 : i32 to vector<16xi32>
      %eq3A_996 = arith.constant 1 : i32
      %eq3A_997 = vector.broadcast %eq3A_996 : i32 to vector<16xi32>
      %eq3A_998 = arith.cmpi eq, %select_n3A_987, %eq3A_997 : vector<16xi32>
      %select_n3A_999 = arith.select %eq3A_998, %broadcast_in_dim3A_989, %get3A_908 : vector<16xi1>, vector<16xf32>
      %gt3A_1000 = arith.cmpf ogt, %select_n3A_999, %select_n3A_993 : vector<16xf32>
      %select_n3A_1001 = arith.select %gt3A_1000, %select_n3A_999, %select_n3A_993 : vector<16xi1>, vector<16xf32>
      %jit3A_1002 = arith.constant 1 : i32
      %broadcast_in_dim3A_1003 = vector.broadcast %jit3A_1002 : i32 to vector<16xi32>
      %select_n3A_1004 = arith.select %gt3A_1000, %broadcast_in_dim3A_1003, %broadcast_in_dim3A_995 : vector<16xi1>, vector<16xi32>
      %eq3A_1005 = arith.constant 2 : i32
      %eq3A_1006 = vector.broadcast %eq3A_1005 : i32 to vector<16xi32>
      %eq3A_1007 = arith.cmpi eq, %select_n3A_987, %eq3A_1006 : vector<16xi32>
      %select_n3A_1008 = arith.select %eq3A_1007, %broadcast_in_dim3A_989, %get3A_915 : vector<16xi1>, vector<16xf32>
      %gt3A_1009 = arith.cmpf ogt, %select_n3A_1008, %select_n3A_1001 : vector<16xf32>
      %select_n3A_1010 = arith.select %gt3A_1009, %select_n3A_1008, %select_n3A_1001 : vector<16xi1>, vector<16xf32>
      %jit3A_1011 = arith.constant 2 : i32
      %broadcast_in_dim3A_1012 = vector.broadcast %jit3A_1011 : i32 to vector<16xi32>
      %select_n3A_1013 = arith.select %gt3A_1009, %broadcast_in_dim3A_1012, %select_n3A_1004 : vector<16xi1>, vector<16xi32>
      %eq3A_1014 = arith.constant 3 : i32
      %eq3A_1015 = vector.broadcast %eq3A_1014 : i32 to vector<16xi32>
      %eq3A_1016 = arith.cmpi eq, %select_n3A_987, %eq3A_1015 : vector<16xi32>
      %select_n3A_1017 = arith.select %eq3A_1016, %broadcast_in_dim3A_989, %get3A_922 : vector<16xi1>, vector<16xf32>
      %gt3A_1018 = arith.cmpf ogt, %select_n3A_1017, %select_n3A_1010 : vector<16xf32>
      %select_n3A_1019 = arith.select %gt3A_1018, %select_n3A_1017, %select_n3A_1010 : vector<16xi1>, vector<16xf32>
      %jit3A_1020 = arith.constant 3 : i32
      %broadcast_in_dim3A_1021 = vector.broadcast %jit3A_1020 : i32 to vector<16xi32>
      %select_n3A_1022 = arith.select %gt3A_1018, %broadcast_in_dim3A_1021, %select_n3A_1013 : vector<16xi1>, vector<16xi32>
      %eq3A_1023 = arith.constant 4 : i32
      %eq3A_1024 = vector.broadcast %eq3A_1023 : i32 to vector<16xi32>
      %eq3A_1025 = arith.cmpi eq, %select_n3A_987, %eq3A_1024 : vector<16xi32>
      %select_n3A_1026 = arith.select %eq3A_1025, %broadcast_in_dim3A_989, %get3A_929 : vector<16xi1>, vector<16xf32>
      %gt3A_1027 = arith.cmpf ogt, %select_n3A_1026, %select_n3A_1019 : vector<16xf32>
      %select_n3A_1028 = arith.select %gt3A_1027, %select_n3A_1026, %select_n3A_1019 : vector<16xi1>, vector<16xf32>
      %jit3A_1029 = arith.constant 4 : i32
      %broadcast_in_dim3A_1030 = vector.broadcast %jit3A_1029 : i32 to vector<16xi32>
      %select_n3A_1031 = arith.select %gt3A_1027, %broadcast_in_dim3A_1030, %select_n3A_1022 : vector<16xi1>, vector<16xi32>
      %eq3A_1032 = arith.constant 5 : i32
      %eq3A_1033 = vector.broadcast %eq3A_1032 : i32 to vector<16xi32>
      %eq3A_1034 = arith.cmpi eq, %select_n3A_987, %eq3A_1033 : vector<16xi32>
      %select_n3A_1035 = arith.select %eq3A_1034, %broadcast_in_dim3A_989, %get3A_936 : vector<16xi1>, vector<16xf32>
      %gt3A_1036 = arith.cmpf ogt, %select_n3A_1035, %select_n3A_1028 : vector<16xf32>
      %select_n3A_1037 = arith.select %gt3A_1036, %select_n3A_1035, %select_n3A_1028 : vector<16xi1>, vector<16xf32>
      %jit3A_1038 = arith.constant 5 : i32
      %broadcast_in_dim3A_1039 = vector.broadcast %jit3A_1038 : i32 to vector<16xi32>
      %select_n3A_1040 = arith.select %gt3A_1036, %broadcast_in_dim3A_1039, %select_n3A_1031 : vector<16xi1>, vector<16xi32>
      %eq3A_1041 = arith.constant 6 : i32
      %eq3A_1042 = vector.broadcast %eq3A_1041 : i32 to vector<16xi32>
      %eq3A_1043 = arith.cmpi eq, %select_n3A_987, %eq3A_1042 : vector<16xi32>
      %select_n3A_1044 = arith.select %eq3A_1043, %broadcast_in_dim3A_989, %get3A_943 : vector<16xi1>, vector<16xf32>
      %gt3A_1045 = arith.cmpf ogt, %select_n3A_1044, %select_n3A_1037 : vector<16xf32>
      %select_n3A_1046 = arith.select %gt3A_1045, %select_n3A_1044, %select_n3A_1037 : vector<16xi1>, vector<16xf32>
      %jit3A_1047 = arith.constant 6 : i32
      %broadcast_in_dim3A_1048 = vector.broadcast %jit3A_1047 : i32 to vector<16xi32>
      %select_n3A_1049 = arith.select %gt3A_1045, %broadcast_in_dim3A_1048, %select_n3A_1040 : vector<16xi1>, vector<16xi32>
      %eq3A_1050 = arith.constant 7 : i32
      %eq3A_1051 = vector.broadcast %eq3A_1050 : i32 to vector<16xi32>
      %eq3A_1052 = arith.cmpi eq, %select_n3A_987, %eq3A_1051 : vector<16xi32>
      %select_n3A_1053 = arith.select %eq3A_1052, %broadcast_in_dim3A_989, %get3A_950 : vector<16xi1>, vector<16xf32>
      %gt3A_1054 = arith.cmpf ogt, %select_n3A_1053, %select_n3A_1046 : vector<16xf32>
      %select_n3A_1055 = arith.select %gt3A_1054, %select_n3A_1053, %select_n3A_1046 : vector<16xi1>, vector<16xf32>
      %jit3A_1056 = arith.constant 7 : i32
      %broadcast_in_dim3A_1057 = vector.broadcast %jit3A_1056 : i32 to vector<16xi32>
      %select_n3A_1058 = arith.select %gt3A_1054, %broadcast_in_dim3A_1057, %select_n3A_1049 : vector<16xi1>, vector<16xi32>
      %sub3A_1059 = arith.subf %select_n3A_1055, %select_n3A_984 : vector<16xf32>
      %exp3A_1060 = math.exp %sub3A_1059 : vector<16xf32>
      %add3A_1061 = arith.constant 1.000000e+00 : f32
      %add3A_1062 = vector.broadcast %add3A_1061 : f32 to vector<16xf32>
      %add3A_1063 = arith.addf %add3A_1062, %exp3A_1060 : vector<16xf32>
      %div3A_1064 = arith.constant 1.000000e+00 : f32
      %div3A_1065 = vector.broadcast %div3A_1064 : f32 to vector<16xf32>
      %div3A_1066 = arith.divf %div3A_1065, %add3A_1063 : vector<16xf32>
      %mul3A_1067 = arith.mulf %exp3A_1060, %div3A_1066 : vector<16xf32>
      %broadcast_in_dim3A_1068 = arith.constant 0.000000e+00 : f32
      %broadcast_in_dim3A_1069 = vector.broadcast %broadcast_in_dim3A_1068 : f32 to vector<16xf32>
      %eq3A_1070 = arith.constant 0 : i32
      %eq3A_1071 = vector.broadcast %eq3A_1070 : i32 to vector<16xi32>
      %eq3A_1072 = arith.cmpi eq, %select_n3A_987, %eq3A_1071 : vector<16xi32>
      %eq3A_1073 = arith.constant 0 : i32
      %eq3A_1074 = vector.broadcast %eq3A_1073 : i32 to vector<16xi32>
      %eq3A_1075 = arith.cmpi eq, %select_n3A_1058, %eq3A_1074 : vector<16xi32>
      %select_n3A_1076 = arith.select %eq3A_1075, %mul3A_1067, %broadcast_in_dim3A_1069 : vector<16xi1>, vector<16xf32>
      %select_n3A_1077 = arith.select %eq3A_1072, %div3A_1066, %select_n3A_1076 : vector<16xi1>, vector<16xf32>
      %mul3A_1078 = arith.constant 16 : i32
      %mul3A_1079 = arith.muli %add3A_894, %mul3A_1078 : i32
      %swap3A_1080 = arith.constant 0 : i32
      %swap3A_1081 = arith.index_cast %swap3A_1080 : i32 to index
      %swap3A_1082 = arith.index_cast %mul3A_1079 : i32 to index
      %swap3A_1083 = tpu.vector_load %arg6[%swap3A_1081, %swap3A_1082] {strides = array<i32>} : memref<8x1024xf32, #tpu.memory_space<vmem>>, vector<1x16xf32>,
      %swap3A_1084 = vector.shape_cast %swap3A_1083 : vector<1x16xf32> to vector<16xf32>
      %swap3A_1085 = vector.shape_cast %select_n3A_1077 : vector<16xf32> to vector<1x16xf32>
      tpu.vector_store %arg6[%swap3A_1081, %swap3A_1082], %swap3A_1085 {strides = array<i32>} : memref<8x1024xf32, #tpu.memory_space<vmem>>, vector<1x16xf32>,
      %eq3A_1086 = arith.constant 1 : i32
      %eq3A_1087 = vector.broadcast %eq3A_1086 : i32 to vector<16xi32>
      %eq3A_1088 = arith.cmpi eq, %select_n3A_987, %eq3A_1087 : vector<16xi32>
      %eq3A_1089 = arith.constant 1 : i32
      %eq3A_1090 = vector.broadcast %eq3A_1089 : i32 to vector<16xi32>
      %eq3A_1091 = arith.cmpi eq, %select_n3A_1058, %eq3A_1090 : vector<16xi32>
      %select_n3A_1092 = arith.select %eq3A_1091, %mul3A_1067, %broadcast_in_dim3A_1069 : vector<16xi1>, vector<16xf32>
      %select_n3A_1093 = arith.select %eq3A_1088, %div3A_1066, %select_n3A_1092 : vector<16xi1>, vector<16xf32>
      %mul3A_1094 = arith.constant 16 : i32
      %mul3A_1095 = arith.muli %add3A_894, %mul3A_1094 : i32
      %swap3A_1096 = arith.constant 1 : i32
      %swap3A_1097 = arith.index_cast %swap3A_1096 : i32 to index
      %swap3A_1098 = arith.index_cast %mul3A_1095 : i32 to index
      %swap3A_1099 = tpu.vector_load %arg6[%swap3A_1097, %swap3A_1098] {strides = array<i32>} : memref<8x1024xf32, #tpu.memory_space<vmem>>, vector<1x16xf32>,
      %swap3A_1100 = vector.shape_cast %swap3A_1099 : vector<1x16xf32> to vector<16xf32>
      %swap3A_1101 = vector.shape_cast %select_n3A_1093 : vector<16xf32> to vector<1x16xf32>
      tpu.vector_store %arg6[%swap3A_1097, %swap3A_1098], %swap3A_1101 {strides = array<i32>} : memref<8x1024xf32, #tpu.memory_space<vmem>>, vector<1x16xf32>,
      %eq3A_1102 = arith.constant 2 : i32
      %eq3A_1103 = vector.broadcast %eq3A_1102 : i32 to vector<16xi32>
      %eq3A_1104 = arith.cmpi eq, %select_n3A_987, %eq3A_1103 : vector<16xi32>
      %eq3A_1105 = arith.constant 2 : i32
      %eq3A_1106 = vector.broadcast %eq3A_1105 : i32 to vector<16xi32>
      %eq3A_1107 = arith.cmpi eq, %select_n3A_1058, %eq3A_1106 : vector<16xi32>
      %select_n3A_1108 = arith.select %eq3A_1107, %mul3A_1067, %broadcast_in_dim3A_1069 : vector<16xi1>, vector<16xf32>
      %select_n3A_1109 = arith.select %eq3A_1104, %div3A_1066, %select_n3A_1108 : vector<16xi1>, vector<16xf32>
      %mul3A_1110 = arith.constant 16 : i32
      %mul3A_1111 = arith.muli %add3A_894, %mul3A_1110 : i32
      %swap3A_1112 = arith.constant 2 : i32
      %swap3A_1113 = arith.index_cast %swap3A_1112 : i32 to index
      %swap3A_1114 = arith.index_cast %mul3A_1111 : i32 to index
      %swap3A_1115 = tpu.vector_load %arg6[%swap3A_1113, %swap3A_1114] {strides = array<i32>} : memref<8x1024xf32, #tpu.memory_space<vmem>>, vector<1x16xf32>,
      %swap3A_1116 = vector.shape_cast %swap3A_1115 : vector<1x16xf32> to vector<16xf32>
      %swap3A_1117 = vector.shape_cast %select_n3A_1109 : vector<16xf32> to vector<1x16xf32>
      tpu.vector_store %arg6[%swap3A_1113, %swap3A_1114], %swap3A_1117 {strides = array<i32>} : memref<8x1024xf32, #tpu.memory_space<vmem>>, vector<1x16xf32>,
      %eq3A_1118 = arith.constant 3 : i32
      %eq3A_1119 = vector.broadcast %eq3A_1118 : i32 to vector<16xi32>
      %eq3A_1120 = arith.cmpi eq, %select_n3A_987, %eq3A_1119 : vector<16xi32>
      %eq3A_1121 = arith.constant 3 : i32
      %eq3A_1122 = vector.broadcast %eq3A_1121 : i32 to vector<16xi32>
      %eq3A_1123 = arith.cmpi eq, %select_n3A_1058, %eq3A_1122 : vector<16xi32>
      %select_n3A_1124 = arith.select %eq3A_1123, %mul3A_1067, %broadcast_in_dim3A_1069 : vector<16xi1>, vector<16xf32>
      %select_n3A_1125 = arith.select %eq3A_1120, %div3A_1066, %select_n3A_1124 : vector<16xi1>, vector<16xf32>
      %mul3A_1126 = arith.constant 16 : i32
      %mul3A_1127 = arith.muli %add3A_894, %mul3A_1126 : i32
      %swap3A_1128 = arith.constant 3 : i32
      %swap3A_1129 = arith.index_cast %swap3A_1128 : i32 to index
      %swap3A_1130 = arith.index_cast %mul3A_1127 : i32 to index
      %swap3A_1131 = tpu.vector_load %arg6[%swap3A_1129, %swap3A_1130] {strides = array<i32>} : memref<8x1024xf32, #tpu.memory_space<vmem>>, vector<1x16xf32>,
      %swap3A_1132 = vector.shape_cast %swap3A_1131 : vector<1x16xf32> to vector<16xf32>
      %swap3A_1133 = vector.shape_cast %select_n3A_1125 : vector<16xf32> to vector<1x16xf32>
      tpu.vector_store %arg6[%swap3A_1129, %swap3A_1130], %swap3A_1133 {strides = array<i32>} : memref<8x1024xf32, #tpu.memory_space<vmem>>, vector<1x16xf32>,
      %eq3A_1134 = arith.constant 4 : i32
      %eq3A_1135 = vector.broadcast %eq3A_1134 : i32 to vector<16xi32>
      %eq3A_1136 = arith.cmpi eq, %select_n3A_987, %eq3A_1135 : vector<16xi32>
      %eq3A_1137 = arith.constant 4 : i32
      %eq3A_1138 = vector.broadcast %eq3A_1137 : i32 to vector<16xi32>
      %eq3A_1139 = arith.cmpi eq, %select_n3A_1058, %eq3A_1138 : vector<16xi32>
      %select_n3A_1140 = arith.select %eq3A_1139, %mul3A_1067, %broadcast_in_dim3A_1069 : vector<16xi1>, vector<16xf32>
      %select_n3A_1141 = arith.select %eq3A_1136, %div3A_1066, %select_n3A_1140 : vector<16xi1>, vector<16xf32>
      %mul3A_1142 = arith.constant 16 : i32
      %mul3A_1143 = arith.muli %add3A_894, %mul3A_1142 : i32
      %swap3A_1144 = arith.constant 4 : i32
      %swap3A_1145 = arith.index_cast %swap3A_1144 : i32 to index
      %swap3A_1146 = arith.index_cast %mul3A_1143 : i32 to index
      %swap3A_1147 = tpu.vector_load %arg6[%swap3A_1145, %swap3A_1146] {strides = array<i32>} : memref<8x1024xf32, #tpu.memory_space<vmem>>, vector<1x16xf32>,
      %swap3A_1148 = vector.shape_cast %swap3A_1147 : vector<1x16xf32> to vector<16xf32>
      %swap3A_1149 = vector.shape_cast %select_n3A_1141 : vector<16xf32> to vector<1x16xf32>
      tpu.vector_store %arg6[%swap3A_1145, %swap3A_1146], %swap3A_1149 {strides = array<i32>} : memref<8x1024xf32, #tpu.memory_space<vmem>>, vector<1x16xf32>,
      %eq3A_1150 = arith.constant 5 : i32
      %eq3A_1151 = vector.broadcast %eq3A_1150 : i32 to vector<16xi32>
      %eq3A_1152 = arith.cmpi eq, %select_n3A_987, %eq3A_1151 : vector<16xi32>
      %eq3A_1153 = arith.constant 5 : i32
      %eq3A_1154 = vector.broadcast %eq3A_1153 : i32 to vector<16xi32>
      %eq3A_1155 = arith.cmpi eq, %select_n3A_1058, %eq3A_1154 : vector<16xi32>
      %select_n3A_1156 = arith.select %eq3A_1155, %mul3A_1067, %broadcast_in_dim3A_1069 : vector<16xi1>, vector<16xf32>
      %select_n3A_1157 = arith.select %eq3A_1152, %div3A_1066, %select_n3A_1156 : vector<16xi1>, vector<16xf32>
      %mul3A_1158 = arith.constant 16 : i32
      %mul3A_1159 = arith.muli %add3A_894, %mul3A_1158 : i32
      %swap3A_1160 = arith.constant 5 : i32
      %swap3A_1161 = arith.index_cast %swap3A_1160 : i32 to index
      %swap3A_1162 = arith.index_cast %mul3A_1159 : i32 to index
      %swap3A_1163 = tpu.vector_load %arg6[%swap3A_1161, %swap3A_1162] {strides = array<i32>} : memref<8x1024xf32, #tpu.memory_space<vmem>>, vector<1x16xf32>,
      %swap3A_1164 = vector.shape_cast %swap3A_1163 : vector<1x16xf32> to vector<16xf32>
      %swap3A_1165 = vector.shape_cast %select_n3A_1157 : vector<16xf32> to vector<1x16xf32>
      tpu.vector_store %arg6[%swap3A_1161, %swap3A_1162], %swap3A_1165 {strides = array<i32>} : memref<8x1024xf32, #tpu.memory_space<vmem>>, vector<1x16xf32>,
      %eq3A_1166 = arith.constant 6 : i32
      %eq3A_1167 = vector.broadcast %eq3A_1166 : i32 to vector<16xi32>
      %eq3A_1168 = arith.cmpi eq, %select_n3A_987, %eq3A_1167 : vector<16xi32>
      %eq3A_1169 = arith.constant 6 : i32
      %eq3A_1170 = vector.broadcast %eq3A_1169 : i32 to vector<16xi32>
      %eq3A_1171 = arith.cmpi eq, %select_n3A_1058, %eq3A_1170 : vector<16xi32>
      %select_n3A_1172 = arith.select %eq3A_1171, %mul3A_1067, %broadcast_in_dim3A_1069 : vector<16xi1>, vector<16xf32>
      %select_n3A_1173 = arith.select %eq3A_1168, %div3A_1066, %select_n3A_1172 : vector<16xi1>, vector<16xf32>
      %mul3A_1174 = arith.constant 16 : i32
      %mul3A_1175 = arith.muli %add3A_894, %mul3A_1174 : i32
      %swap3A_1176 = arith.constant 6 : i32
      %swap3A_1177 = arith.index_cast %swap3A_1176 : i32 to index
      %swap3A_1178 = arith.index_cast %mul3A_1175 : i32 to index
      %swap3A_1179 = tpu.vector_load %arg6[%swap3A_1177, %swap3A_1178] {strides = array<i32>} : memref<8x1024xf32, #tpu.memory_space<vmem>>, vector<1x16xf32>,
      %swap3A_1180 = vector.shape_cast %swap3A_1179 : vector<1x16xf32> to vector<16xf32>
      %swap3A_1181 = vector.shape_cast %select_n3A_1173 : vector<16xf32> to vector<1x16xf32>
      tpu.vector_store %arg6[%swap3A_1177, %swap3A_1178], %swap3A_1181 {strides = array<i32>} : memref<8x1024xf32, #tpu.memory_space<vmem>>, vector<1x16xf32>,
      %eq3A_1182 = arith.constant 7 : i32
      %eq3A_1183 = vector.broadcast %eq3A_1182 : i32 to vector<16xi32>
      %eq3A_1184 = arith.cmpi eq, %select_n3A_987, %eq3A_1183 : vector<16xi32>
      %eq3A_1185 = arith.constant 7 : i32
      %eq3A_1186 = vector.broadcast %eq3A_1185 : i32 to vector<16xi32>
      %eq3A_1187 = arith.cmpi eq, %select_n3A_1058, %eq3A_1186 : vector<16xi32>
      %select_n3A_1188 = arith.select %eq3A_1187, %mul3A_1067, %broadcast_in_dim3A_1069 : vector<16xi1>, vector<16xf32>
      %select_n3A_1189 = arith.select %eq3A_1184, %div3A_1066, %select_n3A_1188 : vector<16xi1>, vector<16xf32>
      %mul3A_1190 = arith.constant 16 : i32
      %mul3A_1191 = arith.muli %add3A_894, %mul3A_1190 : i32
      %swap3A_1192 = arith.constant 7 : i32
      %swap3A_1193 = arith.index_cast %swap3A_1192 : i32 to index
      %swap3A_1194 = arith.index_cast %mul3A_1191 : i32 to index
      %swap3A_1195 = tpu.vector_load %arg6[%swap3A_1193, %swap3A_1194] {strides = array<i32>} : memref<8x1024xf32, #tpu.memory_space<vmem>>, vector<1x16xf32>,
      %swap3A_1196 = vector.shape_cast %swap3A_1195 : vector<1x16xf32> to vector<16xf32>
      %swap3A_1197 = vector.shape_cast %select_n3A_1189 : vector<16xf32> to vector<1x16xf32>
      tpu.vector_store %arg6[%swap3A_1193, %swap3A_1194], %swap3A_1197 {strides = array<i32>} : memref<8x1024xf32, #tpu.memory_space<vmem>>, vector<1x16xf32>,
      %mul3A_1198 = arith.constant 16 : i32
      %mul3A_1199 = arith.muli %add3A_894, %mul3A_1198 : i32
      %swap3A_1200 = arith.constant 0 : i32
      %swap3A_1201 = arith.index_cast %swap3A_1200 : i32 to index
      %swap3A_1202 = arith.index_cast %mul3A_1199 : i32 to index
      %swap3A_1203 = tpu.vector_load %arg7[%swap3A_1201, %swap3A_1202] {strides = array<i32>} : memref<2x1024xi32, #tpu.memory_space<vmem>>, vector<1x16xi32>,
      %swap3A_1204 = vector.shape_cast %swap3A_1203 : vector<1x16xi32> to vector<16xi32>
      %swap3A_1205 = vector.shape_cast %select_n3A_987 : vector<16xi32> to vector<1x16xi32>
      tpu.vector_store %arg7[%swap3A_1201, %swap3A_1202], %swap3A_1205 {strides = array<i32>} : memref<2x1024xi32, #tpu.memory_space<vmem>>, vector<1x16xi32>,
      %mul3A_1206 = arith.constant 16 : i32
      %mul3A_1207 = arith.muli %add3A_894, %mul3A_1206 : i32
      %swap3A_1208 = arith.constant 1 : i32
      %swap3A_1209 = arith.index_cast %swap3A_1208 : i32 to index
      %swap3A_1210 = arith.index_cast %mul3A_1207 : i32 to index
      %swap3A_1211 = tpu.vector_load %arg7[%swap3A_1209, %swap3A_1210] {strides = array<i32>} : memref<2x1024xi32, #tpu.memory_space<vmem>>, vector<1x16xi32>,
      %swap3A_1212 = vector.shape_cast %swap3A_1211 : vector<1x16xi32> to vector<16xi32>
      %swap3A_1213 = vector.shape_cast %select_n3A_1058 : vector<16xi32> to vector<1x16xi32>
      tpu.vector_store %arg7[%swap3A_1209, %swap3A_1210], %swap3A_1213 {strides = array<i32>} : memref<2x1024xi32, #tpu.memory_space<vmem>>, vector<1x16xi32>,
      %mul3A_1214 = arith.constant 8 : i32
      %mul3A_1215 = arith.muli %scan3A_254, %mul3A_1214 : i32
      %add3A_1216 = arith.constant 3 : i32
      %add3A_1217 = arith.addi %mul3A_1215, %add3A_1216 : i32
      %mul3A_1218 = arith.constant 16 : i32
      %mul3A_1219 = arith.muli %add3A_1217, %mul3A_1218 : i32
      %get3A_1220 = arith.constant 0 : i32
      %get3A_1221 = arith.index_cast %get3A_1220 : i32 to index
      %get3A_1222 = arith.index_cast %mul3A_1219 : i32 to index
      %get3A_1223 = tpu.vector_load %arg5[%get3A_1221, %get3A_1222] {strides = array<i32>} : memref<8x1024xf32, #tpu.memory_space<vmem>>, vector<1x16xf32>,
      %get3A_1224 = vector.shape_cast %get3A_1223 : vector<1x16xf32> to vector<16xf32>
      %mul3A_1225 = arith.constant 16 : i32
      %mul3A_1226 = arith.muli %add3A_1217, %mul3A_1225 : i32
      %get3A_1227 = arith.constant 1 : i32
      %get3A_1228 = arith.index_cast %get3A_1227 : i32 to index
      %get3A_1229 = arith.index_cast %mul3A_1226 : i32 to index
      %get3A_1230 = tpu.vector_load %arg5[%get3A_1228, %get3A_1229] {strides = array<i32>} : memref<8x1024xf32, #tpu.memory_space<vmem>>, vector<1x16xf32>,
      %get3A_1231 = vector.shape_cast %get3A_1230 : vector<1x16xf32> to vector<16xf32>
      %mul3A_1232 = arith.constant 16 : i32
      %mul3A_1233 = arith.muli %add3A_1217, %mul3A_1232 : i32
      %get3A_1234 = arith.constant 2 : i32
      %get3A_1235 = arith.index_cast %get3A_1234 : i32 to index
      %get3A_1236 = arith.index_cast %mul3A_1233 : i32 to index
      %get3A_1237 = tpu.vector_load %arg5[%get3A_1235, %get3A_1236] {strides = array<i32>} : memref<8x1024xf32, #tpu.memory_space<vmem>>, vector<1x16xf32>,
      %get3A_1238 = vector.shape_cast %get3A_1237 : vector<1x16xf32> to vector<16xf32>
      %mul3A_1239 = arith.constant 16 : i32
      %mul3A_1240 = arith.muli %add3A_1217, %mul3A_1239 : i32
      %get3A_1241 = arith.constant 3 : i32
      %get3A_1242 = arith.index_cast %get3A_1241 : i32 to index
      %get3A_1243 = arith.index_cast %mul3A_1240 : i32 to index
      %get3A_1244 = tpu.vector_load %arg5[%get3A_1242, %get3A_1243] {strides = array<i32>} : memref<8x1024xf32, #tpu.memory_space<vmem>>, vector<1x16xf32>,
      %get3A_1245 = vector.shape_cast %get3A_1244 : vector<1x16xf32> to vector<16xf32>
      %mul3A_1246 = arith.constant 16 : i32
      %mul3A_1247 = arith.muli %add3A_1217, %mul3A_1246 : i32
      %get3A_1248 = arith.constant 4 : i32
      %get3A_1249 = arith.index_cast %get3A_1248 : i32 to index
      %get3A_1250 = arith.index_cast %mul3A_1247 : i32 to index
      %get3A_1251 = tpu.vector_load %arg5[%get3A_1249, %get3A_1250] {strides = array<i32>} : memref<8x1024xf32, #tpu.memory_space<vmem>>, vector<1x16xf32>,
      %get3A_1252 = vector.shape_cast %get3A_1251 : vector<1x16xf32> to vector<16xf32>
      %mul3A_1253 = arith.constant 16 : i32
      %mul3A_1254 = arith.muli %add3A_1217, %mul3A_1253 : i32
      %get3A_1255 = arith.constant 5 : i32
      %get3A_1256 = arith.index_cast %get3A_1255 : i32 to index
      %get3A_1257 = arith.index_cast %mul3A_1254 : i32 to index
      %get3A_1258 = tpu.vector_load %arg5[%get3A_1256, %get3A_1257] {strides = array<i32>} : memref<8x1024xf32, #tpu.memory_space<vmem>>, vector<1x16xf32>,
      %get3A_1259 = vector.shape_cast %get3A_1258 : vector<1x16xf32> to vector<16xf32>
      %mul3A_1260 = arith.constant 16 : i32
      %mul3A_1261 = arith.muli %add3A_1217, %mul3A_1260 : i32
      %get3A_1262 = arith.constant 6 : i32
      %get3A_1263 = arith.index_cast %get3A_1262 : i32 to index
      %get3A_1264 = arith.index_cast %mul3A_1261 : i32 to index
      %get3A_1265 = tpu.vector_load %arg5[%get3A_1263, %get3A_1264] {strides = array<i32>} : memref<8x1024xf32, #tpu.memory_space<vmem>>, vector<1x16xf32>,
      %get3A_1266 = vector.shape_cast %get3A_1265 : vector<1x16xf32> to vector<16xf32>
      %mul3A_1267 = arith.constant 16 : i32
      %mul3A_1268 = arith.muli %add3A_1217, %mul3A_1267 : i32
      %get3A_1269 = arith.constant 7 : i32
      %get3A_1270 = arith.index_cast %get3A_1269 : i32 to index
      %get3A_1271 = arith.index_cast %mul3A_1268 : i32 to index
      %get3A_1272 = tpu.vector_load %arg5[%get3A_1270, %get3A_1271] {strides = array<i32>} : memref<8x1024xf32, #tpu.memory_space<vmem>>, vector<1x16xf32>,
      %get3A_1273 = vector.shape_cast %get3A_1272 : vector<1x16xf32> to vector<16xf32>
      %broadcast_in_dim3A_1274 = arith.constant 0 : i32
      %broadcast_in_dim3A_1275 = vector.broadcast %broadcast_in_dim3A_1274 : i32 to vector<16xi32>
      %gt3A_1276 = arith.cmpf ogt, %get3A_1231, %get3A_1224 : vector<16xf32>
      %select_n3A_1277 = arith.select %gt3A_1276, %get3A_1231, %get3A_1224 : vector<16xi1>, vector<16xf32>
      %jit3A_1278 = arith.constant 1 : i32
      %broadcast_in_dim3A_1279 = vector.broadcast %jit3A_1278 : i32 to vector<16xi32>
      %select_n3A_1280 = arith.select %gt3A_1276, %broadcast_in_dim3A_1279, %broadcast_in_dim3A_1275 : vector<16xi1>, vector<16xi32>
      %gt3A_1281 = arith.cmpf ogt, %get3A_1238, %select_n3A_1277 : vector<16xf32>
      %select_n3A_1282 = arith.select %gt3A_1281, %get3A_1238, %select_n3A_1277 : vector<16xi1>, vector<16xf32>
      %jit3A_1283 = arith.constant 2 : i32
      %broadcast_in_dim3A_1284 = vector.broadcast %jit3A_1283 : i32 to vector<16xi32>
      %select_n3A_1285 = arith.select %gt3A_1281, %broadcast_in_dim3A_1284, %select_n3A_1280 : vector<16xi1>, vector<16xi32>
      %gt3A_1286 = arith.cmpf ogt, %get3A_1245, %select_n3A_1282 : vector<16xf32>
      %select_n3A_1287 = arith.select %gt3A_1286, %get3A_1245, %select_n3A_1282 : vector<16xi1>, vector<16xf32>
      %jit3A_1288 = arith.constant 3 : i32
      %broadcast_in_dim3A_1289 = vector.broadcast %jit3A_1288 : i32 to vector<16xi32>
      %select_n3A_1290 = arith.select %gt3A_1286, %broadcast_in_dim3A_1289, %select_n3A_1285 : vector<16xi1>, vector<16xi32>
      %gt3A_1291 = arith.cmpf ogt, %get3A_1252, %select_n3A_1287 : vector<16xf32>
      %select_n3A_1292 = arith.select %gt3A_1291, %get3A_1252, %select_n3A_1287 : vector<16xi1>, vector<16xf32>
      %jit3A_1293 = arith.constant 4 : i32
      %broadcast_in_dim3A_1294 = vector.broadcast %jit3A_1293 : i32 to vector<16xi32>
      %select_n3A_1295 = arith.select %gt3A_1291, %broadcast_in_dim3A_1294, %select_n3A_1290 : vector<16xi1>, vector<16xi32>
      %gt3A_1296 = arith.cmpf ogt, %get3A_1259, %select_n3A_1292 : vector<16xf32>
      %select_n3A_1297 = arith.select %gt3A_1296, %get3A_1259, %select_n3A_1292 : vector<16xi1>, vector<16xf32>
      %jit3A_1298 = arith.constant 5 : i32
      %broadcast_in_dim3A_1299 = vector.broadcast %jit3A_1298 : i32 to vector<16xi32>
      %select_n3A_1300 = arith.select %gt3A_1296, %broadcast_in_dim3A_1299, %select_n3A_1295 : vector<16xi1>, vector<16xi32>
      %gt3A_1301 = arith.cmpf ogt, %get3A_1266, %select_n3A_1297 : vector<16xf32>
      %select_n3A_1302 = arith.select %gt3A_1301, %get3A_1266, %select_n3A_1297 : vector<16xi1>, vector<16xf32>
      %jit3A_1303 = arith.constant 6 : i32
      %broadcast_in_dim3A_1304 = vector.broadcast %jit3A_1303 : i32 to vector<16xi32>
      %select_n3A_1305 = arith.select %gt3A_1301, %broadcast_in_dim3A_1304, %select_n3A_1300 : vector<16xi1>, vector<16xi32>
      %gt3A_1306 = arith.cmpf ogt, %get3A_1273, %select_n3A_1302 : vector<16xf32>
      %select_n3A_1307 = arith.select %gt3A_1306, %get3A_1273, %select_n3A_1302 : vector<16xi1>, vector<16xf32>
      %jit3A_1308 = arith.constant 7 : i32
      %broadcast_in_dim3A_1309 = vector.broadcast %jit3A_1308 : i32 to vector<16xi32>
      %select_n3A_1310 = arith.select %gt3A_1306, %broadcast_in_dim3A_1309, %select_n3A_1305 : vector<16xi1>, vector<16xi32>
      %broadcast_in_dim3A_1311 = arith.constant 0xFF800000 : f32
      %broadcast_in_dim3A_1312 = vector.broadcast %broadcast_in_dim3A_1311 : f32 to vector<16xf32>
      %eq3A_1313 = arith.constant 0 : i32
      %eq3A_1314 = vector.broadcast %eq3A_1313 : i32 to vector<16xi32>
      %eq3A_1315 = arith.cmpi eq, %select_n3A_1310, %eq3A_1314 : vector<16xi32>
      %select_n3A_1316 = arith.select %eq3A_1315, %broadcast_in_dim3A_1312, %get3A_1224 : vector<16xi1>, vector<16xf32>
      %broadcast_in_dim3A_1317 = arith.constant 0 : i32
      %broadcast_in_dim3A_1318 = vector.broadcast %broadcast_in_dim3A_1317 : i32 to vector<16xi32>
      %eq3A_1319 = arith.constant 1 : i32
      %eq3A_1320 = vector.broadcast %eq3A_1319 : i32 to vector<16xi32>
      %eq3A_1321 = arith.cmpi eq, %select_n3A_1310, %eq3A_1320 : vector<16xi32>
      %select_n3A_1322 = arith.select %eq3A_1321, %broadcast_in_dim3A_1312, %get3A_1231 : vector<16xi1>, vector<16xf32>
      %gt3A_1323 = arith.cmpf ogt, %select_n3A_1322, %select_n3A_1316 : vector<16xf32>
      %select_n3A_1324 = arith.select %gt3A_1323, %select_n3A_1322, %select_n3A_1316 : vector<16xi1>, vector<16xf32>
      %jit3A_1325 = arith.constant 1 : i32
      %broadcast_in_dim3A_1326 = vector.broadcast %jit3A_1325 : i32 to vector<16xi32>
      %select_n3A_1327 = arith.select %gt3A_1323, %broadcast_in_dim3A_1326, %broadcast_in_dim3A_1318 : vector<16xi1>, vector<16xi32>
      %eq3A_1328 = arith.constant 2 : i32
      %eq3A_1329 = vector.broadcast %eq3A_1328 : i32 to vector<16xi32>
      %eq3A_1330 = arith.cmpi eq, %select_n3A_1310, %eq3A_1329 : vector<16xi32>
      %select_n3A_1331 = arith.select %eq3A_1330, %broadcast_in_dim3A_1312, %get3A_1238 : vector<16xi1>, vector<16xf32>
      %gt3A_1332 = arith.cmpf ogt, %select_n3A_1331, %select_n3A_1324 : vector<16xf32>
      %select_n3A_1333 = arith.select %gt3A_1332, %select_n3A_1331, %select_n3A_1324 : vector<16xi1>, vector<16xf32>
      %jit3A_1334 = arith.constant 2 : i32
      %broadcast_in_dim3A_1335 = vector.broadcast %jit3A_1334 : i32 to vector<16xi32>
      %select_n3A_1336 = arith.select %gt3A_1332, %broadcast_in_dim3A_1335, %select_n3A_1327 : vector<16xi1>, vector<16xi32>
      %eq3A_1337 = arith.constant 3 : i32
      %eq3A_1338 = vector.broadcast %eq3A_1337 : i32 to vector<16xi32>
      %eq3A_1339 = arith.cmpi eq, %select_n3A_1310, %eq3A_1338 : vector<16xi32>
      %select_n3A_1340 = arith.select %eq3A_1339, %broadcast_in_dim3A_1312, %get3A_1245 : vector<16xi1>, vector<16xf32>
      %gt3A_1341 = arith.cmpf ogt, %select_n3A_1340, %select_n3A_1333 : vector<16xf32>
      %select_n3A_1342 = arith.select %gt3A_1341, %select_n3A_1340, %select_n3A_1333 : vector<16xi1>, vector<16xf32>
      %jit3A_1343 = arith.constant 3 : i32
      %broadcast_in_dim3A_1344 = vector.broadcast %jit3A_1343 : i32 to vector<16xi32>
      %select_n3A_1345 = arith.select %gt3A_1341, %broadcast_in_dim3A_1344, %select_n3A_1336 : vector<16xi1>, vector<16xi32>
      %eq3A_1346 = arith.constant 4 : i32
      %eq3A_1347 = vector.broadcast %eq3A_1346 : i32 to vector<16xi32>
      %eq3A_1348 = arith.cmpi eq, %select_n3A_1310, %eq3A_1347 : vector<16xi32>
      %select_n3A_1349 = arith.select %eq3A_1348, %broadcast_in_dim3A_1312, %get3A_1252 : vector<16xi1>, vector<16xf32>
      %gt3A_1350 = arith.cmpf ogt, %select_n3A_1349, %select_n3A_1342 : vector<16xf32>
      %select_n3A_1351 = arith.select %gt3A_1350, %select_n3A_1349, %select_n3A_1342 : vector<16xi1>, vector<16xf32>
      %jit3A_1352 = arith.constant 4 : i32
      %broadcast_in_dim3A_1353 = vector.broadcast %jit3A_1352 : i32 to vector<16xi32>
      %select_n3A_1354 = arith.select %gt3A_1350, %broadcast_in_dim3A_1353, %select_n3A_1345 : vector<16xi1>, vector<16xi32>
      %eq3A_1355 = arith.constant 5 : i32
      %eq3A_1356 = vector.broadcast %eq3A_1355 : i32 to vector<16xi32>
      %eq3A_1357 = arith.cmpi eq, %select_n3A_1310, %eq3A_1356 : vector<16xi32>
      %select_n3A_1358 = arith.select %eq3A_1357, %broadcast_in_dim3A_1312, %get3A_1259 : vector<16xi1>, vector<16xf32>
      %gt3A_1359 = arith.cmpf ogt, %select_n3A_1358, %select_n3A_1351 : vector<16xf32>
      %select_n3A_1360 = arith.select %gt3A_1359, %select_n3A_1358, %select_n3A_1351 : vector<16xi1>, vector<16xf32>
      %jit3A_1361 = arith.constant 5 : i32
      %broadcast_in_dim3A_1362 = vector.broadcast %jit3A_1361 : i32 to vector<16xi32>
      %select_n3A_1363 = arith.select %gt3A_1359, %broadcast_in_dim3A_1362, %select_n3A_1354 : vector<16xi1>, vector<16xi32>
      %eq3A_1364 = arith.constant 6 : i32
      %eq3A_1365 = vector.broadcast %eq3A_1364 : i32 to vector<16xi32>
      %eq3A_1366 = arith.cmpi eq, %select_n3A_1310, %eq3A_1365 : vector<16xi32>
      %select_n3A_1367 = arith.select %eq3A_1366, %broadcast_in_dim3A_1312, %get3A_1266 : vector<16xi1>, vector<16xf32>
      %gt3A_1368 = arith.cmpf ogt, %select_n3A_1367, %select_n3A_1360 : vector<16xf32>
      %select_n3A_1369 = arith.select %gt3A_1368, %select_n3A_1367, %select_n3A_1360 : vector<16xi1>, vector<16xf32>
      %jit3A_1370 = arith.constant 6 : i32
      %broadcast_in_dim3A_1371 = vector.broadcast %jit3A_1370 : i32 to vector<16xi32>
      %select_n3A_1372 = arith.select %gt3A_1368, %broadcast_in_dim3A_1371, %select_n3A_1363 : vector<16xi1>, vector<16xi32>
      %eq3A_1373 = arith.constant 7 : i32
      %eq3A_1374 = vector.broadcast %eq3A_1373 : i32 to vector<16xi32>
      %eq3A_1375 = arith.cmpi eq, %select_n3A_1310, %eq3A_1374 : vector<16xi32>
      %select_n3A_1376 = arith.select %eq3A_1375, %broadcast_in_dim3A_1312, %get3A_1273 : vector<16xi1>, vector<16xf32>
      %gt3A_1377 = arith.cmpf ogt, %select_n3A_1376, %select_n3A_1369 : vector<16xf32>
      %select_n3A_1378 = arith.select %gt3A_1377, %select_n3A_1376, %select_n3A_1369 : vector<16xi1>, vector<16xf32>
      %jit3A_1379 = arith.constant 7 : i32
      %broadcast_in_dim3A_1380 = vector.broadcast %jit3A_1379 : i32 to vector<16xi32>
      %select_n3A_1381 = arith.select %gt3A_1377, %broadcast_in_dim3A_1380, %select_n3A_1372 : vector<16xi1>, vector<16xi32>
      %sub3A_1382 = arith.subf %select_n3A_1378, %select_n3A_1307 : vector<16xf32>
      %exp3A_1383 = math.exp %sub3A_1382 : vector<16xf32>
      %add3A_1384 = arith.constant 1.000000e+00 : f32
      %add3A_1385 = vector.broadcast %add3A_1384 : f32 to vector<16xf32>
      %add3A_1386 = arith.addf %add3A_1385, %exp3A_1383 : vector<16xf32>
      %div3A_1387 = arith.constant 1.000000e+00 : f32
      %div3A_1388 = vector.broadcast %div3A_1387 : f32 to vector<16xf32>
      %div3A_1389 = arith.divf %div3A_1388, %add3A_1386 : vector<16xf32>
      %mul3A_1390 = arith.mulf %exp3A_1383, %div3A_1389 : vector<16xf32>
      %broadcast_in_dim3A_1391 = arith.constant 0.000000e+00 : f32
      %broadcast_in_dim3A_1392 = vector.broadcast %broadcast_in_dim3A_1391 : f32 to vector<16xf32>
      %eq3A_1393 = arith.constant 0 : i32
      %eq3A_1394 = vector.broadcast %eq3A_1393 : i32 to vector<16xi32>
      %eq3A_1395 = arith.cmpi eq, %select_n3A_1310, %eq3A_1394 : vector<16xi32>
      %eq3A_1396 = arith.constant 0 : i32
      %eq3A_1397 = vector.broadcast %eq3A_1396 : i32 to vector<16xi32>
      %eq3A_1398 = arith.cmpi eq, %select_n3A_1381, %eq3A_1397 : vector<16xi32>
      %select_n3A_1399 = arith.select %eq3A_1398, %mul3A_1390, %broadcast_in_dim3A_1392 : vector<16xi1>, vector<16xf32>
      %select_n3A_1400 = arith.select %eq3A_1395, %div3A_1389, %select_n3A_1399 : vector<16xi1>, vector<16xf32>
      %mul3A_1401 = arith.constant 16 : i32
      %mul3A_1402 = arith.muli %add3A_1217, %mul3A_1401 : i32
      %swap3A_1403 = arith.constant 0 : i32
      %swap3A_1404 = arith.index_cast %swap3A_1403 : i32 to index
      %swap3A_1405 = arith.index_cast %mul3A_1402 : i32 to index
      %swap3A_1406 = tpu.vector_load %arg6[%swap3A_1404, %swap3A_1405] {strides = array<i32>} : memref<8x1024xf32, #tpu.memory_space<vmem>>, vector<1x16xf32>,
      %swap3A_1407 = vector.shape_cast %swap3A_1406 : vector<1x16xf32> to vector<16xf32>
      %swap3A_1408 = vector.shape_cast %select_n3A_1400 : vector<16xf32> to vector<1x16xf32>
      tpu.vector_store %arg6[%swap3A_1404, %swap3A_1405], %swap3A_1408 {strides = array<i32>} : memref<8x1024xf32, #tpu.memory_space<vmem>>, vector<1x16xf32>,
      %eq3A_1409 = arith.constant 1 : i32
      %eq3A_1410 = vector.broadcast %eq3A_1409 : i32 to vector<16xi32>
      %eq3A_1411 = arith.cmpi eq, %select_n3A_1310, %eq3A_1410 : vector<16xi32>
      %eq3A_1412 = arith.constant 1 : i32
      %eq3A_1413 = vector.broadcast %eq3A_1412 : i32 to vector<16xi32>
      %eq3A_1414 = arith.cmpi eq, %select_n3A_1381, %eq3A_1413 : vector<16xi32>
      %select_n3A_1415 = arith.select %eq3A_1414, %mul3A_1390, %broadcast_in_dim3A_1392 : vector<16xi1>, vector<16xf32>
      %select_n3A_1416 = arith.select %eq3A_1411, %div3A_1389, %select_n3A_1415 : vector<16xi1>, vector<16xf32>
      %mul3A_1417 = arith.constant 16 : i32
      %mul3A_1418 = arith.muli %add3A_1217, %mul3A_1417 : i32
      %swap3A_1419 = arith.constant 1 : i32
      %swap3A_1420 = arith.index_cast %swap3A_1419 : i32 to index
      %swap3A_1421 = arith.index_cast %mul3A_1418 : i32 to index
      %swap3A_1422 = tpu.vector_load %arg6[%swap3A_1420, %swap3A_1421] {strides = array<i32>} : memref<8x1024xf32, #tpu.memory_space<vmem>>, vector<1x16xf32>,
      %swap3A_1423 = vector.shape_cast %swap3A_1422 : vector<1x16xf32> to vector<16xf32>
      %swap3A_1424 = vector.shape_cast %select_n3A_1416 : vector<16xf32> to vector<1x16xf32>
      tpu.vector_store %arg6[%swap3A_1420, %swap3A_1421], %swap3A_1424 {strides = array<i32>} : memref<8x1024xf32, #tpu.memory_space<vmem>>, vector<1x16xf32>,
      %eq3A_1425 = arith.constant 2 : i32
      %eq3A_1426 = vector.broadcast %eq3A_1425 : i32 to vector<16xi32>
      %eq3A_1427 = arith.cmpi eq, %select_n3A_1310, %eq3A_1426 : vector<16xi32>
      %eq3A_1428 = arith.constant 2 : i32
      %eq3A_1429 = vector.broadcast %eq3A_1428 : i32 to vector<16xi32>
      %eq3A_1430 = arith.cmpi eq, %select_n3A_1381, %eq3A_1429 : vector<16xi32>
      %select_n3A_1431 = arith.select %eq3A_1430, %mul3A_1390, %broadcast_in_dim3A_1392 : vector<16xi1>, vector<16xf32>
      %select_n3A_1432 = arith.select %eq3A_1427, %div3A_1389, %select_n3A_1431 : vector<16xi1>, vector<16xf32>
      %mul3A_1433 = arith.constant 16 : i32
      %mul3A_1434 = arith.muli %add3A_1217, %mul3A_1433 : i32
      %swap3A_1435 = arith.constant 2 : i32
      %swap3A_1436 = arith.index_cast %swap3A_1435 : i32 to index
      %swap3A_1437 = arith.index_cast %mul3A_1434 : i32 to index
      %swap3A_1438 = tpu.vector_load %arg6[%swap3A_1436, %swap3A_1437] {strides = array<i32>} : memref<8x1024xf32, #tpu.memory_space<vmem>>, vector<1x16xf32>,
      %swap3A_1439 = vector.shape_cast %swap3A_1438 : vector<1x16xf32> to vector<16xf32>
      %swap3A_1440 = vector.shape_cast %select_n3A_1432 : vector<16xf32> to vector<1x16xf32>
      tpu.vector_store %arg6[%swap3A_1436, %swap3A_1437], %swap3A_1440 {strides = array<i32>} : memref<8x1024xf32, #tpu.memory_space<vmem>>, vector<1x16xf32>,
      %eq3A_1441 = arith.constant 3 : i32
      %eq3A_1442 = vector.broadcast %eq3A_1441 : i32 to vector<16xi32>
      %eq3A_1443 = arith.cmpi eq, %select_n3A_1310, %eq3A_1442 : vector<16xi32>
      %eq3A_1444 = arith.constant 3 : i32
      %eq3A_1445 = vector.broadcast %eq3A_1444 : i32 to vector<16xi32>
      %eq3A_1446 = arith.cmpi eq, %select_n3A_1381, %eq3A_1445 : vector<16xi32>
      %select_n3A_1447 = arith.select %eq3A_1446, %mul3A_1390, %broadcast_in_dim3A_1392 : vector<16xi1>, vector<16xf32>
      %select_n3A_1448 = arith.select %eq3A_1443, %div3A_1389, %select_n3A_1447 : vector<16xi1>, vector<16xf32>
      %mul3A_1449 = arith.constant 16 : i32
      %mul3A_1450 = arith.muli %add3A_1217, %mul3A_1449 : i32
      %swap3A_1451 = arith.constant 3 : i32
      %swap3A_1452 = arith.index_cast %swap3A_1451 : i32 to index
      %swap3A_1453 = arith.index_cast %mul3A_1450 : i32 to index
      %swap3A_1454 = tpu.vector_load %arg6[%swap3A_1452, %swap3A_1453] {strides = array<i32>} : memref<8x1024xf32, #tpu.memory_space<vmem>>, vector<1x16xf32>,
      %swap3A_1455 = vector.shape_cast %swap3A_1454 : vector<1x16xf32> to vector<16xf32>
      %swap3A_1456 = vector.shape_cast %select_n3A_1448 : vector<16xf32> to vector<1x16xf32>
      tpu.vector_store %arg6[%swap3A_1452, %swap3A_1453], %swap3A_1456 {strides = array<i32>} : memref<8x1024xf32, #tpu.memory_space<vmem>>, vector<1x16xf32>,
      %eq3A_1457 = arith.constant 4 : i32
      %eq3A_1458 = vector.broadcast %eq3A_1457 : i32 to vector<16xi32>
      %eq3A_1459 = arith.cmpi eq, %select_n3A_1310, %eq3A_1458 : vector<16xi32>
      %eq3A_1460 = arith.constant 4 : i32
      %eq3A_1461 = vector.broadcast %eq3A_1460 : i32 to vector<16xi32>
      %eq3A_1462 = arith.cmpi eq, %select_n3A_1381, %eq3A_1461 : vector<16xi32>
      %select_n3A_1463 = arith.select %eq3A_1462, %mul3A_1390, %broadcast_in_dim3A_1392 : vector<16xi1>, vector<16xf32>
      %select_n3A_1464 = arith.select %eq3A_1459, %div3A_1389, %select_n3A_1463 : vector<16xi1>, vector<16xf32>
      %mul3A_1465 = arith.constant 16 : i32
      %mul3A_1466 = arith.muli %add3A_1217, %mul3A_1465 : i32
      %swap3A_1467 = arith.constant 4 : i32
      %swap3A_1468 = arith.index_cast %swap3A_1467 : i32 to index
      %swap3A_1469 = arith.index_cast %mul3A_1466 : i32 to index
      %swap3A_1470 = tpu.vector_load %arg6[%swap3A_1468, %swap3A_1469] {strides = array<i32>} : memref<8x1024xf32, #tpu.memory_space<vmem>>, vector<1x16xf32>,
      %swap3A_1471 = vector.shape_cast %swap3A_1470 : vector<1x16xf32> to vector<16xf32>
      %swap3A_1472 = vector.shape_cast %select_n3A_1464 : vector<16xf32> to vector<1x16xf32>
      tpu.vector_store %arg6[%swap3A_1468, %swap3A_1469], %swap3A_1472 {strides = array<i32>} : memref<8x1024xf32, #tpu.memory_space<vmem>>, vector<1x16xf32>,
      %eq3A_1473 = arith.constant 5 : i32
      %eq3A_1474 = vector.broadcast %eq3A_1473 : i32 to vector<16xi32>
      %eq3A_1475 = arith.cmpi eq, %select_n3A_1310, %eq3A_1474 : vector<16xi32>
      %eq3A_1476 = arith.constant 5 : i32
      %eq3A_1477 = vector.broadcast %eq3A_1476 : i32 to vector<16xi32>
      %eq3A_1478 = arith.cmpi eq, %select_n3A_1381, %eq3A_1477 : vector<16xi32>
      %select_n3A_1479 = arith.select %eq3A_1478, %mul3A_1390, %broadcast_in_dim3A_1392 : vector<16xi1>, vector<16xf32>
      %select_n3A_1480 = arith.select %eq3A_1475, %div3A_1389, %select_n3A_1479 : vector<16xi1>, vector<16xf32>
      %mul3A_1481 = arith.constant 16 : i32
      %mul3A_1482 = arith.muli %add3A_1217, %mul3A_1481 : i32
      %swap3A_1483 = arith.constant 5 : i32
      %swap3A_1484 = arith.index_cast %swap3A_1483 : i32 to index
      %swap3A_1485 = arith.index_cast %mul3A_1482 : i32 to index
      %swap3A_1486 = tpu.vector_load %arg6[%swap3A_1484, %swap3A_1485] {strides = array<i32>} : memref<8x1024xf32, #tpu.memory_space<vmem>>, vector<1x16xf32>,
      %swap3A_1487 = vector.shape_cast %swap3A_1486 : vector<1x16xf32> to vector<16xf32>
      %swap3A_1488 = vector.shape_cast %select_n3A_1480 : vector<16xf32> to vector<1x16xf32>
      tpu.vector_store %arg6[%swap3A_1484, %swap3A_1485], %swap3A_1488 {strides = array<i32>} : memref<8x1024xf32, #tpu.memory_space<vmem>>, vector<1x16xf32>,
      %eq3A_1489 = arith.constant 6 : i32
      %eq3A_1490 = vector.broadcast %eq3A_1489 : i32 to vector<16xi32>
      %eq3A_1491 = arith.cmpi eq, %select_n3A_1310, %eq3A_1490 : vector<16xi32>
      %eq3A_1492 = arith.constant 6 : i32
      %eq3A_1493 = vector.broadcast %eq3A_1492 : i32 to vector<16xi32>
      %eq3A_1494 = arith.cmpi eq, %select_n3A_1381, %eq3A_1493 : vector<16xi32>
      %select_n3A_1495 = arith.select %eq3A_1494, %mul3A_1390, %broadcast_in_dim3A_1392 : vector<16xi1>, vector<16xf32>
      %select_n3A_1496 = arith.select %eq3A_1491, %div3A_1389, %select_n3A_1495 : vector<16xi1>, vector<16xf32>
      %mul3A_1497 = arith.constant 16 : i32
      %mul3A_1498 = arith.muli %add3A_1217, %mul3A_1497 : i32
      %swap3A_1499 = arith.constant 6 : i32
      %swap3A_1500 = arith.index_cast %swap3A_1499 : i32 to index
      %swap3A_1501 = arith.index_cast %mul3A_1498 : i32 to index
      %swap3A_1502 = tpu.vector_load %arg6[%swap3A_1500, %swap3A_1501] {strides = array<i32>} : memref<8x1024xf32, #tpu.memory_space<vmem>>, vector<1x16xf32>,
      %swap3A_1503 = vector.shape_cast %swap3A_1502 : vector<1x16xf32> to vector<16xf32>
      %swap3A_1504 = vector.shape_cast %select_n3A_1496 : vector<16xf32> to vector<1x16xf32>
      tpu.vector_store %arg6[%swap3A_1500, %swap3A_1501], %swap3A_1504 {strides = array<i32>} : memref<8x1024xf32, #tpu.memory_space<vmem>>, vector<1x16xf32>,
      %eq3A_1505 = arith.constant 7 : i32
      %eq3A_1506 = vector.broadcast %eq3A_1505 : i32 to vector<16xi32>
      %eq3A_1507 = arith.cmpi eq, %select_n3A_1310, %eq3A_1506 : vector<16xi32>
      %eq3A_1508 = arith.constant 7 : i32
      %eq3A_1509 = vector.broadcast %eq3A_1508 : i32 to vector<16xi32>
      %eq3A_1510 = arith.cmpi eq, %select_n3A_1381, %eq3A_1509 : vector<16xi32>
      %select_n3A_1511 = arith.select %eq3A_1510, %mul3A_1390, %broadcast_in_dim3A_1392 : vector<16xi1>, vector<16xf32>
      %select_n3A_1512 = arith.select %eq3A_1507, %div3A_1389, %select_n3A_1511 : vector<16xi1>, vector<16xf32>
      %mul3A_1513 = arith.constant 16 : i32
      %mul3A_1514 = arith.muli %add3A_1217, %mul3A_1513 : i32
      %swap3A_1515 = arith.constant 7 : i32
      %swap3A_1516 = arith.index_cast %swap3A_1515 : i32 to index
      %swap3A_1517 = arith.index_cast %mul3A_1514 : i32 to index
      %swap3A_1518 = tpu.vector_load %arg6[%swap3A_1516, %swap3A_1517] {strides = array<i32>} : memref<8x1024xf32, #tpu.memory_space<vmem>>, vector<1x16xf32>,
      %swap3A_1519 = vector.shape_cast %swap3A_1518 : vector<1x16xf32> to vector<16xf32>
      %swap3A_1520 = vector.shape_cast %select_n3A_1512 : vector<16xf32> to vector<1x16xf32>
      tpu.vector_store %arg6[%swap3A_1516, %swap3A_1517], %swap3A_1520 {strides = array<i32>} : memref<8x1024xf32, #tpu.memory_space<vmem>>, vector<1x16xf32>,
      %mul3A_1521 = arith.constant 16 : i32
      %mul3A_1522 = arith.muli %add3A_1217, %mul3A_1521 : i32
      %swap3A_1523 = arith.constant 0 : i32
      %swap3A_1524 = arith.index_cast %swap3A_1523 : i32 to index
      %swap3A_1525 = arith.index_cast %mul3A_1522 : i32 to index
      %swap3A_1526 = tpu.vector_load %arg7[%swap3A_1524, %swap3A_1525] {strides = array<i32>} : memref<2x1024xi32, #tpu.memory_space<vmem>>, vector<1x16xi32>,
      %swap3A_1527 = vector.shape_cast %swap3A_1526 : vector<1x16xi32> to vector<16xi32>
      %swap3A_1528 = vector.shape_cast %select_n3A_1310 : vector<16xi32> to vector<1x16xi32>
      tpu.vector_store %arg7[%swap3A_1524, %swap3A_1525], %swap3A_1528 {strides = array<i32>} : memref<2x1024xi32, #tpu.memory_space<vmem>>, vector<1x16xi32>,
      %mul3A_1529 = arith.constant 16 : i32
      %mul3A_1530 = arith.muli %add3A_1217, %mul3A_1529 : i32
      %swap3A_1531 = arith.constant 1 : i32
      %swap3A_1532 = arith.index_cast %swap3A_1531 : i32 to index
      %swap3A_1533 = arith.index_cast %mul3A_1530 : i32 to index
      %swap3A_1534 = tpu.vector_load %arg7[%swap3A_1532, %swap3A_1533] {strides = array<i32>} : memref<2x1024xi32, #tpu.memory_space<vmem>>, vector<1x16xi32>,
      %swap3A_1535 = vector.shape_cast %swap3A_1534 : vector<1x16xi32> to vector<16xi32>
      %swap3A_1536 = vector.shape_cast %select_n3A_1381 : vector<16xi32> to vector<1x16xi32>
      tpu.vector_store %arg7[%swap3A_1532, %swap3A_1533], %swap3A_1536 {strides = array<i32>} : memref<2x1024xi32, #tpu.memory_space<vmem>>, vector<1x16xi32>,
      %mul3A_1537 = arith.constant 8 : i32
      %mul3A_1538 = arith.muli %scan3A_254, %mul3A_1537 : i32
      %add3A_1539 = arith.constant 4 : i32
      %add3A_1540 = arith.addi %mul3A_1538, %add3A_1539 : i32
      %mul3A_1541 = arith.constant 16 : i32
      %mul3A_1542 = arith.muli %add3A_1540, %mul3A_1541 : i32
      %get3A_1543 = arith.constant 0 : i32
      %get3A_1544 = arith.index_cast %get3A_1543 : i32 to index
      %get3A_1545 = arith.index_cast %mul3A_1542 : i32 to index
      %get3A_1546 = tpu.vector_load %arg5[%get3A_1544, %get3A_1545] {strides = array<i32>} : memref<8x1024xf32, #tpu.memory_space<vmem>>, vector<1x16xf32>,
      %get3A_1547 = vector.shape_cast %get3A_1546 : vector<1x16xf32> to vector<16xf32>
      %mul3A_1548 = arith.constant 16 : i32
      %mul3A_1549 = arith.muli %add3A_1540, %mul3A_1548 : i32
      %get3A_1550 = arith.constant 1 : i32
      %get3A_1551 = arith.index_cast %get3A_1550 : i32 to index
      %get3A_1552 = arith.index_cast %mul3A_1549 : i32 to index
      %get3A_1553 = tpu.vector_load %arg5[%get3A_1551, %get3A_1552] {strides = array<i32>} : memref<8x1024xf32, #tpu.memory_space<vmem>>, vector<1x16xf32>,
      %get3A_1554 = vector.shape_cast %get3A_1553 : vector<1x16xf32> to vector<16xf32>
      %mul3A_1555 = arith.constant 16 : i32
      %mul3A_1556 = arith.muli %add3A_1540, %mul3A_1555 : i32
      %get3A_1557 = arith.constant 2 : i32
      %get3A_1558 = arith.index_cast %get3A_1557 : i32 to index
      %get3A_1559 = arith.index_cast %mul3A_1556 : i32 to index
      %get3A_1560 = tpu.vector_load %arg5[%get3A_1558, %get3A_1559] {strides = array<i32>} : memref<8x1024xf32, #tpu.memory_space<vmem>>, vector<1x16xf32>,
      %get3A_1561 = vector.shape_cast %get3A_1560 : vector<1x16xf32> to vector<16xf32>
      %mul3A_1562 = arith.constant 16 : i32
      %mul3A_1563 = arith.muli %add3A_1540, %mul3A_1562 : i32
      %get3A_1564 = arith.constant 3 : i32
      %get3A_1565 = arith.index_cast %get3A_1564 : i32 to index
      %get3A_1566 = arith.index_cast %mul3A_1563 : i32 to index
      %get3A_1567 = tpu.vector_load %arg5[%get3A_1565, %get3A_1566] {strides = array<i32>} : memref<8x1024xf32, #tpu.memory_space<vmem>>, vector<1x16xf32>,
      %get3A_1568 = vector.shape_cast %get3A_1567 : vector<1x16xf32> to vector<16xf32>
      %mul3A_1569 = arith.constant 16 : i32
      %mul3A_1570 = arith.muli %add3A_1540, %mul3A_1569 : i32
      %get3A_1571 = arith.constant 4 : i32
      %get3A_1572 = arith.index_cast %get3A_1571 : i32 to index
      %get3A_1573 = arith.index_cast %mul3A_1570 : i32 to index
      %get3A_1574 = tpu.vector_load %arg5[%get3A_1572, %get3A_1573] {strides = array<i32>} : memref<8x1024xf32, #tpu.memory_space<vmem>>, vector<1x16xf32>,
      %get3A_1575 = vector.shape_cast %get3A_1574 : vector<1x16xf32> to vector<16xf32>
      %mul3A_1576 = arith.constant 16 : i32
      %mul3A_1577 = arith.muli %add3A_1540, %mul3A_1576 : i32
      %get3A_1578 = arith.constant 5 : i32
      %get3A_1579 = arith.index_cast %get3A_1578 : i32 to index
      %get3A_1580 = arith.index_cast %mul3A_1577 : i32 to index
      %get3A_1581 = tpu.vector_load %arg5[%get3A_1579, %get3A_1580] {strides = array<i32>} : memref<8x1024xf32, #tpu.memory_space<vmem>>, vector<1x16xf32>,
      %get3A_1582 = vector.shape_cast %get3A_1581 : vector<1x16xf32> to vector<16xf32>
      %mul3A_1583 = arith.constant 16 : i32
      %mul3A_1584 = arith.muli %add3A_1540, %mul3A_1583 : i32
      %get3A_1585 = arith.constant 6 : i32
      %get3A_1586 = arith.index_cast %get3A_1585 : i32 to index
      %get3A_1587 = arith.index_cast %mul3A_1584 : i32 to index
      %get3A_1588 = tpu.vector_load %arg5[%get3A_1586, %get3A_1587] {strides = array<i32>} : memref<8x1024xf32, #tpu.memory_space<vmem>>, vector<1x16xf32>,
      %get3A_1589 = vector.shape_cast %get3A_1588 : vector<1x16xf32> to vector<16xf32>
      %mul3A_1590 = arith.constant 16 : i32
      %mul3A_1591 = arith.muli %add3A_1540, %mul3A_1590 : i32
      %get3A_1592 = arith.constant 7 : i32
      %get3A_1593 = arith.index_cast %get3A_1592 : i32 to index
      %get3A_1594 = arith.index_cast %mul3A_1591 : i32 to index
      %get3A_1595 = tpu.vector_load %arg5[%get3A_1593, %get3A_1594] {strides = array<i32>} : memref<8x1024xf32, #tpu.memory_space<vmem>>, vector<1x16xf32>,
      %get3A_1596 = vector.shape_cast %get3A_1595 : vector<1x16xf32> to vector<16xf32>
      %broadcast_in_dim3A_1597 = arith.constant 0 : i32
      %broadcast_in_dim3A_1598 = vector.broadcast %broadcast_in_dim3A_1597 : i32 to vector<16xi32>
      %gt3A_1599 = arith.cmpf ogt, %get3A_1554, %get3A_1547 : vector<16xf32>
      %select_n3A_1600 = arith.select %gt3A_1599, %get3A_1554, %get3A_1547 : vector<16xi1>, vector<16xf32>
      %jit3A_1601 = arith.constant 1 : i32
      %broadcast_in_dim3A_1602 = vector.broadcast %jit3A_1601 : i32 to vector<16xi32>
      %select_n3A_1603 = arith.select %gt3A_1599, %broadcast_in_dim3A_1602, %broadcast_in_dim3A_1598 : vector<16xi1>, vector<16xi32>
      %gt3A_1604 = arith.cmpf ogt, %get3A_1561, %select_n3A_1600 : vector<16xf32>
      %select_n3A_1605 = arith.select %gt3A_1604, %get3A_1561, %select_n3A_1600 : vector<16xi1>, vector<16xf32>
      %jit3A_1606 = arith.constant 2 : i32
      %broadcast_in_dim3A_1607 = vector.broadcast %jit3A_1606 : i32 to vector<16xi32>
      %select_n3A_1608 = arith.select %gt3A_1604, %broadcast_in_dim3A_1607, %select_n3A_1603 : vector<16xi1>, vector<16xi32>
      %gt3A_1609 = arith.cmpf ogt, %get3A_1568, %select_n3A_1605 : vector<16xf32>
      %select_n3A_1610 = arith.select %gt3A_1609, %get3A_1568, %select_n3A_1605 : vector<16xi1>, vector<16xf32>
      %jit3A_1611 = arith.constant 3 : i32
      %broadcast_in_dim3A_1612 = vector.broadcast %jit3A_1611 : i32 to vector<16xi32>
      %select_n3A_1613 = arith.select %gt3A_1609, %broadcast_in_dim3A_1612, %select_n3A_1608 : vector<16xi1>, vector<16xi32>
      %gt3A_1614 = arith.cmpf ogt, %get3A_1575, %select_n3A_1610 : vector<16xf32>
      %select_n3A_1615 = arith.select %gt3A_1614, %get3A_1575, %select_n3A_1610 : vector<16xi1>, vector<16xf32>
      %jit3A_1616 = arith.constant 4 : i32
      %broadcast_in_dim3A_1617 = vector.broadcast %jit3A_1616 : i32 to vector<16xi32>
      %select_n3A_1618 = arith.select %gt3A_1614, %broadcast_in_dim3A_1617, %select_n3A_1613 : vector<16xi1>, vector<16xi32>
      %gt3A_1619 = arith.cmpf ogt, %get3A_1582, %select_n3A_1615 : vector<16xf32>
      %select_n3A_1620 = arith.select %gt3A_1619, %get3A_1582, %select_n3A_1615 : vector<16xi1>, vector<16xf32>
      %jit3A_1621 = arith.constant 5 : i32
      %broadcast_in_dim3A_1622 = vector.broadcast %jit3A_1621 : i32 to vector<16xi32>
      %select_n3A_1623 = arith.select %gt3A_1619, %broadcast_in_dim3A_1622, %select_n3A_1618 : vector<16xi1>, vector<16xi32>
      %gt3A_1624 = arith.cmpf ogt, %get3A_1589, %select_n3A_1620 : vector<16xf32>
      %select_n3A_1625 = arith.select %gt3A_1624, %get3A_1589, %select_n3A_1620 : vector<16xi1>, vector<16xf32>
      %jit3A_1626 = arith.constant 6 : i32
      %broadcast_in_dim3A_1627 = vector.broadcast %jit3A_1626 : i32 to vector<16xi32>
      %select_n3A_1628 = arith.select %gt3A_1624, %broadcast_in_dim3A_1627, %select_n3A_1623 : vector<16xi1>, vector<16xi32>
      %gt3A_1629 = arith.cmpf ogt, %get3A_1596, %select_n3A_1625 : vector<16xf32>
      %select_n3A_1630 = arith.select %gt3A_1629, %get3A_1596, %select_n3A_1625 : vector<16xi1>, vector<16xf32>
      %jit3A_1631 = arith.constant 7 : i32
      %broadcast_in_dim3A_1632 = vector.broadcast %jit3A_1631 : i32 to vector<16xi32>
      %select_n3A_1633 = arith.select %gt3A_1629, %broadcast_in_dim3A_1632, %select_n3A_1628 : vector<16xi1>, vector<16xi32>
      %broadcast_in_dim3A_1634 = arith.constant 0xFF800000 : f32
      %broadcast_in_dim3A_1635 = vector.broadcast %broadcast_in_dim3A_1634 : f32 to vector<16xf32>
      %eq3A_1636 = arith.constant 0 : i32
      %eq3A_1637 = vector.broadcast %eq3A_1636 : i32 to vector<16xi32>
      %eq3A_1638 = arith.cmpi eq, %select_n3A_1633, %eq3A_1637 : vector<16xi32>
      %select_n3A_1639 = arith.select %eq3A_1638, %broadcast_in_dim3A_1635, %get3A_1547 : vector<16xi1>, vector<16xf32>
      %broadcast_in_dim3A_1640 = arith.constant 0 : i32
      %broadcast_in_dim3A_1641 = vector.broadcast %broadcast_in_dim3A_1640 : i32 to vector<16xi32>
      %eq3A_1642 = arith.constant 1 : i32
      %eq3A_1643 = vector.broadcast %eq3A_1642 : i32 to vector<16xi32>
      %eq3A_1644 = arith.cmpi eq, %select_n3A_1633, %eq3A_1643 : vector<16xi32>
      %select_n3A_1645 = arith.select %eq3A_1644, %broadcast_in_dim3A_1635, %get3A_1554 : vector<16xi1>, vector<16xf32>
      %gt3A_1646 = arith.cmpf ogt, %select_n3A_1645, %select_n3A_1639 : vector<16xf32>
      %select_n3A_1647 = arith.select %gt3A_1646, %select_n3A_1645, %select_n3A_1639 : vector<16xi1>, vector<16xf32>
      %jit3A_1648 = arith.constant 1 : i32
      %broadcast_in_dim3A_1649 = vector.broadcast %jit3A_1648 : i32 to vector<16xi32>
      %select_n3A_1650 = arith.select %gt3A_1646, %broadcast_in_dim3A_1649, %broadcast_in_dim3A_1641 : vector<16xi1>, vector<16xi32>
      %eq3A_1651 = arith.constant 2 : i32
      %eq3A_1652 = vector.broadcast %eq3A_1651 : i32 to vector<16xi32>
      %eq3A_1653 = arith.cmpi eq, %select_n3A_1633, %eq3A_1652 : vector<16xi32>
      %select_n3A_1654 = arith.select %eq3A_1653, %broadcast_in_dim3A_1635, %get3A_1561 : vector<16xi1>, vector<16xf32>
      %gt3A_1655 = arith.cmpf ogt, %select_n3A_1654, %select_n3A_1647 : vector<16xf32>
      %select_n3A_1656 = arith.select %gt3A_1655, %select_n3A_1654, %select_n3A_1647 : vector<16xi1>, vector<16xf32>
      %jit3A_1657 = arith.constant 2 : i32
      %broadcast_in_dim3A_1658 = vector.broadcast %jit3A_1657 : i32 to vector<16xi32>
      %select_n3A_1659 = arith.select %gt3A_1655, %broadcast_in_dim3A_1658, %select_n3A_1650 : vector<16xi1>, vector<16xi32>
      %eq3A_1660 = arith.constant 3 : i32
      %eq3A_1661 = vector.broadcast %eq3A_1660 : i32 to vector<16xi32>
      %eq3A_1662 = arith.cmpi eq, %select_n3A_1633, %eq3A_1661 : vector<16xi32>
      %select_n3A_1663 = arith.select %eq3A_1662, %broadcast_in_dim3A_1635, %get3A_1568 : vector<16xi1>, vector<16xf32>
      %gt3A_1664 = arith.cmpf ogt, %select_n3A_1663, %select_n3A_1656 : vector<16xf32>
      %select_n3A_1665 = arith.select %gt3A_1664, %select_n3A_1663, %select_n3A_1656 : vector<16xi1>, vector<16xf32>
      %jit3A_1666 = arith.constant 3 : i32
      %broadcast_in_dim3A_1667 = vector.broadcast %jit3A_1666 : i32 to vector<16xi32>
      %select_n3A_1668 = arith.select %gt3A_1664, %broadcast_in_dim3A_1667, %select_n3A_1659 : vector<16xi1>, vector<16xi32>
      %eq3A_1669 = arith.constant 4 : i32
      %eq3A_1670 = vector.broadcast %eq3A_1669 : i32 to vector<16xi32>
      %eq3A_1671 = arith.cmpi eq, %select_n3A_1633, %eq3A_1670 : vector<16xi32>
      %select_n3A_1672 = arith.select %eq3A_1671, %broadcast_in_dim3A_1635, %get3A_1575 : vector<16xi1>, vector<16xf32>
      %gt3A_1673 = arith.cmpf ogt, %select_n3A_1672, %select_n3A_1665 : vector<16xf32>
      %select_n3A_1674 = arith.select %gt3A_1673, %select_n3A_1672, %select_n3A_1665 : vector<16xi1>, vector<16xf32>
      %jit3A_1675 = arith.constant 4 : i32
      %broadcast_in_dim3A_1676 = vector.broadcast %jit3A_1675 : i32 to vector<16xi32>
      %select_n3A_1677 = arith.select %gt3A_1673, %broadcast_in_dim3A_1676, %select_n3A_1668 : vector<16xi1>, vector<16xi32>
      %eq3A_1678 = arith.constant 5 : i32
      %eq3A_1679 = vector.broadcast %eq3A_1678 : i32 to vector<16xi32>
      %eq3A_1680 = arith.cmpi eq, %select_n3A_1633, %eq3A_1679 : vector<16xi32>
      %select_n3A_1681 = arith.select %eq3A_1680, %broadcast_in_dim3A_1635, %get3A_1582 : vector<16xi1>, vector<16xf32>
      %gt3A_1682 = arith.cmpf ogt, %select_n3A_1681, %select_n3A_1674 : vector<16xf32>
      %select_n3A_1683 = arith.select %gt3A_1682, %select_n3A_1681, %select_n3A_1674 : vector<16xi1>, vector<16xf32>
      %jit3A_1684 = arith.constant 5 : i32
      %broadcast_in_dim3A_1685 = vector.broadcast %jit3A_1684 : i32 to vector<16xi32>
      %select_n3A_1686 = arith.select %gt3A_1682, %broadcast_in_dim3A_1685, %select_n3A_1677 : vector<16xi1>, vector<16xi32>
      %eq3A_1687 = arith.constant 6 : i32
      %eq3A_1688 = vector.broadcast %eq3A_1687 : i32 to vector<16xi32>
      %eq3A_1689 = arith.cmpi eq, %select_n3A_1633, %eq3A_1688 : vector<16xi32>
      %select_n3A_1690 = arith.select %eq3A_1689, %broadcast_in_dim3A_1635, %get3A_1589 : vector<16xi1>, vector<16xf32>
      %gt3A_1691 = arith.cmpf ogt, %select_n3A_1690, %select_n3A_1683 : vector<16xf32>
      %select_n3A_1692 = arith.select %gt3A_1691, %select_n3A_1690, %select_n3A_1683 : vector<16xi1>, vector<16xf32>
      %jit3A_1693 = arith.constant 6 : i32
      %broadcast_in_dim3A_1694 = vector.broadcast %jit3A_1693 : i32 to vector<16xi32>
      %select_n3A_1695 = arith.select %gt3A_1691, %broadcast_in_dim3A_1694, %select_n3A_1686 : vector<16xi1>, vector<16xi32>
      %eq3A_1696 = arith.constant 7 : i32
      %eq3A_1697 = vector.broadcast %eq3A_1696 : i32 to vector<16xi32>
      %eq3A_1698 = arith.cmpi eq, %select_n3A_1633, %eq3A_1697 : vector<16xi32>
      %select_n3A_1699 = arith.select %eq3A_1698, %broadcast_in_dim3A_1635, %get3A_1596 : vector<16xi1>, vector<16xf32>
      %gt3A_1700 = arith.cmpf ogt, %select_n3A_1699, %select_n3A_1692 : vector<16xf32>
      %select_n3A_1701 = arith.select %gt3A_1700, %select_n3A_1699, %select_n3A_1692 : vector<16xi1>, vector<16xf32>
      %jit3A_1702 = arith.constant 7 : i32
      %broadcast_in_dim3A_1703 = vector.broadcast %jit3A_1702 : i32 to vector<16xi32>
      %select_n3A_1704 = arith.select %gt3A_1700, %broadcast_in_dim3A_1703, %select_n3A_1695 : vector<16xi1>, vector<16xi32>
      %sub3A_1705 = arith.subf %select_n3A_1701, %select_n3A_1630 : vector<16xf32>
      %exp3A_1706 = math.exp %sub3A_1705 : vector<16xf32>
      %add3A_1707 = arith.constant 1.000000e+00 : f32
      %add3A_1708 = vector.broadcast %add3A_1707 : f32 to vector<16xf32>
      %add3A_1709 = arith.addf %add3A_1708, %exp3A_1706 : vector<16xf32>
      %div3A_1710 = arith.constant 1.000000e+00 : f32
      %div3A_1711 = vector.broadcast %div3A_1710 : f32 to vector<16xf32>
      %div3A_1712 = arith.divf %div3A_1711, %add3A_1709 : vector<16xf32>
      %mul3A_1713 = arith.mulf %exp3A_1706, %div3A_1712 : vector<16xf32>
      %broadcast_in_dim3A_1714 = arith.constant 0.000000e+00 : f32
      %broadcast_in_dim3A_1715 = vector.broadcast %broadcast_in_dim3A_1714 : f32 to vector<16xf32>
      %eq3A_1716 = arith.constant 0 : i32
      %eq3A_1717 = vector.broadcast %eq3A_1716 : i32 to vector<16xi32>
      %eq3A_1718 = arith.cmpi eq, %select_n3A_1633, %eq3A_1717 : vector<16xi32>
      %eq3A_1719 = arith.constant 0 : i32
      %eq3A_1720 = vector.broadcast %eq3A_1719 : i32 to vector<16xi32>
      %eq3A_1721 = arith.cmpi eq, %select_n3A_1704, %eq3A_1720 : vector<16xi32>
      %select_n3A_1722 = arith.select %eq3A_1721, %mul3A_1713, %broadcast_in_dim3A_1715 : vector<16xi1>, vector<16xf32>
      %select_n3A_1723 = arith.select %eq3A_1718, %div3A_1712, %select_n3A_1722 : vector<16xi1>, vector<16xf32>
      %mul3A_1724 = arith.constant 16 : i32
      %mul3A_1725 = arith.muli %add3A_1540, %mul3A_1724 : i32
      %swap3A_1726 = arith.constant 0 : i32
      %swap3A_1727 = arith.index_cast %swap3A_1726 : i32 to index
      %swap3A_1728 = arith.index_cast %mul3A_1725 : i32 to index
      %swap3A_1729 = tpu.vector_load %arg6[%swap3A_1727, %swap3A_1728] {strides = array<i32>} : memref<8x1024xf32, #tpu.memory_space<vmem>>, vector<1x16xf32>,
      %swap3A_1730 = vector.shape_cast %swap3A_1729 : vector<1x16xf32> to vector<16xf32>
      %swap3A_1731 = vector.shape_cast %select_n3A_1723 : vector<16xf32> to vector<1x16xf32>
      tpu.vector_store %arg6[%swap3A_1727, %swap3A_1728], %swap3A_1731 {strides = array<i32>} : memref<8x1024xf32, #tpu.memory_space<vmem>>, vector<1x16xf32>,
      %eq3A_1732 = arith.constant 1 : i32
      %eq3A_1733 = vector.broadcast %eq3A_1732 : i32 to vector<16xi32>
      %eq3A_1734 = arith.cmpi eq, %select_n3A_1633, %eq3A_1733 : vector<16xi32>
      %eq3A_1735 = arith.constant 1 : i32
      %eq3A_1736 = vector.broadcast %eq3A_1735 : i32 to vector<16xi32>
      %eq3A_1737 = arith.cmpi eq, %select_n3A_1704, %eq3A_1736 : vector<16xi32>
      %select_n3A_1738 = arith.select %eq3A_1737, %mul3A_1713, %broadcast_in_dim3A_1715 : vector<16xi1>, vector<16xf32>
      %select_n3A_1739 = arith.select %eq3A_1734, %div3A_1712, %select_n3A_1738 : vector<16xi1>, vector<16xf32>
      %mul3A_1740 = arith.constant 16 : i32
      %mul3A_1741 = arith.muli %add3A_1540, %mul3A_1740 : i32
      %swap3A_1742 = arith.constant 1 : i32
      %swap3A_1743 = arith.index_cast %swap3A_1742 : i32 to index
      %swap3A_1744 = arith.index_cast %mul3A_1741 : i32 to index
      %swap3A_1745 = tpu.vector_load %arg6[%swap3A_1743, %swap3A_1744] {strides = array<i32>} : memref<8x1024xf32, #tpu.memory_space<vmem>>, vector<1x16xf32>,
      %swap3A_1746 = vector.shape_cast %swap3A_1745 : vector<1x16xf32> to vector<16xf32>
      %swap3A_1747 = vector.shape_cast %select_n3A_1739 : vector<16xf32> to vector<1x16xf32>
      tpu.vector_store %arg6[%swap3A_1743, %swap3A_1744], %swap3A_1747 {strides = array<i32>} : memref<8x1024xf32, #tpu.memory_space<vmem>>, vector<1x16xf32>,
      %eq3A_1748 = arith.constant 2 : i32
      %eq3A_1749 = vector.broadcast %eq3A_1748 : i32 to vector<16xi32>
      %eq3A_1750 = arith.cmpi eq, %select_n3A_1633, %eq3A_1749 : vector<16xi32>
      %eq3A_1751 = arith.constant 2 : i32
      %eq3A_1752 = vector.broadcast %eq3A_1751 : i32 to vector<16xi32>
      %eq3A_1753 = arith.cmpi eq, %select_n3A_1704, %eq3A_1752 : vector<16xi32>
      %select_n3A_1754 = arith.select %eq3A_1753, %mul3A_1713, %broadcast_in_dim3A_1715 : vector<16xi1>, vector<16xf32>
      %select_n3A_1755 = arith.select %eq3A_1750, %div3A_1712, %select_n3A_1754 : vector<16xi1>, vector<16xf32>
      %mul3A_1756 = arith.constant 16 : i32
      %mul3A_1757 = arith.muli %add3A_1540, %mul3A_1756 : i32
      %swap3A_1758 = arith.constant 2 : i32
      %swap3A_1759 = arith.index_cast %swap3A_1758 : i32 to index
      %swap3A_1760 = arith.index_cast %mul3A_1757 : i32 to index
      %swap3A_1761 = tpu.vector_load %arg6[%swap3A_1759, %swap3A_1760] {strides = array<i32>} : memref<8x1024xf32, #tpu.memory_space<vmem>>, vector<1x16xf32>,
      %swap3A_1762 = vector.shape_cast %swap3A_1761 : vector<1x16xf32> to vector<16xf32>
      %swap3A_1763 = vector.shape_cast %select_n3A_1755 : vector<16xf32> to vector<1x16xf32>
      tpu.vector_store %arg6[%swap3A_1759, %swap3A_1760], %swap3A_1763 {strides = array<i32>} : memref<8x1024xf32, #tpu.memory_space<vmem>>, vector<1x16xf32>,
      %eq3A_1764 = arith.constant 3 : i32
      %eq3A_1765 = vector.broadcast %eq3A_1764 : i32 to vector<16xi32>
      %eq3A_1766 = arith.cmpi eq, %select_n3A_1633, %eq3A_1765 : vector<16xi32>
      %eq3A_1767 = arith.constant 3 : i32
      %eq3A_1768 = vector.broadcast %eq3A_1767 : i32 to vector<16xi32>
      %eq3A_1769 = arith.cmpi eq, %select_n3A_1704, %eq3A_1768 : vector<16xi32>
      %select_n3A_1770 = arith.select %eq3A_1769, %mul3A_1713, %broadcast_in_dim3A_1715 : vector<16xi1>, vector<16xf32>
      %select_n3A_1771 = arith.select %eq3A_1766, %div3A_1712, %select_n3A_1770 : vector<16xi1>, vector<16xf32>
      %mul3A_1772 = arith.constant 16 : i32
      %mul3A_1773 = arith.muli %add3A_1540, %mul3A_1772 : i32
      %swap3A_1774 = arith.constant 3 : i32
      %swap3A_1775 = arith.index_cast %swap3A_1774 : i32 to index
      %swap3A_1776 = arith.index_cast %mul3A_1773 : i32 to index
      %swap3A_1777 = tpu.vector_load %arg6[%swap3A_1775, %swap3A_1776] {strides = array<i32>} : memref<8x1024xf32, #tpu.memory_space<vmem>>, vector<1x16xf32>,
      %swap3A_1778 = vector.shape_cast %swap3A_1777 : vector<1x16xf32> to vector<16xf32>
      %swap3A_1779 = vector.shape_cast %select_n3A_1771 : vector<16xf32> to vector<1x16xf32>
      tpu.vector_store %arg6[%swap3A_1775, %swap3A_1776], %swap3A_1779 {strides = array<i32>} : memref<8x1024xf32, #tpu.memory_space<vmem>>, vector<1x16xf32>,
      %eq3A_1780 = arith.constant 4 : i32
      %eq3A_1781 = vector.broadcast %eq3A_1780 : i32 to vector<16xi32>
      %eq3A_1782 = arith.cmpi eq, %select_n3A_1633, %eq3A_1781 : vector<16xi32>
      %eq3A_1783 = arith.constant 4 : i32
      %eq3A_1784 = vector.broadcast %eq3A_1783 : i32 to vector<16xi32>
      %eq3A_1785 = arith.cmpi eq, %select_n3A_1704, %eq3A_1784 : vector<16xi32>
      %select_n3A_1786 = arith.select %eq3A_1785, %mul3A_1713, %broadcast_in_dim3A_1715 : vector<16xi1>, vector<16xf32>
      %select_n3A_1787 = arith.select %eq3A_1782, %div3A_1712, %select_n3A_1786 : vector<16xi1>, vector<16xf32>
      %mul3A_1788 = arith.constant 16 : i32
      %mul3A_1789 = arith.muli %add3A_1540, %mul3A_1788 : i32
      %swap3A_1790 = arith.constant 4 : i32
      %swap3A_1791 = arith.index_cast %swap3A_1790 : i32 to index
      %swap3A_1792 = arith.index_cast %mul3A_1789 : i32 to index
      %swap3A_1793 = tpu.vector_load %arg6[%swap3A_1791, %swap3A_1792] {strides = array<i32>} : memref<8x1024xf32, #tpu.memory_space<vmem>>, vector<1x16xf32>,
      %swap3A_1794 = vector.shape_cast %swap3A_1793 : vector<1x16xf32> to vector<16xf32>
      %swap3A_1795 = vector.shape_cast %select_n3A_1787 : vector<16xf32> to vector<1x16xf32>
      tpu.vector_store %arg6[%swap3A_1791, %swap3A_1792], %swap3A_1795 {strides = array<i32>} : memref<8x1024xf32, #tpu.memory_space<vmem>>, vector<1x16xf32>,
      %eq3A_1796 = arith.constant 5 : i32
      %eq3A_1797 = vector.broadcast %eq3A_1796 : i32 to vector<16xi32>
      %eq3A_1798 = arith.cmpi eq, %select_n3A_1633, %eq3A_1797 : vector<16xi32>
      %eq3A_1799 = arith.constant 5 : i32
      %eq3A_1800 = vector.broadcast %eq3A_1799 : i32 to vector<16xi32>
      %eq3A_1801 = arith.cmpi eq, %select_n3A_1704, %eq3A_1800 : vector<16xi32>
      %select_n3A_1802 = arith.select %eq3A_1801, %mul3A_1713, %broadcast_in_dim3A_1715 : vector<16xi1>, vector<16xf32>
      %select_n3A_1803 = arith.select %eq3A_1798, %div3A_1712, %select_n3A_1802 : vector<16xi1>, vector<16xf32>
      %mul3A_1804 = arith.constant 16 : i32
      %mul3A_1805 = arith.muli %add3A_1540, %mul3A_1804 : i32
      %swap3A_1806 = arith.constant 5 : i32
      %swap3A_1807 = arith.index_cast %swap3A_1806 : i32 to index
      %swap3A_1808 = arith.index_cast %mul3A_1805 : i32 to index
      %swap3A_1809 = tpu.vector_load %arg6[%swap3A_1807, %swap3A_1808] {strides = array<i32>} : memref<8x1024xf32, #tpu.memory_space<vmem>>, vector<1x16xf32>,
      %swap3A_1810 = vector.shape_cast %swap3A_1809 : vector<1x16xf32> to vector<16xf32>
      %swap3A_1811 = vector.shape_cast %select_n3A_1803 : vector<16xf32> to vector<1x16xf32>
      tpu.vector_store %arg6[%swap3A_1807, %swap3A_1808], %swap3A_1811 {strides = array<i32>} : memref<8x1024xf32, #tpu.memory_space<vmem>>, vector<1x16xf32>,
      %eq3A_1812 = arith.constant 6 : i32
      %eq3A_1813 = vector.broadcast %eq3A_1812 : i32 to vector<16xi32>
      %eq3A_1814 = arith.cmpi eq, %select_n3A_1633, %eq3A_1813 : vector<16xi32>
      %eq3A_1815 = arith.constant 6 : i32
      %eq3A_1816 = vector.broadcast %eq3A_1815 : i32 to vector<16xi32>
      %eq3A_1817 = arith.cmpi eq, %select_n3A_1704, %eq3A_1816 : vector<16xi32>
      %select_n3A_1818 = arith.select %eq3A_1817, %mul3A_1713, %broadcast_in_dim3A_1715 : vector<16xi1>, vector<16xf32>
      %select_n3A_1819 = arith.select %eq3A_1814, %div3A_1712, %select_n3A_1818 : vector<16xi1>, vector<16xf32>
      %mul3A_1820 = arith.constant 16 : i32
      %mul3A_1821 = arith.muli %add3A_1540, %mul3A_1820 : i32
      %swap3A_1822 = arith.constant 6 : i32
      %swap3A_1823 = arith.index_cast %swap3A_1822 : i32 to index
      %swap3A_1824 = arith.index_cast %mul3A_1821 : i32 to index
      %swap3A_1825 = tpu.vector_load %arg6[%swap3A_1823, %swap3A_1824] {strides = array<i32>} : memref<8x1024xf32, #tpu.memory_space<vmem>>, vector<1x16xf32>,
      %swap3A_1826 = vector.shape_cast %swap3A_1825 : vector<1x16xf32> to vector<16xf32>
      %swap3A_1827 = vector.shape_cast %select_n3A_1819 : vector<16xf32> to vector<1x16xf32>
      tpu.vector_store %arg6[%swap3A_1823, %swap3A_1824], %swap3A_1827 {strides = array<i32>} : memref<8x1024xf32, #tpu.memory_space<vmem>>, vector<1x16xf32>,
      %eq3A_1828 = arith.constant 7 : i32
      %eq3A_1829 = vector.broadcast %eq3A_1828 : i32 to vector<16xi32>
      %eq3A_1830 = arith.cmpi eq, %select_n3A_1633, %eq3A_1829 : vector<16xi32>
      %eq3A_1831 = arith.constant 7 : i32
      %eq3A_1832 = vector.broadcast %eq3A_1831 : i32 to vector<16xi32>
      %eq3A_1833 = arith.cmpi eq, %select_n3A_1704, %eq3A_1832 : vector<16xi32>
      %select_n3A_1834 = arith.select %eq3A_1833, %mul3A_1713, %broadcast_in_dim3A_1715 : vector<16xi1>, vector<16xf32>
      %select_n3A_1835 = arith.select %eq3A_1830, %div3A_1712, %select_n3A_1834 : vector<16xi1>, vector<16xf32>
      %mul3A_1836 = arith.constant 16 : i32
      %mul3A_1837 = arith.muli %add3A_1540, %mul3A_1836 : i32
      %swap3A_1838 = arith.constant 7 : i32
      %swap3A_1839 = arith.index_cast %swap3A_1838 : i32 to index
      %swap3A_1840 = arith.index_cast %mul3A_1837 : i32 to index
      %swap3A_1841 = tpu.vector_load %arg6[%swap3A_1839, %swap3A_1840] {strides = array<i32>} : memref<8x1024xf32, #tpu.memory_space<vmem>>, vector<1x16xf32>,
      %swap3A_1842 = vector.shape_cast %swap3A_1841 : vector<1x16xf32> to vector<16xf32>
      %swap3A_1843 = vector.shape_cast %select_n3A_1835 : vector<16xf32> to vector<1x16xf32>
      tpu.vector_store %arg6[%swap3A_1839, %swap3A_1840], %swap3A_1843 {strides = array<i32>} : memref<8x1024xf32, #tpu.memory_space<vmem>>, vector<1x16xf32>,
      %mul3A_1844 = arith.constant 16 : i32
      %mul3A_1845 = arith.muli %add3A_1540, %mul3A_1844 : i32
      %swap3A_1846 = arith.constant 0 : i32
      %swap3A_1847 = arith.index_cast %swap3A_1846 : i32 to index
      %swap3A_1848 = arith.index_cast %mul3A_1845 : i32 to index
      %swap3A_1849 = tpu.vector_load %arg7[%swap3A_1847, %swap3A_1848] {strides = array<i32>} : memref<2x1024xi32, #tpu.memory_space<vmem>>, vector<1x16xi32>,
      %swap3A_1850 = vector.shape_cast %swap3A_1849 : vector<1x16xi32> to vector<16xi32>
      %swap3A_1851 = vector.shape_cast %select_n3A_1633 : vector<16xi32> to vector<1x16xi32>
      tpu.vector_store %arg7[%swap3A_1847, %swap3A_1848], %swap3A_1851 {strides = array<i32>} : memref<2x1024xi32, #tpu.memory_space<vmem>>, vector<1x16xi32>,
      %mul3A_1852 = arith.constant 16 : i32
      %mul3A_1853 = arith.muli %add3A_1540, %mul3A_1852 : i32
      %swap3A_1854 = arith.constant 1 : i32
      %swap3A_1855 = arith.index_cast %swap3A_1854 : i32 to index
      %swap3A_1856 = arith.index_cast %mul3A_1853 : i32 to index
      %swap3A_1857 = tpu.vector_load %arg7[%swap3A_1855, %swap3A_1856] {strides = array<i32>} : memref<2x1024xi32, #tpu.memory_space<vmem>>, vector<1x16xi32>,
      %swap3A_1858 = vector.shape_cast %swap3A_1857 : vector<1x16xi32> to vector<16xi32>
      %swap3A_1859 = vector.shape_cast %select_n3A_1704 : vector<16xi32> to vector<1x16xi32>
      tpu.vector_store %arg7[%swap3A_1855, %swap3A_1856], %swap3A_1859 {strides = array<i32>} : memref<2x1024xi32, #tpu.memory_space<vmem>>, vector<1x16xi32>,
      %mul3A_1860 = arith.constant 8 : i32
      %mul3A_1861 = arith.muli %scan3A_254, %mul3A_1860 : i32
      %add3A_1862 = arith.constant 5 : i32
      %add3A_1863 = arith.addi %mul3A_1861, %add3A_1862 : i32
      %mul3A_1864 = arith.constant 16 : i32
      %mul3A_1865 = arith.muli %add3A_1863, %mul3A_1864 : i32
      %get3A_1866 = arith.constant 0 : i32
      %get3A_1867 = arith.index_cast %get3A_1866 : i32 to index
      %get3A_1868 = arith.index_cast %mul3A_1865 : i32 to index
      %get3A_1869 = tpu.vector_load %arg5[%get3A_1867, %get3A_1868] {strides = array<i32>} : memref<8x1024xf32, #tpu.memory_space<vmem>>, vector<1x16xf32>,
      %get3A_1870 = vector.shape_cast %get3A_1869 : vector<1x16xf32> to vector<16xf32>
      %mul3A_1871 = arith.constant 16 : i32
      %mul3A_1872 = arith.muli %add3A_1863, %mul3A_1871 : i32
      %get3A_1873 = arith.constant 1 : i32
      %get3A_1874 = arith.index_cast %get3A_1873 : i32 to index
      %get3A_1875 = arith.index_cast %mul3A_1872 : i32 to index
      %get3A_1876 = tpu.vector_load %arg5[%get3A_1874, %get3A_1875] {strides = array<i32>} : memref<8x1024xf32, #tpu.memory_space<vmem>>, vector<1x16xf32>,
      %get3A_1877 = vector.shape_cast %get3A_1876 : vector<1x16xf32> to vector<16xf32>
      %mul3A_1878 = arith.constant 16 : i32
      %mul3A_1879 = arith.muli %add3A_1863, %mul3A_1878 : i32
      %get3A_1880 = arith.constant 2 : i32
      %get3A_1881 = arith.index_cast %get3A_1880 : i32 to index
      %get3A_1882 = arith.index_cast %mul3A_1879 : i32 to index
      %get3A_1883 = tpu.vector_load %arg5[%get3A_1881, %get3A_1882] {strides = array<i32>} : memref<8x1024xf32, #tpu.memory_space<vmem>>, vector<1x16xf32>,
      %get3A_1884 = vector.shape_cast %get3A_1883 : vector<1x16xf32> to vector<16xf32>
      %mul3A_1885 = arith.constant 16 : i32
      %mul3A_1886 = arith.muli %add3A_1863, %mul3A_1885 : i32
      %get3A_1887 = arith.constant 3 : i32
      %get3A_1888 = arith.index_cast %get3A_1887 : i32 to index
      %get3A_1889 = arith.index_cast %mul3A_1886 : i32 to index
      %get3A_1890 = tpu.vector_load %arg5[%get3A_1888, %get3A_1889] {strides = array<i32>} : memref<8x1024xf32, #tpu.memory_space<vmem>>, vector<1x16xf32>,
      %get3A_1891 = vector.shape_cast %get3A_1890 : vector<1x16xf32> to vector<16xf32>
      %mul3A_1892 = arith.constant 16 : i32
      %mul3A_1893 = arith.muli %add3A_1863, %mul3A_1892 : i32
      %get3A_1894 = arith.constant 4 : i32
      %get3A_1895 = arith.index_cast %get3A_1894 : i32 to index
      %get3A_1896 = arith.index_cast %mul3A_1893 : i32 to index
      %get3A_1897 = tpu.vector_load %arg5[%get3A_1895, %get3A_1896] {strides = array<i32>} : memref<8x1024xf32, #tpu.memory_space<vmem>>, vector<1x16xf32>,
      %get3A_1898 = vector.shape_cast %get3A_1897 : vector<1x16xf32> to vector<16xf32>
      %mul3A_1899 = arith.constant 16 : i32
      %mul3A_1900 = arith.muli %add3A_1863, %mul3A_1899 : i32
      %get3A_1901 = arith.constant 5 : i32
      %get3A_1902 = arith.index_cast %get3A_1901 : i32 to index
      %get3A_1903 = arith.index_cast %mul3A_1900 : i32 to index
      %get3A_1904 = tpu.vector_load %arg5[%get3A_1902, %get3A_1903] {strides = array<i32>} : memref<8x1024xf32, #tpu.memory_space<vmem>>, vector<1x16xf32>,
      %get3A_1905 = vector.shape_cast %get3A_1904 : vector<1x16xf32> to vector<16xf32>
      %mul3A_1906 = arith.constant 16 : i32
      %mul3A_1907 = arith.muli %add3A_1863, %mul3A_1906 : i32
      %get3A_1908 = arith.constant 6 : i32
      %get3A_1909 = arith.index_cast %get3A_1908 : i32 to index
      %get3A_1910 = arith.index_cast %mul3A_1907 : i32 to index
      %get3A_1911 = tpu.vector_load %arg5[%get3A_1909, %get3A_1910] {strides = array<i32>} : memref<8x1024xf32, #tpu.memory_space<vmem>>, vector<1x16xf32>,
      %get3A_1912 = vector.shape_cast %get3A_1911 : vector<1x16xf32> to vector<16xf32>
      %mul3A_1913 = arith.constant 16 : i32
      %mul3A_1914 = arith.muli %add3A_1863, %mul3A_1913 : i32
      %get3A_1915 = arith.constant 7 : i32
      %get3A_1916 = arith.index_cast %get3A_1915 : i32 to index
      %get3A_1917 = arith.index_cast %mul3A_1914 : i32 to index
      %get3A_1918 = tpu.vector_load %arg5[%get3A_1916, %get3A_1917] {strides = array<i32>} : memref<8x1024xf32, #tpu.memory_space<vmem>>, vector<1x16xf32>,
      %get3A_1919 = vector.shape_cast %get3A_1918 : vector<1x16xf32> to vector<16xf32>
      %broadcast_in_dim3A_1920 = arith.constant 0 : i32
      %broadcast_in_dim3A_1921 = vector.broadcast %broadcast_in_dim3A_1920 : i32 to vector<16xi32>
      %gt3A_1922 = arith.cmpf ogt, %get3A_1877, %get3A_1870 : vector<16xf32>
      %select_n3A_1923 = arith.select %gt3A_1922, %get3A_1877, %get3A_1870 : vector<16xi1>, vector<16xf32>
      %jit3A_1924 = arith.constant 1 : i32
      %broadcast_in_dim3A_1925 = vector.broadcast %jit3A_1924 : i32 to vector<16xi32>
      %select_n3A_1926 = arith.select %gt3A_1922, %broadcast_in_dim3A_1925, %broadcast_in_dim3A_1921 : vector<16xi1>, vector<16xi32>
      %gt3A_1927 = arith.cmpf ogt, %get3A_1884, %select_n3A_1923 : vector<16xf32>
      %select_n3A_1928 = arith.select %gt3A_1927, %get3A_1884, %select_n3A_1923 : vector<16xi1>, vector<16xf32>
      %jit3A_1929 = arith.constant 2 : i32
      %broadcast_in_dim3A_1930 = vector.broadcast %jit3A_1929 : i32 to vector<16xi32>
      %select_n3A_1931 = arith.select %gt3A_1927, %broadcast_in_dim3A_1930, %select_n3A_1926 : vector<16xi1>, vector<16xi32>
      %gt3A_1932 = arith.cmpf ogt, %get3A_1891, %select_n3A_1928 : vector<16xf32>
      %select_n3A_1933 = arith.select %gt3A_1932, %get3A_1891, %select_n3A_1928 : vector<16xi1>, vector<16xf32>
      %jit3A_1934 = arith.constant 3 : i32
      %broadcast_in_dim3A_1935 = vector.broadcast %jit3A_1934 : i32 to vector<16xi32>
      %select_n3A_1936 = arith.select %gt3A_1932, %broadcast_in_dim3A_1935, %select_n3A_1931 : vector<16xi1>, vector<16xi32>
      %gt3A_1937 = arith.cmpf ogt, %get3A_1898, %select_n3A_1933 : vector<16xf32>
      %select_n3A_1938 = arith.select %gt3A_1937, %get3A_1898, %select_n3A_1933 : vector<16xi1>, vector<16xf32>
      %jit3A_1939 = arith.constant 4 : i32
      %broadcast_in_dim3A_1940 = vector.broadcast %jit3A_1939 : i32 to vector<16xi32>
      %select_n3A_1941 = arith.select %gt3A_1937, %broadcast_in_dim3A_1940, %select_n3A_1936 : vector<16xi1>, vector<16xi32>
      %gt3A_1942 = arith.cmpf ogt, %get3A_1905, %select_n3A_1938 : vector<16xf32>
      %select_n3A_1943 = arith.select %gt3A_1942, %get3A_1905, %select_n3A_1938 : vector<16xi1>, vector<16xf32>
      %jit3A_1944 = arith.constant 5 : i32
      %broadcast_in_dim3A_1945 = vector.broadcast %jit3A_1944 : i32 to vector<16xi32>
      %select_n3A_1946 = arith.select %gt3A_1942, %broadcast_in_dim3A_1945, %select_n3A_1941 : vector<16xi1>, vector<16xi32>
      %gt3A_1947 = arith.cmpf ogt, %get3A_1912, %select_n3A_1943 : vector<16xf32>
      %select_n3A_1948 = arith.select %gt3A_1947, %get3A_1912, %select_n3A_1943 : vector<16xi1>, vector<16xf32>
      %jit3A_1949 = arith.constant 6 : i32
      %broadcast_in_dim3A_1950 = vector.broadcast %jit3A_1949 : i32 to vector<16xi32>
      %select_n3A_1951 = arith.select %gt3A_1947, %broadcast_in_dim3A_1950, %select_n3A_1946 : vector<16xi1>, vector<16xi32>
      %gt3A_1952 = arith.cmpf ogt, %get3A_1919, %select_n3A_1948 : vector<16xf32>
      %select_n3A_1953 = arith.select %gt3A_1952, %get3A_1919, %select_n3A_1948 : vector<16xi1>, vector<16xf32>
      %jit3A_1954 = arith.constant 7 : i32
      %broadcast_in_dim3A_1955 = vector.broadcast %jit3A_1954 : i32 to vector<16xi32>
      %select_n3A_1956 = arith.select %gt3A_1952, %broadcast_in_dim3A_1955, %select_n3A_1951 : vector<16xi1>, vector<16xi32>
      %broadcast_in_dim3A_1957 = arith.constant 0xFF800000 : f32
      %broadcast_in_dim3A_1958 = vector.broadcast %broadcast_in_dim3A_1957 : f32 to vector<16xf32>
      %eq3A_1959 = arith.constant 0 : i32
      %eq3A_1960 = vector.broadcast %eq3A_1959 : i32 to vector<16xi32>
      %eq3A_1961 = arith.cmpi eq, %select_n3A_1956, %eq3A_1960 : vector<16xi32>
      %select_n3A_1962 = arith.select %eq3A_1961, %broadcast_in_dim3A_1958, %get3A_1870 : vector<16xi1>, vector<16xf32>
      %broadcast_in_dim3A_1963 = arith.constant 0 : i32
      %broadcast_in_dim3A_1964 = vector.broadcast %broadcast_in_dim3A_1963 : i32 to vector<16xi32>
      %eq3A_1965 = arith.constant 1 : i32
      %eq3A_1966 = vector.broadcast %eq3A_1965 : i32 to vector<16xi32>
      %eq3A_1967 = arith.cmpi eq, %select_n3A_1956, %eq3A_1966 : vector<16xi32>
      %select_n3A_1968 = arith.select %eq3A_1967, %broadcast_in_dim3A_1958, %get3A_1877 : vector<16xi1>, vector<16xf32>
      %gt3A_1969 = arith.cmpf ogt, %select_n3A_1968, %select_n3A_1962 : vector<16xf32>
      %select_n3A_1970 = arith.select %gt3A_1969, %select_n3A_1968, %select_n3A_1962 : vector<16xi1>, vector<16xf32>
      %jit3A_1971 = arith.constant 1 : i32
      %broadcast_in_dim3A_1972 = vector.broadcast %jit3A_1971 : i32 to vector<16xi32>
      %select_n3A_1973 = arith.select %gt3A_1969, %broadcast_in_dim3A_1972, %broadcast_in_dim3A_1964 : vector<16xi1>, vector<16xi32>
      %eq3A_1974 = arith.constant 2 : i32
      %eq3A_1975 = vector.broadcast %eq3A_1974 : i32 to vector<16xi32>
      %eq3A_1976 = arith.cmpi eq, %select_n3A_1956, %eq3A_1975 : vector<16xi32>
      %select_n3A_1977 = arith.select %eq3A_1976, %broadcast_in_dim3A_1958, %get3A_1884 : vector<16xi1>, vector<16xf32>
      %gt3A_1978 = arith.cmpf ogt, %select_n3A_1977, %select_n3A_1970 : vector<16xf32>
      %select_n3A_1979 = arith.select %gt3A_1978, %select_n3A_1977, %select_n3A_1970 : vector<16xi1>, vector<16xf32>
      %jit3A_1980 = arith.constant 2 : i32
      %broadcast_in_dim3A_1981 = vector.broadcast %jit3A_1980 : i32 to vector<16xi32>
      %select_n3A_1982 = arith.select %gt3A_1978, %broadcast_in_dim3A_1981, %select_n3A_1973 : vector<16xi1>, vector<16xi32>
      %eq3A_1983 = arith.constant 3 : i32
      %eq3A_1984 = vector.broadcast %eq3A_1983 : i32 to vector<16xi32>
      %eq3A_1985 = arith.cmpi eq, %select_n3A_1956, %eq3A_1984 : vector<16xi32>
      %select_n3A_1986 = arith.select %eq3A_1985, %broadcast_in_dim3A_1958, %get3A_1891 : vector<16xi1>, vector<16xf32>
      %gt3A_1987 = arith.cmpf ogt, %select_n3A_1986, %select_n3A_1979 : vector<16xf32>
      %select_n3A_1988 = arith.select %gt3A_1987, %select_n3A_1986, %select_n3A_1979 : vector<16xi1>, vector<16xf32>
      %jit3A_1989 = arith.constant 3 : i32
      %broadcast_in_dim3A_1990 = vector.broadcast %jit3A_1989 : i32 to vector<16xi32>
      %select_n3A_1991 = arith.select %gt3A_1987, %broadcast_in_dim3A_1990, %select_n3A_1982 : vector<16xi1>, vector<16xi32>
      %eq3A_1992 = arith.constant 4 : i32
      %eq3A_1993 = vector.broadcast %eq3A_1992 : i32 to vector<16xi32>
      %eq3A_1994 = arith.cmpi eq, %select_n3A_1956, %eq3A_1993 : vector<16xi32>
      %select_n3A_1995 = arith.select %eq3A_1994, %broadcast_in_dim3A_1958, %get3A_1898 : vector<16xi1>, vector<16xf32>
      %gt3A_1996 = arith.cmpf ogt, %select_n3A_1995, %select_n3A_1988 : vector<16xf32>
      %select_n3A_1997 = arith.select %gt3A_1996, %select_n3A_1995, %select_n3A_1988 : vector<16xi1>, vector<16xf32>
      %jit3A_1998 = arith.constant 4 : i32
      %broadcast_in_dim3A_1999 = vector.broadcast %jit3A_1998 : i32 to vector<16xi32>
      %select_n3A_2000 = arith.select %gt3A_1996, %broadcast_in_dim3A_1999, %select_n3A_1991 : vector<16xi1>, vector<16xi32>
      %eq3A_2001 = arith.constant 5 : i32
      %eq3A_2002 = vector.broadcast %eq3A_2001 : i32 to vector<16xi32>
      %eq3A_2003 = arith.cmpi eq, %select_n3A_1956, %eq3A_2002 : vector<16xi32>
      %select_n3A_2004 = arith.select %eq3A_2003, %broadcast_in_dim3A_1958, %get3A_1905 : vector<16xi1>, vector<16xf32>
      %gt3A_2005 = arith.cmpf ogt, %select_n3A_2004, %select_n3A_1997 : vector<16xf32>
      %select_n3A_2006 = arith.select %gt3A_2005, %select_n3A_2004, %select_n3A_1997 : vector<16xi1>, vector<16xf32>
      %jit3A_2007 = arith.constant 5 : i32
      %broadcast_in_dim3A_2008 = vector.broadcast %jit3A_2007 : i32 to vector<16xi32>
      %select_n3A_2009 = arith.select %gt3A_2005, %broadcast_in_dim3A_2008, %select_n3A_2000 : vector<16xi1>, vector<16xi32>
      %eq3A_2010 = arith.constant 6 : i32
      %eq3A_2011 = vector.broadcast %eq3A_2010 : i32 to vector<16xi32>
      %eq3A_2012 = arith.cmpi eq, %select_n3A_1956, %eq3A_2011 : vector<16xi32>
      %select_n3A_2013 = arith.select %eq3A_2012, %broadcast_in_dim3A_1958, %get3A_1912 : vector<16xi1>, vector<16xf32>
      %gt3A_2014 = arith.cmpf ogt, %select_n3A_2013, %select_n3A_2006 : vector<16xf32>
      %select_n3A_2015 = arith.select %gt3A_2014, %select_n3A_2013, %select_n3A_2006 : vector<16xi1>, vector<16xf32>
      %jit3A_2016 = arith.constant 6 : i32
      %broadcast_in_dim3A_2017 = vector.broadcast %jit3A_2016 : i32 to vector<16xi32>
      %select_n3A_2018 = arith.select %gt3A_2014, %broadcast_in_dim3A_2017, %select_n3A_2009 : vector<16xi1>, vector<16xi32>
      %eq3A_2019 = arith.constant 7 : i32
      %eq3A_2020 = vector.broadcast %eq3A_2019 : i32 to vector<16xi32>
      %eq3A_2021 = arith.cmpi eq, %select_n3A_1956, %eq3A_2020 : vector<16xi32>
      %select_n3A_2022 = arith.select %eq3A_2021, %broadcast_in_dim3A_1958, %get3A_1919 : vector<16xi1>, vector<16xf32>
      %gt3A_2023 = arith.cmpf ogt, %select_n3A_2022, %select_n3A_2015 : vector<16xf32>
      %select_n3A_2024 = arith.select %gt3A_2023, %select_n3A_2022, %select_n3A_2015 : vector<16xi1>, vector<16xf32>
      %jit3A_2025 = arith.constant 7 : i32
      %broadcast_in_dim3A_2026 = vector.broadcast %jit3A_2025 : i32 to vector<16xi32>
      %select_n3A_2027 = arith.select %gt3A_2023, %broadcast_in_dim3A_2026, %select_n3A_2018 : vector<16xi1>, vector<16xi32>
      %sub3A_2028 = arith.subf %select_n3A_2024, %select_n3A_1953 : vector<16xf32>
      %exp3A_2029 = math.exp %sub3A_2028 : vector<16xf32>
      %add3A_2030 = arith.constant 1.000000e+00 : f32
      %add3A_2031 = vector.broadcast %add3A_2030 : f32 to vector<16xf32>
      %add3A_2032 = arith.addf %add3A_2031, %exp3A_2029 : vector<16xf32>
      %div3A_2033 = arith.constant 1.000000e+00 : f32
      %div3A_2034 = vector.broadcast %div3A_2033 : f32 to vector<16xf32>
      %div3A_2035 = arith.divf %div3A_2034, %add3A_2032 : vector<16xf32>
      %mul3A_2036 = arith.mulf %exp3A_2029, %div3A_2035 : vector<16xf32>
      %broadcast_in_dim3A_2037 = arith.constant 0.000000e+00 : f32
      %broadcast_in_dim3A_2038 = vector.broadcast %broadcast_in_dim3A_2037 : f32 to vector<16xf32>
      %eq3A_2039 = arith.constant 0 : i32
      %eq3A_2040 = vector.broadcast %eq3A_2039 : i32 to vector<16xi32>
      %eq3A_2041 = arith.cmpi eq, %select_n3A_1956, %eq3A_2040 : vector<16xi32>
      %eq3A_2042 = arith.constant 0 : i32
      %eq3A_2043 = vector.broadcast %eq3A_2042 : i32 to vector<16xi32>
      %eq3A_2044 = arith.cmpi eq, %select_n3A_2027, %eq3A_2043 : vector<16xi32>
      %select_n3A_2045 = arith.select %eq3A_2044, %mul3A_2036, %broadcast_in_dim3A_2038 : vector<16xi1>, vector<16xf32>
      %select_n3A_2046 = arith.select %eq3A_2041, %div3A_2035, %select_n3A_2045 : vector<16xi1>, vector<16xf32>
      %mul3A_2047 = arith.constant 16 : i32
      %mul3A_2048 = arith.muli %add3A_1863, %mul3A_2047 : i32
      %swap3A_2049 = arith.constant 0 : i32
      %swap3A_2050 = arith.index_cast %swap3A_2049 : i32 to index
      %swap3A_2051 = arith.index_cast %mul3A_2048 : i32 to index
      %swap3A_2052 = tpu.vector_load %arg6[%swap3A_2050, %swap3A_2051] {strides = array<i32>} : memref<8x1024xf32, #tpu.memory_space<vmem>>, vector<1x16xf32>,
      %swap3A_2053 = vector.shape_cast %swap3A_2052 : vector<1x16xf32> to vector<16xf32>
      %swap3A_2054 = vector.shape_cast %select_n3A_2046 : vector<16xf32> to vector<1x16xf32>
      tpu.vector_store %arg6[%swap3A_2050, %swap3A_2051], %swap3A_2054 {strides = array<i32>} : memref<8x1024xf32, #tpu.memory_space<vmem>>, vector<1x16xf32>,
      %eq3A_2055 = arith.constant 1 : i32
      %eq3A_2056 = vector.broadcast %eq3A_2055 : i32 to vector<16xi32>
      %eq3A_2057 = arith.cmpi eq, %select_n3A_1956, %eq3A_2056 : vector<16xi32>
      %eq3A_2058 = arith.constant 1 : i32
      %eq3A_2059 = vector.broadcast %eq3A_2058 : i32 to vector<16xi32>
      %eq3A_2060 = arith.cmpi eq, %select_n3A_2027, %eq3A_2059 : vector<16xi32>
      %select_n3A_2061 = arith.select %eq3A_2060, %mul3A_2036, %broadcast_in_dim3A_2038 : vector<16xi1>, vector<16xf32>
      %select_n3A_2062 = arith.select %eq3A_2057, %div3A_2035, %select_n3A_2061 : vector<16xi1>, vector<16xf32>
      %mul3A_2063 = arith.constant 16 : i32
      %mul3A_2064 = arith.muli %add3A_1863, %mul3A_2063 : i32
      %swap3A_2065 = arith.constant 1 : i32
      %swap3A_2066 = arith.index_cast %swap3A_2065 : i32 to index
      %swap3A_2067 = arith.index_cast %mul3A_2064 : i32 to index
      %swap3A_2068 = tpu.vector_load %arg6[%swap3A_2066, %swap3A_2067] {strides = array<i32>} : memref<8x1024xf32, #tpu.memory_space<vmem>>, vector<1x16xf32>,
      %swap3A_2069 = vector.shape_cast %swap3A_2068 : vector<1x16xf32> to vector<16xf32>
      %swap3A_2070 = vector.shape_cast %select_n3A_2062 : vector<16xf32> to vector<1x16xf32>
      tpu.vector_store %arg6[%swap3A_2066, %swap3A_2067], %swap3A_2070 {strides = array<i32>} : memref<8x1024xf32, #tpu.memory_space<vmem>>, vector<1x16xf32>,
      %eq3A_2071 = arith.constant 2 : i32
      %eq3A_2072 = vector.broadcast %eq3A_2071 : i32 to vector<16xi32>
      %eq3A_2073 = arith.cmpi eq, %select_n3A_1956, %eq3A_2072 : vector<16xi32>
      %eq3A_2074 = arith.constant 2 : i32
      %eq3A_2075 = vector.broadcast %eq3A_2074 : i32 to vector<16xi32>
      %eq3A_2076 = arith.cmpi eq, %select_n3A_2027, %eq3A_2075 : vector<16xi32>
      %select_n3A_2077 = arith.select %eq3A_2076, %mul3A_2036, %broadcast_in_dim3A_2038 : vector<16xi1>, vector<16xf32>
      %select_n3A_2078 = arith.select %eq3A_2073, %div3A_2035, %select_n3A_2077 : vector<16xi1>, vector<16xf32>
      %mul3A_2079 = arith.constant 16 : i32
      %mul3A_2080 = arith.muli %add3A_1863, %mul3A_2079 : i32
      %swap3A_2081 = arith.constant 2 : i32
      %swap3A_2082 = arith.index_cast %swap3A_2081 : i32 to index
      %swap3A_2083 = arith.index_cast %mul3A_2080 : i32 to index
      %swap3A_2084 = tpu.vector_load %arg6[%swap3A_2082, %swap3A_2083] {strides = array<i32>} : memref<8x1024xf32, #tpu.memory_space<vmem>>, vector<1x16xf32>,
      %swap3A_2085 = vector.shape_cast %swap3A_2084 : vector<1x16xf32> to vector<16xf32>
      %swap3A_2086 = vector.shape_cast %select_n3A_2078 : vector<16xf32> to vector<1x16xf32>
      tpu.vector_store %arg6[%swap3A_2082, %swap3A_2083], %swap3A_2086 {strides = array<i32>} : memref<8x1024xf32, #tpu.memory_space<vmem>>, vector<1x16xf32>,
      %eq3A_2087 = arith.constant 3 : i32
      %eq3A_2088 = vector.broadcast %eq3A_2087 : i32 to vector<16xi32>
      %eq3A_2089 = arith.cmpi eq, %select_n3A_1956, %eq3A_2088 : vector<16xi32>
      %eq3A_2090 = arith.constant 3 : i32
      %eq3A_2091 = vector.broadcast %eq3A_2090 : i32 to vector<16xi32>
      %eq3A_2092 = arith.cmpi eq, %select_n3A_2027, %eq3A_2091 : vector<16xi32>
      %select_n3A_2093 = arith.select %eq3A_2092, %mul3A_2036, %broadcast_in_dim3A_2038 : vector<16xi1>, vector<16xf32>
      %select_n3A_2094 = arith.select %eq3A_2089, %div3A_2035, %select_n3A_2093 : vector<16xi1>, vector<16xf32>
      %mul3A_2095 = arith.constant 16 : i32
      %mul3A_2096 = arith.muli %add3A_1863, %mul3A_2095 : i32
      %swap3A_2097 = arith.constant 3 : i32
      %swap3A_2098 = arith.index_cast %swap3A_2097 : i32 to index
      %swap3A_2099 = arith.index_cast %mul3A_2096 : i32 to index
      %swap3A_2100 = tpu.vector_load %arg6[%swap3A_2098, %swap3A_2099] {strides = array<i32>} : memref<8x1024xf32, #tpu.memory_space<vmem>>, vector<1x16xf32>,
      %swap3A_2101 = vector.shape_cast %swap3A_2100 : vector<1x16xf32> to vector<16xf32>
      %swap3A_2102 = vector.shape_cast %select_n3A_2094 : vector<16xf32> to vector<1x16xf32>
      tpu.vector_store %arg6[%swap3A_2098, %swap3A_2099], %swap3A_2102 {strides = array<i32>} : memref<8x1024xf32, #tpu.memory_space<vmem>>, vector<1x16xf32>,
      %eq3A_2103 = arith.constant 4 : i32
      %eq3A_2104 = vector.broadcast %eq3A_2103 : i32 to vector<16xi32>
      %eq3A_2105 = arith.cmpi eq, %select_n3A_1956, %eq3A_2104 : vector<16xi32>
      %eq3A_2106 = arith.constant 4 : i32
      %eq3A_2107 = vector.broadcast %eq3A_2106 : i32 to vector<16xi32>
      %eq3A_2108 = arith.cmpi eq, %select_n3A_2027, %eq3A_2107 : vector<16xi32>
      %select_n3A_2109 = arith.select %eq3A_2108, %mul3A_2036, %broadcast_in_dim3A_2038 : vector<16xi1>, vector<16xf32>
      %select_n3A_2110 = arith.select %eq3A_2105, %div3A_2035, %select_n3A_2109 : vector<16xi1>, vector<16xf32>
      %mul3A_2111 = arith.constant 16 : i32
      %mul3A_2112 = arith.muli %add3A_1863, %mul3A_2111 : i32
      %swap3A_2113 = arith.constant 4 : i32
      %swap3A_2114 = arith.index_cast %swap3A_2113 : i32 to index
      %swap3A_2115 = arith.index_cast %mul3A_2112 : i32 to index
      %swap3A_2116 = tpu.vector_load %arg6[%swap3A_2114, %swap3A_2115] {strides = array<i32>} : memref<8x1024xf32, #tpu.memory_space<vmem>>, vector<1x16xf32>,
      %swap3A_2117 = vector.shape_cast %swap3A_2116 : vector<1x16xf32> to vector<16xf32>
      %swap3A_2118 = vector.shape_cast %select_n3A_2110 : vector<16xf32> to vector<1x16xf32>
      tpu.vector_store %arg6[%swap3A_2114, %swap3A_2115], %swap3A_2118 {strides = array<i32>} : memref<8x1024xf32, #tpu.memory_space<vmem>>, vector<1x16xf32>,
      %eq3A_2119 = arith.constant 5 : i32
      %eq3A_2120 = vector.broadcast %eq3A_2119 : i32 to vector<16xi32>
      %eq3A_2121 = arith.cmpi eq, %select_n3A_1956, %eq3A_2120 : vector<16xi32>
      %eq3A_2122 = arith.constant 5 : i32
      %eq3A_2123 = vector.broadcast %eq3A_2122 : i32 to vector<16xi32>
      %eq3A_2124 = arith.cmpi eq, %select_n3A_2027, %eq3A_2123 : vector<16xi32>
      %select_n3A_2125 = arith.select %eq3A_2124, %mul3A_2036, %broadcast_in_dim3A_2038 : vector<16xi1>, vector<16xf32>
      %select_n3A_2126 = arith.select %eq3A_2121, %div3A_2035, %select_n3A_2125 : vector<16xi1>, vector<16xf32>
      %mul3A_2127 = arith.constant 16 : i32
      %mul3A_2128 = arith.muli %add3A_1863, %mul3A_2127 : i32
      %swap3A_2129 = arith.constant 5 : i32
      %swap3A_2130 = arith.index_cast %swap3A_2129 : i32 to index
      %swap3A_2131 = arith.index_cast %mul3A_2128 : i32 to index
      %swap3A_2132 = tpu.vector_load %arg6[%swap3A_2130, %swap3A_2131] {strides = array<i32>} : memref<8x1024xf32, #tpu.memory_space<vmem>>, vector<1x16xf32>,
      %swap3A_2133 = vector.shape_cast %swap3A_2132 : vector<1x16xf32> to vector<16xf32>
      %swap3A_2134 = vector.shape_cast %select_n3A_2126 : vector<16xf32> to vector<1x16xf32>
      tpu.vector_store %arg6[%swap3A_2130, %swap3A_2131], %swap3A_2134 {strides = array<i32>} : memref<8x1024xf32, #tpu.memory_space<vmem>>, vector<1x16xf32>,
      %eq3A_2135 = arith.constant 6 : i32
      %eq3A_2136 = vector.broadcast %eq3A_2135 : i32 to vector<16xi32>
      %eq3A_2137 = arith.cmpi eq, %select_n3A_1956, %eq3A_2136 : vector<16xi32>
      %eq3A_2138 = arith.constant 6 : i32
      %eq3A_2139 = vector.broadcast %eq3A_2138 : i32 to vector<16xi32>
      %eq3A_2140 = arith.cmpi eq, %select_n3A_2027, %eq3A_2139 : vector<16xi32>
      %select_n3A_2141 = arith.select %eq3A_2140, %mul3A_2036, %broadcast_in_dim3A_2038 : vector<16xi1>, vector<16xf32>
      %select_n3A_2142 = arith.select %eq3A_2137, %div3A_2035, %select_n3A_2141 : vector<16xi1>, vector<16xf32>
      %mul3A_2143 = arith.constant 16 : i32
      %mul3A_2144 = arith.muli %add3A_1863, %mul3A_2143 : i32
      %swap3A_2145 = arith.constant 6 : i32
      %swap3A_2146 = arith.index_cast %swap3A_2145 : i32 to index
      %swap3A_2147 = arith.index_cast %mul3A_2144 : i32 to index
      %swap3A_2148 = tpu.vector_load %arg6[%swap3A_2146, %swap3A_2147] {strides = array<i32>} : memref<8x1024xf32, #tpu.memory_space<vmem>>, vector<1x16xf32>,
      %swap3A_2149 = vector.shape_cast %swap3A_2148 : vector<1x16xf32> to vector<16xf32>
      %swap3A_2150 = vector.shape_cast %select_n3A_2142 : vector<16xf32> to vector<1x16xf32>
      tpu.vector_store %arg6[%swap3A_2146, %swap3A_2147], %swap3A_2150 {strides = array<i32>} : memref<8x1024xf32, #tpu.memory_space<vmem>>, vector<1x16xf32>,
      %eq3A_2151 = arith.constant 7 : i32
      %eq3A_2152 = vector.broadcast %eq3A_2151 : i32 to vector<16xi32>
      %eq3A_2153 = arith.cmpi eq, %select_n3A_1956, %eq3A_2152 : vector<16xi32>
      %eq3A_2154 = arith.constant 7 : i32
      %eq3A_2155 = vector.broadcast %eq3A_2154 : i32 to vector<16xi32>
      %eq3A_2156 = arith.cmpi eq, %select_n3A_2027, %eq3A_2155 : vector<16xi32>
      %select_n3A_2157 = arith.select %eq3A_2156, %mul3A_2036, %broadcast_in_dim3A_2038 : vector<16xi1>, vector<16xf32>
      %select_n3A_2158 = arith.select %eq3A_2153, %div3A_2035, %select_n3A_2157 : vector<16xi1>, vector<16xf32>
      %mul3A_2159 = arith.constant 16 : i32
      %mul3A_2160 = arith.muli %add3A_1863, %mul3A_2159 : i32
      %swap3A_2161 = arith.constant 7 : i32
      %swap3A_2162 = arith.index_cast %swap3A_2161 : i32 to index
      %swap3A_2163 = arith.index_cast %mul3A_2160 : i32 to index
      %swap3A_2164 = tpu.vector_load %arg6[%swap3A_2162, %swap3A_2163] {strides = array<i32>} : memref<8x1024xf32, #tpu.memory_space<vmem>>, vector<1x16xf32>,
      %swap3A_2165 = vector.shape_cast %swap3A_2164 : vector<1x16xf32> to vector<16xf32>
      %swap3A_2166 = vector.shape_cast %select_n3A_2158 : vector<16xf32> to vector<1x16xf32>
      tpu.vector_store %arg6[%swap3A_2162, %swap3A_2163], %swap3A_2166 {strides = array<i32>} : memref<8x1024xf32, #tpu.memory_space<vmem>>, vector<1x16xf32>,
      %mul3A_2167 = arith.constant 16 : i32
      %mul3A_2168 = arith.muli %add3A_1863, %mul3A_2167 : i32
      %swap3A_2169 = arith.constant 0 : i32
      %swap3A_2170 = arith.index_cast %swap3A_2169 : i32 to index
      %swap3A_2171 = arith.index_cast %mul3A_2168 : i32 to index
      %swap3A_2172 = tpu.vector_load %arg7[%swap3A_2170, %swap3A_2171] {strides = array<i32>} : memref<2x1024xi32, #tpu.memory_space<vmem>>, vector<1x16xi32>,
      %swap3A_2173 = vector.shape_cast %swap3A_2172 : vector<1x16xi32> to vector<16xi32>
      %swap3A_2174 = vector.shape_cast %select_n3A_1956 : vector<16xi32> to vector<1x16xi32>
      tpu.vector_store %arg7[%swap3A_2170, %swap3A_2171], %swap3A_2174 {strides = array<i32>} : memref<2x1024xi32, #tpu.memory_space<vmem>>, vector<1x16xi32>,
      %mul3A_2175 = arith.constant 16 : i32
      %mul3A_2176 = arith.muli %add3A_1863, %mul3A_2175 : i32
      %swap3A_2177 = arith.constant 1 : i32
      %swap3A_2178 = arith.index_cast %swap3A_2177 : i32 to index
      %swap3A_2179 = arith.index_cast %mul3A_2176 : i32 to index
      %swap3A_2180 = tpu.vector_load %arg7[%swap3A_2178, %swap3A_2179] {strides = array<i32>} : memref<2x1024xi32, #tpu.memory_space<vmem>>, vector<1x16xi32>,
      %swap3A_2181 = vector.shape_cast %swap3A_2180 : vector<1x16xi32> to vector<16xi32>
      %swap3A_2182 = vector.shape_cast %select_n3A_2027 : vector<16xi32> to vector<1x16xi32>
      tpu.vector_store %arg7[%swap3A_2178, %swap3A_2179], %swap3A_2182 {strides = array<i32>} : memref<2x1024xi32, #tpu.memory_space<vmem>>, vector<1x16xi32>,
      %mul3A_2183 = arith.constant 8 : i32
      %mul3A_2184 = arith.muli %scan3A_254, %mul3A_2183 : i32
      %add3A_2185 = arith.constant 6 : i32
      %add3A_2186 = arith.addi %mul3A_2184, %add3A_2185 : i32
      %mul3A_2187 = arith.constant 16 : i32
      %mul3A_2188 = arith.muli %add3A_2186, %mul3A_2187 : i32
      %get3A_2189 = arith.constant 0 : i32
      %get3A_2190 = arith.index_cast %get3A_2189 : i32 to index
      %get3A_2191 = arith.index_cast %mul3A_2188 : i32 to index
      %get3A_2192 = tpu.vector_load %arg5[%get3A_2190, %get3A_2191] {strides = array<i32>} : memref<8x1024xf32, #tpu.memory_space<vmem>>, vector<1x16xf32>,
      %get3A_2193 = vector.shape_cast %get3A_2192 : vector<1x16xf32> to vector<16xf32>
      %mul3A_2194 = arith.constant 16 : i32
      %mul3A_2195 = arith.muli %add3A_2186, %mul3A_2194 : i32
      %get3A_2196 = arith.constant 1 : i32
      %get3A_2197 = arith.index_cast %get3A_2196 : i32 to index
      %get3A_2198 = arith.index_cast %mul3A_2195 : i32 to index
      %get3A_2199 = tpu.vector_load %arg5[%get3A_2197, %get3A_2198] {strides = array<i32>} : memref<8x1024xf32, #tpu.memory_space<vmem>>, vector<1x16xf32>,
      %get3A_2200 = vector.shape_cast %get3A_2199 : vector<1x16xf32> to vector<16xf32>
      %mul3A_2201 = arith.constant 16 : i32
      %mul3A_2202 = arith.muli %add3A_2186, %mul3A_2201 : i32
      %get3A_2203 = arith.constant 2 : i32
      %get3A_2204 = arith.index_cast %get3A_2203 : i32 to index
      %get3A_2205 = arith.index_cast %mul3A_2202 : i32 to index
      %get3A_2206 = tpu.vector_load %arg5[%get3A_2204, %get3A_2205] {strides = array<i32>} : memref<8x1024xf32, #tpu.memory_space<vmem>>, vector<1x16xf32>,
      %get3A_2207 = vector.shape_cast %get3A_2206 : vector<1x16xf32> to vector<16xf32>
      %mul3A_2208 = arith.constant 16 : i32
      %mul3A_2209 = arith.muli %add3A_2186, %mul3A_2208 : i32
      %get3A_2210 = arith.constant 3 : i32
      %get3A_2211 = arith.index_cast %get3A_2210 : i32 to index
      %get3A_2212 = arith.index_cast %mul3A_2209 : i32 to index
      %get3A_2213 = tpu.vector_load %arg5[%get3A_2211, %get3A_2212] {strides = array<i32>} : memref<8x1024xf32, #tpu.memory_space<vmem>>, vector<1x16xf32>,
      %get3A_2214 = vector.shape_cast %get3A_2213 : vector<1x16xf32> to vector<16xf32>
      %mul3A_2215 = arith.constant 16 : i32
      %mul3A_2216 = arith.muli %add3A_2186, %mul3A_2215 : i32
      %get3A_2217 = arith.constant 4 : i32
      %get3A_2218 = arith.index_cast %get3A_2217 : i32 to index
      %get3A_2219 = arith.index_cast %mul3A_2216 : i32 to index
      %get3A_2220 = tpu.vector_load %arg5[%get3A_2218, %get3A_2219] {strides = array<i32>} : memref<8x1024xf32, #tpu.memory_space<vmem>>, vector<1x16xf32>,
      %get3A_2221 = vector.shape_cast %get3A_2220 : vector<1x16xf32> to vector<16xf32>
      %mul3A_2222 = arith.constant 16 : i32
      %mul3A_2223 = arith.muli %add3A_2186, %mul3A_2222 : i32
      %get3A_2224 = arith.constant 5 : i32
      %get3A_2225 = arith.index_cast %get3A_2224 : i32 to index
      %get3A_2226 = arith.index_cast %mul3A_2223 : i32 to index
      %get3A_2227 = tpu.vector_load %arg5[%get3A_2225, %get3A_2226] {strides = array<i32>} : memref<8x1024xf32, #tpu.memory_space<vmem>>, vector<1x16xf32>,
      %get3A_2228 = vector.shape_cast %get3A_2227 : vector<1x16xf32> to vector<16xf32>
      %mul3A_2229 = arith.constant 16 : i32
      %mul3A_2230 = arith.muli %add3A_2186, %mul3A_2229 : i32
      %get3A_2231 = arith.constant 6 : i32
      %get3A_2232 = arith.index_cast %get3A_2231 : i32 to index
      %get3A_2233 = arith.index_cast %mul3A_2230 : i32 to index
      %get3A_2234 = tpu.vector_load %arg5[%get3A_2232, %get3A_2233] {strides = array<i32>} : memref<8x1024xf32, #tpu.memory_space<vmem>>, vector<1x16xf32>,
      %get3A_2235 = vector.shape_cast %get3A_2234 : vector<1x16xf32> to vector<16xf32>
      %mul3A_2236 = arith.constant 16 : i32
      %mul3A_2237 = arith.muli %add3A_2186, %mul3A_2236 : i32
      %get3A_2238 = arith.constant 7 : i32
      %get3A_2239 = arith.index_cast %get3A_2238 : i32 to index
      %get3A_2240 = arith.index_cast %mul3A_2237 : i32 to index
      %get3A_2241 = tpu.vector_load %arg5[%get3A_2239, %get3A_2240] {strides = array<i32>} : memref<8x1024xf32, #tpu.memory_space<vmem>>, vector<1x16xf32>,
      %get3A_2242 = vector.shape_cast %get3A_2241 : vector<1x16xf32> to vector<16xf32>
      %broadcast_in_dim3A_2243 = arith.constant 0 : i32
      %broadcast_in_dim3A_2244 = vector.broadcast %broadcast_in_dim3A_2243 : i32 to vector<16xi32>
      %gt3A_2245 = arith.cmpf ogt, %get3A_2200, %get3A_2193 : vector<16xf32>
      %select_n3A_2246 = arith.select %gt3A_2245, %get3A_2200, %get3A_2193 : vector<16xi1>, vector<16xf32>
      %jit3A_2247 = arith.constant 1 : i32
      %broadcast_in_dim3A_2248 = vector.broadcast %jit3A_2247 : i32 to vector<16xi32>
      %select_n3A_2249 = arith.select %gt3A_2245, %broadcast_in_dim3A_2248, %broadcast_in_dim3A_2244 : vector<16xi1>, vector<16xi32>
      %gt3A_2250 = arith.cmpf ogt, %get3A_2207, %select_n3A_2246 : vector<16xf32>
      %select_n3A_2251 = arith.select %gt3A_2250, %get3A_2207, %select_n3A_2246 : vector<16xi1>, vector<16xf32>
      %jit3A_2252 = arith.constant 2 : i32
      %broadcast_in_dim3A_2253 = vector.broadcast %jit3A_2252 : i32 to vector<16xi32>
      %select_n3A_2254 = arith.select %gt3A_2250, %broadcast_in_dim3A_2253, %select_n3A_2249 : vector<16xi1>, vector<16xi32>
      %gt3A_2255 = arith.cmpf ogt, %get3A_2214, %select_n3A_2251 : vector<16xf32>
      %select_n3A_2256 = arith.select %gt3A_2255, %get3A_2214, %select_n3A_2251 : vector<16xi1>, vector<16xf32>
      %jit3A_2257 = arith.constant 3 : i32
      %broadcast_in_dim3A_2258 = vector.broadcast %jit3A_2257 : i32 to vector<16xi32>
      %select_n3A_2259 = arith.select %gt3A_2255, %broadcast_in_dim3A_2258, %select_n3A_2254 : vector<16xi1>, vector<16xi32>
      %gt3A_2260 = arith.cmpf ogt, %get3A_2221, %select_n3A_2256 : vector<16xf32>
      %select_n3A_2261 = arith.select %gt3A_2260, %get3A_2221, %select_n3A_2256 : vector<16xi1>, vector<16xf32>
      %jit3A_2262 = arith.constant 4 : i32
      %broadcast_in_dim3A_2263 = vector.broadcast %jit3A_2262 : i32 to vector<16xi32>
      %select_n3A_2264 = arith.select %gt3A_2260, %broadcast_in_dim3A_2263, %select_n3A_2259 : vector<16xi1>, vector<16xi32>
      %gt3A_2265 = arith.cmpf ogt, %get3A_2228, %select_n3A_2261 : vector<16xf32>
      %select_n3A_2266 = arith.select %gt3A_2265, %get3A_2228, %select_n3A_2261 : vector<16xi1>, vector<16xf32>
      %jit3A_2267 = arith.constant 5 : i32
      %broadcast_in_dim3A_2268 = vector.broadcast %jit3A_2267 : i32 to vector<16xi32>
      %select_n3A_2269 = arith.select %gt3A_2265, %broadcast_in_dim3A_2268, %select_n3A_2264 : vector<16xi1>, vector<16xi32>
      %gt3A_2270 = arith.cmpf ogt, %get3A_2235, %select_n3A_2266 : vector<16xf32>
      %select_n3A_2271 = arith.select %gt3A_2270, %get3A_2235, %select_n3A_2266 : vector<16xi1>, vector<16xf32>
      %jit3A_2272 = arith.constant 6 : i32
      %broadcast_in_dim3A_2273 = vector.broadcast %jit3A_2272 : i32 to vector<16xi32>
      %select_n3A_2274 = arith.select %gt3A_2270, %broadcast_in_dim3A_2273, %select_n3A_2269 : vector<16xi1>, vector<16xi32>
      %gt3A_2275 = arith.cmpf ogt, %get3A_2242, %select_n3A_2271 : vector<16xf32>
      %select_n3A_2276 = arith.select %gt3A_2275, %get3A_2242, %select_n3A_2271 : vector<16xi1>, vector<16xf32>
      %jit3A_2277 = arith.constant 7 : i32
      %broadcast_in_dim3A_2278 = vector.broadcast %jit3A_2277 : i32 to vector<16xi32>
      %select_n3A_2279 = arith.select %gt3A_2275, %broadcast_in_dim3A_2278, %select_n3A_2274 : vector<16xi1>, vector<16xi32>
      %broadcast_in_dim3A_2280 = arith.constant 0xFF800000 : f32
      %broadcast_in_dim3A_2281 = vector.broadcast %broadcast_in_dim3A_2280 : f32 to vector<16xf32>
      %eq3A_2282 = arith.constant 0 : i32
      %eq3A_2283 = vector.broadcast %eq3A_2282 : i32 to vector<16xi32>
      %eq3A_2284 = arith.cmpi eq, %select_n3A_2279, %eq3A_2283 : vector<16xi32>
      %select_n3A_2285 = arith.select %eq3A_2284, %broadcast_in_dim3A_2281, %get3A_2193 : vector<16xi1>, vector<16xf32>
      %broadcast_in_dim3A_2286 = arith.constant 0 : i32
      %broadcast_in_dim3A_2287 = vector.broadcast %broadcast_in_dim3A_2286 : i32 to vector<16xi32>
      %eq3A_2288 = arith.constant 1 : i32
      %eq3A_2289 = vector.broadcast %eq3A_2288 : i32 to vector<16xi32>
      %eq3A_2290 = arith.cmpi eq, %select_n3A_2279, %eq3A_2289 : vector<16xi32>
      %select_n3A_2291 = arith.select %eq3A_2290, %broadcast_in_dim3A_2281, %get3A_2200 : vector<16xi1>, vector<16xf32>
      %gt3A_2292 = arith.cmpf ogt, %select_n3A_2291, %select_n3A_2285 : vector<16xf32>
      %select_n3A_2293 = arith.select %gt3A_2292, %select_n3A_2291, %select_n3A_2285 : vector<16xi1>, vector<16xf32>
      %jit3A_2294 = arith.constant 1 : i32
      %broadcast_in_dim3A_2295 = vector.broadcast %jit3A_2294 : i32 to vector<16xi32>
      %select_n3A_2296 = arith.select %gt3A_2292, %broadcast_in_dim3A_2295, %broadcast_in_dim3A_2287 : vector<16xi1>, vector<16xi32>
      %eq3A_2297 = arith.constant 2 : i32
      %eq3A_2298 = vector.broadcast %eq3A_2297 : i32 to vector<16xi32>
      %eq3A_2299 = arith.cmpi eq, %select_n3A_2279, %eq3A_2298 : vector<16xi32>
      %select_n3A_2300 = arith.select %eq3A_2299, %broadcast_in_dim3A_2281, %get3A_2207 : vector<16xi1>, vector<16xf32>
      %gt3A_2301 = arith.cmpf ogt, %select_n3A_2300, %select_n3A_2293 : vector<16xf32>
      %select_n3A_2302 = arith.select %gt3A_2301, %select_n3A_2300, %select_n3A_2293 : vector<16xi1>, vector<16xf32>
      %jit3A_2303 = arith.constant 2 : i32
      %broadcast_in_dim3A_2304 = vector.broadcast %jit3A_2303 : i32 to vector<16xi32>
      %select_n3A_2305 = arith.select %gt3A_2301, %broadcast_in_dim3A_2304, %select_n3A_2296 : vector<16xi1>, vector<16xi32>
      %eq3A_2306 = arith.constant 3 : i32
      %eq3A_2307 = vector.broadcast %eq3A_2306 : i32 to vector<16xi32>
      %eq3A_2308 = arith.cmpi eq, %select_n3A_2279, %eq3A_2307 : vector<16xi32>
      %select_n3A_2309 = arith.select %eq3A_2308, %broadcast_in_dim3A_2281, %get3A_2214 : vector<16xi1>, vector<16xf32>
      %gt3A_2310 = arith.cmpf ogt, %select_n3A_2309, %select_n3A_2302 : vector<16xf32>
      %select_n3A_2311 = arith.select %gt3A_2310, %select_n3A_2309, %select_n3A_2302 : vector<16xi1>, vector<16xf32>
      %jit3A_2312 = arith.constant 3 : i32
      %broadcast_in_dim3A_2313 = vector.broadcast %jit3A_2312 : i32 to vector<16xi32>
      %select_n3A_2314 = arith.select %gt3A_2310, %broadcast_in_dim3A_2313, %select_n3A_2305 : vector<16xi1>, vector<16xi32>
      %eq3A_2315 = arith.constant 4 : i32
      %eq3A_2316 = vector.broadcast %eq3A_2315 : i32 to vector<16xi32>
      %eq3A_2317 = arith.cmpi eq, %select_n3A_2279, %eq3A_2316 : vector<16xi32>
      %select_n3A_2318 = arith.select %eq3A_2317, %broadcast_in_dim3A_2281, %get3A_2221 : vector<16xi1>, vector<16xf32>
      %gt3A_2319 = arith.cmpf ogt, %select_n3A_2318, %select_n3A_2311 : vector<16xf32>
      %select_n3A_2320 = arith.select %gt3A_2319, %select_n3A_2318, %select_n3A_2311 : vector<16xi1>, vector<16xf32>
      %jit3A_2321 = arith.constant 4 : i32
      %broadcast_in_dim3A_2322 = vector.broadcast %jit3A_2321 : i32 to vector<16xi32>
      %select_n3A_2323 = arith.select %gt3A_2319, %broadcast_in_dim3A_2322, %select_n3A_2314 : vector<16xi1>, vector<16xi32>
      %eq3A_2324 = arith.constant 5 : i32
      %eq3A_2325 = vector.broadcast %eq3A_2324 : i32 to vector<16xi32>
      %eq3A_2326 = arith.cmpi eq, %select_n3A_2279, %eq3A_2325 : vector<16xi32>
      %select_n3A_2327 = arith.select %eq3A_2326, %broadcast_in_dim3A_2281, %get3A_2228 : vector<16xi1>, vector<16xf32>
      %gt3A_2328 = arith.cmpf ogt, %select_n3A_2327, %select_n3A_2320 : vector<16xf32>
      %select_n3A_2329 = arith.select %gt3A_2328, %select_n3A_2327, %select_n3A_2320 : vector<16xi1>, vector<16xf32>
      %jit3A_2330 = arith.constant 5 : i32
      %broadcast_in_dim3A_2331 = vector.broadcast %jit3A_2330 : i32 to vector<16xi32>
      %select_n3A_2332 = arith.select %gt3A_2328, %broadcast_in_dim3A_2331, %select_n3A_2323 : vector<16xi1>, vector<16xi32>
      %eq3A_2333 = arith.constant 6 : i32
      %eq3A_2334 = vector.broadcast %eq3A_2333 : i32 to vector<16xi32>
      %eq3A_2335 = arith.cmpi eq, %select_n3A_2279, %eq3A_2334 : vector<16xi32>
      %select_n3A_2336 = arith.select %eq3A_2335, %broadcast_in_dim3A_2281, %get3A_2235 : vector<16xi1>, vector<16xf32>
      %gt3A_2337 = arith.cmpf ogt, %select_n3A_2336, %select_n3A_2329 : vector<16xf32>
      %select_n3A_2338 = arith.select %gt3A_2337, %select_n3A_2336, %select_n3A_2329 : vector<16xi1>, vector<16xf32>
      %jit3A_2339 = arith.constant 6 : i32
      %broadcast_in_dim3A_2340 = vector.broadcast %jit3A_2339 : i32 to vector<16xi32>
      %select_n3A_2341 = arith.select %gt3A_2337, %broadcast_in_dim3A_2340, %select_n3A_2332 : vector<16xi1>, vector<16xi32>
      %eq3A_2342 = arith.constant 7 : i32
      %eq3A_2343 = vector.broadcast %eq3A_2342 : i32 to vector<16xi32>
      %eq3A_2344 = arith.cmpi eq, %select_n3A_2279, %eq3A_2343 : vector<16xi32>
      %select_n3A_2345 = arith.select %eq3A_2344, %broadcast_in_dim3A_2281, %get3A_2242 : vector<16xi1>, vector<16xf32>
      %gt3A_2346 = arith.cmpf ogt, %select_n3A_2345, %select_n3A_2338 : vector<16xf32>
      %select_n3A_2347 = arith.select %gt3A_2346, %select_n3A_2345, %select_n3A_2338 : vector<16xi1>, vector<16xf32>
      %jit3A_2348 = arith.constant 7 : i32
      %broadcast_in_dim3A_2349 = vector.broadcast %jit3A_2348 : i32 to vector<16xi32>
      %select_n3A_2350 = arith.select %gt3A_2346, %broadcast_in_dim3A_2349, %select_n3A_2341 : vector<16xi1>, vector<16xi32>
      %sub3A_2351 = arith.subf %select_n3A_2347, %select_n3A_2276 : vector<16xf32>
      %exp3A_2352 = math.exp %sub3A_2351 : vector<16xf32>
      %add3A_2353 = arith.constant 1.000000e+00 : f32
      %add3A_2354 = vector.broadcast %add3A_2353 : f32 to vector<16xf32>
      %add3A_2355 = arith.addf %add3A_2354, %exp3A_2352 : vector<16xf32>
      %div3A_2356 = arith.constant 1.000000e+00 : f32
      %div3A_2357 = vector.broadcast %div3A_2356 : f32 to vector<16xf32>
      %div3A_2358 = arith.divf %div3A_2357, %add3A_2355 : vector<16xf32>
      %mul3A_2359 = arith.mulf %exp3A_2352, %div3A_2358 : vector<16xf32>
      %broadcast_in_dim3A_2360 = arith.constant 0.000000e+00 : f32
      %broadcast_in_dim3A_2361 = vector.broadcast %broadcast_in_dim3A_2360 : f32 to vector<16xf32>
      %eq3A_2362 = arith.constant 0 : i32
      %eq3A_2363 = vector.broadcast %eq3A_2362 : i32 to vector<16xi32>
      %eq3A_2364 = arith.cmpi eq, %select_n3A_2279, %eq3A_2363 : vector<16xi32>
      %eq3A_2365 = arith.constant 0 : i32
      %eq3A_2366 = vector.broadcast %eq3A_2365 : i32 to vector<16xi32>
      %eq3A_2367 = arith.cmpi eq, %select_n3A_2350, %eq3A_2366 : vector<16xi32>
      %select_n3A_2368 = arith.select %eq3A_2367, %mul3A_2359, %broadcast_in_dim3A_2361 : vector<16xi1>, vector<16xf32>
      %select_n3A_2369 = arith.select %eq3A_2364, %div3A_2358, %select_n3A_2368 : vector<16xi1>, vector<16xf32>
      %mul3A_2370 = arith.constant 16 : i32
      %mul3A_2371 = arith.muli %add3A_2186, %mul3A_2370 : i32
      %swap3A_2372 = arith.constant 0 : i32
      %swap3A_2373 = arith.index_cast %swap3A_2372 : i32 to index
      %swap3A_2374 = arith.index_cast %mul3A_2371 : i32 to index
      %swap3A_2375 = tpu.vector_load %arg6[%swap3A_2373, %swap3A_2374] {strides = array<i32>} : memref<8x1024xf32, #tpu.memory_space<vmem>>, vector<1x16xf32>,
      %swap3A_2376 = vector.shape_cast %swap3A_2375 : vector<1x16xf32> to vector<16xf32>
      %swap3A_2377 = vector.shape_cast %select_n3A_2369 : vector<16xf32> to vector<1x16xf32>
      tpu.vector_store %arg6[%swap3A_2373, %swap3A_2374], %swap3A_2377 {strides = array<i32>} : memref<8x1024xf32, #tpu.memory_space<vmem>>, vector<1x16xf32>,
      %eq3A_2378 = arith.constant 1 : i32
      %eq3A_2379 = vector.broadcast %eq3A_2378 : i32 to vector<16xi32>
      %eq3A_2380 = arith.cmpi eq, %select_n3A_2279, %eq3A_2379 : vector<16xi32>
      %eq3A_2381 = arith.constant 1 : i32
      %eq3A_2382 = vector.broadcast %eq3A_2381 : i32 to vector<16xi32>
      %eq3A_2383 = arith.cmpi eq, %select_n3A_2350, %eq3A_2382 : vector<16xi32>
      %select_n3A_2384 = arith.select %eq3A_2383, %mul3A_2359, %broadcast_in_dim3A_2361 : vector<16xi1>, vector<16xf32>
      %select_n3A_2385 = arith.select %eq3A_2380, %div3A_2358, %select_n3A_2384 : vector<16xi1>, vector<16xf32>
      %mul3A_2386 = arith.constant 16 : i32
      %mul3A_2387 = arith.muli %add3A_2186, %mul3A_2386 : i32
      %swap3A_2388 = arith.constant 1 : i32
      %swap3A_2389 = arith.index_cast %swap3A_2388 : i32 to index
      %swap3A_2390 = arith.index_cast %mul3A_2387 : i32 to index
      %swap3A_2391 = tpu.vector_load %arg6[%swap3A_2389, %swap3A_2390] {strides = array<i32>} : memref<8x1024xf32, #tpu.memory_space<vmem>>, vector<1x16xf32>,
      %swap3A_2392 = vector.shape_cast %swap3A_2391 : vector<1x16xf32> to vector<16xf32>
      %swap3A_2393 = vector.shape_cast %select_n3A_2385 : vector<16xf32> to vector<1x16xf32>
      tpu.vector_store %arg6[%swap3A_2389, %swap3A_2390], %swap3A_2393 {strides = array<i32>} : memref<8x1024xf32, #tpu.memory_space<vmem>>, vector<1x16xf32>,
      %eq3A_2394 = arith.constant 2 : i32
      %eq3A_2395 = vector.broadcast %eq3A_2394 : i32 to vector<16xi32>
      %eq3A_2396 = arith.cmpi eq, %select_n3A_2279, %eq3A_2395 : vector<16xi32>
      %eq3A_2397 = arith.constant 2 : i32
      %eq3A_2398 = vector.broadcast %eq3A_2397 : i32 to vector<16xi32>
      %eq3A_2399 = arith.cmpi eq, %select_n3A_2350, %eq3A_2398 : vector<16xi32>
      %select_n3A_2400 = arith.select %eq3A_2399, %mul3A_2359, %broadcast_in_dim3A_2361 : vector<16xi1>, vector<16xf32>
      %select_n3A_2401 = arith.select %eq3A_2396, %div3A_2358, %select_n3A_2400 : vector<16xi1>, vector<16xf32>
      %mul3A_2402 = arith.constant 16 : i32
      %mul3A_2403 = arith.muli %add3A_2186, %mul3A_2402 : i32
      %swap3A_2404 = arith.constant 2 : i32
      %swap3A_2405 = arith.index_cast %swap3A_2404 : i32 to index
      %swap3A_2406 = arith.index_cast %mul3A_2403 : i32 to index
      %swap3A_2407 = tpu.vector_load %arg6[%swap3A_2405, %swap3A_2406] {strides = array<i32>} : memref<8x1024xf32, #tpu.memory_space<vmem>>, vector<1x16xf32>,
      %swap3A_2408 = vector.shape_cast %swap3A_2407 : vector<1x16xf32> to vector<16xf32>
      %swap3A_2409 = vector.shape_cast %select_n3A_2401 : vector<16xf32> to vector<1x16xf32>
      tpu.vector_store %arg6[%swap3A_2405, %swap3A_2406], %swap3A_2409 {strides = array<i32>} : memref<8x1024xf32, #tpu.memory_space<vmem>>, vector<1x16xf32>,
      %eq3A_2410 = arith.constant 3 : i32
      %eq3A_2411 = vector.broadcast %eq3A_2410 : i32 to vector<16xi32>
      %eq3A_2412 = arith.cmpi eq, %select_n3A_2279, %eq3A_2411 : vector<16xi32>
      %eq3A_2413 = arith.constant 3 : i32
      %eq3A_2414 = vector.broadcast %eq3A_2413 : i32 to vector<16xi32>
      %eq3A_2415 = arith.cmpi eq, %select_n3A_2350, %eq3A_2414 : vector<16xi32>
      %select_n3A_2416 = arith.select %eq3A_2415, %mul3A_2359, %broadcast_in_dim3A_2361 : vector<16xi1>, vector<16xf32>
      %select_n3A_2417 = arith.select %eq3A_2412, %div3A_2358, %select_n3A_2416 : vector<16xi1>, vector<16xf32>
      %mul3A_2418 = arith.constant 16 : i32
      %mul3A_2419 = arith.muli %add3A_2186, %mul3A_2418 : i32
      %swap3A_2420 = arith.constant 3 : i32
      %swap3A_2421 = arith.index_cast %swap3A_2420 : i32 to index
      %swap3A_2422 = arith.index_cast %mul3A_2419 : i32 to index
      %swap3A_2423 = tpu.vector_load %arg6[%swap3A_2421, %swap3A_2422] {strides = array<i32>} : memref<8x1024xf32, #tpu.memory_space<vmem>>, vector<1x16xf32>,
      %swap3A_2424 = vector.shape_cast %swap3A_2423 : vector<1x16xf32> to vector<16xf32>
      %swap3A_2425 = vector.shape_cast %select_n3A_2417 : vector<16xf32> to vector<1x16xf32>
      tpu.vector_store %arg6[%swap3A_2421, %swap3A_2422], %swap3A_2425 {strides = array<i32>} : memref<8x1024xf32, #tpu.memory_space<vmem>>, vector<1x16xf32>,
      %eq3A_2426 = arith.constant 4 : i32
      %eq3A_2427 = vector.broadcast %eq3A_2426 : i32 to vector<16xi32>
      %eq3A_2428 = arith.cmpi eq, %select_n3A_2279, %eq3A_2427 : vector<16xi32>
      %eq3A_2429 = arith.constant 4 : i32
      %eq3A_2430 = vector.broadcast %eq3A_2429 : i32 to vector<16xi32>
      %eq3A_2431 = arith.cmpi eq, %select_n3A_2350, %eq3A_2430 : vector<16xi32>
      %select_n3A_2432 = arith.select %eq3A_2431, %mul3A_2359, %broadcast_in_dim3A_2361 : vector<16xi1>, vector<16xf32>
      %select_n3A_2433 = arith.select %eq3A_2428, %div3A_2358, %select_n3A_2432 : vector<16xi1>, vector<16xf32>
      %mul3A_2434 = arith.constant 16 : i32
      %mul3A_2435 = arith.muli %add3A_2186, %mul3A_2434 : i32
      %swap3A_2436 = arith.constant 4 : i32
      %swap3A_2437 = arith.index_cast %swap3A_2436 : i32 to index
      %swap3A_2438 = arith.index_cast %mul3A_2435 : i32 to index
      %swap3A_2439 = tpu.vector_load %arg6[%swap3A_2437, %swap3A_2438] {strides = array<i32>} : memref<8x1024xf32, #tpu.memory_space<vmem>>, vector<1x16xf32>,
      %swap3A_2440 = vector.shape_cast %swap3A_2439 : vector<1x16xf32> to vector<16xf32>
      %swap3A_2441 = vector.shape_cast %select_n3A_2433 : vector<16xf32> to vector<1x16xf32>
      tpu.vector_store %arg6[%swap3A_2437, %swap3A_2438], %swap3A_2441 {strides = array<i32>} : memref<8x1024xf32, #tpu.memory_space<vmem>>, vector<1x16xf32>,
      %eq3A_2442 = arith.constant 5 : i32
      %eq3A_2443 = vector.broadcast %eq3A_2442 : i32 to vector<16xi32>
      %eq3A_2444 = arith.cmpi eq, %select_n3A_2279, %eq3A_2443 : vector<16xi32>
      %eq3A_2445 = arith.constant 5 : i32
      %eq3A_2446 = vector.broadcast %eq3A_2445 : i32 to vector<16xi32>
      %eq3A_2447 = arith.cmpi eq, %select_n3A_2350, %eq3A_2446 : vector<16xi32>
      %select_n3A_2448 = arith.select %eq3A_2447, %mul3A_2359, %broadcast_in_dim3A_2361 : vector<16xi1>, vector<16xf32>
      %select_n3A_2449 = arith.select %eq3A_2444, %div3A_2358, %select_n3A_2448 : vector<16xi1>, vector<16xf32>
      %mul3A_2450 = arith.constant 16 : i32
      %mul3A_2451 = arith.muli %add3A_2186, %mul3A_2450 : i32
      %swap3A_2452 = arith.constant 5 : i32
      %swap3A_2453 = arith.index_cast %swap3A_2452 : i32 to index
      %swap3A_2454 = arith.index_cast %mul3A_2451 : i32 to index
      %swap3A_2455 = tpu.vector_load %arg6[%swap3A_2453, %swap3A_2454] {strides = array<i32>} : memref<8x1024xf32, #tpu.memory_space<vmem>>, vector<1x16xf32>,
      %swap3A_2456 = vector.shape_cast %swap3A_2455 : vector<1x16xf32> to vector<16xf32>
      %swap3A_2457 = vector.shape_cast %select_n3A_2449 : vector<16xf32> to vector<1x16xf32>
      tpu.vector_store %arg6[%swap3A_2453, %swap3A_2454], %swap3A_2457 {strides = array<i32>} : memref<8x1024xf32, #tpu.memory_space<vmem>>, vector<1x16xf32>,
      %eq3A_2458 = arith.constant 6 : i32
      %eq3A_2459 = vector.broadcast %eq3A_2458 : i32 to vector<16xi32>
      %eq3A_2460 = arith.cmpi eq, %select_n3A_2279, %eq3A_2459 : vector<16xi32>
      %eq3A_2461 = arith.constant 6 : i32
      %eq3A_2462 = vector.broadcast %eq3A_2461 : i32 to vector<16xi32>
      %eq3A_2463 = arith.cmpi eq, %select_n3A_2350, %eq3A_2462 : vector<16xi32>
      %select_n3A_2464 = arith.select %eq3A_2463, %mul3A_2359, %broadcast_in_dim3A_2361 : vector<16xi1>, vector<16xf32>
      %select_n3A_2465 = arith.select %eq3A_2460, %div3A_2358, %select_n3A_2464 : vector<16xi1>, vector<16xf32>
      %mul3A_2466 = arith.constant 16 : i32
      %mul3A_2467 = arith.muli %add3A_2186, %mul3A_2466 : i32
      %swap3A_2468 = arith.constant 6 : i32
      %swap3A_2469 = arith.index_cast %swap3A_2468 : i32 to index
      %swap3A_2470 = arith.index_cast %mul3A_2467 : i32 to index
      %swap3A_2471 = tpu.vector_load %arg6[%swap3A_2469, %swap3A_2470] {strides = array<i32>} : memref<8x1024xf32, #tpu.memory_space<vmem>>, vector<1x16xf32>,
      %swap3A_2472 = vector.shape_cast %swap3A_2471 : vector<1x16xf32> to vector<16xf32>
      %swap3A_2473 = vector.shape_cast %select_n3A_2465 : vector<16xf32> to vector<1x16xf32>
      tpu.vector_store %arg6[%swap3A_2469, %swap3A_2470], %swap3A_2473 {strides = array<i32>} : memref<8x1024xf32, #tpu.memory_space<vmem>>, vector<1x16xf32>,
      %eq3A_2474 = arith.constant 7 : i32
      %eq3A_2475 = vector.broadcast %eq3A_2474 : i32 to vector<16xi32>
      %eq3A_2476 = arith.cmpi eq, %select_n3A_2279, %eq3A_2475 : vector<16xi32>
      %eq3A_2477 = arith.constant 7 : i32
      %eq3A_2478 = vector.broadcast %eq3A_2477 : i32 to vector<16xi32>
      %eq3A_2479 = arith.cmpi eq, %select_n3A_2350, %eq3A_2478 : vector<16xi32>
      %select_n3A_2480 = arith.select %eq3A_2479, %mul3A_2359, %broadcast_in_dim3A_2361 : vector<16xi1>, vector<16xf32>
      %select_n3A_2481 = arith.select %eq3A_2476, %div3A_2358, %select_n3A_2480 : vector<16xi1>, vector<16xf32>
      %mul3A_2482 = arith.constant 16 : i32
      %mul3A_2483 = arith.muli %add3A_2186, %mul3A_2482 : i32
      %swap3A_2484 = arith.constant 7 : i32
      %swap3A_2485 = arith.index_cast %swap3A_2484 : i32 to index
      %swap3A_2486 = arith.index_cast %mul3A_2483 : i32 to index
      %swap3A_2487 = tpu.vector_load %arg6[%swap3A_2485, %swap3A_2486] {strides = array<i32>} : memref<8x1024xf32, #tpu.memory_space<vmem>>, vector<1x16xf32>,
      %swap3A_2488 = vector.shape_cast %swap3A_2487 : vector<1x16xf32> to vector<16xf32>
      %swap3A_2489 = vector.shape_cast %select_n3A_2481 : vector<16xf32> to vector<1x16xf32>
      tpu.vector_store %arg6[%swap3A_2485, %swap3A_2486], %swap3A_2489 {strides = array<i32>} : memref<8x1024xf32, #tpu.memory_space<vmem>>, vector<1x16xf32>,
      %mul3A_2490 = arith.constant 16 : i32
      %mul3A_2491 = arith.muli %add3A_2186, %mul3A_2490 : i32
      %swap3A_2492 = arith.constant 0 : i32
      %swap3A_2493 = arith.index_cast %swap3A_2492 : i32 to index
      %swap3A_2494 = arith.index_cast %mul3A_2491 : i32 to index
      %swap3A_2495 = tpu.vector_load %arg7[%swap3A_2493, %swap3A_2494] {strides = array<i32>} : memref<2x1024xi32, #tpu.memory_space<vmem>>, vector<1x16xi32>,
      %swap3A_2496 = vector.shape_cast %swap3A_2495 : vector<1x16xi32> to vector<16xi32>
      %swap3A_2497 = vector.shape_cast %select_n3A_2279 : vector<16xi32> to vector<1x16xi32>
      tpu.vector_store %arg7[%swap3A_2493, %swap3A_2494], %swap3A_2497 {strides = array<i32>} : memref<2x1024xi32, #tpu.memory_space<vmem>>, vector<1x16xi32>,
      %mul3A_2498 = arith.constant 16 : i32
      %mul3A_2499 = arith.muli %add3A_2186, %mul3A_2498 : i32
      %swap3A_2500 = arith.constant 1 : i32
      %swap3A_2501 = arith.index_cast %swap3A_2500 : i32 to index
      %swap3A_2502 = arith.index_cast %mul3A_2499 : i32 to index
      %swap3A_2503 = tpu.vector_load %arg7[%swap3A_2501, %swap3A_2502] {strides = array<i32>} : memref<2x1024xi32, #tpu.memory_space<vmem>>, vector<1x16xi32>,
      %swap3A_2504 = vector.shape_cast %swap3A_2503 : vector<1x16xi32> to vector<16xi32>
      %swap3A_2505 = vector.shape_cast %select_n3A_2350 : vector<16xi32> to vector<1x16xi32>
      tpu.vector_store %arg7[%swap3A_2501, %swap3A_2502], %swap3A_2505 {strides = array<i32>} : memref<2x1024xi32, #tpu.memory_space<vmem>>, vector<1x16xi32>,
      %mul3A_2506 = arith.constant 8 : i32
      %mul3A_2507 = arith.muli %scan3A_254, %mul3A_2506 : i32
      %add3A_2508 = arith.constant 7 : i32
      %add3A_2509 = arith.addi %mul3A_2507, %add3A_2508 : i32
      %mul3A_2510 = arith.constant 16 : i32
      %mul3A_2511 = arith.muli %add3A_2509, %mul3A_2510 : i32
      %get3A_2512 = arith.constant 0 : i32
      %get3A_2513 = arith.index_cast %get3A_2512 : i32 to index
      %get3A_2514 = arith.index_cast %mul3A_2511 : i32 to index
      %get3A_2515 = tpu.vector_load %arg5[%get3A_2513, %get3A_2514] {strides = array<i32>} : memref<8x1024xf32, #tpu.memory_space<vmem>>, vector<1x16xf32>,
      %get3A_2516 = vector.shape_cast %get3A_2515 : vector<1x16xf32> to vector<16xf32>
      %mul3A_2517 = arith.constant 16 : i32
      %mul3A_2518 = arith.muli %add3A_2509, %mul3A_2517 : i32
      %get3A_2519 = arith.constant 1 : i32
      %get3A_2520 = arith.index_cast %get3A_2519 : i32 to index
      %get3A_2521 = arith.index_cast %mul3A_2518 : i32 to index
      %get3A_2522 = tpu.vector_load %arg5[%get3A_2520, %get3A_2521] {strides = array<i32>} : memref<8x1024xf32, #tpu.memory_space<vmem>>, vector<1x16xf32>,
      %get3A_2523 = vector.shape_cast %get3A_2522 : vector<1x16xf32> to vector<16xf32>
      %mul3A_2524 = arith.constant 16 : i32
      %mul3A_2525 = arith.muli %add3A_2509, %mul3A_2524 : i32
      %get3A_2526 = arith.constant 2 : i32
      %get3A_2527 = arith.index_cast %get3A_2526 : i32 to index
      %get3A_2528 = arith.index_cast %mul3A_2525 : i32 to index
      %get3A_2529 = tpu.vector_load %arg5[%get3A_2527, %get3A_2528] {strides = array<i32>} : memref<8x1024xf32, #tpu.memory_space<vmem>>, vector<1x16xf32>,
      %get3A_2530 = vector.shape_cast %get3A_2529 : vector<1x16xf32> to vector<16xf32>
      %mul3A_2531 = arith.constant 16 : i32
      %mul3A_2532 = arith.muli %add3A_2509, %mul3A_2531 : i32
      %get3A_2533 = arith.constant 3 : i32
      %get3A_2534 = arith.index_cast %get3A_2533 : i32 to index
      %get3A_2535 = arith.index_cast %mul3A_2532 : i32 to index
      %get3A_2536 = tpu.vector_load %arg5[%get3A_2534, %get3A_2535] {strides = array<i32>} : memref<8x1024xf32, #tpu.memory_space<vmem>>, vector<1x16xf32>,
      %get3A_2537 = vector.shape_cast %get3A_2536 : vector<1x16xf32> to vector<16xf32>
      %mul3A_2538 = arith.constant 16 : i32
      %mul3A_2539 = arith.muli %add3A_2509, %mul3A_2538 : i32
      %get3A_2540 = arith.constant 4 : i32
      %get3A_2541 = arith.index_cast %get3A_2540 : i32 to index
      %get3A_2542 = arith.index_cast %mul3A_2539 : i32 to index
      %get3A_2543 = tpu.vector_load %arg5[%get3A_2541, %get3A_2542] {strides = array<i32>} : memref<8x1024xf32, #tpu.memory_space<vmem>>, vector<1x16xf32>,
      %get3A_2544 = vector.shape_cast %get3A_2543 : vector<1x16xf32> to vector<16xf32>
      %mul3A_2545 = arith.constant 16 : i32
      %mul3A_2546 = arith.muli %add3A_2509, %mul3A_2545 : i32
      %get3A_2547 = arith.constant 5 : i32
      %get3A_2548 = arith.index_cast %get3A_2547 : i32 to index
      %get3A_2549 = arith.index_cast %mul3A_2546 : i32 to index
      %get3A_2550 = tpu.vector_load %arg5[%get3A_2548, %get3A_2549] {strides = array<i32>} : memref<8x1024xf32, #tpu.memory_space<vmem>>, vector<1x16xf32>,
      %get3A_2551 = vector.shape_cast %get3A_2550 : vector<1x16xf32> to vector<16xf32>
      %mul3A_2552 = arith.constant 16 : i32
      %mul3A_2553 = arith.muli %add3A_2509, %mul3A_2552 : i32
      %get3A_2554 = arith.constant 6 : i32
      %get3A_2555 = arith.index_cast %get3A_2554 : i32 to index
      %get3A_2556 = arith.index_cast %mul3A_2553 : i32 to index
      %get3A_2557 = tpu.vector_load %arg5[%get3A_2555, %get3A_2556] {strides = array<i32>} : memref<8x1024xf32, #tpu.memory_space<vmem>>, vector<1x16xf32>,
      %get3A_2558 = vector.shape_cast %get3A_2557 : vector<1x16xf32> to vector<16xf32>
      %mul3A_2559 = arith.constant 16 : i32
      %mul3A_2560 = arith.muli %add3A_2509, %mul3A_2559 : i32
      %get3A_2561 = arith.constant 7 : i32
      %get3A_2562 = arith.index_cast %get3A_2561 : i32 to index
      %get3A_2563 = arith.index_cast %mul3A_2560 : i32 to index
      %get3A_2564 = tpu.vector_load %arg5[%get3A_2562, %get3A_2563] {strides = array<i32>} : memref<8x1024xf32, #tpu.memory_space<vmem>>, vector<1x16xf32>,
      %get3A_2565 = vector.shape_cast %get3A_2564 : vector<1x16xf32> to vector<16xf32>
      %broadcast_in_dim3A_2566 = arith.constant 0 : i32
      %broadcast_in_dim3A_2567 = vector.broadcast %broadcast_in_dim3A_2566 : i32 to vector<16xi32>
      %gt3A_2568 = arith.cmpf ogt, %get3A_2523, %get3A_2516 : vector<16xf32>
      %select_n3A_2569 = arith.select %gt3A_2568, %get3A_2523, %get3A_2516 : vector<16xi1>, vector<16xf32>
      %jit3A_2570 = arith.constant 1 : i32
      %broadcast_in_dim3A_2571 = vector.broadcast %jit3A_2570 : i32 to vector<16xi32>
      %select_n3A_2572 = arith.select %gt3A_2568, %broadcast_in_dim3A_2571, %broadcast_in_dim3A_2567 : vector<16xi1>, vector<16xi32>
      %gt3A_2573 = arith.cmpf ogt, %get3A_2530, %select_n3A_2569 : vector<16xf32>
      %select_n3A_2574 = arith.select %gt3A_2573, %get3A_2530, %select_n3A_2569 : vector<16xi1>, vector<16xf32>
      %jit3A_2575 = arith.constant 2 : i32
      %broadcast_in_dim3A_2576 = vector.broadcast %jit3A_2575 : i32 to vector<16xi32>
      %select_n3A_2577 = arith.select %gt3A_2573, %broadcast_in_dim3A_2576, %select_n3A_2572 : vector<16xi1>, vector<16xi32>
      %gt3A_2578 = arith.cmpf ogt, %get3A_2537, %select_n3A_2574 : vector<16xf32>
      %select_n3A_2579 = arith.select %gt3A_2578, %get3A_2537, %select_n3A_2574 : vector<16xi1>, vector<16xf32>
      %jit3A_2580 = arith.constant 3 : i32
      %broadcast_in_dim3A_2581 = vector.broadcast %jit3A_2580 : i32 to vector<16xi32>
      %select_n3A_2582 = arith.select %gt3A_2578, %broadcast_in_dim3A_2581, %select_n3A_2577 : vector<16xi1>, vector<16xi32>
      %gt3A_2583 = arith.cmpf ogt, %get3A_2544, %select_n3A_2579 : vector<16xf32>
      %select_n3A_2584 = arith.select %gt3A_2583, %get3A_2544, %select_n3A_2579 : vector<16xi1>, vector<16xf32>
      %jit3A_2585 = arith.constant 4 : i32
      %broadcast_in_dim3A_2586 = vector.broadcast %jit3A_2585 : i32 to vector<16xi32>
      %select_n3A_2587 = arith.select %gt3A_2583, %broadcast_in_dim3A_2586, %select_n3A_2582 : vector<16xi1>, vector<16xi32>
      %gt3A_2588 = arith.cmpf ogt, %get3A_2551, %select_n3A_2584 : vector<16xf32>
      %select_n3A_2589 = arith.select %gt3A_2588, %get3A_2551, %select_n3A_2584 : vector<16xi1>, vector<16xf32>
      %jit3A_2590 = arith.constant 5 : i32
      %broadcast_in_dim3A_2591 = vector.broadcast %jit3A_2590 : i32 to vector<16xi32>
      %select_n3A_2592 = arith.select %gt3A_2588, %broadcast_in_dim3A_2591, %select_n3A_2587 : vector<16xi1>, vector<16xi32>
      %gt3A_2593 = arith.cmpf ogt, %get3A_2558, %select_n3A_2589 : vector<16xf32>
      %select_n3A_2594 = arith.select %gt3A_2593, %get3A_2558, %select_n3A_2589 : vector<16xi1>, vector<16xf32>
      %jit3A_2595 = arith.constant 6 : i32
      %broadcast_in_dim3A_2596 = vector.broadcast %jit3A_2595 : i32 to vector<16xi32>
      %select_n3A_2597 = arith.select %gt3A_2593, %broadcast_in_dim3A_2596, %select_n3A_2592 : vector<16xi1>, vector<16xi32>
      %gt3A_2598 = arith.cmpf ogt, %get3A_2565, %select_n3A_2594 : vector<16xf32>
      %select_n3A_2599 = arith.select %gt3A_2598, %get3A_2565, %select_n3A_2594 : vector<16xi1>, vector<16xf32>
      %jit3A_2600 = arith.constant 7 : i32
      %broadcast_in_dim3A_2601 = vector.broadcast %jit3A_2600 : i32 to vector<16xi32>
      %select_n3A_2602 = arith.select %gt3A_2598, %broadcast_in_dim3A_2601, %select_n3A_2597 : vector<16xi1>, vector<16xi32>
      %broadcast_in_dim3A_2603 = arith.constant 0xFF800000 : f32
      %broadcast_in_dim3A_2604 = vector.broadcast %broadcast_in_dim3A_2603 : f32 to vector<16xf32>
      %eq3A_2605 = arith.constant 0 : i32
      %eq3A_2606 = vector.broadcast %eq3A_2605 : i32 to vector<16xi32>
      %eq3A_2607 = arith.cmpi eq, %select_n3A_2602, %eq3A_2606 : vector<16xi32>
      %select_n3A_2608 = arith.select %eq3A_2607, %broadcast_in_dim3A_2604, %get3A_2516 : vector<16xi1>, vector<16xf32>
      %broadcast_in_dim3A_2609 = arith.constant 0 : i32
      %broadcast_in_dim3A_2610 = vector.broadcast %broadcast_in_dim3A_2609 : i32 to vector<16xi32>
      %eq3A_2611 = arith.constant 1 : i32
      %eq3A_2612 = vector.broadcast %eq3A_2611 : i32 to vector<16xi32>
      %eq3A_2613 = arith.cmpi eq, %select_n3A_2602, %eq3A_2612 : vector<16xi32>
      %select_n3A_2614 = arith.select %eq3A_2613, %broadcast_in_dim3A_2604, %get3A_2523 : vector<16xi1>, vector<16xf32>
      %gt3A_2615 = arith.cmpf ogt, %select_n3A_2614, %select_n3A_2608 : vector<16xf32>
      %select_n3A_2616 = arith.select %gt3A_2615, %select_n3A_2614, %select_n3A_2608 : vector<16xi1>, vector<16xf32>
      %jit3A_2617 = arith.constant 1 : i32
      %broadcast_in_dim3A_2618 = vector.broadcast %jit3A_2617 : i32 to vector<16xi32>
      %select_n3A_2619 = arith.select %gt3A_2615, %broadcast_in_dim3A_2618, %broadcast_in_dim3A_2610 : vector<16xi1>, vector<16xi32>
      %eq3A_2620 = arith.constant 2 : i32
      %eq3A_2621 = vector.broadcast %eq3A_2620 : i32 to vector<16xi32>
      %eq3A_2622 = arith.cmpi eq, %select_n3A_2602, %eq3A_2621 : vector<16xi32>
      %select_n3A_2623 = arith.select %eq3A_2622, %broadcast_in_dim3A_2604, %get3A_2530 : vector<16xi1>, vector<16xf32>
      %gt3A_2624 = arith.cmpf ogt, %select_n3A_2623, %select_n3A_2616 : vector<16xf32>
      %select_n3A_2625 = arith.select %gt3A_2624, %select_n3A_2623, %select_n3A_2616 : vector<16xi1>, vector<16xf32>
      %jit3A_2626 = arith.constant 2 : i32
      %broadcast_in_dim3A_2627 = vector.broadcast %jit3A_2626 : i32 to vector<16xi32>
      %select_n3A_2628 = arith.select %gt3A_2624, %broadcast_in_dim3A_2627, %select_n3A_2619 : vector<16xi1>, vector<16xi32>
      %eq3A_2629 = arith.constant 3 : i32
      %eq3A_2630 = vector.broadcast %eq3A_2629 : i32 to vector<16xi32>
      %eq3A_2631 = arith.cmpi eq, %select_n3A_2602, %eq3A_2630 : vector<16xi32>
      %select_n3A_2632 = arith.select %eq3A_2631, %broadcast_in_dim3A_2604, %get3A_2537 : vector<16xi1>, vector<16xf32>
      %gt3A_2633 = arith.cmpf ogt, %select_n3A_2632, %select_n3A_2625 : vector<16xf32>
      %select_n3A_2634 = arith.select %gt3A_2633, %select_n3A_2632, %select_n3A_2625 : vector<16xi1>, vector<16xf32>
      %jit3A_2635 = arith.constant 3 : i32
      %broadcast_in_dim3A_2636 = vector.broadcast %jit3A_2635 : i32 to vector<16xi32>
      %select_n3A_2637 = arith.select %gt3A_2633, %broadcast_in_dim3A_2636, %select_n3A_2628 : vector<16xi1>, vector<16xi32>
      %eq3A_2638 = arith.constant 4 : i32
      %eq3A_2639 = vector.broadcast %eq3A_2638 : i32 to vector<16xi32>
      %eq3A_2640 = arith.cmpi eq, %select_n3A_2602, %eq3A_2639 : vector<16xi32>
      %select_n3A_2641 = arith.select %eq3A_2640, %broadcast_in_dim3A_2604, %get3A_2544 : vector<16xi1>, vector<16xf32>
      %gt3A_2642 = arith.cmpf ogt, %select_n3A_2641, %select_n3A_2634 : vector<16xf32>
      %select_n3A_2643 = arith.select %gt3A_2642, %select_n3A_2641, %select_n3A_2634 : vector<16xi1>, vector<16xf32>
      %jit3A_2644 = arith.constant 4 : i32
      %broadcast_in_dim3A_2645 = vector.broadcast %jit3A_2644 : i32 to vector<16xi32>
      %select_n3A_2646 = arith.select %gt3A_2642, %broadcast_in_dim3A_2645, %select_n3A_2637 : vector<16xi1>, vector<16xi32>
      %eq3A_2647 = arith.constant 5 : i32
      %eq3A_2648 = vector.broadcast %eq3A_2647 : i32 to vector<16xi32>
      %eq3A_2649 = arith.cmpi eq, %select_n3A_2602, %eq3A_2648 : vector<16xi32>
      %select_n3A_2650 = arith.select %eq3A_2649, %broadcast_in_dim3A_2604, %get3A_2551 : vector<16xi1>, vector<16xf32>
      %gt3A_2651 = arith.cmpf ogt, %select_n3A_2650, %select_n3A_2643 : vector<16xf32>
      %select_n3A_2652 = arith.select %gt3A_2651, %select_n3A_2650, %select_n3A_2643 : vector<16xi1>, vector<16xf32>
      %jit3A_2653 = arith.constant 5 : i32
      %broadcast_in_dim3A_2654 = vector.broadcast %jit3A_2653 : i32 to vector<16xi32>
      %select_n3A_2655 = arith.select %gt3A_2651, %broadcast_in_dim3A_2654, %select_n3A_2646 : vector<16xi1>, vector<16xi32>
      %eq3A_2656 = arith.constant 6 : i32
      %eq3A_2657 = vector.broadcast %eq3A_2656 : i32 to vector<16xi32>
      %eq3A_2658 = arith.cmpi eq, %select_n3A_2602, %eq3A_2657 : vector<16xi32>
      %select_n3A_2659 = arith.select %eq3A_2658, %broadcast_in_dim3A_2604, %get3A_2558 : vector<16xi1>, vector<16xf32>
      %gt3A_2660 = arith.cmpf ogt, %select_n3A_2659, %select_n3A_2652 : vector<16xf32>
      %select_n3A_2661 = arith.select %gt3A_2660, %select_n3A_2659, %select_n3A_2652 : vector<16xi1>, vector<16xf32>
      %jit3A_2662 = arith.constant 6 : i32
      %broadcast_in_dim3A_2663 = vector.broadcast %jit3A_2662 : i32 to vector<16xi32>
      %select_n3A_2664 = arith.select %gt3A_2660, %broadcast_in_dim3A_2663, %select_n3A_2655 : vector<16xi1>, vector<16xi32>
      %eq3A_2665 = arith.constant 7 : i32
      %eq3A_2666 = vector.broadcast %eq3A_2665 : i32 to vector<16xi32>
      %eq3A_2667 = arith.cmpi eq, %select_n3A_2602, %eq3A_2666 : vector<16xi32>
      %select_n3A_2668 = arith.select %eq3A_2667, %broadcast_in_dim3A_2604, %get3A_2565 : vector<16xi1>, vector<16xf32>
      %gt3A_2669 = arith.cmpf ogt, %select_n3A_2668, %select_n3A_2661 : vector<16xf32>
      %select_n3A_2670 = arith.select %gt3A_2669, %select_n3A_2668, %select_n3A_2661 : vector<16xi1>, vector<16xf32>
      %jit3A_2671 = arith.constant 7 : i32
      %broadcast_in_dim3A_2672 = vector.broadcast %jit3A_2671 : i32 to vector<16xi32>
      %select_n3A_2673 = arith.select %gt3A_2669, %broadcast_in_dim3A_2672, %select_n3A_2664 : vector<16xi1>, vector<16xi32>
      %sub3A_2674 = arith.subf %select_n3A_2670, %select_n3A_2599 : vector<16xf32>
      %exp3A_2675 = math.exp %sub3A_2674 : vector<16xf32>
      %add3A_2676 = arith.constant 1.000000e+00 : f32
      %add3A_2677 = vector.broadcast %add3A_2676 : f32 to vector<16xf32>
      %add3A_2678 = arith.addf %add3A_2677, %exp3A_2675 : vector<16xf32>
      %div3A_2679 = arith.constant 1.000000e+00 : f32
      %div3A_2680 = vector.broadcast %div3A_2679 : f32 to vector<16xf32>
      %div3A_2681 = arith.divf %div3A_2680, %add3A_2678 : vector<16xf32>
      %mul3A_2682 = arith.mulf %exp3A_2675, %div3A_2681 : vector<16xf32>
      %broadcast_in_dim3A_2683 = arith.constant 0.000000e+00 : f32
      %broadcast_in_dim3A_2684 = vector.broadcast %broadcast_in_dim3A_2683 : f32 to vector<16xf32>
      %eq3A_2685 = arith.constant 0 : i32
      %eq3A_2686 = vector.broadcast %eq3A_2685 : i32 to vector<16xi32>
      %eq3A_2687 = arith.cmpi eq, %select_n3A_2602, %eq3A_2686 : vector<16xi32>
      %eq3A_2688 = arith.constant 0 : i32
      %eq3A_2689 = vector.broadcast %eq3A_2688 : i32 to vector<16xi32>
      %eq3A_2690 = arith.cmpi eq, %select_n3A_2673, %eq3A_2689 : vector<16xi32>
      %select_n3A_2691 = arith.select %eq3A_2690, %mul3A_2682, %broadcast_in_dim3A_2684 : vector<16xi1>, vector<16xf32>
      %select_n3A_2692 = arith.select %eq3A_2687, %div3A_2681, %select_n3A_2691 : vector<16xi1>, vector<16xf32>
      %mul3A_2693 = arith.constant 16 : i32
      %mul3A_2694 = arith.muli %add3A_2509, %mul3A_2693 : i32
      %swap3A_2695 = arith.constant 0 : i32
      %swap3A_2696 = arith.index_cast %swap3A_2695 : i32 to index
      %swap3A_2697 = arith.index_cast %mul3A_2694 : i32 to index
      %swap3A_2698 = tpu.vector_load %arg6[%swap3A_2696, %swap3A_2697] {strides = array<i32>} : memref<8x1024xf32, #tpu.memory_space<vmem>>, vector<1x16xf32>,
      %swap3A_2699 = vector.shape_cast %swap3A_2698 : vector<1x16xf32> to vector<16xf32>
      %swap3A_2700 = vector.shape_cast %select_n3A_2692 : vector<16xf32> to vector<1x16xf32>
      tpu.vector_store %arg6[%swap3A_2696, %swap3A_2697], %swap3A_2700 {strides = array<i32>} : memref<8x1024xf32, #tpu.memory_space<vmem>>, vector<1x16xf32>,
      %eq3A_2701 = arith.constant 1 : i32
      %eq3A_2702 = vector.broadcast %eq3A_2701 : i32 to vector<16xi32>
      %eq3A_2703 = arith.cmpi eq, %select_n3A_2602, %eq3A_2702 : vector<16xi32>
      %eq3A_2704 = arith.constant 1 : i32
      %eq3A_2705 = vector.broadcast %eq3A_2704 : i32 to vector<16xi32>
      %eq3A_2706 = arith.cmpi eq, %select_n3A_2673, %eq3A_2705 : vector<16xi32>
      %select_n3A_2707 = arith.select %eq3A_2706, %mul3A_2682, %broadcast_in_dim3A_2684 : vector<16xi1>, vector<16xf32>
      %select_n3A_2708 = arith.select %eq3A_2703, %div3A_2681, %select_n3A_2707 : vector<16xi1>, vector<16xf32>
      %mul3A_2709 = arith.constant 16 : i32
      %mul3A_2710 = arith.muli %add3A_2509, %mul3A_2709 : i32
      %swap3A_2711 = arith.constant 1 : i32
      %swap3A_2712 = arith.index_cast %swap3A_2711 : i32 to index
      %swap3A_2713 = arith.index_cast %mul3A_2710 : i32 to index
      %swap3A_2714 = tpu.vector_load %arg6[%swap3A_2712, %swap3A_2713] {strides = array<i32>} : memref<8x1024xf32, #tpu.memory_space<vmem>>, vector<1x16xf32>,
      %swap3A_2715 = vector.shape_cast %swap3A_2714 : vector<1x16xf32> to vector<16xf32>
      %swap3A_2716 = vector.shape_cast %select_n3A_2708 : vector<16xf32> to vector<1x16xf32>
      tpu.vector_store %arg6[%swap3A_2712, %swap3A_2713], %swap3A_2716 {strides = array<i32>} : memref<8x1024xf32, #tpu.memory_space<vmem>>, vector<1x16xf32>,
      %eq3A_2717 = arith.constant 2 : i32
      %eq3A_2718 = vector.broadcast %eq3A_2717 : i32 to vector<16xi32>
      %eq3A_2719 = arith.cmpi eq, %select_n3A_2602, %eq3A_2718 : vector<16xi32>
      %eq3A_2720 = arith.constant 2 : i32
      %eq3A_2721 = vector.broadcast %eq3A_2720 : i32 to vector<16xi32>
      %eq3A_2722 = arith.cmpi eq, %select_n3A_2673, %eq3A_2721 : vector<16xi32>
      %select_n3A_2723 = arith.select %eq3A_2722, %mul3A_2682, %broadcast_in_dim3A_2684 : vector<16xi1>, vector<16xf32>
      %select_n3A_2724 = arith.select %eq3A_2719, %div3A_2681, %select_n3A_2723 : vector<16xi1>, vector<16xf32>
      %mul3A_2725 = arith.constant 16 : i32
      %mul3A_2726 = arith.muli %add3A_2509, %mul3A_2725 : i32
      %swap3A_2727 = arith.constant 2 : i32
      %swap3A_2728 = arith.index_cast %swap3A_2727 : i32 to index
      %swap3A_2729 = arith.index_cast %mul3A_2726 : i32 to index
      %swap3A_2730 = tpu.vector_load %arg6[%swap3A_2728, %swap3A_2729] {strides = array<i32>} : memref<8x1024xf32, #tpu.memory_space<vmem>>, vector<1x16xf32>,
      %swap3A_2731 = vector.shape_cast %swap3A_2730 : vector<1x16xf32> to vector<16xf32>
      %swap3A_2732 = vector.shape_cast %select_n3A_2724 : vector<16xf32> to vector<1x16xf32>
      tpu.vector_store %arg6[%swap3A_2728, %swap3A_2729], %swap3A_2732 {strides = array<i32>} : memref<8x1024xf32, #tpu.memory_space<vmem>>, vector<1x16xf32>,
      %eq3A_2733 = arith.constant 3 : i32
      %eq3A_2734 = vector.broadcast %eq3A_2733 : i32 to vector<16xi32>
      %eq3A_2735 = arith.cmpi eq, %select_n3A_2602, %eq3A_2734 : vector<16xi32>
      %eq3A_2736 = arith.constant 3 : i32
      %eq3A_2737 = vector.broadcast %eq3A_2736 : i32 to vector<16xi32>
      %eq3A_2738 = arith.cmpi eq, %select_n3A_2673, %eq3A_2737 : vector<16xi32>
      %select_n3A_2739 = arith.select %eq3A_2738, %mul3A_2682, %broadcast_in_dim3A_2684 : vector<16xi1>, vector<16xf32>
      %select_n3A_2740 = arith.select %eq3A_2735, %div3A_2681, %select_n3A_2739 : vector<16xi1>, vector<16xf32>
      %mul3A_2741 = arith.constant 16 : i32
      %mul3A_2742 = arith.muli %add3A_2509, %mul3A_2741 : i32
      %swap3A_2743 = arith.constant 3 : i32
      %swap3A_2744 = arith.index_cast %swap3A_2743 : i32 to index
      %swap3A_2745 = arith.index_cast %mul3A_2742 : i32 to index
      %swap3A_2746 = tpu.vector_load %arg6[%swap3A_2744, %swap3A_2745] {strides = array<i32>} : memref<8x1024xf32, #tpu.memory_space<vmem>>, vector<1x16xf32>,
      %swap3A_2747 = vector.shape_cast %swap3A_2746 : vector<1x16xf32> to vector<16xf32>
      %swap3A_2748 = vector.shape_cast %select_n3A_2740 : vector<16xf32> to vector<1x16xf32>
      tpu.vector_store %arg6[%swap3A_2744, %swap3A_2745], %swap3A_2748 {strides = array<i32>} : memref<8x1024xf32, #tpu.memory_space<vmem>>, vector<1x16xf32>,
      %eq3A_2749 = arith.constant 4 : i32
      %eq3A_2750 = vector.broadcast %eq3A_2749 : i32 to vector<16xi32>
      %eq3A_2751 = arith.cmpi eq, %select_n3A_2602, %eq3A_2750 : vector<16xi32>
      %eq3A_2752 = arith.constant 4 : i32
      %eq3A_2753 = vector.broadcast %eq3A_2752 : i32 to vector<16xi32>
      %eq3A_2754 = arith.cmpi eq, %select_n3A_2673, %eq3A_2753 : vector<16xi32>
      %select_n3A_2755 = arith.select %eq3A_2754, %mul3A_2682, %broadcast_in_dim3A_2684 : vector<16xi1>, vector<16xf32>
      %select_n3A_2756 = arith.select %eq3A_2751, %div3A_2681, %select_n3A_2755 : vector<16xi1>, vector<16xf32>
      %mul3A_2757 = arith.constant 16 : i32
      %mul3A_2758 = arith.muli %add3A_2509, %mul3A_2757 : i32
      %swap3A_2759 = arith.constant 4 : i32
      %swap3A_2760 = arith.index_cast %swap3A_2759 : i32 to index
      %swap3A_2761 = arith.index_cast %mul3A_2758 : i32 to index
      %swap3A_2762 = tpu.vector_load %arg6[%swap3A_2760, %swap3A_2761] {strides = array<i32>} : memref<8x1024xf32, #tpu.memory_space<vmem>>, vector<1x16xf32>,
      %swap3A_2763 = vector.shape_cast %swap3A_2762 : vector<1x16xf32> to vector<16xf32>
      %swap3A_2764 = vector.shape_cast %select_n3A_2756 : vector<16xf32> to vector<1x16xf32>
      tpu.vector_store %arg6[%swap3A_2760, %swap3A_2761], %swap3A_2764 {strides = array<i32>} : memref<8x1024xf32, #tpu.memory_space<vmem>>, vector<1x16xf32>,
      %eq3A_2765 = arith.constant 5 : i32
      %eq3A_2766 = vector.broadcast %eq3A_2765 : i32 to vector<16xi32>
      %eq3A_2767 = arith.cmpi eq, %select_n3A_2602, %eq3A_2766 : vector<16xi32>
      %eq3A_2768 = arith.constant 5 : i32
      %eq3A_2769 = vector.broadcast %eq3A_2768 : i32 to vector<16xi32>
      %eq3A_2770 = arith.cmpi eq, %select_n3A_2673, %eq3A_2769 : vector<16xi32>
      %select_n3A_2771 = arith.select %eq3A_2770, %mul3A_2682, %broadcast_in_dim3A_2684 : vector<16xi1>, vector<16xf32>
      %select_n3A_2772 = arith.select %eq3A_2767, %div3A_2681, %select_n3A_2771 : vector<16xi1>, vector<16xf32>
      %mul3A_2773 = arith.constant 16 : i32
      %mul3A_2774 = arith.muli %add3A_2509, %mul3A_2773 : i32
      %swap3A_2775 = arith.constant 5 : i32
      %swap3A_2776 = arith.index_cast %swap3A_2775 : i32 to index
      %swap3A_2777 = arith.index_cast %mul3A_2774 : i32 to index
      %swap3A_2778 = tpu.vector_load %arg6[%swap3A_2776, %swap3A_2777] {strides = array<i32>} : memref<8x1024xf32, #tpu.memory_space<vmem>>, vector<1x16xf32>,
      %swap3A_2779 = vector.shape_cast %swap3A_2778 : vector<1x16xf32> to vector<16xf32>
      %swap3A_2780 = vector.shape_cast %select_n3A_2772 : vector<16xf32> to vector<1x16xf32>
      tpu.vector_store %arg6[%swap3A_2776, %swap3A_2777], %swap3A_2780 {strides = array<i32>} : memref<8x1024xf32, #tpu.memory_space<vmem>>, vector<1x16xf32>,
      %eq3A_2781 = arith.constant 6 : i32
      %eq3A_2782 = vector.broadcast %eq3A_2781 : i32 to vector<16xi32>
      %eq3A_2783 = arith.cmpi eq, %select_n3A_2602, %eq3A_2782 : vector<16xi32>
      %eq3A_2784 = arith.constant 6 : i32
      %eq3A_2785 = vector.broadcast %eq3A_2784 : i32 to vector<16xi32>
      %eq3A_2786 = arith.cmpi eq, %select_n3A_2673, %eq3A_2785 : vector<16xi32>
      %select_n3A_2787 = arith.select %eq3A_2786, %mul3A_2682, %broadcast_in_dim3A_2684 : vector<16xi1>, vector<16xf32>
      %select_n3A_2788 = arith.select %eq3A_2783, %div3A_2681, %select_n3A_2787 : vector<16xi1>, vector<16xf32>
      %mul3A_2789 = arith.constant 16 : i32
      %mul3A_2790 = arith.muli %add3A_2509, %mul3A_2789 : i32
      %swap3A_2791 = arith.constant 6 : i32
      %swap3A_2792 = arith.index_cast %swap3A_2791 : i32 to index
      %swap3A_2793 = arith.index_cast %mul3A_2790 : i32 to index
      %swap3A_2794 = tpu.vector_load %arg6[%swap3A_2792, %swap3A_2793] {strides = array<i32>} : memref<8x1024xf32, #tpu.memory_space<vmem>>, vector<1x16xf32>,
      %swap3A_2795 = vector.shape_cast %swap3A_2794 : vector<1x16xf32> to vector<16xf32>
      %swap3A_2796 = vector.shape_cast %select_n3A_2788 : vector<16xf32> to vector<1x16xf32>
      tpu.vector_store %arg6[%swap3A_2792, %swap3A_2793], %swap3A_2796 {strides = array<i32>} : memref<8x1024xf32, #tpu.memory_space<vmem>>, vector<1x16xf32>,
      %eq3A_2797 = arith.constant 7 : i32
      %eq3A_2798 = vector.broadcast %eq3A_2797 : i32 to vector<16xi32>
      %eq3A_2799 = arith.cmpi eq, %select_n3A_2602, %eq3A_2798 : vector<16xi32>
      %eq3A_2800 = arith.constant 7 : i32
      %eq3A_2801 = vector.broadcast %eq3A_2800 : i32 to vector<16xi32>
      %eq3A_2802 = arith.cmpi eq, %select_n3A_2673, %eq3A_2801 : vector<16xi32>
      %select_n3A_2803 = arith.select %eq3A_2802, %mul3A_2682, %broadcast_in_dim3A_2684 : vector<16xi1>, vector<16xf32>
      %select_n3A_2804 = arith.select %eq3A_2799, %div3A_2681, %select_n3A_2803 : vector<16xi1>, vector<16xf32>
      %mul3A_2805 = arith.constant 16 : i32
      %mul3A_2806 = arith.muli %add3A_2509, %mul3A_2805 : i32
      %swap3A_2807 = arith.constant 7 : i32
      %swap3A_2808 = arith.index_cast %swap3A_2807 : i32 to index
      %swap3A_2809 = arith.index_cast %mul3A_2806 : i32 to index
      %swap3A_2810 = tpu.vector_load %arg6[%swap3A_2808, %swap3A_2809] {strides = array<i32>} : memref<8x1024xf32, #tpu.memory_space<vmem>>, vector<1x16xf32>,
      %swap3A_2811 = vector.shape_cast %swap3A_2810 : vector<1x16xf32> to vector<16xf32>
      %swap3A_2812 = vector.shape_cast %select_n3A_2804 : vector<16xf32> to vector<1x16xf32>
      tpu.vector_store %arg6[%swap3A_2808, %swap3A_2809], %swap3A_2812 {strides = array<i32>} : memref<8x1024xf32, #tpu.memory_space<vmem>>, vector<1x16xf32>,
      %mul3A_2813 = arith.constant 16 : i32
      %mul3A_2814 = arith.muli %add3A_2509, %mul3A_2813 : i32
      %swap3A_2815 = arith.constant 0 : i32
      %swap3A_2816 = arith.index_cast %swap3A_2815 : i32 to index
      %swap3A_2817 = arith.index_cast %mul3A_2814 : i32 to index
      %swap3A_2818 = tpu.vector_load %arg7[%swap3A_2816, %swap3A_2817] {strides = array<i32>} : memref<2x1024xi32, #tpu.memory_space<vmem>>, vector<1x16xi32>,
      %swap3A_2819 = vector.shape_cast %swap3A_2818 : vector<1x16xi32> to vector<16xi32>
      %swap3A_2820 = vector.shape_cast %select_n3A_2602 : vector<16xi32> to vector<1x16xi32>
      tpu.vector_store %arg7[%swap3A_2816, %swap3A_2817], %swap3A_2820 {strides = array<i32>} : memref<2x1024xi32, #tpu.memory_space<vmem>>, vector<1x16xi32>,
      %mul3A_2821 = arith.constant 16 : i32
      %mul3A_2822 = arith.muli %add3A_2509, %mul3A_2821 : i32
      %swap3A_2823 = arith.constant 1 : i32
      %swap3A_2824 = arith.index_cast %swap3A_2823 : i32 to index
      %swap3A_2825 = arith.index_cast %mul3A_2822 : i32 to index
      %swap3A_2826 = tpu.vector_load %arg7[%swap3A_2824, %swap3A_2825] {strides = array<i32>} : memref<2x1024xi32, #tpu.memory_space<vmem>>, vector<1x16xi32>,
      %swap3A_2827 = vector.shape_cast %swap3A_2826 : vector<1x16xi32> to vector<16xi32>
      %swap3A_2828 = vector.shape_cast %select_n3A_2673 : vector<16xi32> to vector<1x16xi32>
      tpu.vector_store %arg7[%swap3A_2824, %swap3A_2825], %swap3A_2828 {strides = array<i32>} : memref<2x1024xi32, #tpu.memory_space<vmem>>, vector<1x16xi32>,
    }
    %scan3A_13 = arith.constant 8 : i32
    %dma_start3A_14 = arith.constant 0 : i32
    %dma_start3A_15 = arith.constant 0 : i32
    %dma_start3A_16 = arith.constant 0 : i32
    %dma_start3A_17 = tpu.memref_slice %arg6[%dma_start3A_14, %dma_start3A_16] : memref<8x1024xf32, #tpu.memory_space<vmem>> -> memref<1x1024xf32, #tpu.memory_space<vmem>>
    %dma_start3A_18 = tpu.memref_squeeze %dma_start3A_17 : memref<1x1024xf32, #tpu.memory_space<vmem>> -> memref<1024xf32, #tpu.memory_space<vmem>>
    %dma_start3A_19 = tpu.memref_slice %arg3[%dma_start3A_15, %mul3A_2] : memref<8x32768xf32, #tpu.memory_space<hbm>> -> memref<1x1024xf32, #tpu.memory_space<hbm>>
    %dma_start3A_20 = tpu.memref_squeeze %dma_start3A_19 : memref<1x1024xf32, #tpu.memory_space<hbm>> -> memref<1024xf32, #tpu.memory_space<hbm>>
    %dma_start3A_21 = tpu.memref_slice %arg3[%dma_start3A_15, %mul3A_2] : memref<8x32768xf32, #tpu.memory_space<hbm>> -> memref<1x1024xf32, #tpu.memory_space<hbm>>
    %dma_start3A_22 = tpu.memref_squeeze %dma_start3A_21 : memref<1x1024xf32, #tpu.memory_space<hbm>> -> memref<1024xf32, #tpu.memory_space<hbm>>
    %dma_start3A_23 = arith.constant 0 : i32
    %dma_start3A_24 = tpu.memref_slice %arg6[%dma_start3A_14, %dma_start3A_23] : memref<8x1024xf32, #tpu.memory_space<vmem>> -> memref<1x1024xf32, #tpu.memory_space<vmem>>
    %dma_start3A_25 = tpu.memref_squeeze %dma_start3A_24 : memref<1x1024xf32, #tpu.memory_space<vmem>> -> memref<1024xf32, #tpu.memory_space<vmem>>
    tpu.enqueue_dma source(%dma_start3A_25 : memref<1024xf32, #tpu.memory_space<vmem>>) target(%dma_start3A_22 : memref<1024xf32, #tpu.memory_space<hbm>>) target_semaphore(%arg9 : memref<!tpu.dma_semaphore, #tpu.memory_space<semaphore_mem>>)
    %dma_start3A_26 = arith.constant 1 : i32
    %dma_start3A_27 = arith.constant 1 : i32
    %dma_start3A_28 = arith.constant 0 : i32
    %dma_start3A_29 = tpu.memref_slice %arg6[%dma_start3A_26, %dma_start3A_28] : memref<8x1024xf32, #tpu.memory_space<vmem>> -> memref<1x1024xf32, #tpu.memory_space<vmem>>
    %dma_start3A_30 = tpu.memref_squeeze %dma_start3A_29 : memref<1x1024xf32, #tpu.memory_space<vmem>> -> memref<1024xf32, #tpu.memory_space<vmem>>
    %dma_start3A_31 = tpu.memref_slice %arg3[%dma_start3A_27, %mul3A_2] : memref<8x32768xf32, #tpu.memory_space<hbm>> -> memref<1x1024xf32, #tpu.memory_space<hbm>>
    %dma_start3A_32 = tpu.memref_squeeze %dma_start3A_31 : memref<1x1024xf32, #tpu.memory_space<hbm>> -> memref<1024xf32, #tpu.memory_space<hbm>>
    %dma_start3A_33 = tpu.memref_slice %arg3[%dma_start3A_27, %mul3A_2] : memref<8x32768xf32, #tpu.memory_space<hbm>> -> memref<1x1024xf32, #tpu.memory_space<hbm>>
    %dma_start3A_34 = tpu.memref_squeeze %dma_start3A_33 : memref<1x1024xf32, #tpu.memory_space<hbm>> -> memref<1024xf32, #tpu.memory_space<hbm>>
    %dma_start3A_35 = arith.constant 0 : i32
    %dma_start3A_36 = tpu.memref_slice %arg6[%dma_start3A_26, %dma_start3A_35] : memref<8x1024xf32, #tpu.memory_space<vmem>> -> memref<1x1024xf32, #tpu.memory_space<vmem>>
    %dma_start3A_37 = tpu.memref_squeeze %dma_start3A_36 : memref<1x1024xf32, #tpu.memory_space<vmem>> -> memref<1024xf32, #tpu.memory_space<vmem>>
    tpu.enqueue_dma source(%dma_start3A_37 : memref<1024xf32, #tpu.memory_space<vmem>>) target(%dma_start3A_34 : memref<1024xf32, #tpu.memory_space<hbm>>) target_semaphore(%arg9 : memref<!tpu.dma_semaphore, #tpu.memory_space<semaphore_mem>>)
    %dma_start3A_38 = arith.constant 2 : i32
    %dma_start3A_39 = arith.constant 2 : i32
    %dma_start3A_40 = arith.constant 0 : i32
    %dma_start3A_41 = tpu.memref_slice %arg6[%dma_start3A_38, %dma_start3A_40] : memref<8x1024xf32, #tpu.memory_space<vmem>> -> memref<1x1024xf32, #tpu.memory_space<vmem>>
    %dma_start3A_42 = tpu.memref_squeeze %dma_start3A_41 : memref<1x1024xf32, #tpu.memory_space<vmem>> -> memref<1024xf32, #tpu.memory_space<vmem>>
    %dma_start3A_43 = tpu.memref_slice %arg3[%dma_start3A_39, %mul3A_2] : memref<8x32768xf32, #tpu.memory_space<hbm>> -> memref<1x1024xf32, #tpu.memory_space<hbm>>
    %dma_start3A_44 = tpu.memref_squeeze %dma_start3A_43 : memref<1x1024xf32, #tpu.memory_space<hbm>> -> memref<1024xf32, #tpu.memory_space<hbm>>
    %dma_start3A_45 = tpu.memref_slice %arg3[%dma_start3A_39, %mul3A_2] : memref<8x32768xf32, #tpu.memory_space<hbm>> -> memref<1x1024xf32, #tpu.memory_space<hbm>>
    %dma_start3A_46 = tpu.memref_squeeze %dma_start3A_45 : memref<1x1024xf32, #tpu.memory_space<hbm>> -> memref<1024xf32, #tpu.memory_space<hbm>>
    %dma_start3A_47 = arith.constant 0 : i32
    %dma_start3A_48 = tpu.memref_slice %arg6[%dma_start3A_38, %dma_start3A_47] : memref<8x1024xf32, #tpu.memory_space<vmem>> -> memref<1x1024xf32, #tpu.memory_space<vmem>>
    %dma_start3A_49 = tpu.memref_squeeze %dma_start3A_48 : memref<1x1024xf32, #tpu.memory_space<vmem>> -> memref<1024xf32, #tpu.memory_space<vmem>>
    tpu.enqueue_dma source(%dma_start3A_49 : memref<1024xf32, #tpu.memory_space<vmem>>) target(%dma_start3A_46 : memref<1024xf32, #tpu.memory_space<hbm>>) target_semaphore(%arg9 : memref<!tpu.dma_semaphore, #tpu.memory_space<semaphore_mem>>)
    %dma_start3A_50 = arith.constant 3 : i32
    %dma_start3A_51 = arith.constant 3 : i32
    %dma_start3A_52 = arith.constant 0 : i32
    %dma_start3A_53 = tpu.memref_slice %arg6[%dma_start3A_50, %dma_start3A_52] : memref<8x1024xf32, #tpu.memory_space<vmem>> -> memref<1x1024xf32, #tpu.memory_space<vmem>>
    %dma_start3A_54 = tpu.memref_squeeze %dma_start3A_53 : memref<1x1024xf32, #tpu.memory_space<vmem>> -> memref<1024xf32, #tpu.memory_space<vmem>>
    %dma_start3A_55 = tpu.memref_slice %arg3[%dma_start3A_51, %mul3A_2] : memref<8x32768xf32, #tpu.memory_space<hbm>> -> memref<1x1024xf32, #tpu.memory_space<hbm>>
    %dma_start3A_56 = tpu.memref_squeeze %dma_start3A_55 : memref<1x1024xf32, #tpu.memory_space<hbm>> -> memref<1024xf32, #tpu.memory_space<hbm>>
    %dma_start3A_57 = tpu.memref_slice %arg3[%dma_start3A_51, %mul3A_2] : memref<8x32768xf32, #tpu.memory_space<hbm>> -> memref<1x1024xf32, #tpu.memory_space<hbm>>
    %dma_start3A_58 = tpu.memref_squeeze %dma_start3A_57 : memref<1x1024xf32, #tpu.memory_space<hbm>> -> memref<1024xf32, #tpu.memory_space<hbm>>
    %dma_start3A_59 = arith.constant 0 : i32
    %dma_start3A_60 = tpu.memref_slice %arg6[%dma_start3A_50, %dma_start3A_59] : memref<8x1024xf32, #tpu.memory_space<vmem>> -> memref<1x1024xf32, #tpu.memory_space<vmem>>
    %dma_start3A_61 = tpu.memref_squeeze %dma_start3A_60 : memref<1x1024xf32, #tpu.memory_space<vmem>> -> memref<1024xf32, #tpu.memory_space<vmem>>
    tpu.enqueue_dma source(%dma_start3A_61 : memref<1024xf32, #tpu.memory_space<vmem>>) target(%dma_start3A_58 : memref<1024xf32, #tpu.memory_space<hbm>>) target_semaphore(%arg9 : memref<!tpu.dma_semaphore, #tpu.memory_space<semaphore_mem>>)
    %dma_start3A_62 = arith.constant 4 : i32
    %dma_start3A_63 = arith.constant 4 : i32
    %dma_start3A_64 = arith.constant 0 : i32
    %dma_start3A_65 = tpu.memref_slice %arg6[%dma_start3A_62, %dma_start3A_64] : memref<8x1024xf32, #tpu.memory_space<vmem>> -> memref<1x1024xf32, #tpu.memory_space<vmem>>
    %dma_start3A_66 = tpu.memref_squeeze %dma_start3A_65 : memref<1x1024xf32, #tpu.memory_space<vmem>> -> memref<1024xf32, #tpu.memory_space<vmem>>
    %dma_start3A_67 = tpu.memref_slice %arg3[%dma_start3A_63, %mul3A_2] : memref<8x32768xf32, #tpu.memory_space<hbm>> -> memref<1x1024xf32, #tpu.memory_space<hbm>>
    %dma_start3A_68 = tpu.memref_squeeze %dma_start3A_67 : memref<1x1024xf32, #tpu.memory_space<hbm>> -> memref<1024xf32, #tpu.memory_space<hbm>>
    %dma_start3A_69 = tpu.memref_slice %arg3[%dma_start3A_63, %mul3A_2] : memref<8x32768xf32, #tpu.memory_space<hbm>> -> memref<1x1024xf32, #tpu.memory_space<hbm>>
    %dma_start3A_70 = tpu.memref_squeeze %dma_start3A_69 : memref<1x1024xf32, #tpu.memory_space<hbm>> -> memref<1024xf32, #tpu.memory_space<hbm>>
    %dma_start3A_71 = arith.constant 0 : i32
    %dma_start3A_72 = tpu.memref_slice %arg6[%dma_start3A_62, %dma_start3A_71] : memref<8x1024xf32, #tpu.memory_space<vmem>> -> memref<1x1024xf32, #tpu.memory_space<vmem>>
    %dma_start3A_73 = tpu.memref_squeeze %dma_start3A_72 : memref<1x1024xf32, #tpu.memory_space<vmem>> -> memref<1024xf32, #tpu.memory_space<vmem>>
    tpu.enqueue_dma source(%dma_start3A_73 : memref<1024xf32, #tpu.memory_space<vmem>>) target(%dma_start3A_70 : memref<1024xf32, #tpu.memory_space<hbm>>) target_semaphore(%arg9 : memref<!tpu.dma_semaphore, #tpu.memory_space<semaphore_mem>>)
    %dma_start3A_74 = arith.constant 5 : i32
    %dma_start3A_75 = arith.constant 5 : i32
    %dma_start3A_76 = arith.constant 0 : i32
    %dma_start3A_77 = tpu.memref_slice %arg6[%dma_start3A_74, %dma_start3A_76] : memref<8x1024xf32, #tpu.memory_space<vmem>> -> memref<1x1024xf32, #tpu.memory_space<vmem>>
    %dma_start3A_78 = tpu.memref_squeeze %dma_start3A_77 : memref<1x1024xf32, #tpu.memory_space<vmem>> -> memref<1024xf32, #tpu.memory_space<vmem>>
    %dma_start3A_79 = tpu.memref_slice %arg3[%dma_start3A_75, %mul3A_2] : memref<8x32768xf32, #tpu.memory_space<hbm>> -> memref<1x1024xf32, #tpu.memory_space<hbm>>
    %dma_start3A_80 = tpu.memref_squeeze %dma_start3A_79 : memref<1x1024xf32, #tpu.memory_space<hbm>> -> memref<1024xf32, #tpu.memory_space<hbm>>
    %dma_start3A_81 = tpu.memref_slice %arg3[%dma_start3A_75, %mul3A_2] : memref<8x32768xf32, #tpu.memory_space<hbm>> -> memref<1x1024xf32, #tpu.memory_space<hbm>>
    %dma_start3A_82 = tpu.memref_squeeze %dma_start3A_81 : memref<1x1024xf32, #tpu.memory_space<hbm>> -> memref<1024xf32, #tpu.memory_space<hbm>>
    %dma_start3A_83 = arith.constant 0 : i32
    %dma_start3A_84 = tpu.memref_slice %arg6[%dma_start3A_74, %dma_start3A_83] : memref<8x1024xf32, #tpu.memory_space<vmem>> -> memref<1x1024xf32, #tpu.memory_space<vmem>>
    %dma_start3A_85 = tpu.memref_squeeze %dma_start3A_84 : memref<1x1024xf32, #tpu.memory_space<vmem>> -> memref<1024xf32, #tpu.memory_space<vmem>>
    tpu.enqueue_dma source(%dma_start3A_85 : memref<1024xf32, #tpu.memory_space<vmem>>) target(%dma_start3A_82 : memref<1024xf32, #tpu.memory_space<hbm>>) target_semaphore(%arg9 : memref<!tpu.dma_semaphore, #tpu.memory_space<semaphore_mem>>)
    %dma_start3A_86 = arith.constant 6 : i32
    %dma_start3A_87 = arith.constant 6 : i32
    %dma_start3A_88 = arith.constant 0 : i32
    %dma_start3A_89 = tpu.memref_slice %arg6[%dma_start3A_86, %dma_start3A_88] : memref<8x1024xf32, #tpu.memory_space<vmem>> -> memref<1x1024xf32, #tpu.memory_space<vmem>>
    %dma_start3A_90 = tpu.memref_squeeze %dma_start3A_89 : memref<1x1024xf32, #tpu.memory_space<vmem>> -> memref<1024xf32, #tpu.memory_space<vmem>>
    %dma_start3A_91 = tpu.memref_slice %arg3[%dma_start3A_87, %mul3A_2] : memref<8x32768xf32, #tpu.memory_space<hbm>> -> memref<1x1024xf32, #tpu.memory_space<hbm>>
    %dma_start3A_92 = tpu.memref_squeeze %dma_start3A_91 : memref<1x1024xf32, #tpu.memory_space<hbm>> -> memref<1024xf32, #tpu.memory_space<hbm>>
    %dma_start3A_93 = tpu.memref_slice %arg3[%dma_start3A_87, %mul3A_2] : memref<8x32768xf32, #tpu.memory_space<hbm>> -> memref<1x1024xf32, #tpu.memory_space<hbm>>
    %dma_start3A_94 = tpu.memref_squeeze %dma_start3A_93 : memref<1x1024xf32, #tpu.memory_space<hbm>> -> memref<1024xf32, #tpu.memory_space<hbm>>
    %dma_start3A_95 = arith.constant 0 : i32
    %dma_start3A_96 = tpu.memref_slice %arg6[%dma_start3A_86, %dma_start3A_95] : memref<8x1024xf32, #tpu.memory_space<vmem>> -> memref<1x1024xf32, #tpu.memory_space<vmem>>
    %dma_start3A_97 = tpu.memref_squeeze %dma_start3A_96 : memref<1x1024xf32, #tpu.memory_space<vmem>> -> memref<1024xf32, #tpu.memory_space<vmem>>
    tpu.enqueue_dma source(%dma_start3A_97 : memref<1024xf32, #tpu.memory_space<vmem>>) target(%dma_start3A_94 : memref<1024xf32, #tpu.memory_space<hbm>>) target_semaphore(%arg9 : memref<!tpu.dma_semaphore, #tpu.memory_space<semaphore_mem>>)
    %dma_start3A_98 = arith.constant 7 : i32
    %dma_start3A_99 = arith.constant 7 : i32
    %dma_start3A_100 = arith.constant 0 : i32
    %dma_start3A_101 = tpu.memref_slice %arg6[%dma_start3A_98, %dma_start3A_100] : memref<8x1024xf32, #tpu.memory_space<vmem>> -> memref<1x1024xf32, #tpu.memory_space<vmem>>
    %dma_start3A_102 = tpu.memref_squeeze %dma_start3A_101 : memref<1x1024xf32, #tpu.memory_space<vmem>> -> memref<1024xf32, #tpu.memory_space<vmem>>
    %dma_start3A_103 = tpu.memref_slice %arg3[%dma_start3A_99, %mul3A_2] : memref<8x32768xf32, #tpu.memory_space<hbm>> -> memref<1x1024xf32, #tpu.memory_space<hbm>>
    %dma_start3A_104 = tpu.memref_squeeze %dma_start3A_103 : memref<1x1024xf32, #tpu.memory_space<hbm>> -> memref<1024xf32, #tpu.memory_space<hbm>>
    %dma_start3A_105 = tpu.memref_slice %arg3[%dma_start3A_99, %mul3A_2] : memref<8x32768xf32, #tpu.memory_space<hbm>> -> memref<1x1024xf32, #tpu.memory_space<hbm>>
    %dma_start3A_106 = tpu.memref_squeeze %dma_start3A_105 : memref<1x1024xf32, #tpu.memory_space<hbm>> -> memref<1024xf32, #tpu.memory_space<hbm>>
    %dma_start3A_107 = arith.constant 0 : i32
    %dma_start3A_108 = tpu.memref_slice %arg6[%dma_start3A_98, %dma_start3A_107] : memref<8x1024xf32, #tpu.memory_space<vmem>> -> memref<1x1024xf32, #tpu.memory_space<vmem>>
    %dma_start3A_109 = tpu.memref_squeeze %dma_start3A_108 : memref<1x1024xf32, #tpu.memory_space<vmem>> -> memref<1024xf32, #tpu.memory_space<vmem>>
    tpu.enqueue_dma source(%dma_start3A_109 : memref<1024xf32, #tpu.memory_space<vmem>>) target(%dma_start3A_106 : memref<1024xf32, #tpu.memory_space<hbm>>) target_semaphore(%arg9 : memref<!tpu.dma_semaphore, #tpu.memory_space<semaphore_mem>>)
    %dma_start3A_110 = arith.constant 0 : i32
    %dma_start3A_111 = arith.constant 0 : i32
    %dma_start3A_112 = arith.constant 0 : i32
    %dma_start3A_113 = tpu.memref_slice %arg7[%dma_start3A_110, %dma_start3A_112] : memref<2x1024xi32, #tpu.memory_space<vmem>> -> memref<1x1024xi32, #tpu.memory_space<vmem>>
    %dma_start3A_114 = tpu.memref_squeeze %dma_start3A_113 : memref<1x1024xi32, #tpu.memory_space<vmem>> -> memref<1024xi32, #tpu.memory_space<vmem>>
    %dma_start3A_115 = tpu.memref_slice %arg4[%dma_start3A_111, %mul3A_2] : memref<2x32768xi32, #tpu.memory_space<hbm>> -> memref<1x1024xi32, #tpu.memory_space<hbm>>
    %dma_start3A_116 = tpu.memref_squeeze %dma_start3A_115 : memref<1x1024xi32, #tpu.memory_space<hbm>> -> memref<1024xi32, #tpu.memory_space<hbm>>
    %dma_start3A_117 = tpu.memref_slice %arg4[%dma_start3A_111, %mul3A_2] : memref<2x32768xi32, #tpu.memory_space<hbm>> -> memref<1x1024xi32, #tpu.memory_space<hbm>>
    %dma_start3A_118 = tpu.memref_squeeze %dma_start3A_117 : memref<1x1024xi32, #tpu.memory_space<hbm>> -> memref<1024xi32, #tpu.memory_space<hbm>>
    %dma_start3A_119 = arith.constant 0 : i32
    %dma_start3A_120 = tpu.memref_slice %arg7[%dma_start3A_110, %dma_start3A_119] : memref<2x1024xi32, #tpu.memory_space<vmem>> -> memref<1x1024xi32, #tpu.memory_space<vmem>>
    %dma_start3A_121 = tpu.memref_squeeze %dma_start3A_120 : memref<1x1024xi32, #tpu.memory_space<vmem>> -> memref<1024xi32, #tpu.memory_space<vmem>>
    tpu.enqueue_dma source(%dma_start3A_121 : memref<1024xi32, #tpu.memory_space<vmem>>) target(%dma_start3A_118 : memref<1024xi32, #tpu.memory_space<hbm>>) target_semaphore(%arg9 : memref<!tpu.dma_semaphore, #tpu.memory_space<semaphore_mem>>)
    %dma_start3A_122 = arith.constant 1 : i32
    %dma_start3A_123 = arith.constant 1 : i32
    %dma_start3A_124 = arith.constant 0 : i32
    %dma_start3A_125 = tpu.memref_slice %arg7[%dma_start3A_122, %dma_start3A_124] : memref<2x1024xi32, #tpu.memory_space<vmem>> -> memref<1x1024xi32, #tpu.memory_space<vmem>>
    %dma_start3A_126 = tpu.memref_squeeze %dma_start3A_125 : memref<1x1024xi32, #tpu.memory_space<vmem>> -> memref<1024xi32, #tpu.memory_space<vmem>>
    %dma_start3A_127 = tpu.memref_slice %arg4[%dma_start3A_123, %mul3A_2] : memref<2x32768xi32, #tpu.memory_space<hbm>> -> memref<1x1024xi32, #tpu.memory_space<hbm>>
    %dma_start3A_128 = tpu.memref_squeeze %dma_start3A_127 : memref<1x1024xi32, #tpu.memory_space<hbm>> -> memref<1024xi32, #tpu.memory_space<hbm>>
    %dma_start3A_129 = tpu.memref_slice %arg4[%dma_start3A_123, %mul3A_2] : memref<2x32768xi32, #tpu.memory_space<hbm>> -> memref<1x1024xi32, #tpu.memory_space<hbm>>
    %dma_start3A_130 = tpu.memref_squeeze %dma_start3A_129 : memref<1x1024xi32, #tpu.memory_space<hbm>> -> memref<1024xi32, #tpu.memory_space<hbm>>
    %dma_start3A_131 = arith.constant 0 : i32
    %dma_start3A_132 = tpu.memref_slice %arg7[%dma_start3A_122, %dma_start3A_131] : memref<2x1024xi32, #tpu.memory_space<vmem>> -> memref<1x1024xi32, #tpu.memory_space<vmem>>
    %dma_start3A_133 = tpu.memref_squeeze %dma_start3A_132 : memref<1x1024xi32, #tpu.memory_space<vmem>> -> memref<1024xi32, #tpu.memory_space<vmem>>
    tpu.enqueue_dma source(%dma_start3A_133 : memref<1024xi32, #tpu.memory_space<vmem>>) target(%dma_start3A_130 : memref<1024xi32, #tpu.memory_space<hbm>>) target_semaphore(%arg9 : memref<!tpu.dma_semaphore, #tpu.memory_space<semaphore_mem>>)
    %dma_wait3A_134 = arith.constant 0 : i32
    %dma_wait3A_135 = arith.constant 0 : i32
    %dma_wait3A_136 = arith.constant 0 : i32
    %dma_wait3A_137 = tpu.memref_slice %arg6[%dma_wait3A_134, %dma_wait3A_136] : memref<8x1024xf32, #tpu.memory_space<vmem>> -> memref<1x1024xf32, #tpu.memory_space<vmem>>
    %dma_wait3A_138 = tpu.memref_squeeze %dma_wait3A_137 : memref<1x1024xf32, #tpu.memory_space<vmem>> -> memref<1024xf32, #tpu.memory_space<vmem>>
    %dma_wait3A_139 = tpu.memref_slice %arg3[%dma_wait3A_135, %mul3A_2] : memref<8x32768xf32, #tpu.memory_space<hbm>> -> memref<1x1024xf32, #tpu.memory_space<hbm>>
    %dma_wait3A_140 = tpu.memref_squeeze %dma_wait3A_139 : memref<1x1024xf32, #tpu.memory_space<hbm>> -> memref<1024xf32, #tpu.memory_space<hbm>>
    %dma_wait3A_141 = tpu.memref_slice %arg3[%dma_wait3A_135, %mul3A_2] : memref<8x32768xf32, #tpu.memory_space<hbm>> -> memref<1x1024xf32, #tpu.memory_space<hbm>>
    %dma_wait3A_142 = tpu.memref_squeeze %dma_wait3A_141 : memref<1x1024xf32, #tpu.memory_space<hbm>> -> memref<1024xf32, #tpu.memory_space<hbm>>
    %dma_wait3A_143 = arith.constant 0 : i32
    %dma_wait3A_144 = tpu.memref_slice %arg6[%dma_wait3A_134, %dma_wait3A_143] : memref<8x1024xf32, #tpu.memory_space<vmem>> -> memref<1x1024xf32, #tpu.memory_space<vmem>>
    %dma_wait3A_145 = tpu.memref_squeeze %dma_wait3A_144 : memref<1x1024xf32, #tpu.memory_space<vmem>> -> memref<1024xf32, #tpu.memory_space<vmem>>
    tpu.wait_dma2 semaphore(%arg9 : memref<!tpu.dma_semaphore, #tpu.memory_space<semaphore_mem>>) src(%dma_wait3A_145 : memref<1024xf32, #tpu.memory_space<vmem>>) dst(%dma_wait3A_142 : memref<1024xf32, #tpu.memory_space<hbm>>)
    %dma_wait3A_146 = arith.constant 1 : i32
    %dma_wait3A_147 = arith.constant 1 : i32
    %dma_wait3A_148 = arith.constant 0 : i32
    %dma_wait3A_149 = tpu.memref_slice %arg6[%dma_wait3A_146, %dma_wait3A_148] : memref<8x1024xf32, #tpu.memory_space<vmem>> -> memref<1x1024xf32, #tpu.memory_space<vmem>>
    %dma_wait3A_150 = tpu.memref_squeeze %dma_wait3A_149 : memref<1x1024xf32, #tpu.memory_space<vmem>> -> memref<1024xf32, #tpu.memory_space<vmem>>
    %dma_wait3A_151 = tpu.memref_slice %arg3[%dma_wait3A_147, %mul3A_2] : memref<8x32768xf32, #tpu.memory_space<hbm>> -> memref<1x1024xf32, #tpu.memory_space<hbm>>
    %dma_wait3A_152 = tpu.memref_squeeze %dma_wait3A_151 : memref<1x1024xf32, #tpu.memory_space<hbm>> -> memref<1024xf32, #tpu.memory_space<hbm>>
    %dma_wait3A_153 = tpu.memref_slice %arg3[%dma_wait3A_147, %mul3A_2] : memref<8x32768xf32, #tpu.memory_space<hbm>> -> memref<1x1024xf32, #tpu.memory_space<hbm>>
    %dma_wait3A_154 = tpu.memref_squeeze %dma_wait3A_153 : memref<1x1024xf32, #tpu.memory_space<hbm>> -> memref<1024xf32, #tpu.memory_space<hbm>>
    %dma_wait3A_155 = arith.constant 0 : i32
    %dma_wait3A_156 = tpu.memref_slice %arg6[%dma_wait3A_146, %dma_wait3A_155] : memref<8x1024xf32, #tpu.memory_space<vmem>> -> memref<1x1024xf32, #tpu.memory_space<vmem>>
    %dma_wait3A_157 = tpu.memref_squeeze %dma_wait3A_156 : memref<1x1024xf32, #tpu.memory_space<vmem>> -> memref<1024xf32, #tpu.memory_space<vmem>>
    tpu.wait_dma2 semaphore(%arg9 : memref<!tpu.dma_semaphore, #tpu.memory_space<semaphore_mem>>) src(%dma_wait3A_157 : memref<1024xf32, #tpu.memory_space<vmem>>) dst(%dma_wait3A_154 : memref<1024xf32, #tpu.memory_space<hbm>>)
    %dma_wait3A_158 = arith.constant 2 : i32
    %dma_wait3A_159 = arith.constant 2 : i32
    %dma_wait3A_160 = arith.constant 0 : i32
    %dma_wait3A_161 = tpu.memref_slice %arg6[%dma_wait3A_158, %dma_wait3A_160] : memref<8x1024xf32, #tpu.memory_space<vmem>> -> memref<1x1024xf32, #tpu.memory_space<vmem>>
    %dma_wait3A_162 = tpu.memref_squeeze %dma_wait3A_161 : memref<1x1024xf32, #tpu.memory_space<vmem>> -> memref<1024xf32, #tpu.memory_space<vmem>>
    %dma_wait3A_163 = tpu.memref_slice %arg3[%dma_wait3A_159, %mul3A_2] : memref<8x32768xf32, #tpu.memory_space<hbm>> -> memref<1x1024xf32, #tpu.memory_space<hbm>>
    %dma_wait3A_164 = tpu.memref_squeeze %dma_wait3A_163 : memref<1x1024xf32, #tpu.memory_space<hbm>> -> memref<1024xf32, #tpu.memory_space<hbm>>
    %dma_wait3A_165 = tpu.memref_slice %arg3[%dma_wait3A_159, %mul3A_2] : memref<8x32768xf32, #tpu.memory_space<hbm>> -> memref<1x1024xf32, #tpu.memory_space<hbm>>
    %dma_wait3A_166 = tpu.memref_squeeze %dma_wait3A_165 : memref<1x1024xf32, #tpu.memory_space<hbm>> -> memref<1024xf32, #tpu.memory_space<hbm>>
    %dma_wait3A_167 = arith.constant 0 : i32
    %dma_wait3A_168 = tpu.memref_slice %arg6[%dma_wait3A_158, %dma_wait3A_167] : memref<8x1024xf32, #tpu.memory_space<vmem>> -> memref<1x1024xf32, #tpu.memory_space<vmem>>
    %dma_wait3A_169 = tpu.memref_squeeze %dma_wait3A_168 : memref<1x1024xf32, #tpu.memory_space<vmem>> -> memref<1024xf32, #tpu.memory_space<vmem>>
    tpu.wait_dma2 semaphore(%arg9 : memref<!tpu.dma_semaphore, #tpu.memory_space<semaphore_mem>>) src(%dma_wait3A_169 : memref<1024xf32, #tpu.memory_space<vmem>>) dst(%dma_wait3A_166 : memref<1024xf32, #tpu.memory_space<hbm>>)
    %dma_wait3A_170 = arith.constant 3 : i32
    %dma_wait3A_171 = arith.constant 3 : i32
    %dma_wait3A_172 = arith.constant 0 : i32
    %dma_wait3A_173 = tpu.memref_slice %arg6[%dma_wait3A_170, %dma_wait3A_172] : memref<8x1024xf32, #tpu.memory_space<vmem>> -> memref<1x1024xf32, #tpu.memory_space<vmem>>
    %dma_wait3A_174 = tpu.memref_squeeze %dma_wait3A_173 : memref<1x1024xf32, #tpu.memory_space<vmem>> -> memref<1024xf32, #tpu.memory_space<vmem>>
    %dma_wait3A_175 = tpu.memref_slice %arg3[%dma_wait3A_171, %mul3A_2] : memref<8x32768xf32, #tpu.memory_space<hbm>> -> memref<1x1024xf32, #tpu.memory_space<hbm>>
    %dma_wait3A_176 = tpu.memref_squeeze %dma_wait3A_175 : memref<1x1024xf32, #tpu.memory_space<hbm>> -> memref<1024xf32, #tpu.memory_space<hbm>>
    %dma_wait3A_177 = tpu.memref_slice %arg3[%dma_wait3A_171, %mul3A_2] : memref<8x32768xf32, #tpu.memory_space<hbm>> -> memref<1x1024xf32, #tpu.memory_space<hbm>>
    %dma_wait3A_178 = tpu.memref_squeeze %dma_wait3A_177 : memref<1x1024xf32, #tpu.memory_space<hbm>> -> memref<1024xf32, #tpu.memory_space<hbm>>
    %dma_wait3A_179 = arith.constant 0 : i32
    %dma_wait3A_180 = tpu.memref_slice %arg6[%dma_wait3A_170, %dma_wait3A_179] : memref<8x1024xf32, #tpu.memory_space<vmem>> -> memref<1x1024xf32, #tpu.memory_space<vmem>>
    %dma_wait3A_181 = tpu.memref_squeeze %dma_wait3A_180 : memref<1x1024xf32, #tpu.memory_space<vmem>> -> memref<1024xf32, #tpu.memory_space<vmem>>
    tpu.wait_dma2 semaphore(%arg9 : memref<!tpu.dma_semaphore, #tpu.memory_space<semaphore_mem>>) src(%dma_wait3A_181 : memref<1024xf32, #tpu.memory_space<vmem>>) dst(%dma_wait3A_178 : memref<1024xf32, #tpu.memory_space<hbm>>)
    %dma_wait3A_182 = arith.constant 4 : i32
    %dma_wait3A_183 = arith.constant 4 : i32
    %dma_wait3A_184 = arith.constant 0 : i32
    %dma_wait3A_185 = tpu.memref_slice %arg6[%dma_wait3A_182, %dma_wait3A_184] : memref<8x1024xf32, #tpu.memory_space<vmem>> -> memref<1x1024xf32, #tpu.memory_space<vmem>>
    %dma_wait3A_186 = tpu.memref_squeeze %dma_wait3A_185 : memref<1x1024xf32, #tpu.memory_space<vmem>> -> memref<1024xf32, #tpu.memory_space<vmem>>
    %dma_wait3A_187 = tpu.memref_slice %arg3[%dma_wait3A_183, %mul3A_2] : memref<8x32768xf32, #tpu.memory_space<hbm>> -> memref<1x1024xf32, #tpu.memory_space<hbm>>
    %dma_wait3A_188 = tpu.memref_squeeze %dma_wait3A_187 : memref<1x1024xf32, #tpu.memory_space<hbm>> -> memref<1024xf32, #tpu.memory_space<hbm>>
    %dma_wait3A_189 = tpu.memref_slice %arg3[%dma_wait3A_183, %mul3A_2] : memref<8x32768xf32, #tpu.memory_space<hbm>> -> memref<1x1024xf32, #tpu.memory_space<hbm>>
    %dma_wait3A_190 = tpu.memref_squeeze %dma_wait3A_189 : memref<1x1024xf32, #tpu.memory_space<hbm>> -> memref<1024xf32, #tpu.memory_space<hbm>>
    %dma_wait3A_191 = arith.constant 0 : i32
    %dma_wait3A_192 = tpu.memref_slice %arg6[%dma_wait3A_182, %dma_wait3A_191] : memref<8x1024xf32, #tpu.memory_space<vmem>> -> memref<1x1024xf32, #tpu.memory_space<vmem>>
    %dma_wait3A_193 = tpu.memref_squeeze %dma_wait3A_192 : memref<1x1024xf32, #tpu.memory_space<vmem>> -> memref<1024xf32, #tpu.memory_space<vmem>>
    tpu.wait_dma2 semaphore(%arg9 : memref<!tpu.dma_semaphore, #tpu.memory_space<semaphore_mem>>) src(%dma_wait3A_193 : memref<1024xf32, #tpu.memory_space<vmem>>) dst(%dma_wait3A_190 : memref<1024xf32, #tpu.memory_space<hbm>>)
    %dma_wait3A_194 = arith.constant 5 : i32
    %dma_wait3A_195 = arith.constant 5 : i32
    %dma_wait3A_196 = arith.constant 0 : i32
    %dma_wait3A_197 = tpu.memref_slice %arg6[%dma_wait3A_194, %dma_wait3A_196] : memref<8x1024xf32, #tpu.memory_space<vmem>> -> memref<1x1024xf32, #tpu.memory_space<vmem>>
    %dma_wait3A_198 = tpu.memref_squeeze %dma_wait3A_197 : memref<1x1024xf32, #tpu.memory_space<vmem>> -> memref<1024xf32, #tpu.memory_space<vmem>>
    %dma_wait3A_199 = tpu.memref_slice %arg3[%dma_wait3A_195, %mul3A_2] : memref<8x32768xf32, #tpu.memory_space<hbm>> -> memref<1x1024xf32, #tpu.memory_space<hbm>>
    %dma_wait3A_200 = tpu.memref_squeeze %dma_wait3A_199 : memref<1x1024xf32, #tpu.memory_space<hbm>> -> memref<1024xf32, #tpu.memory_space<hbm>>
    %dma_wait3A_201 = tpu.memref_slice %arg3[%dma_wait3A_195, %mul3A_2] : memref<8x32768xf32, #tpu.memory_space<hbm>> -> memref<1x1024xf32, #tpu.memory_space<hbm>>
    %dma_wait3A_202 = tpu.memref_squeeze %dma_wait3A_201 : memref<1x1024xf32, #tpu.memory_space<hbm>> -> memref<1024xf32, #tpu.memory_space<hbm>>
    %dma_wait3A_203 = arith.constant 0 : i32
    %dma_wait3A_204 = tpu.memref_slice %arg6[%dma_wait3A_194, %dma_wait3A_203] : memref<8x1024xf32, #tpu.memory_space<vmem>> -> memref<1x1024xf32, #tpu.memory_space<vmem>>
    %dma_wait3A_205 = tpu.memref_squeeze %dma_wait3A_204 : memref<1x1024xf32, #tpu.memory_space<vmem>> -> memref<1024xf32, #tpu.memory_space<vmem>>
    tpu.wait_dma2 semaphore(%arg9 : memref<!tpu.dma_semaphore, #tpu.memory_space<semaphore_mem>>) src(%dma_wait3A_205 : memref<1024xf32, #tpu.memory_space<vmem>>) dst(%dma_wait3A_202 : memref<1024xf32, #tpu.memory_space<hbm>>)
    %dma_wait3A_206 = arith.constant 6 : i32
    %dma_wait3A_207 = arith.constant 6 : i32
    %dma_wait3A_208 = arith.constant 0 : i32
    %dma_wait3A_209 = tpu.memref_slice %arg6[%dma_wait3A_206, %dma_wait3A_208] : memref<8x1024xf32, #tpu.memory_space<vmem>> -> memref<1x1024xf32, #tpu.memory_space<vmem>>
    %dma_wait3A_210 = tpu.memref_squeeze %dma_wait3A_209 : memref<1x1024xf32, #tpu.memory_space<vmem>> -> memref<1024xf32, #tpu.memory_space<vmem>>
    %dma_wait3A_211 = tpu.memref_slice %arg3[%dma_wait3A_207, %mul3A_2] : memref<8x32768xf32, #tpu.memory_space<hbm>> -> memref<1x1024xf32, #tpu.memory_space<hbm>>
    %dma_wait3A_212 = tpu.memref_squeeze %dma_wait3A_211 : memref<1x1024xf32, #tpu.memory_space<hbm>> -> memref<1024xf32, #tpu.memory_space<hbm>>
    %dma_wait3A_213 = tpu.memref_slice %arg3[%dma_wait3A_207, %mul3A_2] : memref<8x32768xf32, #tpu.memory_space<hbm>> -> memref<1x1024xf32, #tpu.memory_space<hbm>>
    %dma_wait3A_214 = tpu.memref_squeeze %dma_wait3A_213 : memref<1x1024xf32, #tpu.memory_space<hbm>> -> memref<1024xf32, #tpu.memory_space<hbm>>
    %dma_wait3A_215 = arith.constant 0 : i32
    %dma_wait3A_216 = tpu.memref_slice %arg6[%dma_wait3A_206, %dma_wait3A_215] : memref<8x1024xf32, #tpu.memory_space<vmem>> -> memref<1x1024xf32, #tpu.memory_space<vmem>>
    %dma_wait3A_217 = tpu.memref_squeeze %dma_wait3A_216 : memref<1x1024xf32, #tpu.memory_space<vmem>> -> memref<1024xf32, #tpu.memory_space<vmem>>
    tpu.wait_dma2 semaphore(%arg9 : memref<!tpu.dma_semaphore, #tpu.memory_space<semaphore_mem>>) src(%dma_wait3A_217 : memref<1024xf32, #tpu.memory_space<vmem>>) dst(%dma_wait3A_214 : memref<1024xf32, #tpu.memory_space<hbm>>)
    %dma_wait3A_218 = arith.constant 7 : i32
    %dma_wait3A_219 = arith.constant 7 : i32
    %dma_wait3A_220 = arith.constant 0 : i32
    %dma_wait3A_221 = tpu.memref_slice %arg6[%dma_wait3A_218, %dma_wait3A_220] : memref<8x1024xf32, #tpu.memory_space<vmem>> -> memref<1x1024xf32, #tpu.memory_space<vmem>>
    %dma_wait3A_222 = tpu.memref_squeeze %dma_wait3A_221 : memref<1x1024xf32, #tpu.memory_space<vmem>> -> memref<1024xf32, #tpu.memory_space<vmem>>
    %dma_wait3A_223 = tpu.memref_slice %arg3[%dma_wait3A_219, %mul3A_2] : memref<8x32768xf32, #tpu.memory_space<hbm>> -> memref<1x1024xf32, #tpu.memory_space<hbm>>
    %dma_wait3A_224 = tpu.memref_squeeze %dma_wait3A_223 : memref<1x1024xf32, #tpu.memory_space<hbm>> -> memref<1024xf32, #tpu.memory_space<hbm>>
    %dma_wait3A_225 = tpu.memref_slice %arg3[%dma_wait3A_219, %mul3A_2] : memref<8x32768xf32, #tpu.memory_space<hbm>> -> memref<1x1024xf32, #tpu.memory_space<hbm>>
    %dma_wait3A_226 = tpu.memref_squeeze %dma_wait3A_225 : memref<1x1024xf32, #tpu.memory_space<hbm>> -> memref<1024xf32, #tpu.memory_space<hbm>>
    %dma_wait3A_227 = arith.constant 0 : i32
    %dma_wait3A_228 = tpu.memref_slice %arg6[%dma_wait3A_218, %dma_wait3A_227] : memref<8x1024xf32, #tpu.memory_space<vmem>> -> memref<1x1024xf32, #tpu.memory_space<vmem>>
    %dma_wait3A_229 = tpu.memref_squeeze %dma_wait3A_228 : memref<1x1024xf32, #tpu.memory_space<vmem>> -> memref<1024xf32, #tpu.memory_space<vmem>>
    tpu.wait_dma2 semaphore(%arg9 : memref<!tpu.dma_semaphore, #tpu.memory_space<semaphore_mem>>) src(%dma_wait3A_229 : memref<1024xf32, #tpu.memory_space<vmem>>) dst(%dma_wait3A_226 : memref<1024xf32, #tpu.memory_space<hbm>>)
    %dma_wait3A_230 = arith.constant 0 : i32
    %dma_wait3A_231 = arith.constant 0 : i32
    %dma_wait3A_232 = arith.constant 0 : i32
    %dma_wait3A_233 = tpu.memref_slice %arg7[%dma_wait3A_230, %dma_wait3A_232] : memref<2x1024xi32, #tpu.memory_space<vmem>> -> memref<1x1024xi32, #tpu.memory_space<vmem>>
    %dma_wait3A_234 = tpu.memref_squeeze %dma_wait3A_233 : memref<1x1024xi32, #tpu.memory_space<vmem>> -> memref<1024xi32, #tpu.memory_space<vmem>>
    %dma_wait3A_235 = tpu.memref_slice %arg4[%dma_wait3A_231, %mul3A_2] : memref<2x32768xi32, #tpu.memory_space<hbm>> -> memref<1x1024xi32, #tpu.memory_space<hbm>>
    %dma_wait3A_236 = tpu.memref_squeeze %dma_wait3A_235 : memref<1x1024xi32, #tpu.memory_space<hbm>> -> memref<1024xi32, #tpu.memory_space<hbm>>
    %dma_wait3A_237 = tpu.memref_slice %arg4[%dma_wait3A_231, %mul3A_2] : memref<2x32768xi32, #tpu.memory_space<hbm>> -> memref<1x1024xi32, #tpu.memory_space<hbm>>
    %dma_wait3A_238 = tpu.memref_squeeze %dma_wait3A_237 : memref<1x1024xi32, #tpu.memory_space<hbm>> -> memref<1024xi32, #tpu.memory_space<hbm>>
    %dma_wait3A_239 = arith.constant 0 : i32
    %dma_wait3A_240 = tpu.memref_slice %arg7[%dma_wait3A_230, %dma_wait3A_239] : memref<2x1024xi32, #tpu.memory_space<vmem>> -> memref<1x1024xi32, #tpu.memory_space<vmem>>
    %dma_wait3A_241 = tpu.memref_squeeze %dma_wait3A_240 : memref<1x1024xi32, #tpu.memory_space<vmem>> -> memref<1024xi32, #tpu.memory_space<vmem>>
    tpu.wait_dma2 semaphore(%arg9 : memref<!tpu.dma_semaphore, #tpu.memory_space<semaphore_mem>>) src(%dma_wait3A_241 : memref<1024xi32, #tpu.memory_space<vmem>>) dst(%dma_wait3A_238 : memref<1024xi32, #tpu.memory_space<hbm>>)
    %dma_wait3A_242 = arith.constant 1 : i32
    %dma_wait3A_243 = arith.constant 1 : i32
    %dma_wait3A_244 = arith.constant 0 : i32
    %dma_wait3A_245 = tpu.memref_slice %arg7[%dma_wait3A_242, %dma_wait3A_244] : memref<2x1024xi32, #tpu.memory_space<vmem>> -> memref<1x1024xi32, #tpu.memory_space<vmem>>
    %dma_wait3A_246 = tpu.memref_squeeze %dma_wait3A_245 : memref<1x1024xi32, #tpu.memory_space<vmem>> -> memref<1024xi32, #tpu.memory_space<vmem>>
    %dma_wait3A_247 = tpu.memref_slice %arg4[%dma_wait3A_243, %mul3A_2] : memref<2x32768xi32, #tpu.memory_space<hbm>> -> memref<1x1024xi32, #tpu.memory_space<hbm>>
    %dma_wait3A_248 = tpu.memref_squeeze %dma_wait3A_247 : memref<1x1024xi32, #tpu.memory_space<hbm>> -> memref<1024xi32, #tpu.memory_space<hbm>>
    %dma_wait3A_249 = tpu.memref_slice %arg4[%dma_wait3A_243, %mul3A_2] : memref<2x32768xi32, #tpu.memory_space<hbm>> -> memref<1x1024xi32, #tpu.memory_space<hbm>>
    %dma_wait3A_250 = tpu.memref_squeeze %dma_wait3A_249 : memref<1x1024xi32, #tpu.memory_space<hbm>> -> memref<1024xi32, #tpu.memory_space<hbm>>
    %dma_wait3A_251 = arith.constant 0 : i32
    %dma_wait3A_252 = tpu.memref_slice %arg7[%dma_wait3A_242, %dma_wait3A_251] : memref<2x1024xi32, #tpu.memory_space<vmem>> -> memref<1x1024xi32, #tpu.memory_space<vmem>>
    %dma_wait3A_253 = tpu.memref_squeeze %dma_wait3A_252 : memref<1x1024xi32, #tpu.memory_space<vmem>> -> memref<1024xi32, #tpu.memory_space<vmem>>
    tpu.wait_dma2 semaphore(%arg9 : memref<!tpu.dma_semaphore, #tpu.memory_space<semaphore_mem>>) src(%dma_wait3A_253 : memref<1024xi32, #tpu.memory_space<vmem>>) dst(%dma_wait3A_250 : memref<1024xi32, #tpu.memory_space<hbm>>)
    return
  }
}

module attributes {stable_mosaic.version = 14 : i64} {
  func.func @_noisy_body(%arg0: i32, %arg1: memref<16x768xf32, #tpu.memory_space<vmem>>, %arg2: memref<8x2048xf32, #tpu.memory_space<vmem>>, %arg3: memref<2048x768xf32, #tpu.memory_space<vmem>>, %arg4: memref<8x2048xf32, #tpu.memory_space<vmem>>) attributes {dimension_semantics = [#tpu.dimension_semantics<parallel>], iteration_bounds = array<i64: 16>, scalar_prefetch = 0 : i64, scratch_operands = 0 : i64, tpu.core_type = #tpu.core_type<tc>, window_params = [{pipeline_mode = #tpu.pipeline_mode<synchronous>, transform_indices = @transform_0, window_bounds = array<i64: 16, 768>}, {transform_indices = @transform_1, window_bounds = array<i64: 8, 2048>}, {transform_indices = @transform_2, window_bounds = array<i64: 2048, 768>}, {transform_indices = @transform_3, window_bounds = array<i64: 8, 2048>}]} {
    %get3A = arith.constant 0 : index
    %get3A_0 = arith.constant 0 : index
    %get3A_1 = vector.load %arg1[%get3A, %get3A_0] : memref<16x768xf32, #tpu.memory_space<vmem>>, vector<16x768xf32>
    %get3A_2 = arith.constant 0 : index
    %get3A_3 = arith.constant 0 : index
    %get3A_4 = vector.load %arg3[%get3A_2, %get3A_3] : memref<2048x768xf32, #tpu.memory_space<vmem>>, vector<2048x768xf32>
    %dot_general3A = arith.constant dense<0.000000e+00> : vector<16x2048xf32>
    %dot_general3A_5 = tpu.matmul %get3A_1, %get3A_4, %dot_general3A {dimension_numbers = #tpu.dot_dimension_numbers<[1], [1], [0], [0], [0, 0, 1, 0], [], []>, transpose_lhs_hint = false} : vector<16x768xf32>, vector<2048x768xf32>, vector<16x2048xf32> -> vector<16x2048xf32>
    %slice3A = vector.extract_strided_slice %dot_general3A_5 {offsets = [8, 0], sizes = [8, 2048], strides = [1, 1]} : vector<16x2048xf32> to vector<8x2048xf32>
    %custom_jvp_call3A = arith.constant 0.000000e+00 : f32
    %max3A = vector.broadcast %custom_jvp_call3A : f32 to vector<8x2048xf32>
    %max3A_6 = arith.maximumf %slice3A, %max3A : vector<8x2048xf32>
    %sub3A = vector.broadcast %custom_jvp_call3A : f32 to vector<8x2048xf32>
    %sub3A_7 = arith.subf %slice3A, %sub3A : vector<8x2048xf32>
    %ne3A = arith.cmpf one, %sub3A_7, %sub3A_7 : vector<8x2048xf32>
    %add3A = vector.broadcast %custom_jvp_call3A : f32 to vector<8x2048xf32>
    %add3A_8 = arith.addf %slice3A, %add3A : vector<8x2048xf32>
    %abs3A = math.absf %sub3A_7 : vector<8x2048xf32>
    %neg3A = arith.constant 0.000000e+00 : f32
    %neg3A_9 = vector.broadcast %neg3A : f32 to vector<8x2048xf32>
    %neg3A_10 = arith.subf %neg3A_9, %abs3A : vector<8x2048xf32>
    %exp3A = math.exp %neg3A_10 : vector<8x2048xf32>
    %log1p3A = math.log1p %exp3A : vector<8x2048xf32>
    %add3A_11 = arith.addf %max3A_6, %log1p3A : vector<8x2048xf32>
    %select_n3A = arith.select %ne3A, %add3A_8, %add3A_11 : vector<8x2048xi1>, vector<8x2048xf32>
    %slice3A_12 = vector.extract_strided_slice %dot_general3A_5 {offsets = [0, 0], sizes = [8, 2048], strides = [1, 1]} : vector<16x2048xf32> to vector<8x2048xf32>
    %get3A_13 = arith.constant 0 : index
    %get3A_14 = arith.constant 0 : index
    %get3A_15 = vector.load %arg2[%get3A_13, %get3A_14] : memref<8x2048xf32, #tpu.memory_space<vmem>>, vector<8x2048xf32>
    %mul3A = arith.mulf %get3A_15, %select_n3A : vector<8x2048xf32>
    %add3A_16 = arith.addf %slice3A_12, %mul3A : vector<8x2048xf32>
    %swap3A = arith.constant 0 : index
    %swap3A_17 = arith.constant 0 : index
    %swap3A_18 = vector.load %arg4[%swap3A, %swap3A_17] : memref<8x2048xf32, #tpu.memory_space<vmem>>, vector<8x2048xf32>
    tpu.vector_store %arg4[%swap3A, %swap3A_17], %add3A_16 {strides = array<i32>} : memref<8x2048xf32, #tpu.memory_space<vmem>>, vector<8x2048xf32>,
    return
  }
  func.func @transform_0(%arg0: i32) -> (i32, i32) {
    %c0_i32 = arith.constant 0 : i32
    %c0_i32_0 = arith.constant 0 : i32
    %c0_i32_1 = arith.constant 0 : i32
    return %c0_i32, %c0_i32_0 : i32, i32
  }
  func.func @transform_1(%arg0: i32) -> (i32, i32) {
    %c0_i32 = arith.constant 0 : i32
    %c0_i32_0 = arith.constant 0 : i32
    return %c0_i32, %arg0 : i32, i32
  }
  func.func @transform_2(%arg0: i32) -> (i32, i32) {
    %c0_i32 = arith.constant 0 : i32
    %c0_i32_0 = arith.constant 0 : i32
    return %arg0, %c0_i32 : i32, i32
  }
  func.func @transform_3(%arg0: i32) -> (i32, i32) {
    %c0_i32 = arith.constant 0 : i32
    %c0_i32_0 = arith.constant 0 : i32
    return %c0_i32, %arg0 : i32, i32
  }
}

</mosaic_0001>

<sc_bundles>
// kernel: kernel.4.cloned.1.call-start
scs
__scs_entry_jumppad:
0x0: {  	(pc) =	sbr.rel $0x88, $3  }
0x1: {  	(tag) =	ssettag $0x0;
	lr =	simm.s32 $0x1  }
0x2: {  	[smem:$0x3F9E] =	sst lr;
	_ =	strace $0xD0000000  }
0x3: {  	_ = 	snop  }
0x4: {  	_ = 	snop  }
0x5: {  	_ = 	snop  }
0x6: {  	_ = 	snop  }
0x7: {  	_ = 	snop  }
__scs_overlays_trampoline_lowered:
0x8: {  	[smem:$0x3FAD] =	sst s0  }
0x9: {  	[smem:$0x3FAE] =	sst s1  }
0xa: {  	[smem:$0x3FAF] =	sst s2  }
0xb: {  	[smem:$0x3FB0] =	sst s3  }
0xc: {  	[smem:$0x3FB1] =	sst s4  }
0xd: {  	[smem:$0x3FB2] =	sst s5  }
0xe: {  	[smem:$0x3FB3] =	sst s6  }
0xf: {  	[smem:$0x3FB4] =	sst s7  }
0x10: {  	[smem:$0x3FB5] =	sst s8  }
0x11: {  	[smem:$0x3FB6] =	sst s9;
	s0 =	simm.s32 @!p0 $0x0  }
0x12: {  	s1 =	sld [smem:$0x3F9C];
	s0 =	simm.s32 @p0 $0x1  }
0x13: {  	[smem:$0x3FB7] =	sst s0;
	s0 =	simm.s32 @!p1 $0x0  }
0x14: {  	s2 =	sld [smem:$0x3F9B];
	s0 =	simm.s32 @p1 $0x1  }
0x15: {  	[smem:$0x3FB8] =	sst s0;
	s0 =	simm.s32 @!p2 $0x0  }
0x16: {  	s3 =	sld [smem:$0x3FDB];
	s0 =	simm.s32 @p2 $0x1  }
0x17: {  	s4 =	simm.s32 $0x1BF5;
	[smem:$0x3FBA] =	sst s0  }
0x18: {  	s0 =	sld [smem:$0x3F9D];
	_ =	swait.ge [sflag:s4], $0x0  }
0x19: {  	s7 =	sld [smem:$0x3F9E]  }
0x1a: {  	s8 =	sadd.s32 $0xFFFFE003, lr  }
0x1b: {  	s9 =	sadd.s32 $0xFFFFFEF7, lr;
	s5 =	simm.s32 $0xFFFFFFFF;
	p2 =	slt.u32 s8, $0xFFFFF086  }
0x1c: {  	p1 =	slt.u32 s9, $0xF7A;
	s5 =	simm.s32 @!p2 $0x0  }
0x1d: {  	s5 =	simm.s32 @p1 $0x1;
	p0 =	seq.s32 s7, s2  }
0x1e: {  	s7 =	smul.u32 @!p0 $0xF7A, s2;
	p2 =	seq.s32 @!p0 s5, $0x0  }
0x1f: {  	s9 =	smul.u32 $0xF7A, s1;
	s8 =	simm.s32 @!p0 $0x1BF5;
	p2 =	por !p2, p0  }
0x20: {  	[sflag:s8] =	ssyncset.s32 @!p0 $0xFFFFF086;
	s6 =	sadd.s32 @!p0 s3, s7;
	s7 =	simm.s32 @!p0 $0x108  }
0x21: {  	s3 =	sadd.s32 s3, s9;
	s6 =	sadd.s32 @!p0 $0x88, s6;
	s7 =	simm.s32 @p2 $0x1082  }
0x22: {  	[simem:s7], [sflag:s8] =	dma.local @!p0 [hbm:s6], $0xF7A  }
0x23: {  	s9 =	sor.u32 $0xD0000000, s2;
	s6 =	simm.s32 $0x108;
	_ =	swait.ge @!p0 [sflag:s8], $0x0  }
0x24: {  	s3 =	sadd.s32 $0x88, s3;
	s6 =	simm.s32 @!p1 $0x1082;
	[sflag:s4] =	ssyncset.s32 $0xFFFFF086  }
0x25: {  	[simem:s6], [sflag:s4] =	dma.local [hbm:s3], $0xF7A  }
0x26: {  	[smem:$0x3F9E] =	sst s1;
	(tag) =	ssettag s2;
	_ =	strace s9  }
0x27: {  	s1 =	sld [smem:$0x3FAE]  }
0x28: {  	s2 =	sld [smem:$0x3FAF]  }
0x29: {  	s4 =	sld [smem:$0x3FB1]  }
0x2a: {  	p0 =	seq.s32 s5, $0x0;
	s5 =	sld [smem:$0x3FB2]  }
0x2b: {  	s6 =	sld [smem:$0x3FB3]  }
0x2c: {  	s7 =	sld [smem:$0x3FB4]  }
0x2d: {  	s3 =	simm.s32 $0x108;
	s8 =	sld [smem:$0x3FB5]  }
0x2e: {  	s3 =	simm.s32 @!p0 $0x1082;
	s9 =	sld [smem:$0x3FB6]  }
0x2f: {  	lr =	sadd.s32 s0, s3;
	s0 =	sld [smem:$0x3FAD]  }
0x30: {  	s3 =	sld [smem:$0x3FB0]  }
0x31: {  	[smem:$0x3FB9] =	sst s10  }
0x32: {  	s10 =	sld [smem:$0x3FB7];
	_ =	sdelay $0x3  }
0x33: {  	p0 =	seq.s32 s10, $0x1;
	s10 =	sld [smem:$0x3FB9];
	_ =	sdelay $0x3  }
0x34: {  	[smem:$0x3FB9] =	sst s10  }
0x35: {  	s10 =	sld [smem:$0x3FB8];
	_ =	sdelay $0x3  }
0x36: {  	p1 =	seq.s32 s10, $0x1;
	s10 =	sld [smem:$0x3FB9];
	_ =	sdelay $0x3  }
0x37: {  	[smem:$0x3FB9] =	sst s10  }
0x38: {  	s10 =	sld [smem:$0x3FBA]  }
0x39: {  	_ = 	snop;
	(pc) =	sbr.ind lr, $3  }
0x3a: {  	_ = 	snop  }
0x3b: {  	_ = 	snop  }
0x3c: {  	p2 =	seq.s32 s10, $0x1;
	s10 =	sld [smem:$0x3FB9]  }
0x3d: {  	_ =	shalt  }
0x3e: {  	_ =	shalt  }
0x3f: {  	_ =	shalt  }
0x40: {  	_ =	shalt  }
0x41: {  	_ =	shalt  }
0x42: {  	_ =	shalt  }
0x43: {  	_ =	shalt  }
0x44: {  	_ =	shalt  }
0x45: {  	_ =	shalt  }
0x46: {  	_ =	shalt  }
0x47: {  	_ =	shalt  }
0x48: {  	_ =	shalt  }
0x49: {  	_ =	shalt  }
0x4a: {  	_ =	shalt  }
0x4b: {  	_ =	shalt  }
0x4c: {  	_ =	shalt  }
0x4d: {  	_ =	shalt  }
0x4e: {  	_ =	shalt  }
0x4f: {  	_ =	shalt  }
0x50: {  	_ =	shalt  }
0x51: {  	_ =	shalt  }
0x52: {  	_ =	shalt  }
0x53: {  	_ =	shalt  }
0x54: {  	_ =	shalt  }
0x55: {  	_ =	shalt  }
0x56: {  	_ =	shalt  }
0x57: {  	_ =	shalt  }
0x58: {  	_ =	shalt  }
0x59: {  	_ =	shalt  }
0x5a: {  	_ =	shalt  }
0x5b: {  	_ =	shalt  }
0x5c: {  	_ =	shalt  }
0x5d: {  	_ =	shalt  }
0x5e: {  	_ =	shalt  }
0x5f: {  	_ =	shalt  }
0x60: {  	_ =	shalt  }
0x61: {  	_ =	shalt  }
0x62: {  	_ =	shalt  }
0x63: {  	_ =	shalt  }
0x64: {  	_ =	shalt  }
0x65: {  	_ =	shalt  }
0x66: {  	_ =	shalt  }
0x67: {  	_ =	shalt  }
0x68: {  	_ =	shalt  }
0x69: {  	_ =	shalt  }
0x6a: {  	_ =	shalt  }
0x6b: {  	_ =	shalt  }
0x6c: {  	_ =	shalt  }
0x6d: {  	_ =	shalt  }
0x6e: {  	_ =	shalt  }
0x6f: {  	_ =	shalt  }
0x70: {  	_ =	shalt  }
0x71: {  	_ =	shalt  }
0x72: {  	_ =	shalt  }
0x73: {  	_ =	shalt  }
0x74: {  	_ =	shalt  }
0x75: {  	_ =	shalt  }
0x76: {  	_ =	shalt  }
0x77: {  	_ =	shalt  }
0x78: {  	_ =	shalt  }
0x79: {  	_ =	shalt  }
0x7a: {  	_ =	shalt  }
0x7b: {  	_ =	shalt  }
0x7c: {  	_ =	shalt  }
0x7d: {  	_ =	shalt  }
0x7e: {  	_ =	shalt  }
0x7f: {  	_ =	shalt  }
0x80: {  	_ =	shalt  }
0x81: {  	_ =	shalt  }
0x82: {  	_ =	shalt  }
0x83: {  	_ =	shalt  }
0x84: {  	_ =	shalt  }
0x85: {  	_ =	shalt  }
0x86: {  	_ =	shalt  }
0x87: {  	_ =	shalt  }
.Lfunc_end0:
.L_simem_size_0:
called_computation_lowered:
.L_overlay_start_0:
0x88: {  	s2 =	sld [smem:$0x3FD9]  }
0x89: {  	s3 =	sld [smem:$0x3FFE];
	_ =	sdelay $0x1  }
0x8a: {  	s1 =	srdreg.scid  }
0x8b: {  	s0 =	sand.u32 $0x1, s1  }
0x8c: {  	s14 =	sshll.u32 s0, $0xA;
	s2 =	sadd.s32 s3, s2  }
0x8d: {  	s2 =	sadd.s32 s2, s14  }
0x8e: {  	[smem:$0x3FC5] =	sst s2  }
0x8f: {  	_ = 	snop  }
0x90: {  	s2 =	sld [smem:$0x3FD0];
	_ =	sdelay $0x2  }
0x91: {  	s15 =	simm.s32 $0xA;
	s4 =	simm.s32 $0x10  }
0x92: {  	[smem:s4], [sflag:s15] =	dma.local [hbm:s2], $0x1  }
0x93: {  	_ =	swait.eq [sflag:s15], $0x1  }
0x94: {  	[sflag:s15] =	ssyncset.done $0x0  }
0x95: {  	s16 =	sld [smem:$0x10];
	[sflag:s15] =	ssyncadd.s32 $0xFFFFFFFF  }
0x96: {  	s17 =	sld [smem:$0x11];
	(tm) =	ssettm $0x1  }
0x97: {  	s18 =	sld [smem:$0x3FFB];
	_ =	sdelay $0x3  }
0x98: {  	_ =	strace s18  }
0x99: {  	s4 =	sld [smem:$0x3FFC];
	_ =	sdelay $0x3  }
0x9a: {  	_ =	strace s4  }
0x9b: {  	s4 =	sld [smem:$0x3FFD];
	_ =	sdelay $0x3  }
0x9c: {  	_ =	strace s4  }
0x9d: {  	_ =	strace $0x8FFFFFFF  }
0x9e: {  	s19 =	sld [smem:$0x3FDB];
	_ =	sdelay $0x1  }
0x9f: {  	s5 =	simm.s32 $_scs_section_size  }
0xa0: {  	s6 =	simm.s32 $_size__tile_overlayer_lowered;
	s7 =	simm.s32 $_tile_overlayer_lowered  }
0xa1: {  	s22 =	simm.s32 $0x1BFF;
	s21 =	sshll.u32 s7, $0x1;
	s4 =	sadd.s32 s5, s19  }
0xa2: {  	s8 =	simm.s32 $0x0;
	s20 =	sshll.u32 s6, $0x1;
	s6 =	sadd.s32 s21, s4  }
0xa3: {  	[timem:s8], [sflag:s22] =	dma.local [hbm:s6], s20  }
0xa4: {  	_ =	swait.ge [sflag:s22], s20  }
0xa5: {  	s5 =	ssub.s32 $0x0, s20;
	[sflag:s22] =	ssyncset.done $0x0  }
0xa6: {  	[sflag:s22] =	ssyncadd.s32 s5;
	_ =	sdelay $0x1  }
0xa7: {  	s23 =	simm.s32 $0x1B8B  }
0xa8: {  	_ =	swait.ge [sflag:s23], $0x1  }
0xa9: {  	[sflag:s23] =	ssyncset.done $0x0  }
0xaa: {  	s25 =	simm.s32 $0x1B8E;
	s24 =	sld [smem:$0x3FFE];
	[sflag:s23] =	ssyncadd.s32 $0xFFFFFFFF  }
0xab: {  	s26 =	simm.s32 $execute0_lowered;
	[smem:$0x3FD2] =	sst s25  }
0xac: {  	s6 =	sshll.u32 s26, $0x1;
	_ =	strace $0x80000046;
	[dreg:$0x1] =	wrdreg $0xFFFFFFFF  }
0xad: {  	s28 =	simm.s32 $_size_execute0_lowered;
	s4 =	sadd.s32 s4, s6;
	[dreg:$0x0] =	wrdreg $0x0  }
0xae: {  	s6 =	sshll.u32 s28, $0x1;
	[dreg:$0x2] =	wrdreg s4  }
0xaf: {  	[dreg:$0x3] =	wrdreg s6  }
0xb0: {  	[dreg:$0x4] =	wrdreg $0xC0  }
0xb1: {  	_ =	task [dreg:s8], $0x5FFFF  }
0xb2: {  	[dreg:$0x1] =	wrdreg $0xFFFFFFFF  }
0xb3: {  	[dreg:$0x0] =	wrdreg $0x60  }
0xb4: {  	[dreg:$0x2] =	wrdreg s24  }
0xb5: {  	[dreg:$0x3] =	wrdreg s16  }
0xb6: {  	[dreg:$0x4] =	wrdreg s17  }
0xb7: {  	[dreg:$0x5] =	wrdreg $0x9  }
0xb8: {  	_ =	task.clear_ibuf [dreg:s8], $0x6FFFF;
	_ =	strace $0x90000046  }
0xb9: {  	s29 =	simm.s32 $0x9;
	_ =	strace $0x80000048  }
0xba: {  	_ =	swait.ge [sflag:s29], $0x1  }
0xbb: {  	[sflag:s29] =	ssyncadd.s32 $0xFFFFFFFF  }
0xbc: {  	_ =	strace $0x90000048  }
0xbd: {  	_ =	sfence  }
0xbe: {  	s30 =	sld [smem:$0x0];
	_ =	sdelay $0x2  }
0xbf: {  	s31 =	sshll.u32 s1, $0xD;
	s1 =	sshrl.u32 s1, $0x2  }
0xc0: {  	s3 =	sand.u32 $0x4000, s31;
	s1 =	sadd.s32 s1, s30  }
0xc1: {  	s0 =	sor.u32 s3, s0;
	s1 =	sshll.u32 s1, $0x11  }
0xc2: {  	s0 =	sor.u32 s1, s0  }
0xc3: {  	s0 =	sadd.s32 $0x8F2B, s0  }
0xc4: {  	[sflag:s0] =	ssyncadd.remote.s32 $0x1  }
0xc5: {  	_ =	sfence.sel $0xFFFF  }
0xc6: {  	[dreg:$0x0] =	wrdreg $0xFFFFFFFF;
	(pc) =	sbr.abs _section_cstart, $3  }
0xc7: {  	[dreg:$0x1] =	wrdreg $0xFFFFFFFF  }
0xc8: {  	_ =	task.clear_ibuf [dreg:s8], $0x2FFFF;
	_ =	strace $0x9FFFFFFF  }
0xc9: {  	(tm) =	ssettm $0x7FFFFFFF  }
tec
execute0_lowered:
.L_overlay_start_1:
0x0: {  	(tag) =	ssettag $0x1  }
0x1: {  	s0 =	rddreg [dreg:$0x0]  }
0x2: {  	s1 =	rddreg [dreg:$0x1]  }
0x3: {  	s12 =	rddreg [dreg:$0x2]  }
0x4: {  	s2 =	srdreg.scid;
	s4 =	stileid.u32  }
0x5: {  	s15 =	simm.s32 $0x1;
	s29 =	simm.s32 $0x4600;
	s30 =	simm.s32 $0x4700  }
0x6: {  	s31 =	simm.s32 $0x4080;
	s16 =	simm.s32 $0x4380;
	s18 =	simm.s32 $0x4480  }
0x7: {  	s20 =	simm.s32 $0x4580;
	s21 =	simm.s32 $0x4680;
	s22 =	simm.s32 $0x4780  }
0x8: {  	s23 =	simm.s32 $0x2;
	s24 =	simm.s32 $0x0;
	s3 =	sand.u32 $0x1, s2  }
0x9: {  	s2 =	simm.s32 $0x0;
	s4 =	sshll.u32 s4, $0xB;
	s5 =	sshll.u32 s3, $0xA  }
0xa: {  	[smem:$0x7FF] =	sst s2;
	s3 =	ssub.s32 $0x2, s3;
	s10 =	sor.u32 s5, s4  }
0xb: {  	_ =	strace $0x80000047;
	s26 =	sshrl.u32 s3, $0x1;
	s0 =	sadd.s32 s10, s0  }
0xc: {  	s14 =	ssub.s32 s3, s26;
	s4 =	sadd.s32 s1, s10;
	s28 =	sshrl.u32 s10, $0x2  }
0xd: {  	s1 =	simm.s32 $0x4280;
	s3 =	sadd.s32 $0xC00, s0;
	s5 =	sadd.s32 $0x10, s4  }
0xe: {  	s6 =	sadd.s32 $0x20, s4;
	s7 =	sadd.s32 $0x30, s4;
	s8 =	sadd.s32 $0x40, s4  }
0xf: {  	s9 =	sadd.s32 $0x50, s4;
	s10 =	sadd.s32 $0x60, s4;
	s11 =	sadd.s32 $0x70, s4  }
0x10: {  	s12 =	sadd.s32 s12, s28;
	s14 =	smax.u32 s14, $0x1;
	s17 =	sadd.s32 $0x80, s4  }
0x11: {  	v0 =	vimm.s32 $0x0;
	s19 =	sadd.s32 $0x100, s4;
	s0 =	simm.s32 $0x4180;
	s13 =	sadd.s32 $0x10, s12  }
.LBB2_1:
0x12: {  	[tilespmem:s2], [sflag:$0x1] =	stream.linear.gather [hbm4b:s3+s2], $0x2000, $0x38;
	[tilespmem:$0x4800] =	vst v63  }
0x13: {  	_ =	swait.ge [sflag:s15], $0x2000  }
0x14: {  	[sflag:s15] =	ssyncset.done $0x0  }
0x15: {  	s25 =	simm.s32 $0x4080;
	s26 =	simm.s32 $0x0;
	[sflag:s15] =	ssyncadd.s32 $0xFFFFE000  }
.LBB2_2:
0x16: {  	s28 =	sshra.s32 s26, $0x2  }
0x17: {  	v1 =	vld [tilespmem:s28+$0x0]  }
0x18: {  	v2 =	vld [tilespmem:s28+$0x80];
	_ =	sdelay $0x1  }
0x19: {  	v3 =	vld [tilespmem:s28+$0x100];
	_ =	sdelay $0x1  }
0x1a: {  	v4 =	vld [tilespmem:s28+$0x180]  }
0x1b: {  	vm0 =	vgt.f32 v2, v1  }
0x1c: {  	v5 =	vld [tilespmem:s28+$0x200];
	v6 =	vsel vm0, v2, v1  }
0x1d: {  	vm1 =	vgt.f32 v3, v6  }
0x1e: {  	v7 =	vld [tilespmem:s28+$0x280];
	v6 =	vsel vm1, v3, v6  }
0x1f: {  	vm2 =	vgt.f32 v4, v6  }
0x20: {  	v8 =	vld [tilespmem:s28+$0x300];
	v6 =	vsel vm2, v4, v6  }
0x21: {  	vm3 =	vgt.f32 v5, v6  }
0x22: {  	v9 =	vld [tilespmem:s28+$0x380];
	v6 =	vsel vm3, v5, v6  }
0x23: {  	v10 =	vsel vm0, $0x1, v0;
	vm12 =	vgt.f32 v7, v6  }
0x24: {  	v10 =	vsel vm1, $0x2, v10;
	v6 =	vsel vm12, v7, v6  }
0x25: {  	v10 =	vsel vm2, $0x3, v10;
	vm6 =	vgt.f32 v8, v6  }
0x26: {  	v10 =	vsel vm3, $0x4, v10;
	v6 =	vsel vm6, v8, v6  }
0x27: {  	v10 =	vsel vm12, $0x5, v10;
	vm13 =	vgt.f32 v9, v6  }
0x28: {  	v10 =	vsel vm6, $0x6, v10;
	vm0 =	vmneg vm13  }
0x29: {  	v10 =	vnsel vm0, $0x7, v10  }
0x2a: {  	vm7 =	veq.s32 v10, $0x0;
	vm1 =	veq.s32 v10, $0x1  }
0x2b: {  	v1 =	vsel vm7, $0xFF800000, v1;
	v2 =	vsel vm1, $0xFF800000, v2  }
0x2c: {  	vm2 =	veq.s32 v10, $0x2;
	vm10 =	vgt.f32 v2, v1  }
0x2d: {  	v1 =	vsel vm10, v2, v1;
	v2 =	vsel vm2, $0xFF800000, v3  }
0x2e: {  	vm3 =	veq.s32 v10, $0x3;
	vm11 =	vgt.f32 v2, v1  }
0x2f: {  	v1 =	vsel vm11, v2, v1;
	v2 =	vsel vm3, $0xFF800000, v4  }
0x30: {  	vm4 =	veq.s32 v10, $0x4;
	vm12 =	vgt.f32 v2, v1  }
0x31: {  	v1 =	vsel vm12, v2, v1;
	v2 =	vsel vm4, $0xFF800000, v5  }
0x32: {  	vm5 =	veq.s32 v10, $0x5;
	vm13 =	vgt.f32 v2, v1  }
0x33: {  	v1 =	vsel vm13, v2, v1;
	v2 =	vsel vm5, $0xFF800000, v7  }
0x34: {  	vm6 =	vmand vm6, vm0;
	vm14 =	vgt.f32 v2, v1  }
0x35: {  	v1 =	vsel vm14, v2, v1;
	v2 =	vsel vm6, $0xFF800000, v8  }
0x36: {  	vm9 =	vgt.f32 v2, v1  }
0x37: {  	v1 =	vsel vm9, v2, v1;
	v2 =	vnsel vm0, $0xFF800000, v9  }
0x38: {  	vm8 =	vgt.f32 v2, v1  }
0x39: {  	vm8 =	vmneg vm8  }
0x3a: {  	v3 =	vsel vm0, v6, v9;
	v1 =	vsel vm8, v1, v2  }
0x3b: {  	v1 =	vsub.f32 v1, v3;
	_ =	sdelay $0x1  }
0x3c: {  	v1 =	vmul.f32 $1.442695020e+00, v1;
	_ =	sdelay $0x1  }
0x3d: {  	(erf) = vpow2.f32 v1;
	_ =	sdelay $0x8  }
0x3e: {  	v1 =	vpop (erf)  }
0x3f: {  	v2 =	vadd.f32 $1.000000000e+00, v1;
	_ =	sdelay $0x1  }
0x40: {  	(erf) = vrcp.f32 v2;
	_ =	sdelay $0x3  }
0x41: {  	v2 =	vsel vm10, $0x1, v0  }
0x42: {  	v2 =	vsel vm11, $0x2, v2  }
0x43: {  	v2 =	vsel vm12, $0x3, v2  }
0x44: {  	v2 =	vsel vm13, $0x4, v2  }
0x45: {  	v2 =	vsel vm14, $0x5, v2  }
0x46: {  	v2 =	vsel vm9, $0x6, v2;
	v3 =	vpop (erf)  }
0x47: {  	v2 =	vnsel vm8, $0x7, v2;
	v1 =	vmul.f32 v3, v1  }
0x48: {  	vm14 =	veq.s32 v2, $0x0  }
0x49: {  	vm15 =	veq.s32 v2, $0x1;
	v19 =	vnsel vm14, $0x0, v1  }
0x4a: {  	vm12 =	veq.s32 v2, $0x2;
	v20 =	vnsel vm15, $0x0, v1;
	v4 =	vsel vm7, v3, v19  }
0x4b: {  	vm13 =	veq.s32 v2, $0x3;
	v22 =	vnsel vm12, $0x0, v1;
	v21 =	vsel vm1, v3, v20;
	[tilespmem:s28+$0x2000] =	vst v4  }
0x4c: {  	v24 =	vnsel vm13, $0x0, v1;
	vm14 =	veq.s32 v2, $0x4;
	v23 =	vsel vm2, v3, v22;
	[tilespmem:s28+$0x2080] =	vst v21  }
0x4d: {  	vm15 =	veq.s32 v2, $0x5;
	v25 =	vsel vm3, v3, v24;
	v26 =	vnsel vm14, $0x0, v1;
	[tilespmem:s28+$0x2100] =	vst v23  }
0x4e: {  	v28 =	vnsel vm15, $0x0, v1;
	vm7 =	vmand vm9, vm8;
	[tilespmem:s28+$0x2180] =	vst v25;
	v27 =	vsel vm4, v3, v26  }
0x4f: {  	v29 =	vsel vm5, v3, v28;
	v30 =	vnsel vm7, $0x0, v1;
	[tilespmem:s28+$0x2200] =	vst v27  }
0x50: {  	v1 =	vsel vm8, $0x0, v1;
	[tilespmem:s28+$0x2280] =	vst v29;
	v31 =	vsel vm6, v3, v30  }
0x51: {  	v1 =	vsel vm0, v1, v3;
	[tilespmem:s28+$0x2300] =	vst v31  }
0x52: {  	[tilespmem:s28+$0x2380] =	vst v1  }
0x53: {  	[tilespmem:s25+$0xFFFFFF80] =	vst v10  }
0x54: {  	[tilespmem:s25+$0x0] =	vst v2  }
0x55: {  	v1 =	vld [tilespmem:s28+$0x10]  }
0x56: {  	v2 =	vld [tilespmem:s28+$0x90];
	_ =	sdelay $0x1  }
0x57: {  	v3 =	vld [tilespmem:s28+$0x110];
	_ =	sdelay $0x1  }
0x58: {  	v32 =	vld [tilespmem:s28+$0x190]  }
0x59: {  	vm9 =	vgt.f32 v2, v1  }
0x5a: {  	v33 =	vld [tilespmem:s28+$0x210];
	v34 =	vsel vm9, v2, v1  }
0x5b: {  	vm10 =	vgt.f32 v3, v34  }
0x5c: {  	v35 =	vld [tilespmem:s28+$0x290];
	v6 =	vsel vm10, v3, v34  }
0x5d: {  	vm11 =	vgt.f32 v32, v6  }
0x5e: {  	v36 =	vld [tilespmem:s28+$0x310];
	v6 =	vsel vm11, v32, v6  }
0x5f: {  	vm12 =	vgt.f32 v33, v6  }
0x60: {  	v37 =	vld [tilespmem:s28+$0x390];
	v6 =	vsel vm12, v33, v6  }
0x61: {  	v38 =	vsel vm9, $0x1, v0;
	vm13 =	vgt.f32 v35, v6  }
0x62: {  	v10 =	vsel vm10, $0x2, v38;
	v6 =	vsel vm13, v35, v6  }
0x63: {  	v10 =	vsel vm11, $0x3, v10;
	vm6 =	vgt.f32 v36, v6  }
0x64: {  	v10 =	vsel vm12, $0x4, v10;
	v6 =	vsel vm6, v36, v6  }
0x65: {  	v10 =	vsel vm13, $0x5, v10;
	vm14 =	vgt.f32 v37, v6  }
0x66: {  	v10 =	vsel vm6, $0x6, v10;
	vm0 =	vmneg vm14  }
0x67: {  	v10 =	vnsel vm0, $0x7, v10  }
0x68: {  	vm7 =	veq.s32 v10, $0x0;
	vm1 =	veq.s32 v10, $0x1  }
0x69: {  	v1 =	vsel vm7, $0xFF800000, v1;
	v2 =	vsel vm1, $0xFF800000, v2  }
0x6a: {  	vm2 =	veq.s32 v10, $0x2;
	vm10 =	vgt.f32 v2, v1  }
0x6b: {  	v1 =	vsel vm10, v2, v1;
	v2 =	vsel vm2, $0xFF800000, v3  }
0x6c: {  	vm3 =	veq.s32 v10, $0x3;
	vm11 =	vgt.f32 v2, v1  }
0x6d: {  	v1 =	vsel vm11, v2, v1;
	v2 =	vsel vm3, $0xFF800000, v32  }
0x6e: {  	vm4 =	veq.s32 v10, $0x4;
	vm12 =	vgt.f32 v2, v1  }
0x6f: {  	v1 =	vsel vm12, v2, v1;
	v2 =	vsel vm4, $0xFF800000, v33  }
0x70: {  	vm5 =	veq.s32 v10, $0x5;
	vm13 =	vgt.f32 v2, v1  }
0x71: {  	v1 =	vsel vm13, v2, v1;
	v2 =	vsel vm5, $0xFF800000, v35  }
0x72: {  	vm6 =	vmand vm6, vm0;
	vm14 =	vgt.f32 v2, v1  }
0x73: {  	v1 =	vsel vm14, v2, v1;
	v2 =	vsel vm6, $0xFF800000, v36  }
0x74: {  	vm9 =	vgt.f32 v2, v1  }
0x75: {  	v1 =	vsel vm9, v2, v1;
	v2 =	vnsel vm0, $0xFF800000, v37  }
0x76: {  	vm15 =	vgt.f32 v2, v1  }
0x77: {  	vm8 =	vmneg vm15  }
0x78: {  	v3 =	vsel vm0, v6, v37;
	v1 =	vsel vm8, v1, v2  }
0x79: {  	v1 =	vsub.f32 v1, v3;
	_ =	sdelay $0x1  }
0x7a: {  	v1 =	vmul.f32 $1.442695020e+00, v1;
	_ =	sdelay $0x1  }
0x7b: {  	(erf) = vpow2.f32 v1;
	_ =	sdelay $0x8  }
0x7c: {  	v1 =	vpop (erf)  }
0x7d: {  	v2 =	vadd.f32 $1.000000000e+00, v1;
	_ =	sdelay $0x1  }
0x7e: {  	(erf) = vrcp.f32 v2;
	_ =	sdelay $0x3  }
0x7f: {  	v2 =	vsel vm10, $0x1, v0  }
0x80: {  	v2 =	vsel vm11, $0x2, v2  }
0x81: {  	v2 =	vsel vm12, $0x3, v2  }
0x82: {  	v2 =	vsel vm13, $0x4, v2  }
0x83: {  	v2 =	vsel vm14, $0x5, v2  }
0x84: {  	v2 =	vsel vm9, $0x6, v2;
	v3 =	vpop (erf)  }
0x85: {  	v2 =	vnsel vm8, $0x7, v2;
	v1 =	vmul.f32 v3, v1  }
0x86: {  	vm14 =	veq.s32 v2, $0x0  }
0x87: {  	vm15 =	veq.s32 v2, $0x1;
	v39 =	vnsel vm14, $0x0, v1  }
0x88: {  	vm12 =	veq.s32 v2, $0x2;
	v40 =	vnsel vm15, $0x0, v1;
	v4 =	vsel vm7, v3, v39  }
0x89: {  	vm13 =	veq.s32 v2, $0x3;
	v42 =	vnsel vm12, $0x0, v1;
	v41 =	vsel vm1, v3, v40;
	[tilespmem:s28+$0x2010] =	vst v4  }
0x8a: {  	v44 =	vnsel vm13, $0x0, v1;
	vm14 =	veq.s32 v2, $0x4;
	v43 =	vsel vm2, v3, v42;
	[tilespmem:s28+$0x2090] =	vst v41  }
0x8b: {  	vm15 =	veq.s32 v2, $0x5;
	v45 =	vsel vm3, v3, v44;
	v46 =	vnsel vm14, $0x0, v1;
	[tilespmem:s28+$0x2110] =	vst v43  }
0x8c: {  	v48 =	vnsel vm15, $0x0, v1;
	vm7 =	vmand vm9, vm8;
	[tilespmem:s28+$0x2190] =	vst v45;
	v47 =	vsel vm4, v3, v46  }
0x8d: {  	v49 =	vsel vm5, v3, v48;
	v50 =	vnsel vm7, $0x0, v1;
	[tilespmem:s28+$0x2210] =	vst v47  }
0x8e: {  	v1 =	vsel vm8, $0x0, v1;
	[tilespmem:s28+$0x2290] =	vst v49;
	v51 =	vsel vm6, v3, v50  }
0x8f: {  	v1 =	vsel vm0, v1, v3;
	[tilespmem:s28+$0x2310] =	vst v51  }
0x90: {  	[tilespmem:s28+$0x2390] =	vst v1  }
0x91: {  	[tilespmem:s25+$0xFFFFFF90] =	vst v10  }
0x92: {  	[tilespmem:s25+$0x10] =	vst v2  }
0x93: {  	v1 =	vld [tilespmem:s28+$0x20]  }
0x94: {  	v2 =	vld [tilespmem:s28+$0xA0];
	_ =	sdelay $0x1  }
0x95: {  	v3 =	vld [tilespmem:s28+$0x120];
	_ =	sdelay $0x1  }
0x96: {  	v52 =	vld [tilespmem:s28+$0x1A0]  }
0x97: {  	vm9 =	vgt.f32 v2, v1  }
0x98: {  	v53 =	vld [tilespmem:s28+$0x220];
	v54 =	vsel vm9, v2, v1  }
0x99: {  	vm10 =	vgt.f32 v3, v54  }
0x9a: {  	v55 =	vld [tilespmem:s28+$0x2A0];
	v6 =	vsel vm10, v3, v54  }
0x9b: {  	vm11 =	vgt.f32 v52, v6  }
0x9c: {  	v56 =	vld [tilespmem:s28+$0x320];
	v6 =	vsel vm11, v52, v6  }
0x9d: {  	vm12 =	vgt.f32 v53, v6  }
0x9e: {  	v57 =	vld [tilespmem:s28+$0x3A0];
	v6 =	vsel vm12, v53, v6  }
0x9f: {  	v58 =	vsel vm9, $0x1, v0;
	vm13 =	vgt.f32 v55, v6  }
0xa0: {  	v10 =	vsel vm10, $0x2, v58;
	v6 =	vsel vm13, v55, v6  }
0xa1: {  	v10 =	vsel vm11, $0x3, v10;
	vm6 =	vgt.f32 v56, v6  }
0xa2: {  	v10 =	vsel vm12, $0x4, v10;
	v6 =	vsel vm6, v56, v6  }
0xa3: {  	v10 =	vsel vm13, $0x5, v10;
	vm14 =	vgt.f32 v57, v6  }
0xa4: {  	v10 =	vsel vm6, $0x6, v10;
	vm0 =	vmneg vm14  }
0xa5: {  	v10 =	vnsel vm0, $0x7, v10  }
0xa6: {  	vm7 =	veq.s32 v10, $0x0;
	vm1 =	veq.s32 v10, $0x1  }
0xa7: {  	v1 =	vsel vm7, $0xFF800000, v1;
	v2 =	vsel vm1, $0xFF800000, v2  }
0xa8: {  	vm2 =	veq.s32 v10, $0x2;
	vm10 =	vgt.f32 v2, v1  }
0xa9: {  	v1 =	vsel vm10, v2, v1;
	v2 =	vsel vm2, $0xFF800000, v3  }
0xaa: {  	vm3 =	veq.s32 v10, $0x3;
	vm11 =	vgt.f32 v2, v1  }
0xab: {  	v1 =	vsel vm11, v2, v1;
	v2 =	vsel vm3, $0xFF800000, v52  }
0xac: {  	vm4 =	veq.s32 v10, $0x4;
	vm12 =	vgt.f32 v2, v1  }
0xad: {  	v1 =	vsel vm12, v2, v1;
	v2 =	vsel vm4, $0xFF800000, v53  }
0xae: {  	vm5 =	veq.s32 v10, $0x5;
	vm13 =	vgt.f32 v2, v1  }
0xaf: {  	v1 =	vsel vm13, v2, v1;
	v2 =	vsel vm5, $0xFF800000, v55  }
0xb0: {  	vm6 =	vmand vm6, vm0;
	vm14 =	vgt.f32 v2, v1  }
0xb1: {  	v1 =	vsel vm14, v2, v1;
	v2 =	vsel vm6, $0xFF800000, v56  }
0xb2: {  	vm9 =	vgt.f32 v2, v1  }
0xb3: {  	v1 =	vsel vm9, v2, v1;
	v2 =	vnsel vm0, $0xFF800000, v57  }
0xb4: {  	vm15 =	vgt.f32 v2, v1  }
0xb5: {  	vm8 =	vmneg vm15  }
0xb6: {  	v3 =	vsel vm0, v6, v57;
	v1 =	vsel vm8, v1, v2  }
0xb7: {  	v1 =	vsub.f32 v1, v3;
	_ =	sdelay $0x1  }
0xb8: {  	v1 =	vmul.f32 $1.442695020e+00, v1;
	_ =	sdelay $0x1  }
0xb9: {  	(erf) = vpow2.f32 v1;
	_ =	sdelay $0x8  }
0xba: {  	v1 =	vpop (erf)  }
0xbb: {  	v2 =	vadd.f32 $1.000000000e+00, v1;
	_ =	sdelay $0x1  }
0xbc: {  	(erf) = vrcp.f32 v2;
	_ =	sdelay $0x3  }
0xbd: {  	v2 =	vsel vm10, $0x1, v0  }
0xbe: {  	v2 =	vsel vm11, $0x2, v2  }
0xbf: {  	v2 =	vsel vm12, $0x3, v2  }
0xc0: {  	v2 =	vsel vm13, $0x4, v2  }
0xc1: {  	v2 =	vsel vm14, $0x5, v2  }
0xc2: {  	v2 =	vsel vm9, $0x6, v2;
	v3 =	vpop (erf)  }
0xc3: {  	v2 =	vnsel vm8, $0x7, v2;
	v1 =	vmul.f32 v3, v1  }
0xc4: {  	vm14 =	veq.s32 v2, $0x0  }
0xc5: {  	vm15 =	veq.s32 v2, $0x1;
	v59 =	vnsel vm14, $0x0, v1  }
0xc6: {  	vm12 =	veq.s32 v2, $0x2;
	v60 =	vnsel vm15, $0x0, v1;
	v4 =	vsel vm7, v3, v59  }
0xc7: {  	vm13 =	veq.s32 v2, $0x3;
	v62 =	vnsel vm12, $0x0, v1;
	v61 =	vsel vm1, v3, v60;
	[tilespmem:s28+$0x2020] =	vst v4  }
0xc8: {  	v8 =	vnsel vm13, $0x0, v1;
	vm14 =	veq.s32 v2, $0x4;
	v63 =	vsel vm2, v3, v62;
	[tilespmem:s28+$0x20A0] =	vst v61  }
0xc9: {  	vm15 =	veq.s32 v2, $0x5;
	v9 =	vsel vm3, v3, v8;
	v11 =	vnsel vm14, $0x0, v1;
	[tilespmem:s28+$0x2120] =	vst v63  }
0xca: {  	v13 =	vnsel vm15, $0x0, v1;
	vm7 =	vmand vm9, vm8;
	[tilespmem:s28+$0x21A0] =	vst v9;
	v12 =	vsel vm4, v3, v11  }
0xcb: {  	v14 =	vsel vm5, v3, v13;
	v15 =	vnsel vm7, $0x0, v1;
	[tilespmem:s28+$0x2220] =	vst v12  }
0xcc: {  	v1 =	vsel vm8, $0x0, v1;
	[tilespmem:s28+$0x22A0] =	vst v14;
	v16 =	vsel vm6, v3, v15  }
0xcd: {  	v1 =	vsel vm0, v1, v3;
	[tilespmem:s28+$0x2320] =	vst v16  }
0xce: {  	[tilespmem:s28+$0x23A0] =	vst v1  }
0xcf: {  	[tilespmem:s25+$0xFFFFFFA0] =	vst v10  }
0xd0: {  	[tilespmem:s25+$0x20] =	vst v2  }
0xd1: {  	v1 =	vld [tilespmem:s28+$0x30]  }
0xd2: {  	v2 =	vld [tilespmem:s28+$0xB0];
	_ =	sdelay $0x1  }
0xd3: {  	v3 =	vld [tilespmem:s28+$0x130];
	_ =	sdelay $0x1  }
0xd4: {  	v17 =	vld [tilespmem:s28+$0x1B0]  }
0xd5: {  	vm9 =	vgt.f32 v2, v1  }
0xd6: {  	v18 =	vld [tilespmem:s28+$0x230];
	v19 =	vsel vm9, v2, v1  }
0xd7: {  	vm10 =	vgt.f32 v3, v19  }
0xd8: {  	v20 =	vld [tilespmem:s28+$0x2B0];
	v6 =	vsel vm10, v3, v19  }
0xd9: {  	vm11 =	vgt.f32 v17, v6  }
0xda: {  	v21 =	vld [tilespmem:s28+$0x330];
	v6 =	vsel vm11, v17, v6  }
0xdb: {  	vm12 =	vgt.f32 v18, v6  }
0xdc: {  	v22 =	vld [tilespmem:s28+$0x3B0];
	v6 =	vsel vm12, v18, v6  }
0xdd: {  	v23 =	vsel vm9, $0x1, v0;
	vm13 =	vgt.f32 v20, v6  }
0xde: {  	v10 =	vsel vm10, $0x2, v23;
	v6 =	vsel vm13, v20, v6  }
0xdf: {  	v10 =	vsel vm11, $0x3, v10;
	vm6 =	vgt.f32 v21, v6  }
0xe0: {  	v10 =	vsel vm12, $0x4, v10;
	v6 =	vsel vm6, v21, v6  }
0xe1: {  	v10 =	vsel vm13, $0x5, v10;
	vm14 =	vgt.f32 v22, v6  }
0xe2: {  	v10 =	vsel vm6, $0x6, v10;
	vm0 =	vmneg vm14  }
0xe3: {  	v10 =	vnsel vm0, $0x7, v10  }
0xe4: {  	vm7 =	veq.s32 v10, $0x0;
	vm1 =	veq.s32 v10, $0x1  }
0xe5: {  	v1 =	vsel vm7, $0xFF800000, v1;
	v2 =	vsel vm1, $0xFF800000, v2  }
0xe6: {  	vm2 =	veq.s32 v10, $0x2;
	vm10 =	vgt.f32 v2, v1  }
0xe7: {  	v1 =	vsel vm10, v2, v1;
	v2 =	vsel vm2, $0xFF800000, v3  }
0xe8: {  	vm3 =	veq.s32 v10, $0x3;
	vm11 =	vgt.f32 v2, v1  }
0xe9: {  	v1 =	vsel vm11, v2, v1;
	v2 =	vsel vm3, $0xFF800000, v17  }
0xea: {  	vm4 =	veq.s32 v10, $0x4;
	vm12 =	vgt.f32 v2, v1  }
0xeb: {  	v1 =	vsel vm12, v2, v1;
	v2 =	vsel vm4, $0xFF800000, v18  }
0xec: {  	vm5 =	veq.s32 v10, $0x5;
	vm13 =	vgt.f32 v2, v1  }
0xed: {  	v1 =	vsel vm13, v2, v1;
	v2 =	vsel vm5, $0xFF800000, v20  }
0xee: {  	vm6 =	vmand vm6, vm0;
	vm14 =	vgt.f32 v2, v1  }
0xef: {  	v1 =	vsel vm14, v2, v1;
	v2 =	vsel vm6, $0xFF800000, v21  }
0xf0: {  	vm9 =	vgt.f32 v2, v1  }
0xf1: {  	v1 =	vsel vm9, v2, v1;
	v2 =	vnsel vm0, $0xFF800000, v22  }
0xf2: {  	vm15 =	vgt.f32 v2, v1  }
0xf3: {  	vm8 =	vmneg vm15  }
0xf4: {  	v3 =	vsel vm0, v6, v22;
	v1 =	vsel vm8, v1, v2  }
0xf5: {  	v1 =	vsub.f32 v1, v3;
	_ =	sdelay $0x1  }
0xf6: {  	v1 =	vmul.f32 $1.442695020e+00, v1;
	_ =	sdelay $0x1  }
0xf7: {  	(erf) = vpow2.f32 v1;
	_ =	sdelay $0x8  }
0xf8: {  	v1 =	vpop (erf)  }
0xf9: {  	v2 =	vadd.f32 $1.000000000e+00, v1;
	_ =	sdelay $0x1  }
0xfa: {  	(erf) = vrcp.f32 v2;
	_ =	sdelay $0x3  }
0xfb: {  	v2 =	vsel vm10, $0x1, v0  }
0xfc: {  	v2 =	vsel vm11, $0x2, v2  }
0xfd: {  	v2 =	vsel vm12, $0x3, v2  }
0xfe: {  	v2 =	vsel vm13, $0x4, v2  }
0xff: {  	v2 =	vsel vm14, $0x5, v2  }
0x100: {  	v2 =	vsel vm9, $0x6, v2;
	v3 =	vpop (erf)  }
0x101: {  	v2 =	vnsel vm8, $0x7, v2;
	v1 =	vmul.f32 v3, v1  }
0x102: {  	vm14 =	veq.s32 v2, $0x0  }
0x103: {  	vm15 =	veq.s32 v2, $0x1;
	v24 =	vnsel vm14, $0x0, v1  }
0x104: {  	vm12 =	veq.s32 v2, $0x2;
	v25 =	vnsel vm15, $0x0, v1;
	v4 =	vsel vm7, v3, v24  }
0x105: {  	vm13 =	veq.s32 v2, $0x3;
	v27 =	vnsel vm12, $0x0, v1;
	v26 =	vsel vm1, v3, v25;
	[tilespmem:s28+$0x2030] =	vst v4  }
0x106: {  	v29 =	vnsel vm13, $0x0, v1;
	vm14 =	veq.s32 v2, $0x4;
	v28 =	vsel vm2, v3, v27;
	[tilespmem:s28+$0x20B0] =	vst v26  }
0x107: {  	vm15 =	veq.s32 v2, $0x5;
	v30 =	vsel vm3, v3, v29;
	v31 =	vnsel vm14, $0x0, v1;
	[tilespmem:s28+$0x2130] =	vst v28  }
0x108: {  	v33 =	vnsel vm15, $0x0, v1;
	vm7 =	vmand vm9, vm8;
	[tilespmem:s28+$0x21B0] =	vst v30;
	v32 =	vsel vm4, v3, v31  }
0x109: {  	v34 =	vsel vm5, v3, v33;
	v35 =	vnsel vm7, $0x0, v1;
	[tilespmem:s28+$0x2230] =	vst v32  }
0x10a: {  	v1 =	vsel vm8, $0x0, v1;
	[tilespmem:s28+$0x22B0] =	vst v34;
	v36 =	vsel vm6, v3, v35  }
0x10b: {  	v1 =	vsel vm0, v1, v3;
	[tilespmem:s28+$0x2330] =	vst v36  }
0x10c: {  	[tilespmem:s28+$0x23B0] =	vst v1  }
0x10d: {  	[tilespmem:s25+$0xFFFFFFB0] =	vst v10  }
0x10e: {  	[tilespmem:s25+$0x30] =	vst v2  }
0x10f: {  	v1 =	vld [tilespmem:s28+$0x40]  }
0x110: {  	v2 =	vld [tilespmem:s28+$0xC0];
	_ =	sdelay $0x1  }
0x111: {  	v3 =	vld [tilespmem:s28+$0x140];
	_ =	sdelay $0x1  }
0x112: {  	v37 =	vld [tilespmem:s28+$0x1C0]  }
0x113: {  	vm9 =	vgt.f32 v2, v1  }
0x114: {  	v38 =	vld [tilespmem:s28+$0x240];
	v39 =	vsel vm9, v2, v1  }
0x115: {  	vm10 =	vgt.f32 v3, v39  }
0x116: {  	v40 =	vld [tilespmem:s28+$0x2C0];
	v6 =	vsel vm10, v3, v39  }
0x117: {  	vm11 =	vgt.f32 v37, v6  }
0x118: {  	v41 =	vld [tilespmem:s28+$0x340];
	v6 =	vsel vm11, v37, v6  }
0x119: {  	vm12 =	vgt.f32 v38, v6  }
0x11a: {  	v42 =	vld [tilespmem:s28+$0x3C0];
	v6 =	vsel vm12, v38, v6  }
0x11b: {  	v43 =	vsel vm9, $0x1, v0;
	vm13 =	vgt.f32 v40, v6  }
0x11c: {  	v10 =	vsel vm10, $0x2, v43;
	v6 =	vsel vm13, v40, v6  }
0x11d: {  	v10 =	vsel vm11, $0x3, v10;
	vm6 =	vgt.f32 v41, v6  }
0x11e: {  	v10 =	vsel vm12, $0x4, v10;
	v6 =	vsel vm6, v41, v6  }
0x11f: {  	v10 =	vsel vm13, $0x5, v10;
	vm14 =	vgt.f32 v42, v6  }
0x120: {  	v10 =	vsel vm6, $0x6, v10;
	vm0 =	vmneg vm14  }
0x121: {  	v10 =	vnsel vm0, $0x7, v10  }
0x122: {  	vm7 =	veq.s32 v10, $0x0;
	vm1 =	veq.s32 v10, $0x1  }
0x123: {  	v1 =	vsel vm7, $0xFF800000, v1;
	v2 =	vsel vm1, $0xFF800000, v2  }
0x124: {  	vm2 =	veq.s32 v10, $0x2;
	vm10 =	vgt.f32 v2, v1  }
0x125: {  	v1 =	vsel vm10, v2, v1;
	v2 =	vsel vm2, $0xFF800000, v3  }
0x126: {  	vm3 =	veq.s32 v10, $0x3;
	vm11 =	vgt.f32 v2, v1  }
0x127: {  	v1 =	vsel vm11, v2, v1;
	v2 =	vsel vm3, $0xFF800000, v37  }
0x128: {  	vm4 =	veq.s32 v10, $0x4;
	vm12 =	vgt.f32 v2, v1  }
0x129: {  	v1 =	vsel vm12, v2, v1;
	v2 =	vsel vm4, $0xFF800000, v38  }
0x12a: {  	vm5 =	veq.s32 v10, $0x5;
	vm13 =	vgt.f32 v2, v1  }
0x12b: {  	v1 =	vsel vm13, v2, v1;
	v2 =	vsel vm5, $0xFF800000, v40  }
0x12c: {  	vm6 =	vmand vm6, vm0;
	vm14 =	vgt.f32 v2, v1  }
0x12d: {  	v1 =	vsel vm14, v2, v1;
	v2 =	vsel vm6, $0xFF800000, v41  }
0x12e: {  	vm9 =	vgt.f32 v2, v1  }
0x12f: {  	v1 =	vsel vm9, v2, v1;
	v2 =	vnsel vm0, $0xFF800000, v42  }
0x130: {  	vm15 =	vgt.f32 v2, v1  }
0x131: {  	vm8 =	vmneg vm15  }
0x132: {  	v3 =	vsel vm0, v6, v42;
	v1 =	vsel vm8, v1, v2  }
0x133: {  	v1 =	vsub.f32 v1, v3;
	_ =	sdelay $0x1  }
0x134: {  	v1 =	vmul.f32 $1.442695020e+00, v1;
	_ =	sdelay $0x1  }
0x135: {  	(erf) = vpow2.f32 v1;
	_ =	sdelay $0x8  }
0x136: {  	v1 =	vpop (erf)  }
0x137: {  	v2 =	vadd.f32 $1.000000000e+00, v1;
	_ =	sdelay $0x1  }
0x138: {  	(erf) = vrcp.f32 v2;
	_ =	sdelay $0x3  }
0x139: {  	v2 =	vsel vm10, $0x1, v0  }
0x13a: {  	v2 =	vsel vm11, $0x2, v2  }
0x13b: {  	v2 =	vsel vm12, $0x3, v2  }
0x13c: {  	v2 =	vsel vm13, $0x4, v2  }
0x13d: {  	v2 =	vsel vm14, $0x5, v2  }
0x13e: {  	v2 =	vsel vm9, $0x6, v2;
	v3 =	vpop (erf)  }
0x13f: {  	v2 =	vnsel vm8, $0x7, v2;
	v1 =	vmul.f32 v3, v1  }
0x140: {  	vm14 =	veq.s32 v2, $0x0  }
0x141: {  	vm15 =	veq.s32 v2, $0x1;
	v44 =	vnsel vm14, $0x0, v1  }
0x142: {  	vm12 =	veq.s32 v2, $0x2;
	v45 =	vnsel vm15, $0x0, v1;
	v4 =	vsel vm7, v3, v44  }
0x143: {  	vm13 =	veq.s32 v2, $0x3;
	v47 =	vnsel vm12, $0x0, v1;
	v46 =	vsel vm1, v3, v45;
	[tilespmem:s28+$0x2040] =	vst v4  }
0x144: {  	v49 =	vnsel vm13, $0x0, v1;
	vm14 =	veq.s32 v2, $0x4;
	v48 =	vsel vm2, v3, v47;
	[tilespmem:s28+$0x20C0] =	vst v46  }
0x145: {  	vm15 =	veq.s32 v2, $0x5;
	v50 =	vsel vm3, v3, v49;
	v51 =	vnsel vm14, $0x0, v1;
	[tilespmem:s28+$0x2140] =	vst v48  }
0x146: {  	v53 =	vnsel vm15, $0x0, v1;
	vm7 =	vmand vm9, vm8;
	[tilespmem:s28+$0x21C0] =	vst v50;
	v52 =	vsel vm4, v3, v51  }
0x147: {  	v54 =	vsel vm5, v3, v53;
	v55 =	vnsel vm7, $0x0, v1;
	[tilespmem:s28+$0x2240] =	vst v52  }
0x148: {  	v1 =	vsel vm8, $0x0, v1;
	[tilespmem:s28+$0x22C0] =	vst v54;
	v56 =	vsel vm6, v3, v55  }
0x149: {  	v1 =	vsel vm0, v1, v3;
	[tilespmem:s28+$0x2340] =	vst v56  }
0x14a: {  	[tilespmem:s28+$0x23C0] =	vst v1  }
0x14b: {  	[tilespmem:s25+$0xFFFFFFC0] =	vst v10  }
0x14c: {  	[tilespmem:s25+$0x40] =	vst v2  }
0x14d: {  	v1 =	vld [tilespmem:s28+$0x50]  }
0x14e: {  	v2 =	vld [tilespmem:s28+$0xD0];
	_ =	sdelay $0x1  }
0x14f: {  	v3 =	vld [tilespmem:s28+$0x150];
	_ =	sdelay $0x1  }
0x150: {  	v57 =	vld [tilespmem:s28+$0x1D0]  }
0x151: {  	vm9 =	vgt.f32 v2, v1  }
0x152: {  	v58 =	vld [tilespmem:s28+$0x250];
	v59 =	vsel vm9, v2, v1  }
0x153: {  	vm10 =	vgt.f32 v3, v59  }
0x154: {  	v60 =	vld [tilespmem:s28+$0x2D0];
	v6 =	vsel vm10, v3, v59  }
0x155: {  	vm11 =	vgt.f32 v57, v6  }
0x156: {  	v61 =	vld [tilespmem:s28+$0x350];
	v6 =	vsel vm11, v57, v6  }
0x157: {  	vm12 =	vgt.f32 v58, v6  }
0x158: {  	v62 =	vld [tilespmem:s28+$0x3D0];
	v6 =	vsel vm12, v58, v6  }
0x159: {  	v63 =	vsel vm9, $0x1, v0;
	vm13 =	vgt.f32 v60, v6  }
0x15a: {  	v10 =	vsel vm10, $0x2, v63;
	v6 =	vsel vm13, v60, v6  }
0x15b: {  	v10 =	vsel vm11, $0x3, v10;
	vm6 =	vgt.f32 v61, v6  }
0x15c: {  	v10 =	vsel vm12, $0x4, v10;
	v6 =	vsel vm6, v61, v6  }
0x15d: {  	v10 =	vsel vm13, $0x5, v10;
	vm14 =	vgt.f32 v62, v6  }
0x15e: {  	v10 =	vsel vm6, $0x6, v10;
	vm0 =	vmneg vm14  }
0x15f: {  	v10 =	vnsel vm0, $0x7, v10  }
0x160: {  	vm7 =	veq.s32 v10, $0x0;
	vm1 =	veq.s32 v10, $0x1  }
0x161: {  	v1 =	vsel vm7, $0xFF800000, v1;
	v2 =	vsel vm1, $0xFF800000, v2  }
0x162: {  	vm2 =	veq.s32 v10, $0x2;
	vm10 =	vgt.f32 v2, v1  }
0x163: {  	v1 =	vsel vm10, v2, v1;
	v2 =	vsel vm2, $0xFF800000, v3  }
0x164: {  	vm3 =	veq.s32 v10, $0x3;
	vm11 =	vgt.f32 v2, v1  }
0x165: {  	v1 =	vsel vm11, v2, v1;
	v2 =	vsel vm3, $0xFF800000, v57  }
0x166: {  	vm4 =	veq.s32 v10, $0x4;
	vm12 =	vgt.f32 v2, v1  }
0x167: {  	v1 =	vsel vm12, v2, v1;
	v2 =	vsel vm4, $0xFF800000, v58  }
0x168: {  	vm5 =	veq.s32 v10, $0x5;
	vm13 =	vgt.f32 v2, v1  }
0x169: {  	v1 =	vsel vm13, v2, v1;
	v2 =	vsel vm5, $0xFF800000, v60  }
0x16a: {  	vm6 =	vmand vm6, vm0;
	vm14 =	vgt.f32 v2, v1  }
0x16b: {  	v1 =	vsel vm14, v2, v1;
	v2 =	vsel vm6, $0xFF800000, v61  }
0x16c: {  	vm9 =	vgt.f32 v2, v1  }
0x16d: {  	v1 =	vsel vm9, v2, v1;
	v2 =	vnsel vm0, $0xFF800000, v62  }
0x16e: {  	vm15 =	vgt.f32 v2, v1  }
0x16f: {  	vm8 =	vmneg vm15  }
0x170: {  	v3 =	vsel vm0, v6, v62;
	v1 =	vsel vm8, v1, v2  }
0x171: {  	v1 =	vsub.f32 v1, v3;
	_ =	sdelay $0x1  }
0x172: {  	v1 =	vmul.f32 $1.442695020e+00, v1;
	_ =	sdelay $0x1  }
0x173: {  	(erf) = vpow2.f32 v1;
	_ =	sdelay $0x8  }
0x174: {  	v1 =	vpop (erf)  }
0x175: {  	v2 =	vadd.f32 $1.000000000e+00, v1;
	_ =	sdelay $0x1  }
0x176: {  	(erf) = vrcp.f32 v2;
	_ =	sdelay $0x3  }
0x177: {  	v2 =	vsel vm10, $0x1, v0  }
0x178: {  	v2 =	vsel vm11, $0x2, v2  }
0x179: {  	v2 =	vsel vm12, $0x3, v2  }
0x17a: {  	v2 =	vsel vm13, $0x4, v2  }
0x17b: {  	v2 =	vsel vm14, $0x5, v2  }
0x17c: {  	v2 =	vsel vm9, $0x6, v2;
	v3 =	vpop (erf)  }
0x17d: {  	v2 =	vnsel vm8, $0x7, v2;
	v1 =	vmul.f32 v3, v1  }
0x17e: {  	vm14 =	veq.s32 v2, $0x0  }
0x17f: {  	vm15 =	veq.s32 v2, $0x1;
	v11 =	vnsel vm14, $0x0, v1  }
0x180: {  	vm12 =	veq.s32 v2, $0x2;
	v12 =	vnsel vm15, $0x0, v1;
	v4 =	vsel vm7, v3, v11  }
0x181: {  	vm13 =	veq.s32 v2, $0x3;
	v14 =	vnsel vm12, $0x0, v1;
	v13 =	vsel vm1, v3, v12;
	[tilespmem:s28+$0x2050] =	vst v4  }
0x182: {  	v16 =	vnsel vm13, $0x0, v1;
	vm14 =	veq.s32 v2, $0x4;
	v15 =	vsel vm2, v3, v14;
	[tilespmem:s28+$0x20D0] =	vst v13  }
0x183: {  	vm15 =	veq.s32 v2, $0x5;
	v17 =	vsel vm3, v3, v16;
	v18 =	vnsel vm14, $0x0, v1;
	[tilespmem:s28+$0x2150] =	vst v15  }
0x184: {  	v20 =	vnsel vm15, $0x0, v1;
	vm7 =	vmand vm9, vm8;
	[tilespmem:s28+$0x21D0] =	vst v17;
	v19 =	vsel vm4, v3, v18  }
0x185: {  	v21 =	vsel vm5, v3, v20;
	v22 =	vnsel vm7, $0x0, v1;
	[tilespmem:s28+$0x2250] =	vst v19  }
0x186: {  	v1 =	vsel vm8, $0x0, v1;
	[tilespmem:s28+$0x22D0] =	vst v21;
	v23 =	vsel vm6, v3, v22  }
0x187: {  	v1 =	vsel vm0, v1, v3;
	[tilespmem:s28+$0x2350] =	vst v23  }
0x188: {  	[tilespmem:s28+$0x23D0] =	vst v1  }
0x189: {  	[tilespmem:s25+$0xFFFFFFD0] =	vst v10  }
0x18a: {  	[tilespmem:s25+$0x50] =	vst v2  }
0x18b: {  	v1 =	vld [tilespmem:s28+$0x60]  }
0x18c: {  	v2 =	vld [tilespmem:s28+$0xE0];
	_ =	sdelay $0x1  }
0x18d: {  	v3 =	vld [tilespmem:s28+$0x160];
	_ =	sdelay $0x1  }
0x18e: {  	v24 =	vld [tilespmem:s28+$0x1E0]  }
0x18f: {  	vm9 =	vgt.f32 v2, v1  }
0x190: {  	v25 =	vld [tilespmem:s28+$0x260];
	v26 =	vsel vm9, v2, v1  }
0x191: {  	vm10 =	vgt.f32 v3, v26  }
0x192: {  	v27 =	vld [tilespmem:s28+$0x2E0];
	v6 =	vsel vm10, v3, v26  }
0x193: {  	vm11 =	vgt.f32 v24, v6  }
0x194: {  	v28 =	vld [tilespmem:s28+$0x360];
	v6 =	vsel vm11, v24, v6  }
0x195: {  	vm12 =	vgt.f32 v25, v6  }
0x196: {  	v29 =	vld [tilespmem:s28+$0x3E0];
	v6 =	vsel vm12, v25, v6  }
0x197: {  	v30 =	vsel vm9, $0x1, v0;
	vm13 =	vgt.f32 v27, v6  }
0x198: {  	v10 =	vsel vm10, $0x2, v30;
	v6 =	vsel vm13, v27, v6  }
0x199: {  	v10 =	vsel vm11, $0x3, v10;
	vm6 =	vgt.f32 v28, v6  }
0x19a: {  	v10 =	vsel vm12, $0x4, v10;
	v6 =	vsel vm6, v28, v6  }
0x19b: {  	v10 =	vsel vm13, $0x5, v10;
	vm14 =	vgt.f32 v29, v6  }
0x19c: {  	v10 =	vsel vm6, $0x6, v10;
	vm0 =	vmneg vm14  }
0x19d: {  	v10 =	vnsel vm0, $0x7, v10  }
0x19e: {  	vm7 =	veq.s32 v10, $0x0;
	vm1 =	veq.s32 v10, $0x1  }
0x19f: {  	v1 =	vsel vm7, $0xFF800000, v1;
	v2 =	vsel vm1, $0xFF800000, v2  }
0x1a0: {  	vm2 =	veq.s32 v10, $0x2;
	vm10 =	vgt.f32 v2, v1  }
0x1a1: {  	v1 =	vsel vm10, v2, v1;
	v2 =	vsel vm2, $0xFF800000, v3  }
0x1a2: {  	vm3 =	veq.s32 v10, $0x3;
	vm11 =	vgt.f32 v2, v1  }
0x1a3: {  	v1 =	vsel vm11, v2, v1;
	v2 =	vsel vm3, $0xFF800000, v24  }
0x1a4: {  	vm4 =	veq.s32 v10, $0x4;
	vm12 =	vgt.f32 v2, v1  }
0x1a5: {  	v1 =	vsel vm12, v2, v1;
	v2 =	vsel vm4, $0xFF800000, v25  }
0x1a6: {  	vm5 =	veq.s32 v10, $0x5;
	vm13 =	vgt.f32 v2, v1  }
0x1a7: {  	v1 =	vsel vm13, v2, v1;
	v2 =	vsel vm5, $0xFF800000, v27  }
0x1a8: {  	vm6 =	vmand vm6, vm0;
	vm14 =	vgt.f32 v2, v1  }
0x1a9: {  	v1 =	vsel vm14, v2, v1;
	v2 =	vsel vm6, $0xFF800000, v28  }
0x1aa: {  	vm9 =	vgt.f32 v2, v1  }
0x1ab: {  	v1 =	vsel vm9, v2, v1;
	v2 =	vnsel vm0, $0xFF800000, v29  }
0x1ac: {  	vm15 =	vgt.f32 v2, v1  }
0x1ad: {  	vm8 =	vmneg vm15  }
0x1ae: {  	v3 =	vsel vm0, v6, v29;
	v1 =	vsel vm8, v1, v2  }
0x1af: {  	v1 =	vsub.f32 v1, v3;
	_ =	sdelay $0x1  }
0x1b0: {  	v1 =	vmul.f32 $1.442695020e+00, v1;
	_ =	sdelay $0x1  }
0x1b1: {  	(erf) = vpow2.f32 v1;
	_ =	sdelay $0x8  }
0x1b2: {  	v1 =	vpop (erf)  }
0x1b3: {  	v2 =	vadd.f32 $1.000000000e+00, v1;
	_ =	sdelay $0x1  }
0x1b4: {  	(erf) = vrcp.f32 v2;
	_ =	sdelay $0x3  }
0x1b5: {  	v2 =	vsel vm10, $0x1, v0  }
0x1b6: {  	v2 =	vsel vm11, $0x2, v2  }
0x1b7: {  	v2 =	vsel vm12, $0x3, v2  }
0x1b8: {  	v2 =	vsel vm13, $0x4, v2  }
0x1b9: {  	v2 =	vsel vm14, $0x5, v2  }
0x1ba: {  	v2 =	vsel vm9, $0x6, v2;
	v3 =	vpop (erf)  }
0x1bb: {  	v2 =	vnsel vm8, $0x7, v2;
	v1 =	vmul.f32 v3, v1  }
0x1bc: {  	vm14 =	veq.s32 v2, $0x0  }
0x1bd: {  	vm15 =	veq.s32 v2, $0x1;
	v31 =	vnsel vm14, $0x0, v1  }
0x1be: {  	vm12 =	veq.s32 v2, $0x2;
	v32 =	vnsel vm15, $0x0, v1;
	v4 =	vsel vm7, v3, v31  }
0x1bf: {  	vm13 =	veq.s32 v2, $0x3;
	v34 =	vnsel vm12, $0x0, v1;
	v33 =	vsel vm1, v3, v32;
	[tilespmem:s28+$0x2060] =	vst v4  }
0x1c0: {  	v36 =	vnsel vm13, $0x0, v1;
	vm14 =	veq.s32 v2, $0x4;
	v35 =	vsel vm2, v3, v34;
	[tilespmem:s28+$0x20E0] =	vst v33  }
0x1c1: {  	vm15 =	veq.s32 v2, $0x5;
	v37 =	vsel vm3, v3, v36;
	v38 =	vnsel vm14, $0x0, v1;
	[tilespmem:s28+$0x2160] =	vst v35  }
0x1c2: {  	v40 =	vnsel vm15, $0x0, v1;
	vm7 =	vmand vm9, vm8;
	[tilespmem:s28+$0x21E0] =	vst v37;
	v39 =	vsel vm4, v3, v38  }
0x1c3: {  	v41 =	vsel vm5, v3, v40;
	v42 =	vnsel vm7, $0x0, v1;
	[tilespmem:s28+$0x2260] =	vst v39  }
0x1c4: {  	v1 =	vsel vm8, $0x0, v1;
	[tilespmem:s28+$0x22E0] =	vst v41;
	v43 =	vsel vm6, v3, v42  }
0x1c5: {  	v1 =	vsel vm0, v1, v3;
	[tilespmem:s28+$0x2360] =	vst v43  }
0x1c6: {  	[tilespmem:s28+$0x23E0] =	vst v1  }
0x1c7: {  	[tilespmem:s25+$0xFFFFFFE0] =	vst v10  }
0x1c8: {  	[tilespmem:s25+$0x60] =	vst v2  }
0x1c9: {  	v1 =	vld [tilespmem:s28+$0x70]  }
0x1ca: {  	v2 =	vld [tilespmem:s28+$0xF0];
	_ =	sdelay $0x1  }
0x1cb: {  	v3 =	vld [tilespmem:s28+$0x170];
	_ =	sdelay $0x1  }
0x1cc: {  	v44 =	vld [tilespmem:s28+$0x1F0]  }
0x1cd: {  	vm9 =	vgt.f32 v2, v1  }
0x1ce: {  	v45 =	vld [tilespmem:s28+$0x270];
	v46 =	vsel vm9, v2, v1  }
0x1cf: {  	vm10 =	vgt.f32 v3, v46  }
0x1d0: {  	v47 =	vld [tilespmem:s28+$0x2F0];
	v6 =	vsel vm10, v3, v46  }
0x1d1: {  	vm11 =	vgt.f32 v44, v6  }
0x1d2: {  	v48 =	vld [tilespmem:s28+$0x370];
	v6 =	vsel vm11, v44, v6  }
0x1d3: {  	vm12 =	vgt.f32 v45, v6  }
0x1d4: {  	v49 =	vld [tilespmem:s28+$0x3F0];
	v6 =	vsel vm12, v45, v6  }
0x1d5: {  	v50 =	vsel vm9, $0x1, v0;
	vm13 =	vgt.f32 v47, v6  }
0x1d6: {  	v10 =	vsel vm10, $0x2, v50;
	v6 =	vsel vm13, v47, v6  }
0x1d7: {  	v10 =	vsel vm11, $0x3, v10;
	vm6 =	vgt.f32 v48, v6  }
0x1d8: {  	v10 =	vsel vm12, $0x4, v10;
	v6 =	vsel vm6, v48, v6  }
0x1d9: {  	v10 =	vsel vm13, $0x5, v10;
	vm14 =	vgt.f32 v49, v6  }
0x1da: {  	v10 =	vsel vm6, $0x6, v10;
	vm0 =	vmneg vm14  }
0x1db: {  	v10 =	vnsel vm0, $0x7, v10  }
0x1dc: {  	vm7 =	veq.s32 v10, $0x0;
	vm1 =	veq.s32 v10, $0x1  }
0x1dd: {  	v1 =	vsel vm7, $0xFF800000, v1;
	v2 =	vsel vm1, $0xFF800000, v2  }
0x1de: {  	vm2 =	veq.s32 v10, $0x2;
	vm10 =	vgt.f32 v2, v1  }
0x1df: {  	v1 =	vsel vm10, v2, v1;
	v2 =	vsel vm2, $0xFF800000, v3  }
0x1e0: {  	vm3 =	veq.s32 v10, $0x3;
	vm11 =	vgt.f32 v2, v1  }
0x1e1: {  	v1 =	vsel vm11, v2, v1;
	v2 =	vsel vm3, $0xFF800000, v44  }
0x1e2: {  	vm4 =	veq.s32 v10, $0x4;
	vm12 =	vgt.f32 v2, v1  }
0x1e3: {  	v1 =	vsel vm12, v2, v1;
	v2 =	vsel vm4, $0xFF800000, v45  }
0x1e4: {  	vm5 =	veq.s32 v10, $0x5;
	vm13 =	vgt.f32 v2, v1  }
0x1e5: {  	v1 =	vsel vm13, v2, v1;
	v2 =	vsel vm5, $0xFF800000, v47  }
0x1e6: {  	vm6 =	vmand vm6, vm0;
	vm14 =	vgt.f32 v2, v1  }
0x1e7: {  	v1 =	vsel vm14, v2, v1;
	v2 =	vsel vm6, $0xFF800000, v48  }
0x1e8: {  	vm9 =	vgt.f32 v2, v1  }
0x1e9: {  	v1 =	vsel vm9, v2, v1;
	v2 =	vnsel vm0, $0xFF800000, v49  }
0x1ea: {  	vm15 =	vgt.f32 v2, v1  }
0x1eb: {  	vm8 =	vmneg vm15  }
0x1ec: {  	v3 =	vsel vm0, v6, v49;
	v1 =	vsel vm8, v1, v2  }
0x1ed: {  	v1 =	vsub.f32 v1, v3;
	_ =	sdelay $0x1  }
0x1ee: {  	v1 =	vmul.f32 $1.442695020e+00, v1;
	_ =	sdelay $0x1  }
0x1ef: {  	(erf) = vpow2.f32 v1;
	_ =	sdelay $0x8  }
0x1f0: {  	v1 =	vpop (erf)  }
0x1f1: {  	v2 =	vadd.f32 $1.000000000e+00, v1;
	_ =	sdelay $0x1  }
0x1f2: {  	(erf) = vrcp.f32 v2;
	_ =	sdelay $0x3  }
0x1f3: {  	v2 =	vsel vm10, $0x1, v0  }
0x1f4: {  	v2 =	vsel vm11, $0x2, v2  }
0x1f5: {  	v2 =	vsel vm12, $0x3, v2  }
0x1f6: {  	v2 =	vsel vm13, $0x4, v2  }
0x1f7: {  	v2 =	vsel vm14, $0x5, v2  }
0x1f8: {  	v2 =	vsel vm9, $0x6, v2;
	v3 =	vpop (erf)  }
0x1f9: {  	v2 =	vnsel vm8, $0x7, v2;
	v1 =	vmul.f32 v3, v1  }
0x1fa: {  	vm14 =	veq.s32 v2, $0x0  }
0x1fb: {  	vm15 =	veq.s32 v2, $0x1;
	v51 =	vnsel vm14, $0x0, v1  }
0x1fc: {  	vm11 =	veq.s32 v2, $0x2;
	v52 =	vnsel vm15, $0x0, v1;
	v4 =	vsel vm7, v3, v51  }
0x1fd: {  	vm12 =	veq.s32 v2, $0x3;
	v54 =	vnsel vm11, $0x0, v1;
	v53 =	vsel vm1, v3, v52;
	[tilespmem:s28+$0x2070] =	vst v4  }
0x1fe: {  	vm13 =	veq.s32 v2, $0x4;
	v56 =	vnsel vm12, $0x0, v1;
	v55 =	vsel vm2, v3, v54;
	[tilespmem:s28+$0x20F0] =	vst v53  }
0x1ff: {  	v58 =	vnsel vm13, $0x0, v1;
	vm14 =	veq.s32 v2, $0x5;
	v57 =	vsel vm3, v3, v56;
	[tilespmem:s28+$0x2170] =	vst v55  }
0x200: {  	vm15 =	vmand vm9, vm8;
	v59 =	vsel vm4, v3, v58;
	v60 =	vnsel vm14, $0x0, v1;
	[tilespmem:s28+$0x21F0] =	vst v57  }
0x201: {  	p0 =	sne.s32 s26, $0x7000;
	v62 =	vnsel vm15, $0x0, v1;
	[tilespmem:s28+$0x2270] =	vst v59;
	v61 =	vsel vm5, v3, v60  }
.Ltmp0:
0x202: {  	v1 =	vsel vm8, $0x0, v1;
	v63 =	vsel vm6, v3, v62;
	[tilespmem:s28+$0x22F0] =	vst v61;
	(pc) =	sbr.rel @p0 .LBB2_2-.Ltmp0, $4  }
0x203: {  	v1 =	vsel vm0, v1, v3;
	[tilespmem:s28+$0x2370] =	vst v63  }
0x204: {  	[tilespmem:s28+$0x23F0] =	vst v1  }
0x205: {  	[tilespmem:s25+$0xFFFFFFF0] =	vst v10  }
0x206: {  	s26 =	sadd.s32 $0x1000, s26;
	[tilespmem:s25+$0x70] =	vst v2;
	s25 =	sadd.s32 $0x100, s25  }
0x207: {  	s25 =	simm.s32 $0x2000  }
0x208: {  	[hbm4b:s4+s2] =	stream.linear.scatter [tilespmem:s25], [sflag:$0x2], $0x80, $0x38;
	[tilespmem:$0x4800] =	vst v63  }
0x209: {  	s28 =	simm.s32 $0x2400  }
0x20a: {  	[hbm4b:s17+s2] =	stream.linear.scatter [tilespmem:s28], [sflag:$0x2], $0x80, $0x38;
	[tilespmem:$0x4800] =	vst v63  }
0x20b: {  	s26 =	simm.s32 $0x2800  }
0x20c: {  	[hbm4b:s19+s2] =	stream.linear.scatter [tilespmem:s26], [sflag:$0x2], $0x80, $0x38;
	[tilespmem:$0x4800] =	vst v63  }
0x20d: {  	s28 =	sadd.s32 $0x180, s4;
	s26 =	simm.s32 $0x2C00  }
0x20e: {  	[hbm4b:s28+s2] =	stream.linear.scatter [tilespmem:s26], [sflag:$0x2], $0x80, $0x38;
	[tilespmem:$0x4800] =	vst v63  }
0x20f: {  	s26 =	sadd.s32 $0x200, s4;
	s28 =	simm.s32 $0x3000  }
0x210: {  	[hbm4b:s26+s2] =	stream.linear.scatter [tilespmem:s28], [sflag:$0x2], $0x80, $0x38;
	[tilespmem:$0x4800] =	vst v63  }
0x211: {  	s26 =	sadd.s32 $0x280, s4;
	s28 =	simm.s32 $0x3400  }
0x212: {  	[hbm4b:s26+s2] =	stream.linear.scatter [tilespmem:s28], [sflag:$0x2], $0x80, $0x38;
	[tilespmem:$0x4800] =	vst v63  }
0x213: {  	s26 =	sadd.s32 $0x300, s4;
	s28 =	simm.s32 $0x3800  }
0x214: {  	[hbm4b:s26+s2] =	stream.linear.scatter [tilespmem:s28], [sflag:$0x2], $0x80, $0x38;
	[tilespmem:$0x4800] =	vst v63  }
0x215: {  	s26 =	sadd.s32 $0x380, s4;
	s28 =	simm.s32 $0x3C00  }
0x216: {  	[hbm4b:s26+s2] =	stream.linear.scatter [tilespmem:s28], [sflag:$0x2], $0x80, $0x38;
	[tilespmem:$0x4800] =	vst v63  }
0x217: {  	s28 =	simm.s32 $0x2080  }
0x218: {  	[hbm4b:s5+s2] =	stream.linear.scatter [tilespmem:s28], [sflag:$0x2], $0x80, $0x38;
	[tilespmem:$0x4800] =	vst v63  }
0x219: {  	s26 =	sadd.s32 $0x80, s5;
	s28 =	simm.s32 $0x2480  }
0x21a: {  	[hbm4b:s26+s2] =	stream.linear.scatter [tilespmem:s28], [sflag:$0x2], $0x80, $0x38;
	[tilespmem:$0x4800] =	vst v63  }
0x21b: {  	s26 =	sadd.s32 $0x100, s5;
	s28 =	simm.s32 $0x2880  }
0x21c: {  	[hbm4b:s26+s2] =	stream.linear.scatter [tilespmem:s28], [sflag:$0x2], $0x80, $0x38;
	[tilespmem:$0x4800] =	vst v63  }
0x21d: {  	s26 =	sadd.s32 $0x180, s5;
	s28 =	simm.s32 $0x2C80  }
0x21e: {  	[hbm4b:s26+s2] =	stream.linear.scatter [tilespmem:s28], [sflag:$0x2], $0x80, $0x38;
	[tilespmem:$0x4800] =	vst v63  }
0x21f: {  	s26 =	sadd.s32 $0x200, s5;
	s28 =	simm.s32 $0x3080  }
0x220: {  	[hbm4b:s26+s2] =	stream.linear.scatter [tilespmem:s28], [sflag:$0x2], $0x80, $0x38;
	[tilespmem:$0x4800] =	vst v63  }
0x221: {  	s26 =	sadd.s32 $0x280, s5;
	s28 =	simm.s32 $0x3480  }
0x222: {  	[hbm4b:s26+s2] =	stream.linear.scatter [tilespmem:s28], [sflag:$0x2], $0x80, $0x38;
	[tilespmem:$0x4800] =	vst v63  }
0x223: {  	s26 =	sadd.s32 $0x300, s5;
	s28 =	simm.s32 $0x3880  }
0x224: {  	[hbm4b:s26+s2] =	stream.linear.scatter [tilespmem:s28], [sflag:$0x2], $0x80, $0x38;
	[tilespmem:$0x4800] =	vst v63  }
0x225: {  	s26 =	sadd.s32 $0x380, s5;
	s28 =	simm.s32 $0x3C80  }
0x226: {  	[hbm4b:s26+s2] =	stream.linear.scatter [tilespmem:s28], [sflag:$0x2], $0x80, $0x38;
	[tilespmem:$0x4800] =	vst v63  }
0x227: {  	s28 =	simm.s32 $0x2100  }
0x228: {  	[hbm4b:s6+s2] =	stream.linear.scatter [tilespmem:s28], [sflag:$0x2], $0x80, $0x38;
	[tilespmem:$0x4800] =	vst v63  }
0x229: {  	s26 =	sadd.s32 $0x80, s6;
	s28 =	simm.s32 $0x2500  }
0x22a: {  	[hbm4b:s26+s2] =	stream.linear.scatter [tilespmem:s28], [sflag:$0x2], $0x80, $0x38;
	[tilespmem:$0x4800] =	vst v63  }
0x22b: {  	s26 =	sadd.s32 $0x100, s6;
	s28 =	simm.s32 $0x2900  }
0x22c: {  	[hbm4b:s26+s2] =	stream.linear.scatter [tilespmem:s28], [sflag:$0x2], $0x80, $0x38;
	[tilespmem:$0x4800] =	vst v63  }
0x22d: {  	s26 =	sadd.s32 $0x180, s6;
	s28 =	simm.s32 $0x2D00  }
0x22e: {  	[hbm4b:s26+s2] =	stream.linear.scatter [tilespmem:s28], [sflag:$0x2], $0x80, $0x38;
	[tilespmem:$0x4800] =	vst v63  }
0x22f: {  	s26 =	sadd.s32 $0x200, s6;
	s28 =	simm.s32 $0x3100  }
0x230: {  	[hbm4b:s26+s2] =	stream.linear.scatter [tilespmem:s28], [sflag:$0x2], $0x80, $0x38;
	[tilespmem:$0x4800] =	vst v63  }
0x231: {  	s26 =	sadd.s32 $0x280, s6;
	s28 =	simm.s32 $0x3500  }
0x232: {  	[hbm4b:s26+s2] =	stream.linear.scatter [tilespmem:s28], [sflag:$0x2], $0x80, $0x38;
	[tilespmem:$0x4800] =	vst v63  }
0x233: {  	s26 =	sadd.s32 $0x300, s6;
	s28 =	simm.s32 $0x3900  }
0x234: {  	[hbm4b:s26+s2] =	stream.linear.scatter [tilespmem:s28], [sflag:$0x2], $0x80, $0x38;
	[tilespmem:$0x4800] =	vst v63  }
0x235: {  	s26 =	sadd.s32 $0x380, s6;
	s28 =	simm.s32 $0x3D00  }
0x236: {  	[hbm4b:s26+s2] =	stream.linear.scatter [tilespmem:s28], [sflag:$0x2], $0x80, $0x38;
	[tilespmem:$0x4800] =	vst v63  }
0x237: {  	s28 =	simm.s32 $0x2180  }
0x238: {  	[hbm4b:s7+s2] =	stream.linear.scatter [tilespmem:s28], [sflag:$0x2], $0x80, $0x38;
	[tilespmem:$0x4800] =	vst v63  }
0x239: {  	s26 =	sadd.s32 $0x80, s7;
	s28 =	simm.s32 $0x2580  }
0x23a: {  	[hbm4b:s26+s2] =	stream.linear.scatter [tilespmem:s28], [sflag:$0x2], $0x80, $0x38;
	[tilespmem:$0x4800] =	vst v63  }
0x23b: {  	s26 =	sadd.s32 $0x100, s7;
	s28 =	simm.s32 $0x2980  }
0x23c: {  	[hbm4b:s26+s2] =	stream.linear.scatter [tilespmem:s28], [sflag:$0x2], $0x80, $0x38;
	[tilespmem:$0x4800] =	vst v63  }
0x23d: {  	s26 =	sadd.s32 $0x180, s7;
	s28 =	simm.s32 $0x2D80  }
0x23e: {  	[hbm4b:s26+s2] =	stream.linear.scatter [tilespmem:s28], [sflag:$0x2], $0x80, $0x38;
	[tilespmem:$0x4800] =	vst v63  }
0x23f: {  	s26 =	sadd.s32 $0x200, s7;
	s28 =	simm.s32 $0x3180  }
0x240: {  	[hbm4b:s26+s2] =	stream.linear.scatter [tilespmem:s28], [sflag:$0x2], $0x80, $0x38;
	[tilespmem:$0x4800] =	vst v63  }
0x241: {  	s26 =	sadd.s32 $0x280, s7;
	s28 =	simm.s32 $0x3580  }
0x242: {  	[hbm4b:s26+s2] =	stream.linear.scatter [tilespmem:s28], [sflag:$0x2], $0x80, $0x38;
	[tilespmem:$0x4800] =	vst v63  }
0x243: {  	s26 =	sadd.s32 $0x300, s7;
	s28 =	simm.s32 $0x3980  }
0x244: {  	[hbm4b:s26+s2] =	stream.linear.scatter [tilespmem:s28], [sflag:$0x2], $0x80, $0x38;
	[tilespmem:$0x4800] =	vst v63  }
0x245: {  	s26 =	sadd.s32 $0x380, s7;
	s28 =	simm.s32 $0x3D80  }
0x246: {  	[hbm4b:s26+s2] =	stream.linear.scatter [tilespmem:s28], [sflag:$0x2], $0x80, $0x38;
	[tilespmem:$0x4800] =	vst v63  }
0x247: {  	s28 =	simm.s32 $0x2200  }
0x248: {  	[hbm4b:s8+s2] =	stream.linear.scatter [tilespmem:s28], [sflag:$0x2], $0x80, $0x38;
	[tilespmem:$0x4800] =	vst v63  }
0x249: {  	s26 =	sadd.s32 $0x80, s8;
	s28 =	simm.s32 $0x2600  }
0x24a: {  	[hbm4b:s26+s2] =	stream.linear.scatter [tilespmem:s28], [sflag:$0x2], $0x80, $0x38;
	[tilespmem:$0x4800] =	vst v63  }
0x24b: {  	s26 =	sadd.s32 $0x100, s8;
	s28 =	simm.s32 $0x2A00  }
0x24c: {  	[hbm4b:s26+s2] =	stream.linear.scatter [tilespmem:s28], [sflag:$0x2], $0x80, $0x38;
	[tilespmem:$0x4800] =	vst v63  }
0x24d: {  	s26 =	sadd.s32 $0x180, s8;
	s28 =	simm.s32 $0x2E00  }
0x24e: {  	[hbm4b:s26+s2] =	stream.linear.scatter [tilespmem:s28], [sflag:$0x2], $0x80, $0x38;
	[tilespmem:$0x4800] =	vst v63  }
0x24f: {  	s26 =	sadd.s32 $0x200, s8;
	s28 =	simm.s32 $0x3200  }
0x250: {  	[hbm4b:s26+s2] =	stream.linear.scatter [tilespmem:s28], [sflag:$0x2], $0x80, $0x38;
	[tilespmem:$0x4800] =	vst v63  }
0x251: {  	s26 =	sadd.s32 $0x280, s8;
	s28 =	simm.s32 $0x3600  }
0x252: {  	[hbm4b:s26+s2] =	stream.linear.scatter [tilespmem:s28], [sflag:$0x2], $0x80, $0x38;
	[tilespmem:$0x4800] =	vst v63  }
0x253: {  	s26 =	sadd.s32 $0x300, s8;
	s28 =	simm.s32 $0x3A00  }
0x254: {  	[hbm4b:s26+s2] =	stream.linear.scatter [tilespmem:s28], [sflag:$0x2], $0x80, $0x38;
	[tilespmem:$0x4800] =	vst v63  }
0x255: {  	s26 =	sadd.s32 $0x380, s8;
	s28 =	simm.s32 $0x3E00  }
0x256: {  	[hbm4b:s26+s2] =	stream.linear.scatter [tilespmem:s28], [sflag:$0x2], $0x80, $0x38;
	[tilespmem:$0x4800] =	vst v63  }
0x257: {  	s28 =	simm.s32 $0x2280  }
0x258: {  	[hbm4b:s9+s2] =	stream.linear.scatter [tilespmem:s28], [sflag:$0x2], $0x80, $0x38;
	[tilespmem:$0x4800] =	vst v63  }
0x259: {  	s26 =	sadd.s32 $0x80, s9;
	s28 =	simm.s32 $0x2680  }
0x25a: {  	[hbm4b:s26+s2] =	stream.linear.scatter [tilespmem:s28], [sflag:$0x2], $0x80, $0x38;
	[tilespmem:$0x4800] =	vst v63  }
0x25b: {  	s26 =	sadd.s32 $0x100, s9;
	s28 =	simm.s32 $0x2A80  }
0x25c: {  	[hbm4b:s26+s2] =	stream.linear.scatter [tilespmem:s28], [sflag:$0x2], $0x80, $0x38;
	[tilespmem:$0x4800] =	vst v63  }
0x25d: {  	s26 =	sadd.s32 $0x180, s9;
	s28 =	simm.s32 $0x2E80  }
0x25e: {  	[hbm4b:s26+s2] =	stream.linear.scatter [tilespmem:s28], [sflag:$0x2], $0x80, $0x38;
	[tilespmem:$0x4800] =	vst v63  }
0x25f: {  	s26 =	sadd.s32 $0x200, s9;
	s28 =	simm.s32 $0x3280  }
0x260: {  	[hbm4b:s26+s2] =	stream.linear.scatter [tilespmem:s28], [sflag:$0x2], $0x80, $0x38;
	[tilespmem:$0x4800] =	vst v63  }
0x261: {  	s26 =	sadd.s32 $0x280, s9;
	s28 =	simm.s32 $0x3680  }
0x262: {  	[hbm4b:s26+s2] =	stream.linear.scatter [tilespmem:s28], [sflag:$0x2], $0x80, $0x38;
	[tilespmem:$0x4800] =	vst v63  }
0x263: {  	s26 =	sadd.s32 $0x300, s9;
	s28 =	simm.s32 $0x3A80  }
0x264: {  	[hbm4b:s26+s2] =	stream.linear.scatter [tilespmem:s28], [sflag:$0x2], $0x80, $0x38;
	[tilespmem:$0x4800] =	vst v63  }
0x265: {  	s26 =	sadd.s32 $0x380, s9;
	s28 =	simm.s32 $0x3E80  }
0x266: {  	[hbm4b:s26+s2] =	stream.linear.scatter [tilespmem:s28], [sflag:$0x2], $0x80, $0x38;
	[tilespmem:$0x4800] =	vst v63  }
0x267: {  	s28 =	simm.s32 $0x2300  }
0x268: {  	[hbm4b:s10+s2] =	stream.linear.scatter [tilespmem:s28], [sflag:$0x2], $0x80, $0x38;
	[tilespmem:$0x4800] =	vst v63  }
0x269: {  	s26 =	sadd.s32 $0x80, s10;
	s28 =	simm.s32 $0x2700  }
0x26a: {  	[hbm4b:s26+s2] =	stream.linear.scatter [tilespmem:s28], [sflag:$0x2], $0x80, $0x38;
	[tilespmem:$0x4800] =	vst v63  }
0x26b: {  	s26 =	sadd.s32 $0x100, s10;
	s28 =	simm.s32 $0x2B00  }
0x26c: {  	[hbm4b:s26+s2] =	stream.linear.scatter [tilespmem:s28], [sflag:$0x2], $0x80, $0x38;
	[tilespmem:$0x4800] =	vst v63  }
0x26d: {  	s26 =	sadd.s32 $0x180, s10;
	s28 =	simm.s32 $0x2F00  }
0x26e: {  	[hbm4b:s26+s2] =	stream.linear.scatter [tilespmem:s28], [sflag:$0x2], $0x80, $0x38;
	[tilespmem:$0x4800] =	vst v63  }
0x26f: {  	s26 =	sadd.s32 $0x200, s10;
	s28 =	simm.s32 $0x3300  }
0x270: {  	[hbm4b:s26+s2] =	stream.linear.scatter [tilespmem:s28], [sflag:$0x2], $0x80, $0x38;
	[tilespmem:$0x4800] =	vst v63  }
0x271: {  	s26 =	sadd.s32 $0x280, s10;
	s28 =	simm.s32 $0x3700  }
0x272: {  	[hbm4b:s26+s2] =	stream.linear.scatter [tilespmem:s28], [sflag:$0x2], $0x80, $0x38;
	[tilespmem:$0x4800] =	vst v63  }
0x273: {  	s26 =	sadd.s32 $0x300, s10;
	s28 =	simm.s32 $0x3B00  }
0x274: {  	[hbm4b:s26+s2] =	stream.linear.scatter [tilespmem:s28], [sflag:$0x2], $0x80, $0x38;
	[tilespmem:$0x4800] =	vst v63  }
0x275: {  	s26 =	sadd.s32 $0x380, s10;
	s28 =	simm.s32 $0x3F00  }
0x276: {  	[hbm4b:s26+s2] =	stream.linear.scatter [tilespmem:s28], [sflag:$0x2], $0x80, $0x38;
	[tilespmem:$0x4800] =	vst v63  }
0x277: {  	s28 =	simm.s32 $0x2380  }
0x278: {  	[hbm4b:s11+s2] =	stream.linear.scatter [tilespmem:s28], [sflag:$0x2], $0x80, $0x38;
	[tilespmem:$0x4800] =	vst v63  }
0x279: {  	s26 =	sadd.s32 $0x80, s11;
	s28 =	simm.s32 $0x2780  }
0x27a: {  	[hbm4b:s26+s2] =	stream.linear.scatter [tilespmem:s28], [sflag:$0x2], $0x80, $0x38;
	[tilespmem:$0x4800] =	vst v63  }
0x27b: {  	s26 =	sadd.s32 $0x100, s11;
	s28 =	simm.s32 $0x2B80  }
0x27c: {  	[hbm4b:s26+s2] =	stream.linear.scatter [tilespmem:s28], [sflag:$0x2], $0x80, $0x38;
	[tilespmem:$0x4800] =	vst v63  }
0x27d: {  	s26 =	sadd.s32 $0x180, s11;
	s28 =	simm.s32 $0x2F80  }
0x27e: {  	[hbm4b:s26+s2] =	stream.linear.scatter [tilespmem:s28], [sflag:$0x2], $0x80, $0x38;
	[tilespmem:$0x4800] =	vst v63  }
0x27f: {  	s26 =	sadd.s32 $0x200, s11;
	s28 =	simm.s32 $0x3380  }
0x280: {  	[hbm4b:s26+s2] =	stream.linear.scatter [tilespmem:s28], [sflag:$0x2], $0x80, $0x38;
	[tilespmem:$0x4800] =	vst v63  }
0x281: {  	s26 =	sadd.s32 $0x280, s11;
	s28 =	simm.s32 $0x3780  }
0x282: {  	[hbm4b:s26+s2] =	stream.linear.scatter [tilespmem:s28], [sflag:$0x2], $0x80, $0x38;
	[tilespmem:$0x4800] =	vst v63  }
0x283: {  	s26 =	sadd.s32 $0x300, s11;
	s28 =	simm.s32 $0x3B80  }
0x284: {  	[hbm4b:s26+s2] =	stream.linear.scatter [tilespmem:s28], [sflag:$0x2], $0x80, $0x38;
	[tilespmem:$0x4800] =	vst v63  }
0x285: {  	s26 =	sadd.s32 $0x380, s11;
	s28 =	simm.s32 $0x3F80  }
0x286: {  	[hbm4b:s26+s2] =	stream.linear.scatter [tilespmem:s28], [sflag:$0x2], $0x80, $0x38;
	[tilespmem:$0x4800] =	vst v63  }
0x287: {  	s28 =	simm.s32 $0x4000  }
0x288: {  	[hbm4b:s12+s2] =	stream.linear.scatter [tilespmem:s28], [sflag:$0x2], $0x80, $0x38;
	[tilespmem:$0x4800] =	vst v63  }
0x289: {  	s26 =	sadd.s32 $0x20, s12;
	s28 =	simm.s32 $0x4100  }
0x28a: {  	[hbm4b:s26+s2] =	stream.linear.scatter [tilespmem:s28], [sflag:$0x2], $0x80, $0x38;
	[tilespmem:$0x4800] =	vst v63  }
0x28b: {  	s26 =	sadd.s32 $0x40, s12;
	s28 =	simm.s32 $0x4200  }
0x28c: {  	[hbm4b:s26+s2] =	stream.linear.scatter [tilespmem:s28], [sflag:$0x2], $0x80, $0x38;
	[tilespmem:$0x4800] =	vst v63  }
0x28d: {  	s26 =	sadd.s32 $0x60, s12;
	s28 =	simm.s32 $0x4300  }
0x28e: {  	[hbm4b:s26+s2] =	stream.linear.scatter [tilespmem:s28], [sflag:$0x2], $0x80, $0x38;
	[tilespmem:$0x4800] =	vst v63  }
0x28f: {  	s26 =	sadd.s32 $0x80, s12;
	s28 =	simm.s32 $0x4400  }
0x290: {  	[hbm4b:s26+s2] =	stream.linear.scatter [tilespmem:s28], [sflag:$0x2], $0x80, $0x38;
	[tilespmem:$0x4800] =	vst v63  }
0x291: {  	s26 =	sadd.s32 $0xA0, s12;
	s28 =	simm.s32 $0x4500  }
0x292: {  	[hbm4b:s26+s2] =	stream.linear.scatter [tilespmem:s28], [sflag:$0x2], $0x80, $0x38;
	[tilespmem:$0x4800] =	vst v63  }
0x293: {  	s28 =	sadd.s32 $0xC0, s12  }
0x294: {  	[hbm4b:s28+s2] =	stream.linear.scatter [tilespmem:s29], [sflag:$0x2], $0x80, $0x38;
	[tilespmem:$0x4800] =	vst v63  }
0x295: {  	s26 =	sadd.s32 $0xE0, s12  }
0x296: {  	[hbm4b:s26+s2] =	stream.linear.scatter [tilespmem:s30], [sflag:$0x2], $0x80, $0x38;
	[tilespmem:$0x4800] =	vst v63  }
0x297: {  	_ = 	snop  }
0x298: {  	[hbm4b:s13+s2] =	stream.linear.scatter [tilespmem:s31], [sflag:$0x2], $0x80, $0x38;
	[tilespmem:$0x4800] =	vst v63  }
0x299: {  	s28 =	sadd.s32 $0x20, s13  }
0x29a: {  	[hbm4b:s28+s2] =	stream.linear.scatter [tilespmem:s0], [sflag:$0x2], $0x80, $0x38;
	[tilespmem:$0x4800] =	vst v63  }
0x29b: {  	s26 =	sadd.s32 $0x40, s13  }
0x29c: {  	[hbm4b:s26+s2] =	stream.linear.scatter [tilespmem:s1], [sflag:$0x2], $0x80, $0x38;
	[tilespmem:$0x4800] =	vst v63  }
0x29d: {  	s28 =	sadd.s32 $0x60, s13  }
0x29e: {  	[hbm4b:s28+s2] =	stream.linear.scatter [tilespmem:s16], [sflag:$0x2], $0x80, $0x38;
	[tilespmem:$0x4800] =	vst v63  }
0x29f: {  	s26 =	sadd.s32 $0x80, s13  }
0x2a0: {  	[hbm4b:s26+s2] =	stream.linear.scatter [tilespmem:s18], [sflag:$0x2], $0x80, $0x38;
	[tilespmem:$0x4800] =	vst v63  }
0x2a1: {  	s28 =	sadd.s32 $0xA0, s13  }
0x2a2: {  	[hbm4b:s28+s2] =	stream.linear.scatter [tilespmem:s20], [sflag:$0x2], $0x80, $0x38;
	[tilespmem:$0x4800] =	vst v63  }
0x2a3: {  	s26 =	sadd.s32 $0xC0, s13  }
0x2a4: {  	[hbm4b:s26+s2] =	stream.linear.scatter [tilespmem:s21], [sflag:$0x2], $0x80, $0x38;
	[tilespmem:$0x4800] =	vst v63  }
0x2a5: {  	s28 =	sadd.s32 $0xE0, s13  }
0x2a6: {  	[hbm4b:s28+s2] =	stream.linear.scatter [tilespmem:s22], [sflag:$0x2], $0x80, $0x38;
	[tilespmem:$0x4800] =	vst v63  }
0x2a7: {  	_ =	swait.ge [sflag:s23], $0x400  }
0x2a8: {  	[sflag:s23] =	ssyncset.done $0x0  }
0x2a9: {  	[sflag:s23] =	ssyncadd.s32 $0xFFFFFC00  }
0x2aa: {  	_ =	swait.ge [sflag:s23], $0x400  }
0x2ab: {  	[sflag:s23] =	ssyncset.done $0x0  }
0x2ac: {  	[sflag:s23] =	ssyncadd.s32 $0xFFFFFC00  }
0x2ad: {  	_ =	swait.ge [sflag:s23], $0x400  }
0x2ae: {  	[sflag:s23] =	ssyncset.done $0x0  }
0x2af: {  	[sflag:s23] =	ssyncadd.s32 $0xFFFFFC00  }
0x2b0: {  	_ =	swait.ge [sflag:s23], $0x400  }
0x2b1: {  	[sflag:s23] =	ssyncset.done $0x0  }
0x2b2: {  	[sflag:s23] =	ssyncadd.s32 $0xFFFFFC00  }
0x2b3: {  	_ =	swait.ge [sflag:s23], $0x400  }
0x2b4: {  	[sflag:s23] =	ssyncset.done $0x0  }
0x2b5: {  	[sflag:s23] =	ssyncadd.s32 $0xFFFFFC00  }
0x2b6: {  	_ =	swait.ge [sflag:s23], $0x400  }
0x2b7: {  	[sflag:s23] =	ssyncset.done $0x0  }
0x2b8: {  	[sflag:s23] =	ssyncadd.s32 $0xFFFFFC00  }
0x2b9: {  	_ =	swait.ge [sflag:s23], $0x400  }
0x2ba: {  	[sflag:s23] =	ssyncset.done $0x0  }
0x2bb: {  	[sflag:s23] =	ssyncadd.s32 $0xFFFFFC00  }
0x2bc: {  	_ =	swait.ge [sflag:s23], $0x400  }
0x2bd: {  	[sflag:s23] =	ssyncset.done $0x0  }
0x2be: {  	s24 =	sadd.s32 $0x1, s24;
	[sflag:s23] =	ssyncadd.s32 $0xFFFFFC00  }
0x2bf: {  	p0 =	sne.s32 s24, s14;
	_ =	swait.ge [sflag:s23], $0x400  }
.Ltmp1:
0x2c0: {  	[sflag:s23] =	ssyncset.done $0x0;
	(pc) =	sbr.rel @p0 .LBB2_1-.Ltmp1, $4  }
0x2c1: {  	[sflag:s23] =	ssyncadd.s32 $0xFFFFFC00  }
0x2c2: {  	_ =	swait.ge [sflag:s23], $0x400  }
0x2c3: {  	[sflag:s23] =	ssyncset.done $0x0  }
0x2c4: {  	[sflag:s23] =	ssyncadd.s32 $0xFFFFFC00  }
0x2c5: {  	_ =	sfence.sel $0x180000  }
0x2c6: {  	[bflag:$0x0] =	sbarrier.arrive $0xFFFF  }
0x2c7: {  	_ =	strace $0x90000047  }
0x2c8: {  	s0 =	stileid.u32;
	[bflag:$0x2] =	sbarrier.arrive $0xFFFF  }
0x2c9: {  	p0 =	sne.s32 s0, $0x0;
	s0 =	rddreg [dreg:$0x3]  }
0x2ca: {  	s0 =	sadd.s32 @!p0 $0x100000, s0  }
0x2cb: {  	[sflag:s0] =	ssyncadd.tile.s32 @!p0 $0x1;
	_ =	shalt  }
.Lfunc_end2:
_tile_overlayer_lowered:
.L_overlay_start_2:
0x2cc: {  	(tag) =	ssettag $0x2  }
0x2cd: {  	s0 =	rddreg [dreg:$0x0];
	s2 =	stileid.u32  }
0x2ce: {  	s1 =	rddreg [dreg:$0x1];
	p0 =	sne.s32 s2, $0x0  }
0x2cf: {  	s3 =	rddreg [dreg:$0x2];
	[bflag:$0x3] =	sbarrier.arrive $0xFFFF;
	s2 =	simm.s32 @!p0 $0x1C03  }
0x2d0: {  	[timem:s3], [sflag:s2] =	dma.local @!p0 [hbm:s0], s1  }
0x2d1: {  	s0 =	simm.s32 @!p0 $0x3  }
0x2d2: {  	_ =	swait.ge @!p0 [sflag:s0], s1  }
0x2d3: {  	s1 =	ssub.s32 @!p0 $0x0, s1;
	[sflag:s0] =	ssyncset.done @!p0 $0x0  }
0x2d4: {  	[sflag:s0] =	ssyncadd.s32 @!p0 s1  }
0x2d5: {  	[bflag:$0x3] =	sbarrier.arrive $0xFFFF  }
0x2d6: {  	_ =	shalt  }

</sc_bundles>
